<compile_context>
chip_gen: v7x
topology: tpu7x:2x2x1
jax: 0.10.2.dev20260603
libtpu: 0.0.44.dev20260713+nightly
codegen_flags: <defaults>
</compile_context>

<pallas_src>
import functools

import jax
import jax.numpy as jnp
from jax import lax
from jax.experimental import pallas as pl
from jax.experimental.pallas import tpu as pltpu
from jax.experimental.pallas import tpu_sc as plsc

_V = 1000
_N = 204800
_NC, _NS = 2, 16
_NW = _NC * _NS
_PER_W = _N // _NW
_NCG = _V // 8
_NTI = _N // 128
_TPW = _NTI // _NW
_HT = _TPW // 2


def _lse_body(t_ref, o_ref):
    t = t_ref[...]
    m = jnp.max(t, axis=1, keepdims=True)
    o_ref[...] = m + jnp.log(jnp.sum(jnp.exp(t - m), axis=1, keepdims=True))


_lse_call = pl.pallas_call(
    _lse_body,
    out_shape=jax.ShapeDtypeStruct((_V, 1), jnp.float32),
)


def _loss_body(p_ref, o_ref):
    o_ref[0, 0] = jnp.sum(p_ref[...]) * (1.0 / _N)


_loss_call = pl.pallas_call(
    _loss_body,
    out_shape=jax.ShapeDtypeStruct((1, 1), jnp.float32),
    out_specs=pl.BlockSpec(memory_space=pltpu.SMEM),
)


_mesh = plsc.VectorSubcoreMesh(core_axis_name="c", subcore_axis_name="s")


@functools.partial(
    pl.kernel,
    out_type=(
        jax.ShapeDtypeStruct((_NCG, _NTI, 8, 128), jnp.float32),
        jax.ShapeDtypeStruct((_NW, 16), jnp.float32),
    ),
    mesh=_mesh,
    compiler_params=pltpu.CompilerParams(
        use_tc_tiling_on_sc=False, needs_layout_passes=False),
    scratch_types=[
        pltpu.VMEM((_PER_W,), jnp.int32),
        pltpu.VMEM((_PER_W,), jnp.int32),
        pltpu.VMEM((_PER_W,), jnp.float32),
        pltpu.VMEM((_V,), jnp.float32),
        pltpu.VMEM((8 * _V,), jnp.float32),
        pltpu.VMEM((8 * _V,), jnp.float32),
        pltpu.VMEM((_HT, 8, 128), jnp.float32),
        pltpu.VMEM((_HT, 8, 128), jnp.float32),
        pltpu.VMEM((16,), jnp.float32),
        pltpu.SemaphoreType.DMA,
        pltpu.SemaphoreType.DMA,
        pltpu.SemaphoreType.DMA,
        pltpu.SemaphoreType.DMA,
        pltpu.SemaphoreType.DMA,
    ],
)
def _sc_main(tt_hbm, idx_hbm, tgt_hbm, lse_hbm, out_hbm, part_hbm,
             idx_v, off_v, picked_v, lse_v, tt_a, tt_b, st_a, st_b,
             acc_v, sem_ta, sem_tb, sem_sa, sem_sb, sem_p):
    wid = lax.axis_index("s") * _NC + lax.axis_index("c")
    ebase = wid * _PER_W
    tbase = wid * _TPW

    pltpu.async_copy(tt_hbm.at[pl.ds(0, 8 * _V)], tt_a, sem_ta)
    pltpu.sync_copy(idx_hbm.at[pl.ds(ebase, _PER_W)], idx_v)
    pltpu.sync_copy(tgt_hbm.at[pl.ds(ebase, _PER_W)], off_v)
    pltpu.sync_copy(lse_hbm, lse_v)
    acc_v[...] = jnp.zeros((16,), jnp.float32)

    def off_body(g, carry):
        sl = pl.ds(g * 16, 16)
        off_v[sl] = off_v[sl] * _V + idx_v[sl]
        return carry

    lax.fori_loop(0, _PER_W // 16, off_body, 0)

    for c in range(_PER_W // 128):
        pltpu.async_copy(
            tt_hbm.at[off_v.at[pl.ds(c * 128, 128)]],
            picked_v.at[pl.ds(c * 128, 128)],
            sem_p,
        )

    def tt_start(cg, tt, sem):
        pltpu.async_copy(tt_hbm.at[pl.ds(cg * (8 * _V), 8 * _V)], tt, sem)

    def tt_wait(cg, tt, sem):
        pltpu.make_async_copy(
            tt_hbm.at[pl.ds(cg * (8 * _V), 8 * _V)], tt, sem).wait()

    def st_start(cg, h, st, sem):
        pltpu.async_copy(st, out_hbm.at[cg, pl.ds(tbase + h * _HT, _HT)], sem)

    def st_wait(cg, h, st, sem):
        pltpu.make_async_copy(
            st, out_hbm.at[cg, pl.ds(tbase + h * _HT, _HT)], sem).wait()

    def do_group(tt, h, st):
        @plsc.parallel_loop(0, _HT * 8, unroll=8)
        def _(t):
            ip = t // 8
            m = t % 8
            iv = idx_v[pl.ds(h * (_HT * 128) + t * 16, 16)]
            for s in range(8):
                st[ip, s, pl.ds(m * 16, 16)] = plsc.load_gather(
                    tt, [iv + (s * _V)])

    def pair_body(t, carry):
        c0 = 2 * t

        tt_wait(c0, tt_a, sem_ta)
        tt_start(c0 + 1, tt_b, sem_tb)

        @pl.when(t > 0)
        def _():
            st_wait(c0 - 1, 0, st_a, sem_sa)

        do_group(tt_a, 0, st_a)
        st_start(c0, 0, st_a, sem_sa)

        @pl.when(t > 0)
        def _():
            st_wait(c0 - 1, 1, st_b, sem_sb)

        do_group(tt_a, 1, st_b)
        st_start(c0, 1, st_b, sem_sb)

        tt_wait(c0 + 1, tt_b, sem_tb)
        tt_start(c0 + 2, tt_a, sem_ta)
        st_wait(c0, 0, st_a, sem_sa)
        do_group(tt_b, 0, st_a)
        st_start(c0 + 1, 0, st_a, sem_sa)
        st_wait(c0, 1, st_b, sem_sb)
        do_group(tt_b, 1, st_b)
        st_start(c0 + 1, 1, st_b, sem_sb)
        return carry

    lax.fori_loop(0, (_NCG - 1) // 2, pair_body, 0)

    cg = _NCG - 1
    tt_wait(cg, tt_a, sem_ta)
    st_wait(cg - 1, 0, st_a, sem_sa)
    do_group(tt_a, 0, st_a)
    st_start(cg, 0, st_a, sem_sa)
    st_wait(cg - 1, 1, st_b, sem_sb)
    do_group(tt_a, 1, st_b)
    st_start(cg, 1, st_b, sem_sb)

    for c in range(_PER_W // 128):
        pltpu.make_async_copy(
            tt_hbm.at[off_v.at[pl.ds(c * 128, 128)]],
            picked_v.at[pl.ds(c * 128, 128)],
            sem_p,
        ).wait()

    def lp_body(g, carry):
        sl = pl.ds(g * 16, 16)
        lseg = plsc.load_gather(lse_v, [idx_v[sl]])
        acc_v[...] = acc_v[...] + (lseg - picked_v[sl])
        return carry

    lax.fori_loop(0, _PER_W // 16, lp_body, 0)
    pltpu.sync_copy(acc_v, part_hbm.at[wid])

    st_wait(cg, 0, st_a, sem_sa)
    st_wait(cg, 1, st_b, sem_sb)


def kernel(idx, targets, token_emb_table):
    tableT_flat = token_emb_table.T.reshape(_V * _V)
    idx_f = idx.reshape(_N)
    tgt_f = targets.reshape(_N)
    lse = _lse_call(token_emb_table).reshape(_V)
    y4, partials = _sc_main(tableT_flat, idx_f, tgt_f, lse)
    logits2 = y4.transpose(0, 2, 1, 3).reshape(_V, _N).T
    loss = _loss_call(partials)[0, 0]
    return (logits2, loss)

# --- scband reference (transcript-rebuilt; emitter-appended) ---
"""Pipeline reference for scband-bigram-model-52424370815653 (READ-ONLY COPY).

The authoritative reference and input builder live on the scoring server;
editing this copy changes nothing except your own understanding.
"""

import jax, jax.numpy as jnp
import numpy as np

VOCAB = 1000
B, T = 4096, 50


def setup_inputs(seed: int = 0) -> dict:
    key = jax.random.key(seed)
    k1, k2, k3 = jax.random.split(key, 3)
    idx = jax.random.randint(k1, (B, T), 0, VOCAB, dtype=jnp.int32)
    targets = jax.random.randint(k2, (B, T), 0, VOCAB, dtype=jnp.int32)
    # learned parameter: nn.Embedding(vocab_size, vocab_size) weight
    token_emb_table = jax.random.normal(k3, (VOCAB, VOCAB), dtype=jnp.float32)
    return {"idx": idx, "targets": targets, "token_emb_table": token_emb_table}


def reference(idx, targets, token_emb_table):
    # logits = self.token_emb_table(idx)  -> gather rows of the table
    logits = jnp.take(token_emb_table, idx, axis=0)  # [B, T, C]
    Bv, Tv, C = logits.shape
    logits2 = logits.reshape(Bv * Tv, C)
    t = targets.reshape(Bv * Tv)
    # F.cross_entropy(logits, targets): mean over batch of (logsumexp - logit[target])
    lse = jax.nn.logsumexp(logits2, axis=-1)
    picked = jnp.take_along_axis(logits2, t[:, None], axis=1)[:, 0]
    loss = jnp.mean(lse - picked)
    return (logits2, loss)

if __name__ == "__main__":
    import jax
    _d = setup_inputs()
    print(jax.jit(kernel)(*tuple(_d.values())))

</pallas_src>

<mosaic_0001>
#map = affine_map<(d0, d1) -> (0)>
#map1 = affine_map<(d0, d1) -> (0, 0, 0, 0)>
#map2 = affine_map<(d0, d1) -> (0, 0)>
module attributes {stable_mosaic.version = 14 : i64} {
  func.func @_sc_main(%arg0: i32, %arg1: i32, %arg2: memref<1000000xf32, #tpu.memory_space<hbm>>, %arg3: memref<204800xi32, #tpu.memory_space<hbm>>, %arg4: memref<204800xi32, #tpu.memory_space<hbm>>, %arg5: memref<1000xf32, #tpu.memory_space<hbm>>, %arg6: memref<125x1600x8x128xf32, #tpu.memory_space<hbm>>, %arg7: memref<32x16xf32, #tpu.memory_space<hbm>>, %arg8: memref<6400xi32, #tpu.memory_space<vmem>>, %arg9: memref<6400xi32, #tpu.memory_space<vmem>>, %arg10: memref<6400xf32, #tpu.memory_space<vmem>>, %arg11: memref<1000xf32, #tpu.memory_space<vmem>>, %arg12: memref<8000xf32, #tpu.memory_space<vmem>>, %arg13: memref<8000xf32, #tpu.memory_space<vmem>>, %arg14: memref<25x8x128xf32, #tpu.memory_space<vmem>>, %arg15: memref<25x8x128xf32, #tpu.memory_space<vmem>>, %arg16: memref<16xf32, #tpu.memory_space<vmem>>, %arg17: memref<!tpu.dma_semaphore, #tpu.memory_space<semaphore_mem>>, %arg18: memref<!tpu.dma_semaphore, #tpu.memory_space<semaphore_mem>>, %arg19: memref<!tpu.dma_semaphore, #tpu.memory_space<semaphore_mem>>, %arg20: memref<!tpu.dma_semaphore, #tpu.memory_space<semaphore_mem>>, %arg21: memref<!tpu.dma_semaphore, #tpu.memory_space<semaphore_mem>>) attributes {dimension_semantics = [#tpu.dimension_semantics<core_parallel>, #tpu.dimension_semantics<subcore_parallel>], iteration_bounds = array<i64: 2, 16>, scalar_prefetch = 0 : i64, scratch_operands = 14 : i64, tpu.core_type = #tpu.core_type<sc_vector_subcore>, window_params = [{transform_indices = #map}, {transform_indices = #map}, {transform_indices = #map}, {transform_indices = #map}, {transform_indices = #map1}, {transform_indices = #map2}]} {
    %mul3A = arith.constant 2 : i32
    %mul3A_0 = arith.muli %arg1, %mul3A : i32
    %add3A = arith.addi %mul3A_0, %arg0 : i32
    %mul3A_1 = arith.constant 6400 : i32
    %mul3A_2 = arith.muli %add3A, %mul3A_1 : i32
    %mul3A_3 = arith.constant 50 : i32
    %mul3A_4 = arith.muli %add3A, %mul3A_3 : i32
    %dma_start3A = arith.constant 0 : i32
    %dma_start3A_5 = tpu.memref_slice %arg2[%dma_start3A] : memref<1000000xf32, #tpu.memory_space<hbm>> -> memref<8000xf32, #tpu.memory_space<hbm>>
    %dma_start3A_6 = arith.constant 0 : i32
    %dma_start3A_7 = tpu.memref_slice %arg2[%dma_start3A_6] : memref<1000000xf32, #tpu.memory_space<hbm>> -> memref<8000xf32, #tpu.memory_space<hbm>>
    tpu.enqueue_dma source(%dma_start3A_7 : memref<8000xf32, #tpu.memory_space<hbm>>) target(%arg12 : memref<8000xf32, #tpu.memory_space<vmem>>) target_semaphore(%arg17 : memref<!tpu.dma_semaphore, #tpu.memory_space<semaphore_mem>>)
    "tpu.region"() ({
      %run_scoped3A = tpu.sem_alloc : memref<!tpu.dma_semaphore, #tpu.memory_space<semaphore_mem>>
      %dma_start3A_701 = tpu.memref_slice %arg3[%mul3A_2] : memref<204800xi32, #tpu.memory_space<hbm>> -> memref<6400xi32, #tpu.memory_space<hbm>>
      %dma_start3A_702 = tpu.memref_slice %arg3[%mul3A_2] : memref<204800xi32, #tpu.memory_space<hbm>> -> memref<6400xi32, #tpu.memory_space<hbm>>
      tpu.enqueue_dma source(%dma_start3A_702 : memref<6400xi32, #tpu.memory_space<hbm>>) target(%arg8 : memref<6400xi32, #tpu.memory_space<vmem>>) target_semaphore(%run_scoped3A : memref<!tpu.dma_semaphore, #tpu.memory_space<semaphore_mem>>)
      %dma_wait3A_703 = tpu.memref_slice %arg3[%mul3A_2] : memref<204800xi32, #tpu.memory_space<hbm>> -> memref<6400xi32, #tpu.memory_space<hbm>>
      %dma_wait3A_704 = tpu.memref_slice %arg3[%mul3A_2] : memref<204800xi32, #tpu.memory_space<hbm>> -> memref<6400xi32, #tpu.memory_space<hbm>>
      tpu.wait_dma2 semaphore(%run_scoped3A : memref<!tpu.dma_semaphore, #tpu.memory_space<semaphore_mem>>) src(%dma_wait3A_704 : memref<6400xi32, #tpu.memory_space<hbm>>) dst(%arg8 : memref<6400xi32, #tpu.memory_space<vmem>>)
      tpu.yield
    }) : () -> ()
    "tpu.region"() ({
      %run_scoped3A = tpu.sem_alloc : memref<!tpu.dma_semaphore, #tpu.memory_space<semaphore_mem>>
      %dma_start3A_701 = tpu.memref_slice %arg4[%mul3A_2] : memref<204800xi32, #tpu.memory_space<hbm>> -> memref<6400xi32, #tpu.memory_space<hbm>>
      %dma_start3A_702 = tpu.memref_slice %arg4[%mul3A_2] : memref<204800xi32, #tpu.memory_space<hbm>> -> memref<6400xi32, #tpu.memory_space<hbm>>
      tpu.enqueue_dma source(%dma_start3A_702 : memref<6400xi32, #tpu.memory_space<hbm>>) target(%arg9 : memref<6400xi32, #tpu.memory_space<vmem>>) target_semaphore(%run_scoped3A : memref<!tpu.dma_semaphore, #tpu.memory_space<semaphore_mem>>)
      %dma_wait3A_703 = tpu.memref_slice %arg4[%mul3A_2] : memref<204800xi32, #tpu.memory_space<hbm>> -> memref<6400xi32, #tpu.memory_space<hbm>>
      %dma_wait3A_704 = tpu.memref_slice %arg4[%mul3A_2] : memref<204800xi32, #tpu.memory_space<hbm>> -> memref<6400xi32, #tpu.memory_space<hbm>>
      tpu.wait_dma2 semaphore(%run_scoped3A : memref<!tpu.dma_semaphore, #tpu.memory_space<semaphore_mem>>) src(%dma_wait3A_704 : memref<6400xi32, #tpu.memory_space<hbm>>) dst(%arg9 : memref<6400xi32, #tpu.memory_space<vmem>>)
      tpu.yield
    }) : () -> ()
    "tpu.region"() ({
      %run_scoped3A = tpu.sem_alloc : memref<!tpu.dma_semaphore, #tpu.memory_space<semaphore_mem>>
      tpu.enqueue_dma source(%arg5 : memref<1000xf32, #tpu.memory_space<hbm>>) target(%arg11 : memref<1000xf32, #tpu.memory_space<vmem>>) target_semaphore(%run_scoped3A : memref<!tpu.dma_semaphore, #tpu.memory_space<semaphore_mem>>)
      tpu.wait_dma2 semaphore(%run_scoped3A : memref<!tpu.dma_semaphore, #tpu.memory_space<semaphore_mem>>) src(%arg5 : memref<1000xf32, #tpu.memory_space<hbm>>) dst(%arg11 : memref<1000xf32, #tpu.memory_space<vmem>>)
      tpu.yield
    }) : () -> ()
    %broadcast_in_dim3A = arith.constant 0.000000e+00 : f32
    %broadcast_in_dim3A_8 = vector.broadcast %broadcast_in_dim3A : f32 to vector<16xf32>
    %swap3A = arith.constant 0 : index
    %swap3A_9 = tpu.vector_load %arg16[%swap3A] {strides = array<i32>} : memref<16xf32, #tpu.memory_space<vmem>>, vector<16xf32>,
    tpu.vector_store %arg16[%swap3A], %broadcast_in_dim3A_8 {strides = array<i32>} : memref<16xf32, #tpu.memory_space<vmem>>, vector<16xf32>,
    %scan3A = arith.constant 0 : i32
    %scan3A_10 = arith.constant 0 : i32
    %scan3A_11 = arith.constant 400 : i32
    %scan3A_12 = arith.addi %scan3A_10, %scan3A_11 : i32
    %scan3A_13 = arith.constant 1 : i32
    scf.for %scan3A_701 = %scan3A_10 to %scan3A_12 step %scan3A_13  : i32 {
      %mul3A_702 = arith.constant 16 : i32
      %mul3A_703 = arith.muli %scan3A_701, %mul3A_702 : i32
      %get3A = arith.index_cast %mul3A_703 : i32 to index
      %get3A_704 = tpu.vector_load %arg9[%get3A] {strides = array<i32>} : memref<6400xi32, #tpu.memory_space<vmem>>, vector<16xi32>,
      %mul3A_705 = arith.constant 1000 : i32
      %mul3A_706 = vector.broadcast %mul3A_705 : i32 to vector<16xi32>
      %mul3A_707 = arith.muli %get3A_704, %mul3A_706 : vector<16xi32>
      %get3A_708 = arith.index_cast %mul3A_703 : i32 to index
      %get3A_709 = tpu.vector_load %arg8[%get3A_708] {strides = array<i32>} : memref<6400xi32, #tpu.memory_space<vmem>>, vector<16xi32>,
      %add3A_710 = arith.addi %mul3A_707, %get3A_709 : vector<16xi32>
      %swap3A_711 = arith.index_cast %mul3A_703 : i32 to index
      %swap3A_712 = tpu.vector_load %arg9[%swap3A_711] {strides = array<i32>} : memref<6400xi32, #tpu.memory_space<vmem>>, vector<16xi32>,
      tpu.vector_store %arg9[%swap3A_711], %add3A_710 {strides = array<i32>} : memref<6400xi32, #tpu.memory_space<vmem>>, vector<16xi32>,
    }
    %scan3A_14 = arith.constant 400 : i32
    %dma_start3A_15 = arith.constant 0 : i32
    %dma_start3A_16 = tpu.memref_slice %arg10[%dma_start3A_15] : memref<6400xf32, #tpu.memory_space<vmem>> -> memref<128xf32, #tpu.memory_space<vmem>>
    %dma_start3A_17 = arith.constant 0 : i32
    %dma_start3A_18 = tpu.memref_slice %arg9[%dma_start3A_17] : memref<6400xi32, #tpu.memory_space<vmem>> -> memref<128xi32, #tpu.memory_space<vmem>>
    %dma_start3A_19 = arith.constant 0 : i32
    %dma_start3A_20 = tpu.memref_slice %arg2[%dma_start3A_19] : memref<1000000xf32, #tpu.memory_space<hbm>> -> memref<1000000xf32, #tpu.memory_space<hbm>>
    tpu.enqueue_indirect_dma source(%dma_start3A_20 : memref<1000000xf32, #tpu.memory_space<hbm>>) target(%dma_start3A_16 : memref<128xf32, #tpu.memory_space<vmem>>) offsets(%dma_start3A_18 : memref<128xi32, #tpu.memory_space<vmem>>) semaphore(%arg21 : memref<!tpu.dma_semaphore, #tpu.memory_space<semaphore_mem>>)
    %dma_start3A_21 = arith.constant 128 : i32
    %dma_start3A_22 = tpu.memref_slice %arg10[%dma_start3A_21] : memref<6400xf32, #tpu.memory_space<vmem>> -> memref<128xf32, #tpu.memory_space<vmem>>
    %dma_start3A_23 = arith.constant 128 : i32
    %dma_start3A_24 = tpu.memref_slice %arg9[%dma_start3A_23] : memref<6400xi32, #tpu.memory_space<vmem>> -> memref<128xi32, #tpu.memory_space<vmem>>
    %dma_start3A_25 = arith.constant 0 : i32
    %dma_start3A_26 = tpu.memref_slice %arg2[%dma_start3A_25] : memref<1000000xf32, #tpu.memory_space<hbm>> -> memref<1000000xf32, #tpu.memory_space<hbm>>
    tpu.enqueue_indirect_dma source(%dma_start3A_26 : memref<1000000xf32, #tpu.memory_space<hbm>>) target(%dma_start3A_22 : memref<128xf32, #tpu.memory_space<vmem>>) offsets(%dma_start3A_24 : memref<128xi32, #tpu.memory_space<vmem>>) semaphore(%arg21 : memref<!tpu.dma_semaphore, #tpu.memory_space<semaphore_mem>>)
    %dma_start3A_27 = arith.constant 256 : i32
    %dma_start3A_28 = tpu.memref_slice %arg10[%dma_start3A_27] : memref<6400xf32, #tpu.memory_space<vmem>> -> memref<128xf32, #tpu.memory_space<vmem>>
    %dma_start3A_29 = arith.constant 256 : i32
    %dma_start3A_30 = tpu.memref_slice %arg9[%dma_start3A_29] : memref<6400xi32, #tpu.memory_space<vmem>> -> memref<128xi32, #tpu.memory_space<vmem>>
    %dma_start3A_31 = arith.constant 0 : i32
    %dma_start3A_32 = tpu.memref_slice %arg2[%dma_start3A_31] : memref<1000000xf32, #tpu.memory_space<hbm>> -> memref<1000000xf32, #tpu.memory_space<hbm>>
    tpu.enqueue_indirect_dma source(%dma_start3A_32 : memref<1000000xf32, #tpu.memory_space<hbm>>) target(%dma_start3A_28 : memref<128xf32, #tpu.memory_space<vmem>>) offsets(%dma_start3A_30 : memref<128xi32, #tpu.memory_space<vmem>>) semaphore(%arg21 : memref<!tpu.dma_semaphore, #tpu.memory_space<semaphore_mem>>)
    %dma_start3A_33 = arith.constant 384 : i32
    %dma_start3A_34 = tpu.memref_slice %arg10[%dma_start3A_33] : memref<6400xf32, #tpu.memory_space<vmem>> -> memref<128xf32, #tpu.memory_space<vmem>>
    %dma_start3A_35 = arith.constant 384 : i32
    %dma_start3A_36 = tpu.memref_slice %arg9[%dma_start3A_35] : memref<6400xi32, #tpu.memory_space<vmem>> -> memref<128xi32, #tpu.memory_space<vmem>>
    %dma_start3A_37 = arith.constant 0 : i32
    %dma_start3A_38 = tpu.memref_slice %arg2[%dma_start3A_37] : memref<1000000xf32, #tpu.memory_space<hbm>> -> memref<1000000xf32, #tpu.memory_space<hbm>>
    tpu.enqueue_indirect_dma source(%dma_start3A_38 : memref<1000000xf32, #tpu.memory_space<hbm>>) target(%dma_start3A_34 : memref<128xf32, #tpu.memory_space<vmem>>) offsets(%dma_start3A_36 : memref<128xi32, #tpu.memory_space<vmem>>) semaphore(%arg21 : memref<!tpu.dma_semaphore, #tpu.memory_space<semaphore_mem>>)
    %dma_start3A_39 = arith.constant 512 : i32
    %dma_start3A_40 = tpu.memref_slice %arg10[%dma_start3A_39] : memref<6400xf32, #tpu.memory_space<vmem>> -> memref<128xf32, #tpu.memory_space<vmem>>
    %dma_start3A_41 = arith.constant 512 : i32
    %dma_start3A_42 = tpu.memref_slice %arg9[%dma_start3A_41] : memref<6400xi32, #tpu.memory_space<vmem>> -> memref<128xi32, #tpu.memory_space<vmem>>
    %dma_start3A_43 = arith.constant 0 : i32
    %dma_start3A_44 = tpu.memref_slice %arg2[%dma_start3A_43] : memref<1000000xf32, #tpu.memory_space<hbm>> -> memref<1000000xf32, #tpu.memory_space<hbm>>
    tpu.enqueue_indirect_dma source(%dma_start3A_44 : memref<1000000xf32, #tpu.memory_space<hbm>>) target(%dma_start3A_40 : memref<128xf32, #tpu.memory_space<vmem>>) offsets(%dma_start3A_42 : memref<128xi32, #tpu.memory_space<vmem>>) semaphore(%arg21 : memref<!tpu.dma_semaphore, #tpu.memory_space<semaphore_mem>>)
    %dma_start3A_45 = arith.constant 640 : i32
    %dma_start3A_46 = tpu.memref_slice %arg10[%dma_start3A_45] : memref<6400xf32, #tpu.memory_space<vmem>> -> memref<128xf32, #tpu.memory_space<vmem>>
    %dma_start3A_47 = arith.constant 640 : i32
    %dma_start3A_48 = tpu.memref_slice %arg9[%dma_start3A_47] : memref<6400xi32, #tpu.memory_space<vmem>> -> memref<128xi32, #tpu.memory_space<vmem>>
    %dma_start3A_49 = arith.constant 0 : i32
    %dma_start3A_50 = tpu.memref_slice %arg2[%dma_start3A_49] : memref<1000000xf32, #tpu.memory_space<hbm>> -> memref<1000000xf32, #tpu.memory_space<hbm>>
    tpu.enqueue_indirect_dma source(%dma_start3A_50 : memref<1000000xf32, #tpu.memory_space<hbm>>) target(%dma_start3A_46 : memref<128xf32, #tpu.memory_space<vmem>>) offsets(%dma_start3A_48 : memref<128xi32, #tpu.memory_space<vmem>>) semaphore(%arg21 : memref<!tpu.dma_semaphore, #tpu.memory_space<semaphore_mem>>)
    %dma_start3A_51 = arith.constant 768 : i32
    %dma_start3A_52 = tpu.memref_slice %arg10[%dma_start3A_51] : memref<6400xf32, #tpu.memory_space<vmem>> -> memref<128xf32, #tpu.memory_space<vmem>>
    %dma_start3A_53 = arith.constant 768 : i32
    %dma_start3A_54 = tpu.memref_slice %arg9[%dma_start3A_53] : memref<6400xi32, #tpu.memory_space<vmem>> -> memref<128xi32, #tpu.memory_space<vmem>>
    %dma_start3A_55 = arith.constant 0 : i32
    %dma_start3A_56 = tpu.memref_slice %arg2[%dma_start3A_55] : memref<1000000xf32, #tpu.memory_space<hbm>> -> memref<1000000xf32, #tpu.memory_space<hbm>>
    tpu.enqueue_indirect_dma source(%dma_start3A_56 : memref<1000000xf32, #tpu.memory_space<hbm>>) target(%dma_start3A_52 : memref<128xf32, #tpu.memory_space<vmem>>) offsets(%dma_start3A_54 : memref<128xi32, #tpu.memory_space<vmem>>) semaphore(%arg21 : memref<!tpu.dma_semaphore, #tpu.memory_space<semaphore_mem>>)
    %dma_start3A_57 = arith.constant 896 : i32
    %dma_start3A_58 = tpu.memref_slice %arg10[%dma_start3A_57] : memref<6400xf32, #tpu.memory_space<vmem>> -> memref<128xf32, #tpu.memory_space<vmem>>
    %dma_start3A_59 = arith.constant 896 : i32
    %dma_start3A_60 = tpu.memref_slice %arg9[%dma_start3A_59] : memref<6400xi32, #tpu.memory_space<vmem>> -> memref<128xi32, #tpu.memory_space<vmem>>
    %dma_start3A_61 = arith.constant 0 : i32
    %dma_start3A_62 = tpu.memref_slice %arg2[%dma_start3A_61] : memref<1000000xf32, #tpu.memory_space<hbm>> -> memref<1000000xf32, #tpu.memory_space<hbm>>
    tpu.enqueue_indirect_dma source(%dma_start3A_62 : memref<1000000xf32, #tpu.memory_space<hbm>>) target(%dma_start3A_58 : memref<128xf32, #tpu.memory_space<vmem>>) offsets(%dma_start3A_60 : memref<128xi32, #tpu.memory_space<vmem>>) semaphore(%arg21 : memref<!tpu.dma_semaphore, #tpu.memory_space<semaphore_mem>>)
    %dma_start3A_63 = arith.constant 1024 : i32
    %dma_start3A_64 = tpu.memref_slice %arg10[%dma_start3A_63] : memref<6400xf32, #tpu.memory_space<vmem>> -> memref<128xf32, #tpu.memory_space<vmem>>
    %dma_start3A_65 = arith.constant 1024 : i32
    %dma_start3A_66 = tpu.memref_slice %arg9[%dma_start3A_65] : memref<6400xi32, #tpu.memory_space<vmem>> -> memref<128xi32, #tpu.memory_space<vmem>>
    %dma_start3A_67 = arith.constant 0 : i32
    %dma_start3A_68 = tpu.memref_slice %arg2[%dma_start3A_67] : memref<1000000xf32, #tpu.memory_space<hbm>> -> memref<1000000xf32, #tpu.memory_space<hbm>>
    tpu.enqueue_indirect_dma source(%dma_start3A_68 : memref<1000000xf32, #tpu.memory_space<hbm>>) target(%dma_start3A_64 : memref<128xf32, #tpu.memory_space<vmem>>) offsets(%dma_start3A_66 : memref<128xi32, #tpu.memory_space<vmem>>) semaphore(%arg21 : memref<!tpu.dma_semaphore, #tpu.memory_space<semaphore_mem>>)
    %dma_start3A_69 = arith.constant 1152 : i32
    %dma_start3A_70 = tpu.memref_slice %arg10[%dma_start3A_69] : memref<6400xf32, #tpu.memory_space<vmem>> -> memref<128xf32, #tpu.memory_space<vmem>>
    %dma_start3A_71 = arith.constant 1152 : i32
    %dma_start3A_72 = tpu.memref_slice %arg9[%dma_start3A_71] : memref<6400xi32, #tpu.memory_space<vmem>> -> memref<128xi32, #tpu.memory_space<vmem>>
    %dma_start3A_73 = arith.constant 0 : i32
    %dma_start3A_74 = tpu.memref_slice %arg2[%dma_start3A_73] : memref<1000000xf32, #tpu.memory_space<hbm>> -> memref<1000000xf32, #tpu.memory_space<hbm>>
    tpu.enqueue_indirect_dma source(%dma_start3A_74 : memref<1000000xf32, #tpu.memory_space<hbm>>) target(%dma_start3A_70 : memref<128xf32, #tpu.memory_space<vmem>>) offsets(%dma_start3A_72 : memref<128xi32, #tpu.memory_space<vmem>>) semaphore(%arg21 : memref<!tpu.dma_semaphore, #tpu.memory_space<semaphore_mem>>)
    %dma_start3A_75 = arith.constant 1280 : i32
    %dma_start3A_76 = tpu.memref_slice %arg10[%dma_start3A_75] : memref<6400xf32, #tpu.memory_space<vmem>> -> memref<128xf32, #tpu.memory_space<vmem>>
    %dma_start3A_77 = arith.constant 1280 : i32
    %dma_start3A_78 = tpu.memref_slice %arg9[%dma_start3A_77] : memref<6400xi32, #tpu.memory_space<vmem>> -> memref<128xi32, #tpu.memory_space<vmem>>
    %dma_start3A_79 = arith.constant 0 : i32
    %dma_start3A_80 = tpu.memref_slice %arg2[%dma_start3A_79] : memref<1000000xf32, #tpu.memory_space<hbm>> -> memref<1000000xf32, #tpu.memory_space<hbm>>
    tpu.enqueue_indirect_dma source(%dma_start3A_80 : memref<1000000xf32, #tpu.memory_space<hbm>>) target(%dma_start3A_76 : memref<128xf32, #tpu.memory_space<vmem>>) offsets(%dma_start3A_78 : memref<128xi32, #tpu.memory_space<vmem>>) semaphore(%arg21 : memref<!tpu.dma_semaphore, #tpu.memory_space<semaphore_mem>>)
    %dma_start3A_81 = arith.constant 1408 : i32
    %dma_start3A_82 = tpu.memref_slice %arg10[%dma_start3A_81] : memref<6400xf32, #tpu.memory_space<vmem>> -> memref<128xf32, #tpu.memory_space<vmem>>
    %dma_start3A_83 = arith.constant 1408 : i32
    %dma_start3A_84 = tpu.memref_slice %arg9[%dma_start3A_83] : memref<6400xi32, #tpu.memory_space<vmem>> -> memref<128xi32, #tpu.memory_space<vmem>>
    %dma_start3A_85 = arith.constant 0 : i32
    %dma_start3A_86 = tpu.memref_slice %arg2[%dma_start3A_85] : memref<1000000xf32, #tpu.memory_space<hbm>> -> memref<1000000xf32, #tpu.memory_space<hbm>>
    tpu.enqueue_indirect_dma source(%dma_start3A_86 : memref<1000000xf32, #tpu.memory_space<hbm>>) target(%dma_start3A_82 : memref<128xf32, #tpu.memory_space<vmem>>) offsets(%dma_start3A_84 : memref<128xi32, #tpu.memory_space<vmem>>) semaphore(%arg21 : memref<!tpu.dma_semaphore, #tpu.memory_space<semaphore_mem>>)
    %dma_start3A_87 = arith.constant 1536 : i32
    %dma_start3A_88 = tpu.memref_slice %arg10[%dma_start3A_87] : memref<6400xf32, #tpu.memory_space<vmem>> -> memref<128xf32, #tpu.memory_space<vmem>>
    %dma_start3A_89 = arith.constant 1536 : i32
    %dma_start3A_90 = tpu.memref_slice %arg9[%dma_start3A_89] : memref<6400xi32, #tpu.memory_space<vmem>> -> memref<128xi32, #tpu.memory_space<vmem>>
    %dma_start3A_91 = arith.constant 0 : i32
    %dma_start3A_92 = tpu.memref_slice %arg2[%dma_start3A_91] : memref<1000000xf32, #tpu.memory_space<hbm>> -> memref<1000000xf32, #tpu.memory_space<hbm>>
    tpu.enqueue_indirect_dma source(%dma_start3A_92 : memref<1000000xf32, #tpu.memory_space<hbm>>) target(%dma_start3A_88 : memref<128xf32, #tpu.memory_space<vmem>>) offsets(%dma_start3A_90 : memref<128xi32, #tpu.memory_space<vmem>>) semaphore(%arg21 : memref<!tpu.dma_semaphore, #tpu.memory_space<semaphore_mem>>)
    %dma_start3A_93 = arith.constant 1664 : i32
    %dma_start3A_94 = tpu.memref_slice %arg10[%dma_start3A_93] : memref<6400xf32, #tpu.memory_space<vmem>> -> memref<128xf32, #tpu.memory_space<vmem>>
    %dma_start3A_95 = arith.constant 1664 : i32
    %dma_start3A_96 = tpu.memref_slice %arg9[%dma_start3A_95] : memref<6400xi32, #tpu.memory_space<vmem>> -> memref<128xi32, #tpu.memory_space<vmem>>
    %dma_start3A_97 = arith.constant 0 : i32
    %dma_start3A_98 = tpu.memref_slice %arg2[%dma_start3A_97] : memref<1000000xf32, #tpu.memory_space<hbm>> -> memref<1000000xf32, #tpu.memory_space<hbm>>
    tpu.enqueue_indirect_dma source(%dma_start3A_98 : memref<1000000xf32, #tpu.memory_space<hbm>>) target(%dma_start3A_94 : memref<128xf32, #tpu.memory_space<vmem>>) offsets(%dma_start3A_96 : memref<128xi32, #tpu.memory_space<vmem>>) semaphore(%arg21 : memref<!tpu.dma_semaphore, #tpu.memory_space<semaphore_mem>>)
    %dma_start3A_99 = arith.constant 1792 : i32
    %dma_start3A_100 = tpu.memref_slice %arg10[%dma_start3A_99] : memref<6400xf32, #tpu.memory_space<vmem>> -> memref<128xf32, #tpu.memory_space<vmem>>
    %dma_start3A_101 = arith.constant 1792 : i32
    %dma_start3A_102 = tpu.memref_slice %arg9[%dma_start3A_101] : memref<6400xi32, #tpu.memory_space<vmem>> -> memref<128xi32, #tpu.memory_space<vmem>>
    %dma_start3A_103 = arith.constant 0 : i32
    %dma_start3A_104 = tpu.memref_slice %arg2[%dma_start3A_103] : memref<1000000xf32, #tpu.memory_space<hbm>> -> memref<1000000xf32, #tpu.memory_space<hbm>>
    tpu.enqueue_indirect_dma source(%dma_start3A_104 : memref<1000000xf32, #tpu.memory_space<hbm>>) target(%dma_start3A_100 : memref<128xf32, #tpu.memory_space<vmem>>) offsets(%dma_start3A_102 : memref<128xi32, #tpu.memory_space<vmem>>) semaphore(%arg21 : memref<!tpu.dma_semaphore, #tpu.memory_space<semaphore_mem>>)
    %dma_start3A_105 = arith.constant 1920 : i32
    %dma_start3A_106 = tpu.memref_slice %arg10[%dma_start3A_105] : memref<6400xf32, #tpu.memory_space<vmem>> -> memref<128xf32, #tpu.memory_space<vmem>>
    %dma_start3A_107 = arith.constant 1920 : i32
    %dma_start3A_108 = tpu.memref_slice %arg9[%dma_start3A_107] : memref<6400xi32, #tpu.memory_space<vmem>> -> memref<128xi32, #tpu.memory_space<vmem>>
    %dma_start3A_109 = arith.constant 0 : i32
    %dma_start3A_110 = tpu.memref_slice %arg2[%dma_start3A_109] : memref<1000000xf32, #tpu.memory_space<hbm>> -> memref<1000000xf32, #tpu.memory_space<hbm>>
    tpu.enqueue_indirect_dma source(%dma_start3A_110 : memref<1000000xf32, #tpu.memory_space<hbm>>) target(%dma_start3A_106 : memref<128xf32, #tpu.memory_space<vmem>>) offsets(%dma_start3A_108 : memref<128xi32, #tpu.memory_space<vmem>>) semaphore(%arg21 : memref<!tpu.dma_semaphore, #tpu.memory_space<semaphore_mem>>)
    %dma_start3A_111 = arith.constant 2048 : i32
    %dma_start3A_112 = tpu.memref_slice %arg10[%dma_start3A_111] : memref<6400xf32, #tpu.memory_space<vmem>> -> memref<128xf32, #tpu.memory_space<vmem>>
    %dma_start3A_113 = arith.constant 2048 : i32
    %dma_start3A_114 = tpu.memref_slice %arg9[%dma_start3A_113] : memref<6400xi32, #tpu.memory_space<vmem>> -> memref<128xi32, #tpu.memory_space<vmem>>
    %dma_start3A_115 = arith.constant 0 : i32
    %dma_start3A_116 = tpu.memref_slice %arg2[%dma_start3A_115] : memref<1000000xf32, #tpu.memory_space<hbm>> -> memref<1000000xf32, #tpu.memory_space<hbm>>
    tpu.enqueue_indirect_dma source(%dma_start3A_116 : memref<1000000xf32, #tpu.memory_space<hbm>>) target(%dma_start3A_112 : memref<128xf32, #tpu.memory_space<vmem>>) offsets(%dma_start3A_114 : memref<128xi32, #tpu.memory_space<vmem>>) semaphore(%arg21 : memref<!tpu.dma_semaphore, #tpu.memory_space<semaphore_mem>>)
    %dma_start3A_117 = arith.constant 2176 : i32
    %dma_start3A_118 = tpu.memref_slice %arg10[%dma_start3A_117] : memref<6400xf32, #tpu.memory_space<vmem>> -> memref<128xf32, #tpu.memory_space<vmem>>
    %dma_start3A_119 = arith.constant 2176 : i32
    %dma_start3A_120 = tpu.memref_slice %arg9[%dma_start3A_119] : memref<6400xi32, #tpu.memory_space<vmem>> -> memref<128xi32, #tpu.memory_space<vmem>>
    %dma_start3A_121 = arith.constant 0 : i32
    %dma_start3A_122 = tpu.memref_slice %arg2[%dma_start3A_121] : memref<1000000xf32, #tpu.memory_space<hbm>> -> memref<1000000xf32, #tpu.memory_space<hbm>>
    tpu.enqueue_indirect_dma source(%dma_start3A_122 : memref<1000000xf32, #tpu.memory_space<hbm>>) target(%dma_start3A_118 : memref<128xf32, #tpu.memory_space<vmem>>) offsets(%dma_start3A_120 : memref<128xi32, #tpu.memory_space<vmem>>) semaphore(%arg21 : memref<!tpu.dma_semaphore, #tpu.memory_space<semaphore_mem>>)
    %dma_start3A_123 = arith.constant 2304 : i32
    %dma_start3A_124 = tpu.memref_slice %arg10[%dma_start3A_123] : memref<6400xf32, #tpu.memory_space<vmem>> -> memref<128xf32, #tpu.memory_space<vmem>>
    %dma_start3A_125 = arith.constant 2304 : i32
    %dma_start3A_126 = tpu.memref_slice %arg9[%dma_start3A_125] : memref<6400xi32, #tpu.memory_space<vmem>> -> memref<128xi32, #tpu.memory_space<vmem>>
    %dma_start3A_127 = arith.constant 0 : i32
    %dma_start3A_128 = tpu.memref_slice %arg2[%dma_start3A_127] : memref<1000000xf32, #tpu.memory_space<hbm>> -> memref<1000000xf32, #tpu.memory_space<hbm>>
    tpu.enqueue_indirect_dma source(%dma_start3A_128 : memref<1000000xf32, #tpu.memory_space<hbm>>) target(%dma_start3A_124 : memref<128xf32, #tpu.memory_space<vmem>>) offsets(%dma_start3A_126 : memref<128xi32, #tpu.memory_space<vmem>>) semaphore(%arg21 : memref<!tpu.dma_semaphore, #tpu.memory_space<semaphore_mem>>)
    %dma_start3A_129 = arith.constant 2432 : i32
    %dma_start3A_130 = tpu.memref_slice %arg10[%dma_start3A_129] : memref<6400xf32, #tpu.memory_space<vmem>> -> memref<128xf32, #tpu.memory_space<vmem>>
    %dma_start3A_131 = arith.constant 2432 : i32
    %dma_start3A_132 = tpu.memref_slice %arg9[%dma_start3A_131] : memref<6400xi32, #tpu.memory_space<vmem>> -> memref<128xi32, #tpu.memory_space<vmem>>
    %dma_start3A_133 = arith.constant 0 : i32
    %dma_start3A_134 = tpu.memref_slice %arg2[%dma_start3A_133] : memref<1000000xf32, #tpu.memory_space<hbm>> -> memref<1000000xf32, #tpu.memory_space<hbm>>
    tpu.enqueue_indirect_dma source(%dma_start3A_134 : memref<1000000xf32, #tpu.memory_space<hbm>>) target(%dma_start3A_130 : memref<128xf32, #tpu.memory_space<vmem>>) offsets(%dma_start3A_132 : memref<128xi32, #tpu.memory_space<vmem>>) semaphore(%arg21 : memref<!tpu.dma_semaphore, #tpu.memory_space<semaphore_mem>>)
    %dma_start3A_135 = arith.constant 2560 : i32
    %dma_start3A_136 = tpu.memref_slice %arg10[%dma_start3A_135] : memref<6400xf32, #tpu.memory_space<vmem>> -> memref<128xf32, #tpu.memory_space<vmem>>
    %dma_start3A_137 = arith.constant 2560 : i32
    %dma_start3A_138 = tpu.memref_slice %arg9[%dma_start3A_137] : memref<6400xi32, #tpu.memory_space<vmem>> -> memref<128xi32, #tpu.memory_space<vmem>>
    %dma_start3A_139 = arith.constant 0 : i32
    %dma_start3A_140 = tpu.memref_slice %arg2[%dma_start3A_139] : memref<1000000xf32, #tpu.memory_space<hbm>> -> memref<1000000xf32, #tpu.memory_space<hbm>>
    tpu.enqueue_indirect_dma source(%dma_start3A_140 : memref<1000000xf32, #tpu.memory_space<hbm>>) target(%dma_start3A_136 : memref<128xf32, #tpu.memory_space<vmem>>) offsets(%dma_start3A_138 : memref<128xi32, #tpu.memory_space<vmem>>) semaphore(%arg21 : memref<!tpu.dma_semaphore, #tpu.memory_space<semaphore_mem>>)
    %dma_start3A_141 = arith.constant 2688 : i32
    %dma_start3A_142 = tpu.memref_slice %arg10[%dma_start3A_141] : memref<6400xf32, #tpu.memory_space<vmem>> -> memref<128xf32, #tpu.memory_space<vmem>>
    %dma_start3A_143 = arith.constant 2688 : i32
    %dma_start3A_144 = tpu.memref_slice %arg9[%dma_start3A_143] : memref<6400xi32, #tpu.memory_space<vmem>> -> memref<128xi32, #tpu.memory_space<vmem>>
    %dma_start3A_145 = arith.constant 0 : i32
    %dma_start3A_146 = tpu.memref_slice %arg2[%dma_start3A_145] : memref<1000000xf32, #tpu.memory_space<hbm>> -> memref<1000000xf32, #tpu.memory_space<hbm>>
    tpu.enqueue_indirect_dma source(%dma_start3A_146 : memref<1000000xf32, #tpu.memory_space<hbm>>) target(%dma_start3A_142 : memref<128xf32, #tpu.memory_space<vmem>>) offsets(%dma_start3A_144 : memref<128xi32, #tpu.memory_space<vmem>>) semaphore(%arg21 : memref<!tpu.dma_semaphore, #tpu.memory_space<semaphore_mem>>)
    %dma_start3A_147 = arith.constant 2816 : i32
    %dma_start3A_148 = tpu.memref_slice %arg10[%dma_start3A_147] : memref<6400xf32, #tpu.memory_space<vmem>> -> memref<128xf32, #tpu.memory_space<vmem>>
    %dma_start3A_149 = arith.constant 2816 : i32
    %dma_start3A_150 = tpu.memref_slice %arg9[%dma_start3A_149] : memref<6400xi32, #tpu.memory_space<vmem>> -> memref<128xi32, #tpu.memory_space<vmem>>
    %dma_start3A_151 = arith.constant 0 : i32
    %dma_start3A_152 = tpu.memref_slice %arg2[%dma_start3A_151] : memref<1000000xf32, #tpu.memory_space<hbm>> -> memref<1000000xf32, #tpu.memory_space<hbm>>
    tpu.enqueue_indirect_dma source(%dma_start3A_152 : memref<1000000xf32, #tpu.memory_space<hbm>>) target(%dma_start3A_148 : memref<128xf32, #tpu.memory_space<vmem>>) offsets(%dma_start3A_150 : memref<128xi32, #tpu.memory_space<vmem>>) semaphore(%arg21 : memref<!tpu.dma_semaphore, #tpu.memory_space<semaphore_mem>>)
    %dma_start3A_153 = arith.constant 2944 : i32
    %dma_start3A_154 = tpu.memref_slice %arg10[%dma_start3A_153] : memref<6400xf32, #tpu.memory_space<vmem>> -> memref<128xf32, #tpu.memory_space<vmem>>
    %dma_start3A_155 = arith.constant 2944 : i32
    %dma_start3A_156 = tpu.memref_slice %arg9[%dma_start3A_155] : memref<6400xi32, #tpu.memory_space<vmem>> -> memref<128xi32, #tpu.memory_space<vmem>>
    %dma_start3A_157 = arith.constant 0 : i32
    %dma_start3A_158 = tpu.memref_slice %arg2[%dma_start3A_157] : memref<1000000xf32, #tpu.memory_space<hbm>> -> memref<1000000xf32, #tpu.memory_space<hbm>>
    tpu.enqueue_indirect_dma source(%dma_start3A_158 : memref<1000000xf32, #tpu.memory_space<hbm>>) target(%dma_start3A_154 : memref<128xf32, #tpu.memory_space<vmem>>) offsets(%dma_start3A_156 : memref<128xi32, #tpu.memory_space<vmem>>) semaphore(%arg21 : memref<!tpu.dma_semaphore, #tpu.memory_space<semaphore_mem>>)
    %dma_start3A_159 = arith.constant 3072 : i32
    %dma_start3A_160 = tpu.memref_slice %arg10[%dma_start3A_159] : memref<6400xf32, #tpu.memory_space<vmem>> -> memref<128xf32, #tpu.memory_space<vmem>>
    %dma_start3A_161 = arith.constant 3072 : i32
    %dma_start3A_162 = tpu.memref_slice %arg9[%dma_start3A_161] : memref<6400xi32, #tpu.memory_space<vmem>> -> memref<128xi32, #tpu.memory_space<vmem>>
    %dma_start3A_163 = arith.constant 0 : i32
    %dma_start3A_164 = tpu.memref_slice %arg2[%dma_start3A_163] : memref<1000000xf32, #tpu.memory_space<hbm>> -> memref<1000000xf32, #tpu.memory_space<hbm>>
    tpu.enqueue_indirect_dma source(%dma_start3A_164 : memref<1000000xf32, #tpu.memory_space<hbm>>) target(%dma_start3A_160 : memref<128xf32, #tpu.memory_space<vmem>>) offsets(%dma_start3A_162 : memref<128xi32, #tpu.memory_space<vmem>>) semaphore(%arg21 : memref<!tpu.dma_semaphore, #tpu.memory_space<semaphore_mem>>)
    %dma_start3A_165 = arith.constant 3200 : i32
    %dma_start3A_166 = tpu.memref_slice %arg10[%dma_start3A_165] : memref<6400xf32, #tpu.memory_space<vmem>> -> memref<128xf32, #tpu.memory_space<vmem>>
    %dma_start3A_167 = arith.constant 3200 : i32
    %dma_start3A_168 = tpu.memref_slice %arg9[%dma_start3A_167] : memref<6400xi32, #tpu.memory_space<vmem>> -> memref<128xi32, #tpu.memory_space<vmem>>
    %dma_start3A_169 = arith.constant 0 : i32
    %dma_start3A_170 = tpu.memref_slice %arg2[%dma_start3A_169] : memref<1000000xf32, #tpu.memory_space<hbm>> -> memref<1000000xf32, #tpu.memory_space<hbm>>
    tpu.enqueue_indirect_dma source(%dma_start3A_170 : memref<1000000xf32, #tpu.memory_space<hbm>>) target(%dma_start3A_166 : memref<128xf32, #tpu.memory_space<vmem>>) offsets(%dma_start3A_168 : memref<128xi32, #tpu.memory_space<vmem>>) semaphore(%arg21 : memref<!tpu.dma_semaphore, #tpu.memory_space<semaphore_mem>>)
    %dma_start3A_171 = arith.constant 3328 : i32
    %dma_start3A_172 = tpu.memref_slice %arg10[%dma_start3A_171] : memref<6400xf32, #tpu.memory_space<vmem>> -> memref<128xf32, #tpu.memory_space<vmem>>
    %dma_start3A_173 = arith.constant 3328 : i32
    %dma_start3A_174 = tpu.memref_slice %arg9[%dma_start3A_173] : memref<6400xi32, #tpu.memory_space<vmem>> -> memref<128xi32, #tpu.memory_space<vmem>>
    %dma_start3A_175 = arith.constant 0 : i32
    %dma_start3A_176 = tpu.memref_slice %arg2[%dma_start3A_175] : memref<1000000xf32, #tpu.memory_space<hbm>> -> memref<1000000xf32, #tpu.memory_space<hbm>>
    tpu.enqueue_indirect_dma source(%dma_start3A_176 : memref<1000000xf32, #tpu.memory_space<hbm>>) target(%dma_start3A_172 : memref<128xf32, #tpu.memory_space<vmem>>) offsets(%dma_start3A_174 : memref<128xi32, #tpu.memory_space<vmem>>) semaphore(%arg21 : memref<!tpu.dma_semaphore, #tpu.memory_space<semaphore_mem>>)
    %dma_start3A_177 = arith.constant 3456 : i32
    %dma_start3A_178 = tpu.memref_slice %arg10[%dma_start3A_177] : memref<6400xf32, #tpu.memory_space<vmem>> -> memref<128xf32, #tpu.memory_space<vmem>>
    %dma_start3A_179 = arith.constant 3456 : i32
    %dma_start3A_180 = tpu.memref_slice %arg9[%dma_start3A_179] : memref<6400xi32, #tpu.memory_space<vmem>> -> memref<128xi32, #tpu.memory_space<vmem>>
    %dma_start3A_181 = arith.constant 0 : i32
    %dma_start3A_182 = tpu.memref_slice %arg2[%dma_start3A_181] : memref<1000000xf32, #tpu.memory_space<hbm>> -> memref<1000000xf32, #tpu.memory_space<hbm>>
    tpu.enqueue_indirect_dma source(%dma_start3A_182 : memref<1000000xf32, #tpu.memory_space<hbm>>) target(%dma_start3A_178 : memref<128xf32, #tpu.memory_space<vmem>>) offsets(%dma_start3A_180 : memref<128xi32, #tpu.memory_space<vmem>>) semaphore(%arg21 : memref<!tpu.dma_semaphore, #tpu.memory_space<semaphore_mem>>)
    %dma_start3A_183 = arith.constant 3584 : i32
    %dma_start3A_184 = tpu.memref_slice %arg10[%dma_start3A_183] : memref<6400xf32, #tpu.memory_space<vmem>> -> memref<128xf32, #tpu.memory_space<vmem>>
    %dma_start3A_185 = arith.constant 3584 : i32
    %dma_start3A_186 = tpu.memref_slice %arg9[%dma_start3A_185] : memref<6400xi32, #tpu.memory_space<vmem>> -> memref<128xi32, #tpu.memory_space<vmem>>
    %dma_start3A_187 = arith.constant 0 : i32
    %dma_start3A_188 = tpu.memref_slice %arg2[%dma_start3A_187] : memref<1000000xf32, #tpu.memory_space<hbm>> -> memref<1000000xf32, #tpu.memory_space<hbm>>
    tpu.enqueue_indirect_dma source(%dma_start3A_188 : memref<1000000xf32, #tpu.memory_space<hbm>>) target(%dma_start3A_184 : memref<128xf32, #tpu.memory_space<vmem>>) offsets(%dma_start3A_186 : memref<128xi32, #tpu.memory_space<vmem>>) semaphore(%arg21 : memref<!tpu.dma_semaphore, #tpu.memory_space<semaphore_mem>>)
    %dma_start3A_189 = arith.constant 3712 : i32
    %dma_start3A_190 = tpu.memref_slice %arg10[%dma_start3A_189] : memref<6400xf32, #tpu.memory_space<vmem>> -> memref<128xf32, #tpu.memory_space<vmem>>
    %dma_start3A_191 = arith.constant 3712 : i32
    %dma_start3A_192 = tpu.memref_slice %arg9[%dma_start3A_191] : memref<6400xi32, #tpu.memory_space<vmem>> -> memref<128xi32, #tpu.memory_space<vmem>>
    %dma_start3A_193 = arith.constant 0 : i32
    %dma_start3A_194 = tpu.memref_slice %arg2[%dma_start3A_193] : memref<1000000xf32, #tpu.memory_space<hbm>> -> memref<1000000xf32, #tpu.memory_space<hbm>>
    tpu.enqueue_indirect_dma source(%dma_start3A_194 : memref<1000000xf32, #tpu.memory_space<hbm>>) target(%dma_start3A_190 : memref<128xf32, #tpu.memory_space<vmem>>) offsets(%dma_start3A_192 : memref<128xi32, #tpu.memory_space<vmem>>) semaphore(%arg21 : memref<!tpu.dma_semaphore, #tpu.memory_space<semaphore_mem>>)
    %dma_start3A_195 = arith.constant 3840 : i32
    %dma_start3A_196 = tpu.memref_slice %arg10[%dma_start3A_195] : memref<6400xf32, #tpu.memory_space<vmem>> -> memref<128xf32, #tpu.memory_space<vmem>>
    %dma_start3A_197 = arith.constant 3840 : i32
    %dma_start3A_198 = tpu.memref_slice %arg9[%dma_start3A_197] : memref<6400xi32, #tpu.memory_space<vmem>> -> memref<128xi32, #tpu.memory_space<vmem>>
    %dma_start3A_199 = arith.constant 0 : i32
    %dma_start3A_200 = tpu.memref_slice %arg2[%dma_start3A_199] : memref<1000000xf32, #tpu.memory_space<hbm>> -> memref<1000000xf32, #tpu.memory_space<hbm>>
    tpu.enqueue_indirect_dma source(%dma_start3A_200 : memref<1000000xf32, #tpu.memory_space<hbm>>) target(%dma_start3A_196 : memref<128xf32, #tpu.memory_space<vmem>>) offsets(%dma_start3A_198 : memref<128xi32, #tpu.memory_space<vmem>>) semaphore(%arg21 : memref<!tpu.dma_semaphore, #tpu.memory_space<semaphore_mem>>)
    %dma_start3A_201 = arith.constant 3968 : i32
    %dma_start3A_202 = tpu.memref_slice %arg10[%dma_start3A_201] : memref<6400xf32, #tpu.memory_space<vmem>> -> memref<128xf32, #tpu.memory_space<vmem>>
    %dma_start3A_203 = arith.constant 3968 : i32
    %dma_start3A_204 = tpu.memref_slice %arg9[%dma_start3A_203] : memref<6400xi32, #tpu.memory_space<vmem>> -> memref<128xi32, #tpu.memory_space<vmem>>
    %dma_start3A_205 = arith.constant 0 : i32
    %dma_start3A_206 = tpu.memref_slice %arg2[%dma_start3A_205] : memref<1000000xf32, #tpu.memory_space<hbm>> -> memref<1000000xf32, #tpu.memory_space<hbm>>
    tpu.enqueue_indirect_dma source(%dma_start3A_206 : memref<1000000xf32, #tpu.memory_space<hbm>>) target(%dma_start3A_202 : memref<128xf32, #tpu.memory_space<vmem>>) offsets(%dma_start3A_204 : memref<128xi32, #tpu.memory_space<vmem>>) semaphore(%arg21 : memref<!tpu.dma_semaphore, #tpu.memory_space<semaphore_mem>>)
    %dma_start3A_207 = arith.constant 4096 : i32
    %dma_start3A_208 = tpu.memref_slice %arg10[%dma_start3A_207] : memref<6400xf32, #tpu.memory_space<vmem>> -> memref<128xf32, #tpu.memory_space<vmem>>
    %dma_start3A_209 = arith.constant 4096 : i32
    %dma_start3A_210 = tpu.memref_slice %arg9[%dma_start3A_209] : memref<6400xi32, #tpu.memory_space<vmem>> -> memref<128xi32, #tpu.memory_space<vmem>>
    %dma_start3A_211 = arith.constant 0 : i32
    %dma_start3A_212 = tpu.memref_slice %arg2[%dma_start3A_211] : memref<1000000xf32, #tpu.memory_space<hbm>> -> memref<1000000xf32, #tpu.memory_space<hbm>>
    tpu.enqueue_indirect_dma source(%dma_start3A_212 : memref<1000000xf32, #tpu.memory_space<hbm>>) target(%dma_start3A_208 : memref<128xf32, #tpu.memory_space<vmem>>) offsets(%dma_start3A_210 : memref<128xi32, #tpu.memory_space<vmem>>) semaphore(%arg21 : memref<!tpu.dma_semaphore, #tpu.memory_space<semaphore_mem>>)
    %dma_start3A_213 = arith.constant 4224 : i32
    %dma_start3A_214 = tpu.memref_slice %arg10[%dma_start3A_213] : memref<6400xf32, #tpu.memory_space<vmem>> -> memref<128xf32, #tpu.memory_space<vmem>>
    %dma_start3A_215 = arith.constant 4224 : i32
    %dma_start3A_216 = tpu.memref_slice %arg9[%dma_start3A_215] : memref<6400xi32, #tpu.memory_space<vmem>> -> memref<128xi32, #tpu.memory_space<vmem>>
    %dma_start3A_217 = arith.constant 0 : i32
    %dma_start3A_218 = tpu.memref_slice %arg2[%dma_start3A_217] : memref<1000000xf32, #tpu.memory_space<hbm>> -> memref<1000000xf32, #tpu.memory_space<hbm>>
    tpu.enqueue_indirect_dma source(%dma_start3A_218 : memref<1000000xf32, #tpu.memory_space<hbm>>) target(%dma_start3A_214 : memref<128xf32, #tpu.memory_space<vmem>>) offsets(%dma_start3A_216 : memref<128xi32, #tpu.memory_space<vmem>>) semaphore(%arg21 : memref<!tpu.dma_semaphore, #tpu.memory_space<semaphore_mem>>)
    %dma_start3A_219 = arith.constant 4352 : i32
    %dma_start3A_220 = tpu.memref_slice %arg10[%dma_start3A_219] : memref<6400xf32, #tpu.memory_space<vmem>> -> memref<128xf32, #tpu.memory_space<vmem>>
    %dma_start3A_221 = arith.constant 4352 : i32
    %dma_start3A_222 = tpu.memref_slice %arg9[%dma_start3A_221] : memref<6400xi32, #tpu.memory_space<vmem>> -> memref<128xi32, #tpu.memory_space<vmem>>
    %dma_start3A_223 = arith.constant 0 : i32
    %dma_start3A_224 = tpu.memref_slice %arg2[%dma_start3A_223] : memref<1000000xf32, #tpu.memory_space<hbm>> -> memref<1000000xf32, #tpu.memory_space<hbm>>
    tpu.enqueue_indirect_dma source(%dma_start3A_224 : memref<1000000xf32, #tpu.memory_space<hbm>>) target(%dma_start3A_220 : memref<128xf32, #tpu.memory_space<vmem>>) offsets(%dma_start3A_222 : memref<128xi32, #tpu.memory_space<vmem>>) semaphore(%arg21 : memref<!tpu.dma_semaphore, #tpu.memory_space<semaphore_mem>>)
    %dma_start3A_225 = arith.constant 4480 : i32
    %dma_start3A_226 = tpu.memref_slice %arg10[%dma_start3A_225] : memref<6400xf32, #tpu.memory_space<vmem>> -> memref<128xf32, #tpu.memory_space<vmem>>
    %dma_start3A_227 = arith.constant 4480 : i32
    %dma_start3A_228 = tpu.memref_slice %arg9[%dma_start3A_227] : memref<6400xi32, #tpu.memory_space<vmem>> -> memref<128xi32, #tpu.memory_space<vmem>>
    %dma_start3A_229 = arith.constant 0 : i32
    %dma_start3A_230 = tpu.memref_slice %arg2[%dma_start3A_229] : memref<1000000xf32, #tpu.memory_space<hbm>> -> memref<1000000xf32, #tpu.memory_space<hbm>>
    tpu.enqueue_indirect_dma source(%dma_start3A_230 : memref<1000000xf32, #tpu.memory_space<hbm>>) target(%dma_start3A_226 : memref<128xf32, #tpu.memory_space<vmem>>) offsets(%dma_start3A_228 : memref<128xi32, #tpu.memory_space<vmem>>) semaphore(%arg21 : memref<!tpu.dma_semaphore, #tpu.memory_space<semaphore_mem>>)
    %dma_start3A_231 = arith.constant 4608 : i32
    %dma_start3A_232 = tpu.memref_slice %arg10[%dma_start3A_231] : memref<6400xf32, #tpu.memory_space<vmem>> -> memref<128xf32, #tpu.memory_space<vmem>>
    %dma_start3A_233 = arith.constant 4608 : i32
    %dma_start3A_234 = tpu.memref_slice %arg9[%dma_start3A_233] : memref<6400xi32, #tpu.memory_space<vmem>> -> memref<128xi32, #tpu.memory_space<vmem>>
    %dma_start3A_235 = arith.constant 0 : i32
    %dma_start3A_236 = tpu.memref_slice %arg2[%dma_start3A_235] : memref<1000000xf32, #tpu.memory_space<hbm>> -> memref<1000000xf32, #tpu.memory_space<hbm>>
    tpu.enqueue_indirect_dma source(%dma_start3A_236 : memref<1000000xf32, #tpu.memory_space<hbm>>) target(%dma_start3A_232 : memref<128xf32, #tpu.memory_space<vmem>>) offsets(%dma_start3A_234 : memref<128xi32, #tpu.memory_space<vmem>>) semaphore(%arg21 : memref<!tpu.dma_semaphore, #tpu.memory_space<semaphore_mem>>)
    %dma_start3A_237 = arith.constant 4736 : i32
    %dma_start3A_238 = tpu.memref_slice %arg10[%dma_start3A_237] : memref<6400xf32, #tpu.memory_space<vmem>> -> memref<128xf32, #tpu.memory_space<vmem>>
    %dma_start3A_239 = arith.constant 4736 : i32
    %dma_start3A_240 = tpu.memref_slice %arg9[%dma_start3A_239] : memref<6400xi32, #tpu.memory_space<vmem>> -> memref<128xi32, #tpu.memory_space<vmem>>
    %dma_start3A_241 = arith.constant 0 : i32
    %dma_start3A_242 = tpu.memref_slice %arg2[%dma_start3A_241] : memref<1000000xf32, #tpu.memory_space<hbm>> -> memref<1000000xf32, #tpu.memory_space<hbm>>
    tpu.enqueue_indirect_dma source(%dma_start3A_242 : memref<1000000xf32, #tpu.memory_space<hbm>>) target(%dma_start3A_238 : memref<128xf32, #tpu.memory_space<vmem>>) offsets(%dma_start3A_240 : memref<128xi32, #tpu.memory_space<vmem>>) semaphore(%arg21 : memref<!tpu.dma_semaphore, #tpu.memory_space<semaphore_mem>>)
    %dma_start3A_243 = arith.constant 4864 : i32
    %dma_start3A_244 = tpu.memref_slice %arg10[%dma_start3A_243] : memref<6400xf32, #tpu.memory_space<vmem>> -> memref<128xf32, #tpu.memory_space<vmem>>
    %dma_start3A_245 = arith.constant 4864 : i32
    %dma_start3A_246 = tpu.memref_slice %arg9[%dma_start3A_245] : memref<6400xi32, #tpu.memory_space<vmem>> -> memref<128xi32, #tpu.memory_space<vmem>>
    %dma_start3A_247 = arith.constant 0 : i32
    %dma_start3A_248 = tpu.memref_slice %arg2[%dma_start3A_247] : memref<1000000xf32, #tpu.memory_space<hbm>> -> memref<1000000xf32, #tpu.memory_space<hbm>>
    tpu.enqueue_indirect_dma source(%dma_start3A_248 : memref<1000000xf32, #tpu.memory_space<hbm>>) target(%dma_start3A_244 : memref<128xf32, #tpu.memory_space<vmem>>) offsets(%dma_start3A_246 : memref<128xi32, #tpu.memory_space<vmem>>) semaphore(%arg21 : memref<!tpu.dma_semaphore, #tpu.memory_space<semaphore_mem>>)
    %dma_start3A_249 = arith.constant 4992 : i32
    %dma_start3A_250 = tpu.memref_slice %arg10[%dma_start3A_249] : memref<6400xf32, #tpu.memory_space<vmem>> -> memref<128xf32, #tpu.memory_space<vmem>>
    %dma_start3A_251 = arith.constant 4992 : i32
    %dma_start3A_252 = tpu.memref_slice %arg9[%dma_start3A_251] : memref<6400xi32, #tpu.memory_space<vmem>> -> memref<128xi32, #tpu.memory_space<vmem>>
    %dma_start3A_253 = arith.constant 0 : i32
    %dma_start3A_254 = tpu.memref_slice %arg2[%dma_start3A_253] : memref<1000000xf32, #tpu.memory_space<hbm>> -> memref<1000000xf32, #tpu.memory_space<hbm>>
    tpu.enqueue_indirect_dma source(%dma_start3A_254 : memref<1000000xf32, #tpu.memory_space<hbm>>) target(%dma_start3A_250 : memref<128xf32, #tpu.memory_space<vmem>>) offsets(%dma_start3A_252 : memref<128xi32, #tpu.memory_space<vmem>>) semaphore(%arg21 : memref<!tpu.dma_semaphore, #tpu.memory_space<semaphore_mem>>)
    %dma_start3A_255 = arith.constant 5120 : i32
    %dma_start3A_256 = tpu.memref_slice %arg10[%dma_start3A_255] : memref<6400xf32, #tpu.memory_space<vmem>> -> memref<128xf32, #tpu.memory_space<vmem>>
    %dma_start3A_257 = arith.constant 5120 : i32
    %dma_start3A_258 = tpu.memref_slice %arg9[%dma_start3A_257] : memref<6400xi32, #tpu.memory_space<vmem>> -> memref<128xi32, #tpu.memory_space<vmem>>
    %dma_start3A_259 = arith.constant 0 : i32
    %dma_start3A_260 = tpu.memref_slice %arg2[%dma_start3A_259] : memref<1000000xf32, #tpu.memory_space<hbm>> -> memref<1000000xf32, #tpu.memory_space<hbm>>
    tpu.enqueue_indirect_dma source(%dma_start3A_260 : memref<1000000xf32, #tpu.memory_space<hbm>>) target(%dma_start3A_256 : memref<128xf32, #tpu.memory_space<vmem>>) offsets(%dma_start3A_258 : memref<128xi32, #tpu.memory_space<vmem>>) semaphore(%arg21 : memref<!tpu.dma_semaphore, #tpu.memory_space<semaphore_mem>>)
    %dma_start3A_261 = arith.constant 5248 : i32
    %dma_start3A_262 = tpu.memref_slice %arg10[%dma_start3A_261] : memref<6400xf32, #tpu.memory_space<vmem>> -> memref<128xf32, #tpu.memory_space<vmem>>
    %dma_start3A_263 = arith.constant 5248 : i32
    %dma_start3A_264 = tpu.memref_slice %arg9[%dma_start3A_263] : memref<6400xi32, #tpu.memory_space<vmem>> -> memref<128xi32, #tpu.memory_space<vmem>>
    %dma_start3A_265 = arith.constant 0 : i32
    %dma_start3A_266 = tpu.memref_slice %arg2[%dma_start3A_265] : memref<1000000xf32, #tpu.memory_space<hbm>> -> memref<1000000xf32, #tpu.memory_space<hbm>>
    tpu.enqueue_indirect_dma source(%dma_start3A_266 : memref<1000000xf32, #tpu.memory_space<hbm>>) target(%dma_start3A_262 : memref<128xf32, #tpu.memory_space<vmem>>) offsets(%dma_start3A_264 : memref<128xi32, #tpu.memory_space<vmem>>) semaphore(%arg21 : memref<!tpu.dma_semaphore, #tpu.memory_space<semaphore_mem>>)
    %dma_start3A_267 = arith.constant 5376 : i32
    %dma_start3A_268 = tpu.memref_slice %arg10[%dma_start3A_267] : memref<6400xf32, #tpu.memory_space<vmem>> -> memref<128xf32, #tpu.memory_space<vmem>>
    %dma_start3A_269 = arith.constant 5376 : i32
    %dma_start3A_270 = tpu.memref_slice %arg9[%dma_start3A_269] : memref<6400xi32, #tpu.memory_space<vmem>> -> memref<128xi32, #tpu.memory_space<vmem>>
    %dma_start3A_271 = arith.constant 0 : i32
    %dma_start3A_272 = tpu.memref_slice %arg2[%dma_start3A_271] : memref<1000000xf32, #tpu.memory_space<hbm>> -> memref<1000000xf32, #tpu.memory_space<hbm>>
    tpu.enqueue_indirect_dma source(%dma_start3A_272 : memref<1000000xf32, #tpu.memory_space<hbm>>) target(%dma_start3A_268 : memref<128xf32, #tpu.memory_space<vmem>>) offsets(%dma_start3A_270 : memref<128xi32, #tpu.memory_space<vmem>>) semaphore(%arg21 : memref<!tpu.dma_semaphore, #tpu.memory_space<semaphore_mem>>)
    %dma_start3A_273 = arith.constant 5504 : i32
    %dma_start3A_274 = tpu.memref_slice %arg10[%dma_start3A_273] : memref<6400xf32, #tpu.memory_space<vmem>> -> memref<128xf32, #tpu.memory_space<vmem>>
    %dma_start3A_275 = arith.constant 5504 : i32
    %dma_start3A_276 = tpu.memref_slice %arg9[%dma_start3A_275] : memref<6400xi32, #tpu.memory_space<vmem>> -> memref<128xi32, #tpu.memory_space<vmem>>
    %dma_start3A_277 = arith.constant 0 : i32
    %dma_start3A_278 = tpu.memref_slice %arg2[%dma_start3A_277] : memref<1000000xf32, #tpu.memory_space<hbm>> -> memref<1000000xf32, #tpu.memory_space<hbm>>
    tpu.enqueue_indirect_dma source(%dma_start3A_278 : memref<1000000xf32, #tpu.memory_space<hbm>>) target(%dma_start3A_274 : memref<128xf32, #tpu.memory_space<vmem>>) offsets(%dma_start3A_276 : memref<128xi32, #tpu.memory_space<vmem>>) semaphore(%arg21 : memref<!tpu.dma_semaphore, #tpu.memory_space<semaphore_mem>>)
    %dma_start3A_279 = arith.constant 5632 : i32
    %dma_start3A_280 = tpu.memref_slice %arg10[%dma_start3A_279] : memref<6400xf32, #tpu.memory_space<vmem>> -> memref<128xf32, #tpu.memory_space<vmem>>
    %dma_start3A_281 = arith.constant 5632 : i32
    %dma_start3A_282 = tpu.memref_slice %arg9[%dma_start3A_281] : memref<6400xi32, #tpu.memory_space<vmem>> -> memref<128xi32, #tpu.memory_space<vmem>>
    %dma_start3A_283 = arith.constant 0 : i32
    %dma_start3A_284 = tpu.memref_slice %arg2[%dma_start3A_283] : memref<1000000xf32, #tpu.memory_space<hbm>> -> memref<1000000xf32, #tpu.memory_space<hbm>>
    tpu.enqueue_indirect_dma source(%dma_start3A_284 : memref<1000000xf32, #tpu.memory_space<hbm>>) target(%dma_start3A_280 : memref<128xf32, #tpu.memory_space<vmem>>) offsets(%dma_start3A_282 : memref<128xi32, #tpu.memory_space<vmem>>) semaphore(%arg21 : memref<!tpu.dma_semaphore, #tpu.memory_space<semaphore_mem>>)
    %dma_start3A_285 = arith.constant 5760 : i32
    %dma_start3A_286 = tpu.memref_slice %arg10[%dma_start3A_285] : memref<6400xf32, #tpu.memory_space<vmem>> -> memref<128xf32, #tpu.memory_space<vmem>>
    %dma_start3A_287 = arith.constant 5760 : i32
    %dma_start3A_288 = tpu.memref_slice %arg9[%dma_start3A_287] : memref<6400xi32, #tpu.memory_space<vmem>> -> memref<128xi32, #tpu.memory_space<vmem>>
    %dma_start3A_289 = arith.constant 0 : i32
    %dma_start3A_290 = tpu.memref_slice %arg2[%dma_start3A_289] : memref<1000000xf32, #tpu.memory_space<hbm>> -> memref<1000000xf32, #tpu.memory_space<hbm>>
    tpu.enqueue_indirect_dma source(%dma_start3A_290 : memref<1000000xf32, #tpu.memory_space<hbm>>) target(%dma_start3A_286 : memref<128xf32, #tpu.memory_space<vmem>>) offsets(%dma_start3A_288 : memref<128xi32, #tpu.memory_space<vmem>>) semaphore(%arg21 : memref<!tpu.dma_semaphore, #tpu.memory_space<semaphore_mem>>)
    %dma_start3A_291 = arith.constant 5888 : i32
    %dma_start3A_292 = tpu.memref_slice %arg10[%dma_start3A_291] : memref<6400xf32, #tpu.memory_space<vmem>> -> memref<128xf32, #tpu.memory_space<vmem>>
    %dma_start3A_293 = arith.constant 5888 : i32
    %dma_start3A_294 = tpu.memref_slice %arg9[%dma_start3A_293] : memref<6400xi32, #tpu.memory_space<vmem>> -> memref<128xi32, #tpu.memory_space<vmem>>
    %dma_start3A_295 = arith.constant 0 : i32
    %dma_start3A_296 = tpu.memref_slice %arg2[%dma_start3A_295] : memref<1000000xf32, #tpu.memory_space<hbm>> -> memref<1000000xf32, #tpu.memory_space<hbm>>
    tpu.enqueue_indirect_dma source(%dma_start3A_296 : memref<1000000xf32, #tpu.memory_space<hbm>>) target(%dma_start3A_292 : memref<128xf32, #tpu.memory_space<vmem>>) offsets(%dma_start3A_294 : memref<128xi32, #tpu.memory_space<vmem>>) semaphore(%arg21 : memref<!tpu.dma_semaphore, #tpu.memory_space<semaphore_mem>>)
    %dma_start3A_297 = arith.constant 6016 : i32
    %dma_start3A_298 = tpu.memref_slice %arg10[%dma_start3A_297] : memref<6400xf32, #tpu.memory_space<vmem>> -> memref<128xf32, #tpu.memory_space<vmem>>
    %dma_start3A_299 = arith.constant 6016 : i32
    %dma_start3A_300 = tpu.memref_slice %arg9[%dma_start3A_299] : memref<6400xi32, #tpu.memory_space<vmem>> -> memref<128xi32, #tpu.memory_space<vmem>>
    %dma_start3A_301 = arith.constant 0 : i32
    %dma_start3A_302 = tpu.memref_slice %arg2[%dma_start3A_301] : memref<1000000xf32, #tpu.memory_space<hbm>> -> memref<1000000xf32, #tpu.memory_space<hbm>>
    tpu.enqueue_indirect_dma source(%dma_start3A_302 : memref<1000000xf32, #tpu.memory_space<hbm>>) target(%dma_start3A_298 : memref<128xf32, #tpu.memory_space<vmem>>) offsets(%dma_start3A_300 : memref<128xi32, #tpu.memory_space<vmem>>) semaphore(%arg21 : memref<!tpu.dma_semaphore, #tpu.memory_space<semaphore_mem>>)
    %dma_start3A_303 = arith.constant 6144 : i32
    %dma_start3A_304 = tpu.memref_slice %arg10[%dma_start3A_303] : memref<6400xf32, #tpu.memory_space<vmem>> -> memref<128xf32, #tpu.memory_space<vmem>>
    %dma_start3A_305 = arith.constant 6144 : i32
    %dma_start3A_306 = tpu.memref_slice %arg9[%dma_start3A_305] : memref<6400xi32, #tpu.memory_space<vmem>> -> memref<128xi32, #tpu.memory_space<vmem>>
    %dma_start3A_307 = arith.constant 0 : i32
    %dma_start3A_308 = tpu.memref_slice %arg2[%dma_start3A_307] : memref<1000000xf32, #tpu.memory_space<hbm>> -> memref<1000000xf32, #tpu.memory_space<hbm>>
    tpu.enqueue_indirect_dma source(%dma_start3A_308 : memref<1000000xf32, #tpu.memory_space<hbm>>) target(%dma_start3A_304 : memref<128xf32, #tpu.memory_space<vmem>>) offsets(%dma_start3A_306 : memref<128xi32, #tpu.memory_space<vmem>>) semaphore(%arg21 : memref<!tpu.dma_semaphore, #tpu.memory_space<semaphore_mem>>)
    %dma_start3A_309 = arith.constant 6272 : i32
    %dma_start3A_310 = tpu.memref_slice %arg10[%dma_start3A_309] : memref<6400xf32, #tpu.memory_space<vmem>> -> memref<128xf32, #tpu.memory_space<vmem>>
    %dma_start3A_311 = arith.constant 6272 : i32
    %dma_start3A_312 = tpu.memref_slice %arg9[%dma_start3A_311] : memref<6400xi32, #tpu.memory_space<vmem>> -> memref<128xi32, #tpu.memory_space<vmem>>
    %dma_start3A_313 = arith.constant 0 : i32
    %dma_start3A_314 = tpu.memref_slice %arg2[%dma_start3A_313] : memref<1000000xf32, #tpu.memory_space<hbm>> -> memref<1000000xf32, #tpu.memory_space<hbm>>
    tpu.enqueue_indirect_dma source(%dma_start3A_314 : memref<1000000xf32, #tpu.memory_space<hbm>>) target(%dma_start3A_310 : memref<128xf32, #tpu.memory_space<vmem>>) offsets(%dma_start3A_312 : memref<128xi32, #tpu.memory_space<vmem>>) semaphore(%arg21 : memref<!tpu.dma_semaphore, #tpu.memory_space<semaphore_mem>>)
    %scan3A_315 = arith.constant 0 : i32
    %scan3A_316 = arith.constant 0 : i32
    %scan3A_317 = arith.constant 62 : i32
    %scan3A_318 = arith.addi %scan3A_316, %scan3A_317 : i32
    %scan3A_319 = arith.constant 1 : i32
    scf.for %scan3A_701 = %scan3A_316 to %scan3A_318 step %scan3A_319  : i32 {
      %mul3A_702 = arith.constant 2 : i32
      %mul3A_703 = arith.muli %mul3A_702, %scan3A_701 : i32
      %mul3A_704 = arith.constant 8000 : i32
      %mul3A_705 = arith.muli %mul3A_703, %mul3A_704 : i32
      %dma_wait3A_706 = tpu.memref_slice %arg2[%mul3A_705] : memref<1000000xf32, #tpu.memory_space<hbm>> -> memref<8000xf32, #tpu.memory_space<hbm>>
      %dma_wait3A_707 = tpu.memref_slice %arg2[%mul3A_705] : memref<1000000xf32, #tpu.memory_space<hbm>> -> memref<8000xf32, #tpu.memory_space<hbm>>
      tpu.wait_dma2 semaphore(%arg17 : memref<!tpu.dma_semaphore, #tpu.memory_space<semaphore_mem>>) src(%dma_wait3A_707 : memref<8000xf32, #tpu.memory_space<hbm>>) dst(%arg12 : memref<8000xf32, #tpu.memory_space<vmem>>)
      %add3A_708 = arith.constant 1 : i32
      %add3A_709 = arith.addi %mul3A_703, %add3A_708 : i32
      %mul3A_710 = arith.constant 8000 : i32
      %mul3A_711 = arith.muli %add3A_709, %mul3A_710 : i32
      %dma_start3A_712 = tpu.memref_slice %arg2[%mul3A_711] : memref<1000000xf32, #tpu.memory_space<hbm>> -> memref<8000xf32, #tpu.memory_space<hbm>>
      %dma_start3A_713 = tpu.memref_slice %arg2[%mul3A_711] : memref<1000000xf32, #tpu.memory_space<hbm>> -> memref<8000xf32, #tpu.memory_space<hbm>>
      tpu.enqueue_dma source(%dma_start3A_713 : memref<8000xf32, #tpu.memory_space<hbm>>) target(%arg13 : memref<8000xf32, #tpu.memory_space<vmem>>) target_semaphore(%arg18 : memref<!tpu.dma_semaphore, #tpu.memory_space<semaphore_mem>>)
      %gt3A = arith.constant 0 : i32
      %gt3A_714 = arith.cmpi sgt, %scan3A_701, %gt3A : i32
      %convert_element_type3A = arith.extui %gt3A_714 : i1 to i32
      %cond3A = arith.constant 0 : i32
      %cond3A_715 = arith.cmpi ne, %convert_element_type3A, %cond3A : i32
      scf.if %cond3A_715 {
        %sub3A = arith.constant 1 : i32
        %sub3A_809 = arith.subi %mul3A_703, %sub3A : i32
        %add3A_810 = arith.constant 0 : i32
        %add3A_811 = arith.addi %mul3A_4, %add3A_810 : i32
        %dma_wait3A_812 = arith.constant 0 : i32
        %dma_wait3A_813 = arith.constant 0 : i32
        %dma_wait3A_814 = tpu.memref_slice %arg6[%sub3A_809, %add3A_811, %dma_wait3A_812, %dma_wait3A_813] : memref<125x1600x8x128xf32, #tpu.memory_space<hbm>> -> memref<1x25x8x128xf32, #tpu.memory_space<hbm>>
        %dma_wait3A_815 = tpu.memref_squeeze %dma_wait3A_814 : memref<1x25x8x128xf32, #tpu.memory_space<hbm>> -> memref<25x8x128xf32, #tpu.memory_space<hbm>>
        %dma_wait3A_816 = arith.constant 0 : i32
        %dma_wait3A_817 = arith.constant 0 : i32
        %dma_wait3A_818 = tpu.memref_slice %arg6[%sub3A_809, %add3A_811, %dma_wait3A_816, %dma_wait3A_817] : memref<125x1600x8x128xf32, #tpu.memory_space<hbm>> -> memref<1x25x8x128xf32, #tpu.memory_space<hbm>>
        %dma_wait3A_819 = tpu.memref_squeeze %dma_wait3A_818 : memref<1x25x8x128xf32, #tpu.memory_space<hbm>> -> memref<25x8x128xf32, #tpu.memory_space<hbm>>
        tpu.wait_dma2 semaphore(%arg19 : memref<!tpu.dma_semaphore, #tpu.memory_space<semaphore_mem>>) src(%arg14 : memref<25x8x128xf32, #tpu.memory_space<vmem>>) dst(%dma_wait3A_819 : memref<25x8x128xf32, #tpu.memory_space<hbm>>)
      } else {
      }
      %parallel_loop3A_716 = arith.constant 0 : i32
      %parallel_loop3A_717 = arith.constant 200 : i32
      %parallel_loop3A_718 = arith.constant 1 : i32
      scf.for %parallel_loop3A_809 = %parallel_loop3A_716 to %parallel_loop3A_717 step %parallel_loop3A_718  : i32 {
        %parallel_loop3A_810 = arith.constant 8 : i32
        %parallel_loop3A_811 = arith.divsi %parallel_loop3A_809, %parallel_loop3A_810 : i32
        %parallel_loop3A_812 = arith.constant 0 : i32
        %parallel_loop3A_813 = arith.cmpi sgt, %parallel_loop3A_809, %parallel_loop3A_812 : i32
        %parallel_loop3A_814 = arith.extui %parallel_loop3A_813 : i1 to i32
        %parallel_loop3A_815 = arith.constant 0 : i32
        %parallel_loop3A_816 = arith.cmpi slt, %parallel_loop3A_809, %parallel_loop3A_815 : i32
        %parallel_loop3A_817 = arith.extui %parallel_loop3A_816 : i1 to i32
        %parallel_loop3A_818 = arith.subi %parallel_loop3A_814, %parallel_loop3A_817 : i32
        %parallel_loop3A_819 = arith.constant 0 : i32
        %parallel_loop3A_820 = arith.cmpi sgt, %parallel_loop3A_810, %parallel_loop3A_819 : i32
        %parallel_loop3A_821 = arith.extui %parallel_loop3A_820 : i1 to i32
        %parallel_loop3A_822 = arith.constant 0 : i32
        %parallel_loop3A_823 = arith.cmpi slt, %parallel_loop3A_810, %parallel_loop3A_822 : i32
        %parallel_loop3A_824 = arith.extui %parallel_loop3A_823 : i1 to i32
        %parallel_loop3A_825 = arith.subi %parallel_loop3A_821, %parallel_loop3A_824 : i32
        %parallel_loop3A_826 = arith.cmpi ne, %parallel_loop3A_818, %parallel_loop3A_825 : i32
        %parallel_loop3A_827 = arith.remsi %parallel_loop3A_809, %parallel_loop3A_810 : i32
        %parallel_loop3A_828 = arith.constant 0 : i32
        %parallel_loop3A_829 = arith.cmpi ne, %parallel_loop3A_827, %parallel_loop3A_828 : i32
        %parallel_loop3A_830 = arith.andi %parallel_loop3A_826, %parallel_loop3A_829 : i1
        %parallel_loop3A_831 = arith.constant 1 : i32
        %parallel_loop3A_832 = arith.subi %parallel_loop3A_811, %parallel_loop3A_831 : i32
        %parallel_loop3A_833 = arith.select %parallel_loop3A_830, %parallel_loop3A_832, %parallel_loop3A_811 : i32
        %parallel_loop3A_834 = arith.constant 8 : i32
        %parallel_loop3A_835 = arith.constant 0 : i32
        %parallel_loop3A_836 = arith.cmpi eq, %parallel_loop3A_834, %parallel_loop3A_835 : i32
        %parallel_loop3A_837 = arith.constant 1 : i32
        %parallel_loop3A_838 = arith.select %parallel_loop3A_836, %parallel_loop3A_837, %parallel_loop3A_834 : i32
        %parallel_loop3A_839 = arith.remsi %parallel_loop3A_809, %parallel_loop3A_838 : i32
        %parallel_loop3A_840 = arith.constant 0 : i32
        %parallel_loop3A_841 = arith.cmpi ne, %parallel_loop3A_839, %parallel_loop3A_840 : i32
        %parallel_loop3A_842 = arith.constant 0 : i32
        %parallel_loop3A_843 = arith.cmpi slt, %parallel_loop3A_839, %parallel_loop3A_842 : i32
        %parallel_loop3A_844 = arith.constant 0 : i32
        %parallel_loop3A_845 = arith.cmpi slt, %parallel_loop3A_838, %parallel_loop3A_844 : i32
        %parallel_loop3A_846 = arith.xori %parallel_loop3A_843, %parallel_loop3A_845 : i1
        %parallel_loop3A_847 = arith.andi %parallel_loop3A_846, %parallel_loop3A_841 : i1
        %parallel_loop3A_848 = arith.addi %parallel_loop3A_839, %parallel_loop3A_838 : i32
        %parallel_loop3A_849 = arith.select %parallel_loop3A_847, %parallel_loop3A_848, %parallel_loop3A_839 : i32
        %parallel_loop3A_850 = arith.constant 16 : i32
        %parallel_loop3A_851 = arith.muli %parallel_loop3A_809, %parallel_loop3A_850 : i32
        %parallel_loop3A_852 = arith.constant 0 : i32
        %parallel_loop3A_853 = arith.addi %parallel_loop3A_852, %parallel_loop3A_851 : i32
        %parallel_loop3A_854 = arith.index_cast %parallel_loop3A_853 : i32 to index
        %parallel_loop3A_855 = tpu.vector_load %arg8[%parallel_loop3A_854] {strides = array<i32>} : memref<6400xi32, #tpu.memory_space<vmem>>, vector<16xi32>,
        %parallel_loop3A_856 = arith.constant 0 : i32
        %parallel_loop3A_857 = vector.broadcast %parallel_loop3A_856 : i32 to vector<16xi32>
        %parallel_loop3A_858 = arith.addi %parallel_loop3A_855, %parallel_loop3A_857 : vector<16xi32>
        %parallel_loop3A_859 = tpu.vector_load_idx %arg12[%parallel_loop3A_858] : memref<8000xf32, #tpu.memory_space<vmem>>[vector<16xi32>], vector<16xf32>,
        %parallel_loop3A_860 = arith.constant 16 : i32
        %parallel_loop3A_861 = arith.muli %parallel_loop3A_849, %parallel_loop3A_860 : i32
        %parallel_loop3A_862 = arith.constant 0 : i32
        %parallel_loop3A_863 = arith.index_cast %parallel_loop3A_833 : i32 to index
        %parallel_loop3A_864 = arith.index_cast %parallel_loop3A_862 : i32 to index
        %parallel_loop3A_865 = arith.index_cast %parallel_loop3A_861 : i32 to index
        %parallel_loop3A_866 = tpu.vector_load %arg14[%parallel_loop3A_863, %parallel_loop3A_864, %parallel_loop3A_865] {strides = array<i32>} : memref<25x8x128xf32, #tpu.memory_space<vmem>>, vector<16xf32>,
        tpu.vector_store %arg14[%parallel_loop3A_863, %parallel_loop3A_864, %parallel_loop3A_865], %parallel_loop3A_859 {strides = array<i32>} : memref<25x8x128xf32, #tpu.memory_space<vmem>>, vector<16xf32>,
        %parallel_loop3A_867 = arith.constant 1000 : i32
        %parallel_loop3A_868 = vector.broadcast %parallel_loop3A_867 : i32 to vector<16xi32>
        %parallel_loop3A_869 = arith.addi %parallel_loop3A_855, %parallel_loop3A_868 : vector<16xi32>
        %parallel_loop3A_870 = tpu.vector_load_idx %arg12[%parallel_loop3A_869] : memref<8000xf32, #tpu.memory_space<vmem>>[vector<16xi32>], vector<16xf32>,
        %parallel_loop3A_871 = arith.constant 16 : i32
        %parallel_loop3A_872 = arith.muli %parallel_loop3A_849, %parallel_loop3A_871 : i32
        %parallel_loop3A_873 = arith.constant 1 : i32
        %parallel_loop3A_874 = arith.index_cast %parallel_loop3A_833 : i32 to index
        %parallel_loop3A_875 = arith.index_cast %parallel_loop3A_873 : i32 to index
        %parallel_loop3A_876 = arith.index_cast %parallel_loop3A_872 : i32 to index
        %parallel_loop3A_877 = tpu.vector_load %arg14[%parallel_loop3A_874, %parallel_loop3A_875, %parallel_loop3A_876] {strides = array<i32>} : memref<25x8x128xf32, #tpu.memory_space<vmem>>, vector<16xf32>,
        tpu.vector_store %arg14[%parallel_loop3A_874, %parallel_loop3A_875, %parallel_loop3A_876], %parallel_loop3A_870 {strides = array<i32>} : memref<25x8x128xf32, #tpu.memory_space<vmem>>, vector<16xf32>,
        %parallel_loop3A_878 = arith.constant 2000 : i32
        %parallel_loop3A_879 = vector.broadcast %parallel_loop3A_878 : i32 to vector<16xi32>
        %parallel_loop3A_880 = arith.addi %parallel_loop3A_855, %parallel_loop3A_879 : vector<16xi32>
        %parallel_loop3A_881 = tpu.vector_load_idx %arg12[%parallel_loop3A_880] : memref<8000xf32, #tpu.memory_space<vmem>>[vector<16xi32>], vector<16xf32>,
        %parallel_loop3A_882 = arith.constant 16 : i32
        %parallel_loop3A_883 = arith.muli %parallel_loop3A_849, %parallel_loop3A_882 : i32
        %parallel_loop3A_884 = arith.constant 2 : i32
        %parallel_loop3A_885 = arith.index_cast %parallel_loop3A_833 : i32 to index
        %parallel_loop3A_886 = arith.index_cast %parallel_loop3A_884 : i32 to index
        %parallel_loop3A_887 = arith.index_cast %parallel_loop3A_883 : i32 to index
        %parallel_loop3A_888 = tpu.vector_load %arg14[%parallel_loop3A_885, %parallel_loop3A_886, %parallel_loop3A_887] {strides = array<i32>} : memref<25x8x128xf32, #tpu.memory_space<vmem>>, vector<16xf32>,
        tpu.vector_store %arg14[%parallel_loop3A_885, %parallel_loop3A_886, %parallel_loop3A_887], %parallel_loop3A_881 {strides = array<i32>} : memref<25x8x128xf32, #tpu.memory_space<vmem>>, vector<16xf32>,
        %parallel_loop3A_889 = arith.constant 3000 : i32
        %parallel_loop3A_890 = vector.broadcast %parallel_loop3A_889 : i32 to vector<16xi32>
        %parallel_loop3A_891 = arith.addi %parallel_loop3A_855, %parallel_loop3A_890 : vector<16xi32>
        %parallel_loop3A_892 = tpu.vector_load_idx %arg12[%parallel_loop3A_891] : memref<8000xf32, #tpu.memory_space<vmem>>[vector<16xi32>], vector<16xf32>,
        %parallel_loop3A_893 = arith.constant 16 : i32
        %parallel_loop3A_894 = arith.muli %parallel_loop3A_849, %parallel_loop3A_893 : i32
        %parallel_loop3A_895 = arith.constant 3 : i32
        %parallel_loop3A_896 = arith.index_cast %parallel_loop3A_833 : i32 to index
        %parallel_loop3A_897 = arith.index_cast %parallel_loop3A_895 : i32 to index
        %parallel_loop3A_898 = arith.index_cast %parallel_loop3A_894 : i32 to index
        %parallel_loop3A_899 = tpu.vector_load %arg14[%parallel_loop3A_896, %parallel_loop3A_897, %parallel_loop3A_898] {strides = array<i32>} : memref<25x8x128xf32, #tpu.memory_space<vmem>>, vector<16xf32>,
        tpu.vector_store %arg14[%parallel_loop3A_896, %parallel_loop3A_897, %parallel_loop3A_898], %parallel_loop3A_892 {strides = array<i32>} : memref<25x8x128xf32, #tpu.memory_space<vmem>>, vector<16xf32>,
        %parallel_loop3A_900 = arith.constant 4000 : i32
        %parallel_loop3A_901 = vector.broadcast %parallel_loop3A_900 : i32 to vector<16xi32>
        %parallel_loop3A_902 = arith.addi %parallel_loop3A_855, %parallel_loop3A_901 : vector<16xi32>
        %parallel_loop3A_903 = tpu.vector_load_idx %arg12[%parallel_loop3A_902] : memref<8000xf32, #tpu.memory_space<vmem>>[vector<16xi32>], vector<16xf32>,
        %parallel_loop3A_904 = arith.constant 16 : i32
        %parallel_loop3A_905 = arith.muli %parallel_loop3A_849, %parallel_loop3A_904 : i32
        %parallel_loop3A_906 = arith.constant 4 : i32
        %parallel_loop3A_907 = arith.index_cast %parallel_loop3A_833 : i32 to index
        %parallel_loop3A_908 = arith.index_cast %parallel_loop3A_906 : i32 to index
        %parallel_loop3A_909 = arith.index_cast %parallel_loop3A_905 : i32 to index
        %parallel_loop3A_910 = tpu.vector_load %arg14[%parallel_loop3A_907, %parallel_loop3A_908, %parallel_loop3A_909] {strides = array<i32>} : memref<25x8x128xf32, #tpu.memory_space<vmem>>, vector<16xf32>,
        tpu.vector_store %arg14[%parallel_loop3A_907, %parallel_loop3A_908, %parallel_loop3A_909], %parallel_loop3A_903 {strides = array<i32>} : memref<25x8x128xf32, #tpu.memory_space<vmem>>, vector<16xf32>,
        %parallel_loop3A_911 = arith.constant 5000 : i32
        %parallel_loop3A_912 = vector.broadcast %parallel_loop3A_911 : i32 to vector<16xi32>
        %parallel_loop3A_913 = arith.addi %parallel_loop3A_855, %parallel_loop3A_912 : vector<16xi32>
        %parallel_loop3A_914 = tpu.vector_load_idx %arg12[%parallel_loop3A_913] : memref<8000xf32, #tpu.memory_space<vmem>>[vector<16xi32>], vector<16xf32>,
        %parallel_loop3A_915 = arith.constant 16 : i32
        %parallel_loop3A_916 = arith.muli %parallel_loop3A_849, %parallel_loop3A_915 : i32
        %parallel_loop3A_917 = arith.constant 5 : i32
        %parallel_loop3A_918 = arith.index_cast %parallel_loop3A_833 : i32 to index
        %parallel_loop3A_919 = arith.index_cast %parallel_loop3A_917 : i32 to index
        %parallel_loop3A_920 = arith.index_cast %parallel_loop3A_916 : i32 to index
        %parallel_loop3A_921 = tpu.vector_load %arg14[%parallel_loop3A_918, %parallel_loop3A_919, %parallel_loop3A_920] {strides = array<i32>} : memref<25x8x128xf32, #tpu.memory_space<vmem>>, vector<16xf32>,
        tpu.vector_store %arg14[%parallel_loop3A_918, %parallel_loop3A_919, %parallel_loop3A_920], %parallel_loop3A_914 {strides = array<i32>} : memref<25x8x128xf32, #tpu.memory_space<vmem>>, vector<16xf32>,
        %parallel_loop3A_922 = arith.constant 6000 : i32
        %parallel_loop3A_923 = vector.broadcast %parallel_loop3A_922 : i32 to vector<16xi32>
        %parallel_loop3A_924 = arith.addi %parallel_loop3A_855, %parallel_loop3A_923 : vector<16xi32>
        %parallel_loop3A_925 = tpu.vector_load_idx %arg12[%parallel_loop3A_924] : memref<8000xf32, #tpu.memory_space<vmem>>[vector<16xi32>], vector<16xf32>,
        %parallel_loop3A_926 = arith.constant 16 : i32
        %parallel_loop3A_927 = arith.muli %parallel_loop3A_849, %parallel_loop3A_926 : i32
        %parallel_loop3A_928 = arith.constant 6 : i32
        %parallel_loop3A_929 = arith.index_cast %parallel_loop3A_833 : i32 to index
        %parallel_loop3A_930 = arith.index_cast %parallel_loop3A_928 : i32 to index
        %parallel_loop3A_931 = arith.index_cast %parallel_loop3A_927 : i32 to index
        %parallel_loop3A_932 = tpu.vector_load %arg14[%parallel_loop3A_929, %parallel_loop3A_930, %parallel_loop3A_931] {strides = array<i32>} : memref<25x8x128xf32, #tpu.memory_space<vmem>>, vector<16xf32>,
        tpu.vector_store %arg14[%parallel_loop3A_929, %parallel_loop3A_930, %parallel_loop3A_931], %parallel_loop3A_925 {strides = array<i32>} : memref<25x8x128xf32, #tpu.memory_space<vmem>>, vector<16xf32>,
        %parallel_loop3A_933 = arith.constant 7000 : i32
        %parallel_loop3A_934 = vector.broadcast %parallel_loop3A_933 : i32 to vector<16xi32>
        %parallel_loop3A_935 = arith.addi %parallel_loop3A_855, %parallel_loop3A_934 : vector<16xi32>
        %parallel_loop3A_936 = tpu.vector_load_idx %arg12[%parallel_loop3A_935] : memref<8000xf32, #tpu.memory_space<vmem>>[vector<16xi32>], vector<16xf32>,
        %parallel_loop3A_937 = arith.constant 16 : i32
        %parallel_loop3A_938 = arith.muli %parallel_loop3A_849, %parallel_loop3A_937 : i32
        %parallel_loop3A_939 = arith.constant 7 : i32
        %parallel_loop3A_940 = arith.index_cast %parallel_loop3A_833 : i32 to index
        %parallel_loop3A_941 = arith.index_cast %parallel_loop3A_939 : i32 to index
        %parallel_loop3A_942 = arith.index_cast %parallel_loop3A_938 : i32 to index
        %parallel_loop3A_943 = tpu.vector_load %arg14[%parallel_loop3A_940, %parallel_loop3A_941, %parallel_loop3A_942] {strides = array<i32>} : memref<25x8x128xf32, #tpu.memory_space<vmem>>, vector<16xf32>,
        tpu.vector_store %arg14[%parallel_loop3A_940, %parallel_loop3A_941, %parallel_loop3A_942], %parallel_loop3A_936 {strides = array<i32>} : memref<25x8x128xf32, #tpu.memory_space<vmem>>, vector<16xf32>,
      } {sc.loop_unroll_factor = 8 : i64, sc.parallel_access}
      %add3A_719 = arith.constant 0 : i32
      %add3A_720 = arith.addi %mul3A_4, %add3A_719 : i32
      %dma_start3A_721 = arith.constant 0 : i32
      %dma_start3A_722 = arith.constant 0 : i32
      %dma_start3A_723 = tpu.memref_slice %arg6[%mul3A_703, %add3A_720, %dma_start3A_721, %dma_start3A_722] : memref<125x1600x8x128xf32, #tpu.memory_space<hbm>> -> memref<1x25x8x128xf32, #tpu.memory_space<hbm>>
      %dma_start3A_724 = tpu.memref_squeeze %dma_start3A_723 : memref<1x25x8x128xf32, #tpu.memory_space<hbm>> -> memref<25x8x128xf32, #tpu.memory_space<hbm>>
      %dma_start3A_725 = arith.constant 0 : i32
      %dma_start3A_726 = arith.constant 0 : i32
      %dma_start3A_727 = tpu.memref_slice %arg6[%mul3A_703, %add3A_720, %dma_start3A_725, %dma_start3A_726] : memref<125x1600x8x128xf32, #tpu.memory_space<hbm>> -> memref<1x25x8x128xf32, #tpu.memory_space<hbm>>
      %dma_start3A_728 = tpu.memref_squeeze %dma_start3A_727 : memref<1x25x8x128xf32, #tpu.memory_space<hbm>> -> memref<25x8x128xf32, #tpu.memory_space<hbm>>
      tpu.enqueue_dma source(%arg14 : memref<25x8x128xf32, #tpu.memory_space<vmem>>) target(%dma_start3A_728 : memref<25x8x128xf32, #tpu.memory_space<hbm>>) target_semaphore(%arg19 : memref<!tpu.dma_semaphore, #tpu.memory_space<semaphore_mem>>)
      %gt3A_729 = arith.constant 0 : i32
      %gt3A_730 = arith.cmpi sgt, %scan3A_701, %gt3A_729 : i32
      %convert_element_type3A_731 = arith.extui %gt3A_730 : i1 to i32
      %cond3A_732 = arith.constant 0 : i32
      %cond3A_733 = arith.cmpi ne, %convert_element_type3A_731, %cond3A_732 : i32
      scf.if %cond3A_733 {
        %sub3A = arith.constant 1 : i32
        %sub3A_809 = arith.subi %mul3A_703, %sub3A : i32
        %add3A_810 = arith.constant 25 : i32
        %add3A_811 = arith.addi %mul3A_4, %add3A_810 : i32
        %dma_wait3A_812 = arith.constant 0 : i32
        %dma_wait3A_813 = arith.constant 0 : i32
        %dma_wait3A_814 = tpu.memref_slice %arg6[%sub3A_809, %add3A_811, %dma_wait3A_812, %dma_wait3A_813] : memref<125x1600x8x128xf32, #tpu.memory_space<hbm>> -> memref<1x25x8x128xf32, #tpu.memory_space<hbm>>
        %dma_wait3A_815 = tpu.memref_squeeze %dma_wait3A_814 : memref<1x25x8x128xf32, #tpu.memory_space<hbm>> -> memref<25x8x128xf32, #tpu.memory_space<hbm>>
        %dma_wait3A_816 = arith.constant 0 : i32
        %dma_wait3A_817 = arith.constant 0 : i32
        %dma_wait3A_818 = tpu.memref_slice %arg6[%sub3A_809, %add3A_811, %dma_wait3A_816, %dma_wait3A_817] : memref<125x1600x8x128xf32, #tpu.memory_space<hbm>> -> memref<1x25x8x128xf32, #tpu.memory_space<hbm>>
        %dma_wait3A_819 = tpu.memref_squeeze %dma_wait3A_818 : memref<1x25x8x128xf32, #tpu.memory_space<hbm>> -> memref<25x8x128xf32, #tpu.memory_space<hbm>>
        tpu.wait_dma2 semaphore(%arg20 : memref<!tpu.dma_semaphore, #tpu.memory_space<semaphore_mem>>) src(%arg15 : memref<25x8x128xf32, #tpu.memory_space<vmem>>) dst(%dma_wait3A_819 : memref<25x8x128xf32, #tpu.memory_space<hbm>>)
      } else {
      }
      %parallel_loop3A_734 = arith.constant 0 : i32
      %parallel_loop3A_735 = arith.constant 200 : i32
      %parallel_loop3A_736 = arith.constant 1 : i32
      scf.for %parallel_loop3A_809 = %parallel_loop3A_734 to %parallel_loop3A_735 step %parallel_loop3A_736  : i32 {
        %parallel_loop3A_810 = arith.constant 8 : i32
        %parallel_loop3A_811 = arith.divsi %parallel_loop3A_809, %parallel_loop3A_810 : i32
        %parallel_loop3A_812 = arith.constant 0 : i32
        %parallel_loop3A_813 = arith.cmpi sgt, %parallel_loop3A_809, %parallel_loop3A_812 : i32
        %parallel_loop3A_814 = arith.extui %parallel_loop3A_813 : i1 to i32
        %parallel_loop3A_815 = arith.constant 0 : i32
        %parallel_loop3A_816 = arith.cmpi slt, %parallel_loop3A_809, %parallel_loop3A_815 : i32
        %parallel_loop3A_817 = arith.extui %parallel_loop3A_816 : i1 to i32
        %parallel_loop3A_818 = arith.subi %parallel_loop3A_814, %parallel_loop3A_817 : i32
        %parallel_loop3A_819 = arith.constant 0 : i32
        %parallel_loop3A_820 = arith.cmpi sgt, %parallel_loop3A_810, %parallel_loop3A_819 : i32
        %parallel_loop3A_821 = arith.extui %parallel_loop3A_820 : i1 to i32
        %parallel_loop3A_822 = arith.constant 0 : i32
        %parallel_loop3A_823 = arith.cmpi slt, %parallel_loop3A_810, %parallel_loop3A_822 : i32
        %parallel_loop3A_824 = arith.extui %parallel_loop3A_823 : i1 to i32
        %parallel_loop3A_825 = arith.subi %parallel_loop3A_821, %parallel_loop3A_824 : i32
        %parallel_loop3A_826 = arith.cmpi ne, %parallel_loop3A_818, %parallel_loop3A_825 : i32
        %parallel_loop3A_827 = arith.remsi %parallel_loop3A_809, %parallel_loop3A_810 : i32
        %parallel_loop3A_828 = arith.constant 0 : i32
        %parallel_loop3A_829 = arith.cmpi ne, %parallel_loop3A_827, %parallel_loop3A_828 : i32
        %parallel_loop3A_830 = arith.andi %parallel_loop3A_826, %parallel_loop3A_829 : i1
        %parallel_loop3A_831 = arith.constant 1 : i32
        %parallel_loop3A_832 = arith.subi %parallel_loop3A_811, %parallel_loop3A_831 : i32
        %parallel_loop3A_833 = arith.select %parallel_loop3A_830, %parallel_loop3A_832, %parallel_loop3A_811 : i32
        %parallel_loop3A_834 = arith.constant 8 : i32
        %parallel_loop3A_835 = arith.constant 0 : i32
        %parallel_loop3A_836 = arith.cmpi eq, %parallel_loop3A_834, %parallel_loop3A_835 : i32
        %parallel_loop3A_837 = arith.constant 1 : i32
        %parallel_loop3A_838 = arith.select %parallel_loop3A_836, %parallel_loop3A_837, %parallel_loop3A_834 : i32
        %parallel_loop3A_839 = arith.remsi %parallel_loop3A_809, %parallel_loop3A_838 : i32
        %parallel_loop3A_840 = arith.constant 0 : i32
        %parallel_loop3A_841 = arith.cmpi ne, %parallel_loop3A_839, %parallel_loop3A_840 : i32
        %parallel_loop3A_842 = arith.constant 0 : i32
        %parallel_loop3A_843 = arith.cmpi slt, %parallel_loop3A_839, %parallel_loop3A_842 : i32
        %parallel_loop3A_844 = arith.constant 0 : i32
        %parallel_loop3A_845 = arith.cmpi slt, %parallel_loop3A_838, %parallel_loop3A_844 : i32
        %parallel_loop3A_846 = arith.xori %parallel_loop3A_843, %parallel_loop3A_845 : i1
        %parallel_loop3A_847 = arith.andi %parallel_loop3A_846, %parallel_loop3A_841 : i1
        %parallel_loop3A_848 = arith.addi %parallel_loop3A_839, %parallel_loop3A_838 : i32
        %parallel_loop3A_849 = arith.select %parallel_loop3A_847, %parallel_loop3A_848, %parallel_loop3A_839 : i32
        %parallel_loop3A_850 = arith.constant 16 : i32
        %parallel_loop3A_851 = arith.muli %parallel_loop3A_809, %parallel_loop3A_850 : i32
        %parallel_loop3A_852 = arith.constant 3200 : i32
        %parallel_loop3A_853 = arith.addi %parallel_loop3A_852, %parallel_loop3A_851 : i32
        %parallel_loop3A_854 = arith.index_cast %parallel_loop3A_853 : i32 to index
        %parallel_loop3A_855 = tpu.vector_load %arg8[%parallel_loop3A_854] {strides = array<i32>} : memref<6400xi32, #tpu.memory_space<vmem>>, vector<16xi32>,
        %parallel_loop3A_856 = arith.constant 0 : i32
        %parallel_loop3A_857 = vector.broadcast %parallel_loop3A_856 : i32 to vector<16xi32>
        %parallel_loop3A_858 = arith.addi %parallel_loop3A_855, %parallel_loop3A_857 : vector<16xi32>
        %parallel_loop3A_859 = tpu.vector_load_idx %arg12[%parallel_loop3A_858] : memref<8000xf32, #tpu.memory_space<vmem>>[vector<16xi32>], vector<16xf32>,
        %parallel_loop3A_860 = arith.constant 16 : i32
        %parallel_loop3A_861 = arith.muli %parallel_loop3A_849, %parallel_loop3A_860 : i32
        %parallel_loop3A_862 = arith.constant 0 : i32
        %parallel_loop3A_863 = arith.index_cast %parallel_loop3A_833 : i32 to index
        %parallel_loop3A_864 = arith.index_cast %parallel_loop3A_862 : i32 to index
        %parallel_loop3A_865 = arith.index_cast %parallel_loop3A_861 : i32 to index
        %parallel_loop3A_866 = tpu.vector_load %arg15[%parallel_loop3A_863, %parallel_loop3A_864, %parallel_loop3A_865] {strides = array<i32>} : memref<25x8x128xf32, #tpu.memory_space<vmem>>, vector<16xf32>,
        tpu.vector_store %arg15[%parallel_loop3A_863, %parallel_loop3A_864, %parallel_loop3A_865], %parallel_loop3A_859 {strides = array<i32>} : memref<25x8x128xf32, #tpu.memory_space<vmem>>, vector<16xf32>,
        %parallel_loop3A_867 = arith.constant 1000 : i32
        %parallel_loop3A_868 = vector.broadcast %parallel_loop3A_867 : i32 to vector<16xi32>
        %parallel_loop3A_869 = arith.addi %parallel_loop3A_855, %parallel_loop3A_868 : vector<16xi32>
        %parallel_loop3A_870 = tpu.vector_load_idx %arg12[%parallel_loop3A_869] : memref<8000xf32, #tpu.memory_space<vmem>>[vector<16xi32>], vector<16xf32>,
        %parallel_loop3A_871 = arith.constant 16 : i32
        %parallel_loop3A_872 = arith.muli %parallel_loop3A_849, %parallel_loop3A_871 : i32
        %parallel_loop3A_873 = arith.constant 1 : i32
        %parallel_loop3A_874 = arith.index_cast %parallel_loop3A_833 : i32 to index
        %parallel_loop3A_875 = arith.index_cast %parallel_loop3A_873 : i32 to index
        %parallel_loop3A_876 = arith.index_cast %parallel_loop3A_872 : i32 to index
        %parallel_loop3A_877 = tpu.vector_load %arg15[%parallel_loop3A_874, %parallel_loop3A_875, %parallel_loop3A_876] {strides = array<i32>} : memref<25x8x128xf32, #tpu.memory_space<vmem>>, vector<16xf32>,
        tpu.vector_store %arg15[%parallel_loop3A_874, %parallel_loop3A_875, %parallel_loop3A_876], %parallel_loop3A_870 {strides = array<i32>} : memref<25x8x128xf32, #tpu.memory_space<vmem>>, vector<16xf32>,
        %parallel_loop3A_878 = arith.constant 2000 : i32
        %parallel_loop3A_879 = vector.broadcast %parallel_loop3A_878 : i32 to vector<16xi32>
        %parallel_loop3A_880 = arith.addi %parallel_loop3A_855, %parallel_loop3A_879 : vector<16xi32>
        %parallel_loop3A_881 = tpu.vector_load_idx %arg12[%parallel_loop3A_880] : memref<8000xf32, #tpu.memory_space<vmem>>[vector<16xi32>], vector<16xf32>,
        %parallel_loop3A_882 = arith.constant 16 : i32
        %parallel_loop3A_883 = arith.muli %parallel_loop3A_849, %parallel_loop3A_882 : i32
        %parallel_loop3A_884 = arith.constant 2 : i32
        %parallel_loop3A_885 = arith.index_cast %parallel_loop3A_833 : i32 to index
        %parallel_loop3A_886 = arith.index_cast %parallel_loop3A_884 : i32 to index
        %parallel_loop3A_887 = arith.index_cast %parallel_loop3A_883 : i32 to index
        %parallel_loop3A_888 = tpu.vector_load %arg15[%parallel_loop3A_885, %parallel_loop3A_886, %parallel_loop3A_887] {strides = array<i32>} : memref<25x8x128xf32, #tpu.memory_space<vmem>>, vector<16xf32>,
        tpu.vector_store %arg15[%parallel_loop3A_885, %parallel_loop3A_886, %parallel_loop3A_887], %parallel_loop3A_881 {strides = array<i32>} : memref<25x8x128xf32, #tpu.memory_space<vmem>>, vector<16xf32>,
        %parallel_loop3A_889 = arith.constant 3000 : i32
        %parallel_loop3A_890 = vector.broadcast %parallel_loop3A_889 : i32 to vector<16xi32>
        %parallel_loop3A_891 = arith.addi %parallel_loop3A_855, %parallel_loop3A_890 : vector<16xi32>
        %parallel_loop3A_892 = tpu.vector_load_idx %arg12[%parallel_loop3A_891] : memref<8000xf32, #tpu.memory_space<vmem>>[vector<16xi32>], vector<16xf32>,
        %parallel_loop3A_893 = arith.constant 16 : i32
        %parallel_loop3A_894 = arith.muli %parallel_loop3A_849, %parallel_loop3A_893 : i32
        %parallel_loop3A_895 = arith.constant 3 : i32
        %parallel_loop3A_896 = arith.index_cast %parallel_loop3A_833 : i32 to index
        %parallel_loop3A_897 = arith.index_cast %parallel_loop3A_895 : i32 to index
        %parallel_loop3A_898 = arith.index_cast %parallel_loop3A_894 : i32 to index
        %parallel_loop3A_899 = tpu.vector_load %arg15[%parallel_loop3A_896, %parallel_loop3A_897, %parallel_loop3A_898] {strides = array<i32>} : memref<25x8x128xf32, #tpu.memory_space<vmem>>, vector<16xf32>,
        tpu.vector_store %arg15[%parallel_loop3A_896, %parallel_loop3A_897, %parallel_loop3A_898], %parallel_loop3A_892 {strides = array<i32>} : memref<25x8x128xf32, #tpu.memory_space<vmem>>, vector<16xf32>,
        %parallel_loop3A_900 = arith.constant 4000 : i32
        %parallel_loop3A_901 = vector.broadcast %parallel_loop3A_900 : i32 to vector<16xi32>
        %parallel_loop3A_902 = arith.addi %parallel_loop3A_855, %parallel_loop3A_901 : vector<16xi32>
        %parallel_loop3A_903 = tpu.vector_load_idx %arg12[%parallel_loop3A_902] : memref<8000xf32, #tpu.memory_space<vmem>>[vector<16xi32>], vector<16xf32>,
        %parallel_loop3A_904 = arith.constant 16 : i32
        %parallel_loop3A_905 = arith.muli %parallel_loop3A_849, %parallel_loop3A_904 : i32
        %parallel_loop3A_906 = arith.constant 4 : i32
        %parallel_loop3A_907 = arith.index_cast %parallel_loop3A_833 : i32 to index
        %parallel_loop3A_908 = arith.index_cast %parallel_loop3A_906 : i32 to index
        %parallel_loop3A_909 = arith.index_cast %parallel_loop3A_905 : i32 to index
        %parallel_loop3A_910 = tpu.vector_load %arg15[%parallel_loop3A_907, %parallel_loop3A_908, %parallel_loop3A_909] {strides = array<i32>} : memref<25x8x128xf32, #tpu.memory_space<vmem>>, vector<16xf32>,
        tpu.vector_store %arg15[%parallel_loop3A_907, %parallel_loop3A_908, %parallel_loop3A_909], %parallel_loop3A_903 {strides = array<i32>} : memref<25x8x128xf32, #tpu.memory_space<vmem>>, vector<16xf32>,
        %parallel_loop3A_911 = arith.constant 5000 : i32
        %parallel_loop3A_912 = vector.broadcast %parallel_loop3A_911 : i32 to vector<16xi32>
        %parallel_loop3A_913 = arith.addi %parallel_loop3A_855, %parallel_loop3A_912 : vector<16xi32>
        %parallel_loop3A_914 = tpu.vector_load_idx %arg12[%parallel_loop3A_913] : memref<8000xf32, #tpu.memory_space<vmem>>[vector<16xi32>], vector<16xf32>,
        %parallel_loop3A_915 = arith.constant 16 : i32
        %parallel_loop3A_916 = arith.muli %parallel_loop3A_849, %parallel_loop3A_915 : i32
        %parallel_loop3A_917 = arith.constant 5 : i32
        %parallel_loop3A_918 = arith.index_cast %parallel_loop3A_833 : i32 to index
        %parallel_loop3A_919 = arith.index_cast %parallel_loop3A_917 : i32 to index
        %parallel_loop3A_920 = arith.index_cast %parallel_loop3A_916 : i32 to index
        %parallel_loop3A_921 = tpu.vector_load %arg15[%parallel_loop3A_918, %parallel_loop3A_919, %parallel_loop3A_920] {strides = array<i32>} : memref<25x8x128xf32, #tpu.memory_space<vmem>>, vector<16xf32>,
        tpu.vector_store %arg15[%parallel_loop3A_918, %parallel_loop3A_919, %parallel_loop3A_920], %parallel_loop3A_914 {strides = array<i32>} : memref<25x8x128xf32, #tpu.memory_space<vmem>>, vector<16xf32>,
        %parallel_loop3A_922 = arith.constant 6000 : i32
        %parallel_loop3A_923 = vector.broadcast %parallel_loop3A_922 : i32 to vector<16xi32>
        %parallel_loop3A_924 = arith.addi %parallel_loop3A_855, %parallel_loop3A_923 : vector<16xi32>
        %parallel_loop3A_925 = tpu.vector_load_idx %arg12[%parallel_loop3A_924] : memref<8000xf32, #tpu.memory_space<vmem>>[vector<16xi32>], vector<16xf32>,
        %parallel_loop3A_926 = arith.constant 16 : i32
        %parallel_loop3A_927 = arith.muli %parallel_loop3A_849, %parallel_loop3A_926 : i32
        %parallel_loop3A_928 = arith.constant 6 : i32
        %parallel_loop3A_929 = arith.index_cast %parallel_loop3A_833 : i32 to index
        %parallel_loop3A_930 = arith.index_cast %parallel_loop3A_928 : i32 to index
        %parallel_loop3A_931 = arith.index_cast %parallel_loop3A_927 : i32 to index
        %parallel_loop3A_932 = tpu.vector_load %arg15[%parallel_loop3A_929, %parallel_loop3A_930, %parallel_loop3A_931] {strides = array<i32>} : memref<25x8x128xf32, #tpu.memory_space<vmem>>, vector<16xf32>,
        tpu.vector_store %arg15[%parallel_loop3A_929, %parallel_loop3A_930, %parallel_loop3A_931], %parallel_loop3A_925 {strides = array<i32>} : memref<25x8x128xf32, #tpu.memory_space<vmem>>, vector<16xf32>,
        %parallel_loop3A_933 = arith.constant 7000 : i32
        %parallel_loop3A_934 = vector.broadcast %parallel_loop3A_933 : i32 to vector<16xi32>
        %parallel_loop3A_935 = arith.addi %parallel_loop3A_855, %parallel_loop3A_934 : vector<16xi32>
        %parallel_loop3A_936 = tpu.vector_load_idx %arg12[%parallel_loop3A_935] : memref<8000xf32, #tpu.memory_space<vmem>>[vector<16xi32>], vector<16xf32>,
        %parallel_loop3A_937 = arith.constant 16 : i32
        %parallel_loop3A_938 = arith.muli %parallel_loop3A_849, %parallel_loop3A_937 : i32
        %parallel_loop3A_939 = arith.constant 7 : i32
        %parallel_loop3A_940 = arith.index_cast %parallel_loop3A_833 : i32 to index
        %parallel_loop3A_941 = arith.index_cast %parallel_loop3A_939 : i32 to index
        %parallel_loop3A_942 = arith.index_cast %parallel_loop3A_938 : i32 to index
        %parallel_loop3A_943 = tpu.vector_load %arg15[%parallel_loop3A_940, %parallel_loop3A_941, %parallel_loop3A_942] {strides = array<i32>} : memref<25x8x128xf32, #tpu.memory_space<vmem>>, vector<16xf32>,
        tpu.vector_store %arg15[%parallel_loop3A_940, %parallel_loop3A_941, %parallel_loop3A_942], %parallel_loop3A_936 {strides = array<i32>} : memref<25x8x128xf32, #tpu.memory_space<vmem>>, vector<16xf32>,
      } {sc.loop_unroll_factor = 8 : i64, sc.parallel_access}
      %add3A_737 = arith.constant 25 : i32
      %add3A_738 = arith.addi %mul3A_4, %add3A_737 : i32
      %dma_start3A_739 = arith.constant 0 : i32
      %dma_start3A_740 = arith.constant 0 : i32
      %dma_start3A_741 = tpu.memref_slice %arg6[%mul3A_703, %add3A_738, %dma_start3A_739, %dma_start3A_740] : memref<125x1600x8x128xf32, #tpu.memory_space<hbm>> -> memref<1x25x8x128xf32, #tpu.memory_space<hbm>>
      %dma_start3A_742 = tpu.memref_squeeze %dma_start3A_741 : memref<1x25x8x128xf32, #tpu.memory_space<hbm>> -> memref<25x8x128xf32, #tpu.memory_space<hbm>>
      %dma_start3A_743 = arith.constant 0 : i32
      %dma_start3A_744 = arith.constant 0 : i32
      %dma_start3A_745 = tpu.memref_slice %arg6[%mul3A_703, %add3A_738, %dma_start3A_743, %dma_start3A_744] : memref<125x1600x8x128xf32, #tpu.memory_space<hbm>> -> memref<1x25x8x128xf32, #tpu.memory_space<hbm>>
      %dma_start3A_746 = tpu.memref_squeeze %dma_start3A_745 : memref<1x25x8x128xf32, #tpu.memory_space<hbm>> -> memref<25x8x128xf32, #tpu.memory_space<hbm>>
      tpu.enqueue_dma source(%arg15 : memref<25x8x128xf32, #tpu.memory_space<vmem>>) target(%dma_start3A_746 : memref<25x8x128xf32, #tpu.memory_space<hbm>>) target_semaphore(%arg20 : memref<!tpu.dma_semaphore, #tpu.memory_space<semaphore_mem>>)
      %add3A_747 = arith.constant 1 : i32
      %add3A_748 = arith.addi %mul3A_703, %add3A_747 : i32
      %mul3A_749 = arith.constant 8000 : i32
      %mul3A_750 = arith.muli %add3A_748, %mul3A_749 : i32
      %dma_wait3A_751 = tpu.memref_slice %arg2[%mul3A_750] : memref<1000000xf32, #tpu.memory_space<hbm>> -> memref<8000xf32, #tpu.memory_space<hbm>>
      %dma_wait3A_752 = tpu.memref_slice %arg2[%mul3A_750] : memref<1000000xf32, #tpu.memory_space<hbm>> -> memref<8000xf32, #tpu.memory_space<hbm>>
      tpu.wait_dma2 semaphore(%arg18 : memref<!tpu.dma_semaphore, #tpu.memory_space<semaphore_mem>>) src(%dma_wait3A_752 : memref<8000xf32, #tpu.memory_space<hbm>>) dst(%arg13 : memref<8000xf32, #tpu.memory_space<vmem>>)
      %add3A_753 = arith.constant 2 : i32
      %add3A_754 = arith.addi %mul3A_703, %add3A_753 : i32
      %mul3A_755 = arith.constant 8000 : i32
      %mul3A_756 = arith.muli %add3A_754, %mul3A_755 : i32
      %dma_start3A_757 = tpu.memref_slice %arg2[%mul3A_756] : memref<1000000xf32, #tpu.memory_space<hbm>> -> memref<8000xf32, #tpu.memory_space<hbm>>
      %dma_start3A_758 = tpu.memref_slice %arg2[%mul3A_756] : memref<1000000xf32, #tpu.memory_space<hbm>> -> memref<8000xf32, #tpu.memory_space<hbm>>
      tpu.enqueue_dma source(%dma_start3A_758 : memref<8000xf32, #tpu.memory_space<hbm>>) target(%arg12 : memref<8000xf32, #tpu.memory_space<vmem>>) target_semaphore(%arg17 : memref<!tpu.dma_semaphore, #tpu.memory_space<semaphore_mem>>)
      %add3A_759 = arith.constant 0 : i32
      %add3A_760 = arith.addi %mul3A_4, %add3A_759 : i32
      %dma_wait3A_761 = arith.constant 0 : i32
      %dma_wait3A_762 = arith.constant 0 : i32
      %dma_wait3A_763 = tpu.memref_slice %arg6[%mul3A_703, %add3A_760, %dma_wait3A_761, %dma_wait3A_762] : memref<125x1600x8x128xf32, #tpu.memory_space<hbm>> -> memref<1x25x8x128xf32, #tpu.memory_space<hbm>>
      %dma_wait3A_764 = tpu.memref_squeeze %dma_wait3A_763 : memref<1x25x8x128xf32, #tpu.memory_space<hbm>> -> memref<25x8x128xf32, #tpu.memory_space<hbm>>
      %dma_wait3A_765 = arith.constant 0 : i32
      %dma_wait3A_766 = arith.constant 0 : i32
      %dma_wait3A_767 = tpu.memref_slice %arg6[%mul3A_703, %add3A_760, %dma_wait3A_765, %dma_wait3A_766] : memref<125x1600x8x128xf32, #tpu.memory_space<hbm>> -> memref<1x25x8x128xf32, #tpu.memory_space<hbm>>
      %dma_wait3A_768 = tpu.memref_squeeze %dma_wait3A_767 : memref<1x25x8x128xf32, #tpu.memory_space<hbm>> -> memref<25x8x128xf32, #tpu.memory_space<hbm>>
      tpu.wait_dma2 semaphore(%arg19 : memref<!tpu.dma_semaphore, #tpu.memory_space<semaphore_mem>>) src(%arg14 : memref<25x8x128xf32, #tpu.memory_space<vmem>>) dst(%dma_wait3A_768 : memref<25x8x128xf32, #tpu.memory_space<hbm>>)
      %parallel_loop3A_769 = arith.constant 0 : i32
      %parallel_loop3A_770 = arith.constant 200 : i32
      %parallel_loop3A_771 = arith.constant 1 : i32
      scf.for %parallel_loop3A_809 = %parallel_loop3A_769 to %parallel_loop3A_770 step %parallel_loop3A_771  : i32 {
        %parallel_loop3A_810 = arith.constant 8 : i32
        %parallel_loop3A_811 = arith.divsi %parallel_loop3A_809, %parallel_loop3A_810 : i32
        %parallel_loop3A_812 = arith.constant 0 : i32
        %parallel_loop3A_813 = arith.cmpi sgt, %parallel_loop3A_809, %parallel_loop3A_812 : i32
        %parallel_loop3A_814 = arith.extui %parallel_loop3A_813 : i1 to i32
        %parallel_loop3A_815 = arith.constant 0 : i32
        %parallel_loop3A_816 = arith.cmpi slt, %parallel_loop3A_809, %parallel_loop3A_815 : i32
        %parallel_loop3A_817 = arith.extui %parallel_loop3A_816 : i1 to i32
        %parallel_loop3A_818 = arith.subi %parallel_loop3A_814, %parallel_loop3A_817 : i32
        %parallel_loop3A_819 = arith.constant 0 : i32
        %parallel_loop3A_820 = arith.cmpi sgt, %parallel_loop3A_810, %parallel_loop3A_819 : i32
        %parallel_loop3A_821 = arith.extui %parallel_loop3A_820 : i1 to i32
        %parallel_loop3A_822 = arith.constant 0 : i32
        %parallel_loop3A_823 = arith.cmpi slt, %parallel_loop3A_810, %parallel_loop3A_822 : i32
        %parallel_loop3A_824 = arith.extui %parallel_loop3A_823 : i1 to i32
        %parallel_loop3A_825 = arith.subi %parallel_loop3A_821, %parallel_loop3A_824 : i32
        %parallel_loop3A_826 = arith.cmpi ne, %parallel_loop3A_818, %parallel_loop3A_825 : i32
        %parallel_loop3A_827 = arith.remsi %parallel_loop3A_809, %parallel_loop3A_810 : i32
        %parallel_loop3A_828 = arith.constant 0 : i32
        %parallel_loop3A_829 = arith.cmpi ne, %parallel_loop3A_827, %parallel_loop3A_828 : i32
        %parallel_loop3A_830 = arith.andi %parallel_loop3A_826, %parallel_loop3A_829 : i1
        %parallel_loop3A_831 = arith.constant 1 : i32
        %parallel_loop3A_832 = arith.subi %parallel_loop3A_811, %parallel_loop3A_831 : i32
        %parallel_loop3A_833 = arith.select %parallel_loop3A_830, %parallel_loop3A_832, %parallel_loop3A_811 : i32
        %parallel_loop3A_834 = arith.constant 8 : i32
        %parallel_loop3A_835 = arith.constant 0 : i32
        %parallel_loop3A_836 = arith.cmpi eq, %parallel_loop3A_834, %parallel_loop3A_835 : i32
        %parallel_loop3A_837 = arith.constant 1 : i32
        %parallel_loop3A_838 = arith.select %parallel_loop3A_836, %parallel_loop3A_837, %parallel_loop3A_834 : i32
        %parallel_loop3A_839 = arith.remsi %parallel_loop3A_809, %parallel_loop3A_838 : i32
        %parallel_loop3A_840 = arith.constant 0 : i32
        %parallel_loop3A_841 = arith.cmpi ne, %parallel_loop3A_839, %parallel_loop3A_840 : i32
        %parallel_loop3A_842 = arith.constant 0 : i32
        %parallel_loop3A_843 = arith.cmpi slt, %parallel_loop3A_839, %parallel_loop3A_842 : i32
        %parallel_loop3A_844 = arith.constant 0 : i32
        %parallel_loop3A_845 = arith.cmpi slt, %parallel_loop3A_838, %parallel_loop3A_844 : i32
        %parallel_loop3A_846 = arith.xori %parallel_loop3A_843, %parallel_loop3A_845 : i1
        %parallel_loop3A_847 = arith.andi %parallel_loop3A_846, %parallel_loop3A_841 : i1
        %parallel_loop3A_848 = arith.addi %parallel_loop3A_839, %parallel_loop3A_838 : i32
        %parallel_loop3A_849 = arith.select %parallel_loop3A_847, %parallel_loop3A_848, %parallel_loop3A_839 : i32
        %parallel_loop3A_850 = arith.constant 16 : i32
        %parallel_loop3A_851 = arith.muli %parallel_loop3A_809, %parallel_loop3A_850 : i32
        %parallel_loop3A_852 = arith.constant 0 : i32
        %parallel_loop3A_853 = arith.addi %parallel_loop3A_852, %parallel_loop3A_851 : i32
        %parallel_loop3A_854 = arith.index_cast %parallel_loop3A_853 : i32 to index
        %parallel_loop3A_855 = tpu.vector_load %arg8[%parallel_loop3A_854] {strides = array<i32>} : memref<6400xi32, #tpu.memory_space<vmem>>, vector<16xi32>,
        %parallel_loop3A_856 = arith.constant 0 : i32
        %parallel_loop3A_857 = vector.broadcast %parallel_loop3A_856 : i32 to vector<16xi32>
        %parallel_loop3A_858 = arith.addi %parallel_loop3A_855, %parallel_loop3A_857 : vector<16xi32>
        %parallel_loop3A_859 = tpu.vector_load_idx %arg13[%parallel_loop3A_858] : memref<8000xf32, #tpu.memory_space<vmem>>[vector<16xi32>], vector<16xf32>,
        %parallel_loop3A_860 = arith.constant 16 : i32
        %parallel_loop3A_861 = arith.muli %parallel_loop3A_849, %parallel_loop3A_860 : i32
        %parallel_loop3A_862 = arith.constant 0 : i32
        %parallel_loop3A_863 = arith.index_cast %parallel_loop3A_833 : i32 to index
        %parallel_loop3A_864 = arith.index_cast %parallel_loop3A_862 : i32 to index
        %parallel_loop3A_865 = arith.index_cast %parallel_loop3A_861 : i32 to index
        %parallel_loop3A_866 = tpu.vector_load %arg14[%parallel_loop3A_863, %parallel_loop3A_864, %parallel_loop3A_865] {strides = array<i32>} : memref<25x8x128xf32, #tpu.memory_space<vmem>>, vector<16xf32>,
        tpu.vector_store %arg14[%parallel_loop3A_863, %parallel_loop3A_864, %parallel_loop3A_865], %parallel_loop3A_859 {strides = array<i32>} : memref<25x8x128xf32, #tpu.memory_space<vmem>>, vector<16xf32>,
        %parallel_loop3A_867 = arith.constant 1000 : i32
        %parallel_loop3A_868 = vector.broadcast %parallel_loop3A_867 : i32 to vector<16xi32>
        %parallel_loop3A_869 = arith.addi %parallel_loop3A_855, %parallel_loop3A_868 : vector<16xi32>
        %parallel_loop3A_870 = tpu.vector_load_idx %arg13[%parallel_loop3A_869] : memref<8000xf32, #tpu.memory_space<vmem>>[vector<16xi32>], vector<16xf32>,
        %parallel_loop3A_871 = arith.constant 16 : i32
        %parallel_loop3A_872 = arith.muli %parallel_loop3A_849, %parallel_loop3A_871 : i32
        %parallel_loop3A_873 = arith.constant 1 : i32
        %parallel_loop3A_874 = arith.index_cast %parallel_loop3A_833 : i32 to index
        %parallel_loop3A_875 = arith.index_cast %parallel_loop3A_873 : i32 to index
        %parallel_loop3A_876 = arith.index_cast %parallel_loop3A_872 : i32 to index
        %parallel_loop3A_877 = tpu.vector_load %arg14[%parallel_loop3A_874, %parallel_loop3A_875, %parallel_loop3A_876] {strides = array<i32>} : memref<25x8x128xf32, #tpu.memory_space<vmem>>, vector<16xf32>,
        tpu.vector_store %arg14[%parallel_loop3A_874, %parallel_loop3A_875, %parallel_loop3A_876], %parallel_loop3A_870 {strides = array<i32>} : memref<25x8x128xf32, #tpu.memory_space<vmem>>, vector<16xf32>,
        %parallel_loop3A_878 = arith.constant 2000 : i32
        %parallel_loop3A_879 = vector.broadcast %parallel_loop3A_878 : i32 to vector<16xi32>
        %parallel_loop3A_880 = arith.addi %parallel_loop3A_855, %parallel_loop3A_879 : vector<16xi32>
        %parallel_loop3A_881 = tpu.vector_load_idx %arg13[%parallel_loop3A_880] : memref<8000xf32, #tpu.memory_space<vmem>>[vector<16xi32>], vector<16xf32>,
        %parallel_loop3A_882 = arith.constant 16 : i32
        %parallel_loop3A_883 = arith.muli %parallel_loop3A_849, %parallel_loop3A_882 : i32
        %parallel_loop3A_884 = arith.constant 2 : i32
        %parallel_loop3A_885 = arith.index_cast %parallel_loop3A_833 : i32 to index
        %parallel_loop3A_886 = arith.index_cast %parallel_loop3A_884 : i32 to index
        %parallel_loop3A_887 = arith.index_cast %parallel_loop3A_883 : i32 to index
        %parallel_loop3A_888 = tpu.vector_load %arg14[%parallel_loop3A_885, %parallel_loop3A_886, %parallel_loop3A_887] {strides = array<i32>} : memref<25x8x128xf32, #tpu.memory_space<vmem>>, vector<16xf32>,
        tpu.vector_store %arg14[%parallel_loop3A_885, %parallel_loop3A_886, %parallel_loop3A_887], %parallel_loop3A_881 {strides = array<i32>} : memref<25x8x128xf32, #tpu.memory_space<vmem>>, vector<16xf32>,
        %parallel_loop3A_889 = arith.constant 3000 : i32
        %parallel_loop3A_890 = vector.broadcast %parallel_loop3A_889 : i32 to vector<16xi32>
        %parallel_loop3A_891 = arith.addi %parallel_loop3A_855, %parallel_loop3A_890 : vector<16xi32>
        %parallel_loop3A_892 = tpu.vector_load_idx %arg13[%parallel_loop3A_891] : memref<8000xf32, #tpu.memory_space<vmem>>[vector<16xi32>], vector<16xf32>,
        %parallel_loop3A_893 = arith.constant 16 : i32
        %parallel_loop3A_894 = arith.muli %parallel_loop3A_849, %parallel_loop3A_893 : i32
        %parallel_loop3A_895 = arith.constant 3 : i32
        %parallel_loop3A_896 = arith.index_cast %parallel_loop3A_833 : i32 to index
        %parallel_loop3A_897 = arith.index_cast %parallel_loop3A_895 : i32 to index
        %parallel_loop3A_898 = arith.index_cast %parallel_loop3A_894 : i32 to index
        %parallel_loop3A_899 = tpu.vector_load %arg14[%parallel_loop3A_896, %parallel_loop3A_897, %parallel_loop3A_898] {strides = array<i32>} : memref<25x8x128xf32, #tpu.memory_space<vmem>>, vector<16xf32>,
        tpu.vector_store %arg14[%parallel_loop3A_896, %parallel_loop3A_897, %parallel_loop3A_898], %parallel_loop3A_892 {strides = array<i32>} : memref<25x8x128xf32, #tpu.memory_space<vmem>>, vector<16xf32>,
        %parallel_loop3A_900 = arith.constant 4000 : i32
        %parallel_loop3A_901 = vector.broadcast %parallel_loop3A_900 : i32 to vector<16xi32>
        %parallel_loop3A_902 = arith.addi %parallel_loop3A_855, %parallel_loop3A_901 : vector<16xi32>
        %parallel_loop3A_903 = tpu.vector_load_idx %arg13[%parallel_loop3A_902] : memref<8000xf32, #tpu.memory_space<vmem>>[vector<16xi32>], vector<16xf32>,
        %parallel_loop3A_904 = arith.constant 16 : i32
        %parallel_loop3A_905 = arith.muli %parallel_loop3A_849, %parallel_loop3A_904 : i32
        %parallel_loop3A_906 = arith.constant 4 : i32
        %parallel_loop3A_907 = arith.index_cast %parallel_loop3A_833 : i32 to index
        %parallel_loop3A_908 = arith.index_cast %parallel_loop3A_906 : i32 to index
        %parallel_loop3A_909 = arith.index_cast %parallel_loop3A_905 : i32 to index
        %parallel_loop3A_910 = tpu.vector_load %arg14[%parallel_loop3A_907, %parallel_loop3A_908, %parallel_loop3A_909] {strides = array<i32>} : memref<25x8x128xf32, #tpu.memory_space<vmem>>, vector<16xf32>,
        tpu.vector_store %arg14[%parallel_loop3A_907, %parallel_loop3A_908, %parallel_loop3A_909], %parallel_loop3A_903 {strides = array<i32>} : memref<25x8x128xf32, #tpu.memory_space<vmem>>, vector<16xf32>,
        %parallel_loop3A_911 = arith.constant 5000 : i32
        %parallel_loop3A_912 = vector.broadcast %parallel_loop3A_911 : i32 to vector<16xi32>
        %parallel_loop3A_913 = arith.addi %parallel_loop3A_855, %parallel_loop3A_912 : vector<16xi32>
        %parallel_loop3A_914 = tpu.vector_load_idx %arg13[%parallel_loop3A_913] : memref<8000xf32, #tpu.memory_space<vmem>>[vector<16xi32>], vector<16xf32>,
        %parallel_loop3A_915 = arith.constant 16 : i32
        %parallel_loop3A_916 = arith.muli %parallel_loop3A_849, %parallel_loop3A_915 : i32
        %parallel_loop3A_917 = arith.constant 5 : i32
        %parallel_loop3A_918 = arith.index_cast %parallel_loop3A_833 : i32 to index
        %parallel_loop3A_919 = arith.index_cast %parallel_loop3A_917 : i32 to index
        %parallel_loop3A_920 = arith.index_cast %parallel_loop3A_916 : i32 to index
        %parallel_loop3A_921 = tpu.vector_load %arg14[%parallel_loop3A_918, %parallel_loop3A_919, %parallel_loop3A_920] {strides = array<i32>} : memref<25x8x128xf32, #tpu.memory_space<vmem>>, vector<16xf32>,
        tpu.vector_store %arg14[%parallel_loop3A_918, %parallel_loop3A_919, %parallel_loop3A_920], %parallel_loop3A_914 {strides = array<i32>} : memref<25x8x128xf32, #tpu.memory_space<vmem>>, vector<16xf32>,
        %parallel_loop3A_922 = arith.constant 6000 : i32
        %parallel_loop3A_923 = vector.broadcast %parallel_loop3A_922 : i32 to vector<16xi32>
        %parallel_loop3A_924 = arith.addi %parallel_loop3A_855, %parallel_loop3A_923 : vector<16xi32>
        %parallel_loop3A_925 = tpu.vector_load_idx %arg13[%parallel_loop3A_924] : memref<8000xf32, #tpu.memory_space<vmem>>[vector<16xi32>], vector<16xf32>,
        %parallel_loop3A_926 = arith.constant 16 : i32
        %parallel_loop3A_927 = arith.muli %parallel_loop3A_849, %parallel_loop3A_926 : i32
        %parallel_loop3A_928 = arith.constant 6 : i32
        %parallel_loop3A_929 = arith.index_cast %parallel_loop3A_833 : i32 to index
        %parallel_loop3A_930 = arith.index_cast %parallel_loop3A_928 : i32 to index
        %parallel_loop3A_931 = arith.index_cast %parallel_loop3A_927 : i32 to index
        %parallel_loop3A_932 = tpu.vector_load %arg14[%parallel_loop3A_929, %parallel_loop3A_930, %parallel_loop3A_931] {strides = array<i32>} : memref<25x8x128xf32, #tpu.memory_space<vmem>>, vector<16xf32>,
        tpu.vector_store %arg14[%parallel_loop3A_929, %parallel_loop3A_930, %parallel_loop3A_931], %parallel_loop3A_925 {strides = array<i32>} : memref<25x8x128xf32, #tpu.memory_space<vmem>>, vector<16xf32>,
        %parallel_loop3A_933 = arith.constant 7000 : i32
        %parallel_loop3A_934 = vector.broadcast %parallel_loop3A_933 : i32 to vector<16xi32>
        %parallel_loop3A_935 = arith.addi %parallel_loop3A_855, %parallel_loop3A_934 : vector<16xi32>
        %parallel_loop3A_936 = tpu.vector_load_idx %arg13[%parallel_loop3A_935] : memref<8000xf32, #tpu.memory_space<vmem>>[vector<16xi32>], vector<16xf32>,
        %parallel_loop3A_937 = arith.constant 16 : i32
        %parallel_loop3A_938 = arith.muli %parallel_loop3A_849, %parallel_loop3A_937 : i32
        %parallel_loop3A_939 = arith.constant 7 : i32
        %parallel_loop3A_940 = arith.index_cast %parallel_loop3A_833 : i32 to index
        %parallel_loop3A_941 = arith.index_cast %parallel_loop3A_939 : i32 to index
        %parallel_loop3A_942 = arith.index_cast %parallel_loop3A_938 : i32 to index
        %parallel_loop3A_943 = tpu.vector_load %arg14[%parallel_loop3A_940, %parallel_loop3A_941, %parallel_loop3A_942] {strides = array<i32>} : memref<25x8x128xf32, #tpu.memory_space<vmem>>, vector<16xf32>,
        tpu.vector_store %arg14[%parallel_loop3A_940, %parallel_loop3A_941, %parallel_loop3A_942], %parallel_loop3A_936 {strides = array<i32>} : memref<25x8x128xf32, #tpu.memory_space<vmem>>, vector<16xf32>,
      } {sc.loop_unroll_factor = 8 : i64, sc.parallel_access}
      %add3A_772 = arith.constant 1 : i32
      %add3A_773 = arith.addi %mul3A_703, %add3A_772 : i32
      %add3A_774 = arith.constant 0 : i32
      %add3A_775 = arith.addi %mul3A_4, %add3A_774 : i32
      %dma_start3A_776 = arith.constant 0 : i32
      %dma_start3A_777 = arith.constant 0 : i32
      %dma_start3A_778 = tpu.memref_slice %arg6[%add3A_773, %add3A_775, %dma_start3A_776, %dma_start3A_777] : memref<125x1600x8x128xf32, #tpu.memory_space<hbm>> -> memref<1x25x8x128xf32, #tpu.memory_space<hbm>>
      %dma_start3A_779 = tpu.memref_squeeze %dma_start3A_778 : memref<1x25x8x128xf32, #tpu.memory_space<hbm>> -> memref<25x8x128xf32, #tpu.memory_space<hbm>>
      %dma_start3A_780 = arith.constant 0 : i32
      %dma_start3A_781 = arith.constant 0 : i32
      %dma_start3A_782 = tpu.memref_slice %arg6[%add3A_773, %add3A_775, %dma_start3A_780, %dma_start3A_781] : memref<125x1600x8x128xf32, #tpu.memory_space<hbm>> -> memref<1x25x8x128xf32, #tpu.memory_space<hbm>>
      %dma_start3A_783 = tpu.memref_squeeze %dma_start3A_782 : memref<1x25x8x128xf32, #tpu.memory_space<hbm>> -> memref<25x8x128xf32, #tpu.memory_space<hbm>>
      tpu.enqueue_dma source(%arg14 : memref<25x8x128xf32, #tpu.memory_space<vmem>>) target(%dma_start3A_783 : memref<25x8x128xf32, #tpu.memory_space<hbm>>) target_semaphore(%arg19 : memref<!tpu.dma_semaphore, #tpu.memory_space<semaphore_mem>>)
      %add3A_784 = arith.constant 25 : i32
      %add3A_785 = arith.addi %mul3A_4, %add3A_784 : i32
      %dma_wait3A_786 = arith.constant 0 : i32
      %dma_wait3A_787 = arith.constant 0 : i32
      %dma_wait3A_788 = tpu.memref_slice %arg6[%mul3A_703, %add3A_785, %dma_wait3A_786, %dma_wait3A_787] : memref<125x1600x8x128xf32, #tpu.memory_space<hbm>> -> memref<1x25x8x128xf32, #tpu.memory_space<hbm>>
      %dma_wait3A_789 = tpu.memref_squeeze %dma_wait3A_788 : memref<1x25x8x128xf32, #tpu.memory_space<hbm>> -> memref<25x8x128xf32, #tpu.memory_space<hbm>>
      %dma_wait3A_790 = arith.constant 0 : i32
      %dma_wait3A_791 = arith.constant 0 : i32
      %dma_wait3A_792 = tpu.memref_slice %arg6[%mul3A_703, %add3A_785, %dma_wait3A_790, %dma_wait3A_791] : memref<125x1600x8x128xf32, #tpu.memory_space<hbm>> -> memref<1x25x8x128xf32, #tpu.memory_space<hbm>>
      %dma_wait3A_793 = tpu.memref_squeeze %dma_wait3A_792 : memref<1x25x8x128xf32, #tpu.memory_space<hbm>> -> memref<25x8x128xf32, #tpu.memory_space<hbm>>
      tpu.wait_dma2 semaphore(%arg20 : memref<!tpu.dma_semaphore, #tpu.memory_space<semaphore_mem>>) src(%arg15 : memref<25x8x128xf32, #tpu.memory_space<vmem>>) dst(%dma_wait3A_793 : memref<25x8x128xf32, #tpu.memory_space<hbm>>)
      %parallel_loop3A_794 = arith.constant 0 : i32
      %parallel_loop3A_795 = arith.constant 200 : i32
      %parallel_loop3A_796 = arith.constant 1 : i32
      scf.for %parallel_loop3A_809 = %parallel_loop3A_794 to %parallel_loop3A_795 step %parallel_loop3A_796  : i32 {
        %parallel_loop3A_810 = arith.constant 8 : i32
        %parallel_loop3A_811 = arith.divsi %parallel_loop3A_809, %parallel_loop3A_810 : i32
        %parallel_loop3A_812 = arith.constant 0 : i32
        %parallel_loop3A_813 = arith.cmpi sgt, %parallel_loop3A_809, %parallel_loop3A_812 : i32
        %parallel_loop3A_814 = arith.extui %parallel_loop3A_813 : i1 to i32
        %parallel_loop3A_815 = arith.constant 0 : i32
        %parallel_loop3A_816 = arith.cmpi slt, %parallel_loop3A_809, %parallel_loop3A_815 : i32
        %parallel_loop3A_817 = arith.extui %parallel_loop3A_816 : i1 to i32
        %parallel_loop3A_818 = arith.subi %parallel_loop3A_814, %parallel_loop3A_817 : i32
        %parallel_loop3A_819 = arith.constant 0 : i32
        %parallel_loop3A_820 = arith.cmpi sgt, %parallel_loop3A_810, %parallel_loop3A_819 : i32
        %parallel_loop3A_821 = arith.extui %parallel_loop3A_820 : i1 to i32
        %parallel_loop3A_822 = arith.constant 0 : i32
        %parallel_loop3A_823 = arith.cmpi slt, %parallel_loop3A_810, %parallel_loop3A_822 : i32
        %parallel_loop3A_824 = arith.extui %parallel_loop3A_823 : i1 to i32
        %parallel_loop3A_825 = arith.subi %parallel_loop3A_821, %parallel_loop3A_824 : i32
        %parallel_loop3A_826 = arith.cmpi ne, %parallel_loop3A_818, %parallel_loop3A_825 : i32
        %parallel_loop3A_827 = arith.remsi %parallel_loop3A_809, %parallel_loop3A_810 : i32
        %parallel_loop3A_828 = arith.constant 0 : i32
        %parallel_loop3A_829 = arith.cmpi ne, %parallel_loop3A_827, %parallel_loop3A_828 : i32
        %parallel_loop3A_830 = arith.andi %parallel_loop3A_826, %parallel_loop3A_829 : i1
        %parallel_loop3A_831 = arith.constant 1 : i32
        %parallel_loop3A_832 = arith.subi %parallel_loop3A_811, %parallel_loop3A_831 : i32
        %parallel_loop3A_833 = arith.select %parallel_loop3A_830, %parallel_loop3A_832, %parallel_loop3A_811 : i32
        %parallel_loop3A_834 = arith.constant 8 : i32
        %parallel_loop3A_835 = arith.constant 0 : i32
        %parallel_loop3A_836 = arith.cmpi eq, %parallel_loop3A_834, %parallel_loop3A_835 : i32
        %parallel_loop3A_837 = arith.constant 1 : i32
        %parallel_loop3A_838 = arith.select %parallel_loop3A_836, %parallel_loop3A_837, %parallel_loop3A_834 : i32
        %parallel_loop3A_839 = arith.remsi %parallel_loop3A_809, %parallel_loop3A_838 : i32
        %parallel_loop3A_840 = arith.constant 0 : i32
        %parallel_loop3A_841 = arith.cmpi ne, %parallel_loop3A_839, %parallel_loop3A_840 : i32
        %parallel_loop3A_842 = arith.constant 0 : i32
        %parallel_loop3A_843 = arith.cmpi slt, %parallel_loop3A_839, %parallel_loop3A_842 : i32
        %parallel_loop3A_844 = arith.constant 0 : i32
        %parallel_loop3A_845 = arith.cmpi slt, %parallel_loop3A_838, %parallel_loop3A_844 : i32
        %parallel_loop3A_846 = arith.xori %parallel_loop3A_843, %parallel_loop3A_845 : i1
        %parallel_loop3A_847 = arith.andi %parallel_loop3A_846, %parallel_loop3A_841 : i1
        %parallel_loop3A_848 = arith.addi %parallel_loop3A_839, %parallel_loop3A_838 : i32
        %parallel_loop3A_849 = arith.select %parallel_loop3A_847, %parallel_loop3A_848, %parallel_loop3A_839 : i32
        %parallel_loop3A_850 = arith.constant 16 : i32
        %parallel_loop3A_851 = arith.muli %parallel_loop3A_809, %parallel_loop3A_850 : i32
        %parallel_loop3A_852 = arith.constant 3200 : i32
        %parallel_loop3A_853 = arith.addi %parallel_loop3A_852, %parallel_loop3A_851 : i32
        %parallel_loop3A_854 = arith.index_cast %parallel_loop3A_853 : i32 to index
        %parallel_loop3A_855 = tpu.vector_load %arg8[%parallel_loop3A_854] {strides = array<i32>} : memref<6400xi32, #tpu.memory_space<vmem>>, vector<16xi32>,
        %parallel_loop3A_856 = arith.constant 0 : i32
        %parallel_loop3A_857 = vector.broadcast %parallel_loop3A_856 : i32 to vector<16xi32>
        %parallel_loop3A_858 = arith.addi %parallel_loop3A_855, %parallel_loop3A_857 : vector<16xi32>
        %parallel_loop3A_859 = tpu.vector_load_idx %arg13[%parallel_loop3A_858] : memref<8000xf32, #tpu.memory_space<vmem>>[vector<16xi32>], vector<16xf32>,
        %parallel_loop3A_860 = arith.constant 16 : i32
        %parallel_loop3A_861 = arith.muli %parallel_loop3A_849, %parallel_loop3A_860 : i32
        %parallel_loop3A_862 = arith.constant 0 : i32
        %parallel_loop3A_863 = arith.index_cast %parallel_loop3A_833 : i32 to index
        %parallel_loop3A_864 = arith.index_cast %parallel_loop3A_862 : i32 to index
        %parallel_loop3A_865 = arith.index_cast %parallel_loop3A_861 : i32 to index
        %parallel_loop3A_866 = tpu.vector_load %arg15[%parallel_loop3A_863, %parallel_loop3A_864, %parallel_loop3A_865] {strides = array<i32>} : memref<25x8x128xf32, #tpu.memory_space<vmem>>, vector<16xf32>,
        tpu.vector_store %arg15[%parallel_loop3A_863, %parallel_loop3A_864, %parallel_loop3A_865], %parallel_loop3A_859 {strides = array<i32>} : memref<25x8x128xf32, #tpu.memory_space<vmem>>, vector<16xf32>,
        %parallel_loop3A_867 = arith.constant 1000 : i32
        %parallel_loop3A_868 = vector.broadcast %parallel_loop3A_867 : i32 to vector<16xi32>
        %parallel_loop3A_869 = arith.addi %parallel_loop3A_855, %parallel_loop3A_868 : vector<16xi32>
        %parallel_loop3A_870 = tpu.vector_load_idx %arg13[%parallel_loop3A_869] : memref<8000xf32, #tpu.memory_space<vmem>>[vector<16xi32>], vector<16xf32>,
        %parallel_loop3A_871 = arith.constant 16 : i32
        %parallel_loop3A_872 = arith.muli %parallel_loop3A_849, %parallel_loop3A_871 : i32
        %parallel_loop3A_873 = arith.constant 1 : i32
        %parallel_loop3A_874 = arith.index_cast %parallel_loop3A_833 : i32 to index
        %parallel_loop3A_875 = arith.index_cast %parallel_loop3A_873 : i32 to index
        %parallel_loop3A_876 = arith.index_cast %parallel_loop3A_872 : i32 to index
        %parallel_loop3A_877 = tpu.vector_load %arg15[%parallel_loop3A_874, %parallel_loop3A_875, %parallel_loop3A_876] {strides = array<i32>} : memref<25x8x128xf32, #tpu.memory_space<vmem>>, vector<16xf32>,
        tpu.vector_store %arg15[%parallel_loop3A_874, %parallel_loop3A_875, %parallel_loop3A_876], %parallel_loop3A_870 {strides = array<i32>} : memref<25x8x128xf32, #tpu.memory_space<vmem>>, vector<16xf32>,
        %parallel_loop3A_878 = arith.constant 2000 : i32
        %parallel_loop3A_879 = vector.broadcast %parallel_loop3A_878 : i32 to vector<16xi32>
        %parallel_loop3A_880 = arith.addi %parallel_loop3A_855, %parallel_loop3A_879 : vector<16xi32>
        %parallel_loop3A_881 = tpu.vector_load_idx %arg13[%parallel_loop3A_880] : memref<8000xf32, #tpu.memory_space<vmem>>[vector<16xi32>], vector<16xf32>,
        %parallel_loop3A_882 = arith.constant 16 : i32
        %parallel_loop3A_883 = arith.muli %parallel_loop3A_849, %parallel_loop3A_882 : i32
        %parallel_loop3A_884 = arith.constant 2 : i32
        %parallel_loop3A_885 = arith.index_cast %parallel_loop3A_833 : i32 to index
        %parallel_loop3A_886 = arith.index_cast %parallel_loop3A_884 : i32 to index
        %parallel_loop3A_887 = arith.index_cast %parallel_loop3A_883 : i32 to index
        %parallel_loop3A_888 = tpu.vector_load %arg15[%parallel_loop3A_885, %parallel_loop3A_886, %parallel_loop3A_887] {strides = array<i32>} : memref<25x8x128xf32, #tpu.memory_space<vmem>>, vector<16xf32>,
        tpu.vector_store %arg15[%parallel_loop3A_885, %parallel_loop3A_886, %parallel_loop3A_887], %parallel_loop3A_881 {strides = array<i32>} : memref<25x8x128xf32, #tpu.memory_space<vmem>>, vector<16xf32>,
        %parallel_loop3A_889 = arith.constant 3000 : i32
        %parallel_loop3A_890 = vector.broadcast %parallel_loop3A_889 : i32 to vector<16xi32>
        %parallel_loop3A_891 = arith.addi %parallel_loop3A_855, %parallel_loop3A_890 : vector<16xi32>
        %parallel_loop3A_892 = tpu.vector_load_idx %arg13[%parallel_loop3A_891] : memref<8000xf32, #tpu.memory_space<vmem>>[vector<16xi32>], vector<16xf32>,
        %parallel_loop3A_893 = arith.constant 16 : i32
        %parallel_loop3A_894 = arith.muli %parallel_loop3A_849, %parallel_loop3A_893 : i32
        %parallel_loop3A_895 = arith.constant 3 : i32
        %parallel_loop3A_896 = arith.index_cast %parallel_loop3A_833 : i32 to index
        %parallel_loop3A_897 = arith.index_cast %parallel_loop3A_895 : i32 to index
        %parallel_loop3A_898 = arith.index_cast %parallel_loop3A_894 : i32 to index
        %parallel_loop3A_899 = tpu.vector_load %arg15[%parallel_loop3A_896, %parallel_loop3A_897, %parallel_loop3A_898] {strides = array<i32>} : memref<25x8x128xf32, #tpu.memory_space<vmem>>, vector<16xf32>,
        tpu.vector_store %arg15[%parallel_loop3A_896, %parallel_loop3A_897, %parallel_loop3A_898], %parallel_loop3A_892 {strides = array<i32>} : memref<25x8x128xf32, #tpu.memory_space<vmem>>, vector<16xf32>,
        %parallel_loop3A_900 = arith.constant 4000 : i32
        %parallel_loop3A_901 = vector.broadcast %parallel_loop3A_900 : i32 to vector<16xi32>
        %parallel_loop3A_902 = arith.addi %parallel_loop3A_855, %parallel_loop3A_901 : vector<16xi32>
        %parallel_loop3A_903 = tpu.vector_load_idx %arg13[%parallel_loop3A_902] : memref<8000xf32, #tpu.memory_space<vmem>>[vector<16xi32>], vector<16xf32>,
        %parallel_loop3A_904 = arith.constant 16 : i32
        %parallel_loop3A_905 = arith.muli %parallel_loop3A_849, %parallel_loop3A_904 : i32
        %parallel_loop3A_906 = arith.constant 4 : i32
        %parallel_loop3A_907 = arith.index_cast %parallel_loop3A_833 : i32 to index
        %parallel_loop3A_908 = arith.index_cast %parallel_loop3A_906 : i32 to index
        %parallel_loop3A_909 = arith.index_cast %parallel_loop3A_905 : i32 to index
        %parallel_loop3A_910 = tpu.vector_load %arg15[%parallel_loop3A_907, %parallel_loop3A_908, %parallel_loop3A_909] {strides = array<i32>} : memref<25x8x128xf32, #tpu.memory_space<vmem>>, vector<16xf32>,
        tpu.vector_store %arg15[%parallel_loop3A_907, %parallel_loop3A_908, %parallel_loop3A_909], %parallel_loop3A_903 {strides = array<i32>} : memref<25x8x128xf32, #tpu.memory_space<vmem>>, vector<16xf32>,
        %parallel_loop3A_911 = arith.constant 5000 : i32
        %parallel_loop3A_912 = vector.broadcast %parallel_loop3A_911 : i32 to vector<16xi32>
        %parallel_loop3A_913 = arith.addi %parallel_loop3A_855, %parallel_loop3A_912 : vector<16xi32>
        %parallel_loop3A_914 = tpu.vector_load_idx %arg13[%parallel_loop3A_913] : memref<8000xf32, #tpu.memory_space<vmem>>[vector<16xi32>], vector<16xf32>,
        %parallel_loop3A_915 = arith.constant 16 : i32
        %parallel_loop3A_916 = arith.muli %parallel_loop3A_849, %parallel_loop3A_915 : i32
        %parallel_loop3A_917 = arith.constant 5 : i32
        %parallel_loop3A_918 = arith.index_cast %parallel_loop3A_833 : i32 to index
        %parallel_loop3A_919 = arith.index_cast %parallel_loop3A_917 : i32 to index
        %parallel_loop3A_920 = arith.index_cast %parallel_loop3A_916 : i32 to index
        %parallel_loop3A_921 = tpu.vector_load %arg15[%parallel_loop3A_918, %parallel_loop3A_919, %parallel_loop3A_920] {strides = array<i32>} : memref<25x8x128xf32, #tpu.memory_space<vmem>>, vector<16xf32>,
        tpu.vector_store %arg15[%parallel_loop3A_918, %parallel_loop3A_919, %parallel_loop3A_920], %parallel_loop3A_914 {strides = array<i32>} : memref<25x8x128xf32, #tpu.memory_space<vmem>>, vector<16xf32>,
        %parallel_loop3A_922 = arith.constant 6000 : i32
        %parallel_loop3A_923 = vector.broadcast %parallel_loop3A_922 : i32 to vector<16xi32>
        %parallel_loop3A_924 = arith.addi %parallel_loop3A_855, %parallel_loop3A_923 : vector<16xi32>
        %parallel_loop3A_925 = tpu.vector_load_idx %arg13[%parallel_loop3A_924] : memref<8000xf32, #tpu.memory_space<vmem>>[vector<16xi32>], vector<16xf32>,
        %parallel_loop3A_926 = arith.constant 16 : i32
        %parallel_loop3A_927 = arith.muli %parallel_loop3A_849, %parallel_loop3A_926 : i32
        %parallel_loop3A_928 = arith.constant 6 : i32
        %parallel_loop3A_929 = arith.index_cast %parallel_loop3A_833 : i32 to index
        %parallel_loop3A_930 = arith.index_cast %parallel_loop3A_928 : i32 to index
        %parallel_loop3A_931 = arith.index_cast %parallel_loop3A_927 : i32 to index
        %parallel_loop3A_932 = tpu.vector_load %arg15[%parallel_loop3A_929, %parallel_loop3A_930, %parallel_loop3A_931] {strides = array<i32>} : memref<25x8x128xf32, #tpu.memory_space<vmem>>, vector<16xf32>,
        tpu.vector_store %arg15[%parallel_loop3A_929, %parallel_loop3A_930, %parallel_loop3A_931], %parallel_loop3A_925 {strides = array<i32>} : memref<25x8x128xf32, #tpu.memory_space<vmem>>, vector<16xf32>,
        %parallel_loop3A_933 = arith.constant 7000 : i32
        %parallel_loop3A_934 = vector.broadcast %parallel_loop3A_933 : i32 to vector<16xi32>
        %parallel_loop3A_935 = arith.addi %parallel_loop3A_855, %parallel_loop3A_934 : vector<16xi32>
        %parallel_loop3A_936 = tpu.vector_load_idx %arg13[%parallel_loop3A_935] : memref<8000xf32, #tpu.memory_space<vmem>>[vector<16xi32>], vector<16xf32>,
        %parallel_loop3A_937 = arith.constant 16 : i32
        %parallel_loop3A_938 = arith.muli %parallel_loop3A_849, %parallel_loop3A_937 : i32
        %parallel_loop3A_939 = arith.constant 7 : i32
        %parallel_loop3A_940 = arith.index_cast %parallel_loop3A_833 : i32 to index
        %parallel_loop3A_941 = arith.index_cast %parallel_loop3A_939 : i32 to index
        %parallel_loop3A_942 = arith.index_cast %parallel_loop3A_938 : i32 to index
        %parallel_loop3A_943 = tpu.vector_load %arg15[%parallel_loop3A_940, %parallel_loop3A_941, %parallel_loop3A_942] {strides = array<i32>} : memref<25x8x128xf32, #tpu.memory_space<vmem>>, vector<16xf32>,
        tpu.vector_store %arg15[%parallel_loop3A_940, %parallel_loop3A_941, %parallel_loop3A_942], %parallel_loop3A_936 {strides = array<i32>} : memref<25x8x128xf32, #tpu.memory_space<vmem>>, vector<16xf32>,
      } {sc.loop_unroll_factor = 8 : i64, sc.parallel_access}
      %add3A_797 = arith.constant 1 : i32
      %add3A_798 = arith.addi %mul3A_703, %add3A_797 : i32
      %add3A_799 = arith.constant 25 : i32
      %add3A_800 = arith.addi %mul3A_4, %add3A_799 : i32
      %dma_start3A_801 = arith.constant 0 : i32
      %dma_start3A_802 = arith.constant 0 : i32
      %dma_start3A_803 = tpu.memref_slice %arg6[%add3A_798, %add3A_800, %dma_start3A_801, %dma_start3A_802] : memref<125x1600x8x128xf32, #tpu.memory_space<hbm>> -> memref<1x25x8x128xf32, #tpu.memory_space<hbm>>
      %dma_start3A_804 = tpu.memref_squeeze %dma_start3A_803 : memref<1x25x8x128xf32, #tpu.memory_space<hbm>> -> memref<25x8x128xf32, #tpu.memory_space<hbm>>
      %dma_start3A_805 = arith.constant 0 : i32
      %dma_start3A_806 = arith.constant 0 : i32
      %dma_start3A_807 = tpu.memref_slice %arg6[%add3A_798, %add3A_800, %dma_start3A_805, %dma_start3A_806] : memref<125x1600x8x128xf32, #tpu.memory_space<hbm>> -> memref<1x25x8x128xf32, #tpu.memory_space<hbm>>
      %dma_start3A_808 = tpu.memref_squeeze %dma_start3A_807 : memref<1x25x8x128xf32, #tpu.memory_space<hbm>> -> memref<25x8x128xf32, #tpu.memory_space<hbm>>
      tpu.enqueue_dma source(%arg15 : memref<25x8x128xf32, #tpu.memory_space<vmem>>) target(%dma_start3A_808 : memref<25x8x128xf32, #tpu.memory_space<hbm>>) target_semaphore(%arg20 : memref<!tpu.dma_semaphore, #tpu.memory_space<semaphore_mem>>)
    }
    %scan3A_320 = arith.constant 62 : i32
    %dma_wait3A = arith.constant 992000 : i32
    %dma_wait3A_321 = tpu.memref_slice %arg2[%dma_wait3A] : memref<1000000xf32, #tpu.memory_space<hbm>> -> memref<8000xf32, #tpu.memory_space<hbm>>
    %dma_wait3A_322 = arith.constant 992000 : i32
    %dma_wait3A_323 = tpu.memref_slice %arg2[%dma_wait3A_322] : memref<1000000xf32, #tpu.memory_space<hbm>> -> memref<8000xf32, #tpu.memory_space<hbm>>
    tpu.wait_dma2 semaphore(%arg17 : memref<!tpu.dma_semaphore, #tpu.memory_space<semaphore_mem>>) src(%dma_wait3A_323 : memref<8000xf32, #tpu.memory_space<hbm>>) dst(%arg12 : memref<8000xf32, #tpu.memory_space<vmem>>)
    %add3A_324 = arith.constant 0 : i32
    %add3A_325 = arith.addi %mul3A_4, %add3A_324 : i32
    %dma_wait3A_326 = arith.constant 123 : i32
    %dma_wait3A_327 = arith.constant 0 : i32
    %dma_wait3A_328 = arith.constant 0 : i32
    %dma_wait3A_329 = tpu.memref_slice %arg6[%dma_wait3A_326, %add3A_325, %dma_wait3A_327, %dma_wait3A_328] : memref<125x1600x8x128xf32, #tpu.memory_space<hbm>> -> memref<1x25x8x128xf32, #tpu.memory_space<hbm>>
    %dma_wait3A_330 = tpu.memref_squeeze %dma_wait3A_329 : memref<1x25x8x128xf32, #tpu.memory_space<hbm>> -> memref<25x8x128xf32, #tpu.memory_space<hbm>>
    %dma_wait3A_331 = arith.constant 0 : i32
    %dma_wait3A_332 = arith.constant 0 : i32
    %dma_wait3A_333 = tpu.memref_slice %arg6[%dma_wait3A_326, %add3A_325, %dma_wait3A_331, %dma_wait3A_332] : memref<125x1600x8x128xf32, #tpu.memory_space<hbm>> -> memref<1x25x8x128xf32, #tpu.memory_space<hbm>>
    %dma_wait3A_334 = tpu.memref_squeeze %dma_wait3A_333 : memref<1x25x8x128xf32, #tpu.memory_space<hbm>> -> memref<25x8x128xf32, #tpu.memory_space<hbm>>
    tpu.wait_dma2 semaphore(%arg19 : memref<!tpu.dma_semaphore, #tpu.memory_space<semaphore_mem>>) src(%arg14 : memref<25x8x128xf32, #tpu.memory_space<vmem>>) dst(%dma_wait3A_334 : memref<25x8x128xf32, #tpu.memory_space<hbm>>)
    %parallel_loop3A = arith.constant 0 : i32
    %parallel_loop3A_335 = arith.constant 200 : i32
    %parallel_loop3A_336 = arith.constant 1 : i32
    scf.for %parallel_loop3A_701 = %parallel_loop3A to %parallel_loop3A_335 step %parallel_loop3A_336  : i32 {
      %parallel_loop3A_702 = arith.constant 8 : i32
      %parallel_loop3A_703 = arith.divsi %parallel_loop3A_701, %parallel_loop3A_702 : i32
      %parallel_loop3A_704 = arith.constant 0 : i32
      %parallel_loop3A_705 = arith.cmpi sgt, %parallel_loop3A_701, %parallel_loop3A_704 : i32
      %parallel_loop3A_706 = arith.extui %parallel_loop3A_705 : i1 to i32
      %parallel_loop3A_707 = arith.constant 0 : i32
      %parallel_loop3A_708 = arith.cmpi slt, %parallel_loop3A_701, %parallel_loop3A_707 : i32
      %parallel_loop3A_709 = arith.extui %parallel_loop3A_708 : i1 to i32
      %parallel_loop3A_710 = arith.subi %parallel_loop3A_706, %parallel_loop3A_709 : i32
      %parallel_loop3A_711 = arith.constant 0 : i32
      %parallel_loop3A_712 = arith.cmpi sgt, %parallel_loop3A_702, %parallel_loop3A_711 : i32
      %parallel_loop3A_713 = arith.extui %parallel_loop3A_712 : i1 to i32
      %parallel_loop3A_714 = arith.constant 0 : i32
      %parallel_loop3A_715 = arith.cmpi slt, %parallel_loop3A_702, %parallel_loop3A_714 : i32
      %parallel_loop3A_716 = arith.extui %parallel_loop3A_715 : i1 to i32
      %parallel_loop3A_717 = arith.subi %parallel_loop3A_713, %parallel_loop3A_716 : i32
      %parallel_loop3A_718 = arith.cmpi ne, %parallel_loop3A_710, %parallel_loop3A_717 : i32
      %parallel_loop3A_719 = arith.remsi %parallel_loop3A_701, %parallel_loop3A_702 : i32
      %parallel_loop3A_720 = arith.constant 0 : i32
      %parallel_loop3A_721 = arith.cmpi ne, %parallel_loop3A_719, %parallel_loop3A_720 : i32
      %parallel_loop3A_722 = arith.andi %parallel_loop3A_718, %parallel_loop3A_721 : i1
      %parallel_loop3A_723 = arith.constant 1 : i32
      %parallel_loop3A_724 = arith.subi %parallel_loop3A_703, %parallel_loop3A_723 : i32
      %parallel_loop3A_725 = arith.select %parallel_loop3A_722, %parallel_loop3A_724, %parallel_loop3A_703 : i32
      %parallel_loop3A_726 = arith.constant 8 : i32
      %parallel_loop3A_727 = arith.constant 0 : i32
      %parallel_loop3A_728 = arith.cmpi eq, %parallel_loop3A_726, %parallel_loop3A_727 : i32
      %parallel_loop3A_729 = arith.constant 1 : i32
      %parallel_loop3A_730 = arith.select %parallel_loop3A_728, %parallel_loop3A_729, %parallel_loop3A_726 : i32
      %parallel_loop3A_731 = arith.remsi %parallel_loop3A_701, %parallel_loop3A_730 : i32
      %parallel_loop3A_732 = arith.constant 0 : i32
      %parallel_loop3A_733 = arith.cmpi ne, %parallel_loop3A_731, %parallel_loop3A_732 : i32
      %parallel_loop3A_734 = arith.constant 0 : i32
      %parallel_loop3A_735 = arith.cmpi slt, %parallel_loop3A_731, %parallel_loop3A_734 : i32
      %parallel_loop3A_736 = arith.constant 0 : i32
      %parallel_loop3A_737 = arith.cmpi slt, %parallel_loop3A_730, %parallel_loop3A_736 : i32
      %parallel_loop3A_738 = arith.xori %parallel_loop3A_735, %parallel_loop3A_737 : i1
      %parallel_loop3A_739 = arith.andi %parallel_loop3A_738, %parallel_loop3A_733 : i1
      %parallel_loop3A_740 = arith.addi %parallel_loop3A_731, %parallel_loop3A_730 : i32
      %parallel_loop3A_741 = arith.select %parallel_loop3A_739, %parallel_loop3A_740, %parallel_loop3A_731 : i32
      %parallel_loop3A_742 = arith.constant 16 : i32
      %parallel_loop3A_743 = arith.muli %parallel_loop3A_701, %parallel_loop3A_742 : i32
      %parallel_loop3A_744 = arith.constant 0 : i32
      %parallel_loop3A_745 = arith.addi %parallel_loop3A_744, %parallel_loop3A_743 : i32
      %parallel_loop3A_746 = arith.index_cast %parallel_loop3A_745 : i32 to index
      %parallel_loop3A_747 = tpu.vector_load %arg8[%parallel_loop3A_746] {strides = array<i32>} : memref<6400xi32, #tpu.memory_space<vmem>>, vector<16xi32>,
      %parallel_loop3A_748 = arith.constant 0 : i32
      %parallel_loop3A_749 = vector.broadcast %parallel_loop3A_748 : i32 to vector<16xi32>
      %parallel_loop3A_750 = arith.addi %parallel_loop3A_747, %parallel_loop3A_749 : vector<16xi32>
      %parallel_loop3A_751 = tpu.vector_load_idx %arg12[%parallel_loop3A_750] : memref<8000xf32, #tpu.memory_space<vmem>>[vector<16xi32>], vector<16xf32>,
      %parallel_loop3A_752 = arith.constant 16 : i32
      %parallel_loop3A_753 = arith.muli %parallel_loop3A_741, %parallel_loop3A_752 : i32
      %parallel_loop3A_754 = arith.constant 0 : i32
      %parallel_loop3A_755 = arith.index_cast %parallel_loop3A_725 : i32 to index
      %parallel_loop3A_756 = arith.index_cast %parallel_loop3A_754 : i32 to index
      %parallel_loop3A_757 = arith.index_cast %parallel_loop3A_753 : i32 to index
      %parallel_loop3A_758 = tpu.vector_load %arg14[%parallel_loop3A_755, %parallel_loop3A_756, %parallel_loop3A_757] {strides = array<i32>} : memref<25x8x128xf32, #tpu.memory_space<vmem>>, vector<16xf32>,
      tpu.vector_store %arg14[%parallel_loop3A_755, %parallel_loop3A_756, %parallel_loop3A_757], %parallel_loop3A_751 {strides = array<i32>} : memref<25x8x128xf32, #tpu.memory_space<vmem>>, vector<16xf32>,
      %parallel_loop3A_759 = arith.constant 1000 : i32
      %parallel_loop3A_760 = vector.broadcast %parallel_loop3A_759 : i32 to vector<16xi32>
      %parallel_loop3A_761 = arith.addi %parallel_loop3A_747, %parallel_loop3A_760 : vector<16xi32>
      %parallel_loop3A_762 = tpu.vector_load_idx %arg12[%parallel_loop3A_761] : memref<8000xf32, #tpu.memory_space<vmem>>[vector<16xi32>], vector<16xf32>,
      %parallel_loop3A_763 = arith.constant 16 : i32
      %parallel_loop3A_764 = arith.muli %parallel_loop3A_741, %parallel_loop3A_763 : i32
      %parallel_loop3A_765 = arith.constant 1 : i32
      %parallel_loop3A_766 = arith.index_cast %parallel_loop3A_725 : i32 to index
      %parallel_loop3A_767 = arith.index_cast %parallel_loop3A_765 : i32 to index
      %parallel_loop3A_768 = arith.index_cast %parallel_loop3A_764 : i32 to index
      %parallel_loop3A_769 = tpu.vector_load %arg14[%parallel_loop3A_766, %parallel_loop3A_767, %parallel_loop3A_768] {strides = array<i32>} : memref<25x8x128xf32, #tpu.memory_space<vmem>>, vector<16xf32>,
      tpu.vector_store %arg14[%parallel_loop3A_766, %parallel_loop3A_767, %parallel_loop3A_768], %parallel_loop3A_762 {strides = array<i32>} : memref<25x8x128xf32, #tpu.memory_space<vmem>>, vector<16xf32>,
      %parallel_loop3A_770 = arith.constant 2000 : i32
      %parallel_loop3A_771 = vector.broadcast %parallel_loop3A_770 : i32 to vector<16xi32>
      %parallel_loop3A_772 = arith.addi %parallel_loop3A_747, %parallel_loop3A_771 : vector<16xi32>
      %parallel_loop3A_773 = tpu.vector_load_idx %arg12[%parallel_loop3A_772] : memref<8000xf32, #tpu.memory_space<vmem>>[vector<16xi32>], vector<16xf32>,
      %parallel_loop3A_774 = arith.constant 16 : i32
      %parallel_loop3A_775 = arith.muli %parallel_loop3A_741, %parallel_loop3A_774 : i32
      %parallel_loop3A_776 = arith.constant 2 : i32
      %parallel_loop3A_777 = arith.index_cast %parallel_loop3A_725 : i32 to index
      %parallel_loop3A_778 = arith.index_cast %parallel_loop3A_776 : i32 to index
      %parallel_loop3A_779 = arith.index_cast %parallel_loop3A_775 : i32 to index
      %parallel_loop3A_780 = tpu.vector_load %arg14[%parallel_loop3A_777, %parallel_loop3A_778, %parallel_loop3A_779] {strides = array<i32>} : memref<25x8x128xf32, #tpu.memory_space<vmem>>, vector<16xf32>,
      tpu.vector_store %arg14[%parallel_loop3A_777, %parallel_loop3A_778, %parallel_loop3A_779], %parallel_loop3A_773 {strides = array<i32>} : memref<25x8x128xf32, #tpu.memory_space<vmem>>, vector<16xf32>,
      %parallel_loop3A_781 = arith.constant 3000 : i32
      %parallel_loop3A_782 = vector.broadcast %parallel_loop3A_781 : i32 to vector<16xi32>
      %parallel_loop3A_783 = arith.addi %parallel_loop3A_747, %parallel_loop3A_782 : vector<16xi32>
      %parallel_loop3A_784 = tpu.vector_load_idx %arg12[%parallel_loop3A_783] : memref<8000xf32, #tpu.memory_space<vmem>>[vector<16xi32>], vector<16xf32>,
      %parallel_loop3A_785 = arith.constant 16 : i32
      %parallel_loop3A_786 = arith.muli %parallel_loop3A_741, %parallel_loop3A_785 : i32
      %parallel_loop3A_787 = arith.constant 3 : i32
      %parallel_loop3A_788 = arith.index_cast %parallel_loop3A_725 : i32 to index
      %parallel_loop3A_789 = arith.index_cast %parallel_loop3A_787 : i32 to index
      %parallel_loop3A_790 = arith.index_cast %parallel_loop3A_786 : i32 to index
      %parallel_loop3A_791 = tpu.vector_load %arg14[%parallel_loop3A_788, %parallel_loop3A_789, %parallel_loop3A_790] {strides = array<i32>} : memref<25x8x128xf32, #tpu.memory_space<vmem>>, vector<16xf32>,
      tpu.vector_store %arg14[%parallel_loop3A_788, %parallel_loop3A_789, %parallel_loop3A_790], %parallel_loop3A_784 {strides = array<i32>} : memref<25x8x128xf32, #tpu.memory_space<vmem>>, vector<16xf32>,
      %parallel_loop3A_792 = arith.constant 4000 : i32
      %parallel_loop3A_793 = vector.broadcast %parallel_loop3A_792 : i32 to vector<16xi32>
      %parallel_loop3A_794 = arith.addi %parallel_loop3A_747, %parallel_loop3A_793 : vector<16xi32>
      %parallel_loop3A_795 = tpu.vector_load_idx %arg12[%parallel_loop3A_794] : memref<8000xf32, #tpu.memory_space<vmem>>[vector<16xi32>], vector<16xf32>,
      %parallel_loop3A_796 = arith.constant 16 : i32
      %parallel_loop3A_797 = arith.muli %parallel_loop3A_741, %parallel_loop3A_796 : i32
      %parallel_loop3A_798 = arith.constant 4 : i32
      %parallel_loop3A_799 = arith.index_cast %parallel_loop3A_725 : i32 to index
      %parallel_loop3A_800 = arith.index_cast %parallel_loop3A_798 : i32 to index
      %parallel_loop3A_801 = arith.index_cast %parallel_loop3A_797 : i32 to index
      %parallel_loop3A_802 = tpu.vector_load %arg14[%parallel_loop3A_799, %parallel_loop3A_800, %parallel_loop3A_801] {strides = array<i32>} : memref<25x8x128xf32, #tpu.memory_space<vmem>>, vector<16xf32>,
      tpu.vector_store %arg14[%parallel_loop3A_799, %parallel_loop3A_800, %parallel_loop3A_801], %parallel_loop3A_795 {strides = array<i32>} : memref<25x8x128xf32, #tpu.memory_space<vmem>>, vector<16xf32>,
      %parallel_loop3A_803 = arith.constant 5000 : i32
      %parallel_loop3A_804 = vector.broadcast %parallel_loop3A_803 : i32 to vector<16xi32>
      %parallel_loop3A_805 = arith.addi %parallel_loop3A_747, %parallel_loop3A_804 : vector<16xi32>
      %parallel_loop3A_806 = tpu.vector_load_idx %arg12[%parallel_loop3A_805] : memref<8000xf32, #tpu.memory_space<vmem>>[vector<16xi32>], vector<16xf32>,
      %parallel_loop3A_807 = arith.constant 16 : i32
      %parallel_loop3A_808 = arith.muli %parallel_loop3A_741, %parallel_loop3A_807 : i32
      %parallel_loop3A_809 = arith.constant 5 : i32
      %parallel_loop3A_810 = arith.index_cast %parallel_loop3A_725 : i32 to index
      %parallel_loop3A_811 = arith.index_cast %parallel_loop3A_809 : i32 to index
      %parallel_loop3A_812 = arith.index_cast %parallel_loop3A_808 : i32 to index
      %parallel_loop3A_813 = tpu.vector_load %arg14[%parallel_loop3A_810, %parallel_loop3A_811, %parallel_loop3A_812] {strides = array<i32>} : memref<25x8x128xf32, #tpu.memory_space<vmem>>, vector<16xf32>,
      tpu.vector_store %arg14[%parallel_loop3A_810, %parallel_loop3A_811, %parallel_loop3A_812], %parallel_loop3A_806 {strides = array<i32>} : memref<25x8x128xf32, #tpu.memory_space<vmem>>, vector<16xf32>,
      %parallel_loop3A_814 = arith.constant 6000 : i32
      %parallel_loop3A_815 = vector.broadcast %parallel_loop3A_814 : i32 to vector<16xi32>
      %parallel_loop3A_816 = arith.addi %parallel_loop3A_747, %parallel_loop3A_815 : vector<16xi32>
      %parallel_loop3A_817 = tpu.vector_load_idx %arg12[%parallel_loop3A_816] : memref<8000xf32, #tpu.memory_space<vmem>>[vector<16xi32>], vector<16xf32>,
      %parallel_loop3A_818 = arith.constant 16 : i32
      %parallel_loop3A_819 = arith.muli %parallel_loop3A_741, %parallel_loop3A_818 : i32
      %parallel_loop3A_820 = arith.constant 6 : i32
      %parallel_loop3A_821 = arith.index_cast %parallel_loop3A_725 : i32 to index
      %parallel_loop3A_822 = arith.index_cast %parallel_loop3A_820 : i32 to index
      %parallel_loop3A_823 = arith.index_cast %parallel_loop3A_819 : i32 to index
      %parallel_loop3A_824 = tpu.vector_load %arg14[%parallel_loop3A_821, %parallel_loop3A_822, %parallel_loop3A_823] {strides = array<i32>} : memref<25x8x128xf32, #tpu.memory_space<vmem>>, vector<16xf32>,
      tpu.vector_store %arg14[%parallel_loop3A_821, %parallel_loop3A_822, %parallel_loop3A_823], %parallel_loop3A_817 {strides = array<i32>} : memref<25x8x128xf32, #tpu.memory_space<vmem>>, vector<16xf32>,
      %parallel_loop3A_825 = arith.constant 7000 : i32
      %parallel_loop3A_826 = vector.broadcast %parallel_loop3A_825 : i32 to vector<16xi32>
      %parallel_loop3A_827 = arith.addi %parallel_loop3A_747, %parallel_loop3A_826 : vector<16xi32>
      %parallel_loop3A_828 = tpu.vector_load_idx %arg12[%parallel_loop3A_827] : memref<8000xf32, #tpu.memory_space<vmem>>[vector<16xi32>], vector<16xf32>,
      %parallel_loop3A_829 = arith.constant 16 : i32
      %parallel_loop3A_830 = arith.muli %parallel_loop3A_741, %parallel_loop3A_829 : i32
      %parallel_loop3A_831 = arith.constant 7 : i32
      %parallel_loop3A_832 = arith.index_cast %parallel_loop3A_725 : i32 to index
      %parallel_loop3A_833 = arith.index_cast %parallel_loop3A_831 : i32 to index
      %parallel_loop3A_834 = arith.index_cast %parallel_loop3A_830 : i32 to index
      %parallel_loop3A_835 = tpu.vector_load %arg14[%parallel_loop3A_832, %parallel_loop3A_833, %parallel_loop3A_834] {strides = array<i32>} : memref<25x8x128xf32, #tpu.memory_space<vmem>>, vector<16xf32>,
      tpu.vector_store %arg14[%parallel_loop3A_832, %parallel_loop3A_833, %parallel_loop3A_834], %parallel_loop3A_828 {strides = array<i32>} : memref<25x8x128xf32, #tpu.memory_space<vmem>>, vector<16xf32>,
    } {sc.loop_unroll_factor = 8 : i64, sc.parallel_access}
    %add3A_337 = arith.constant 0 : i32
    %add3A_338 = arith.addi %mul3A_4, %add3A_337 : i32
    %dma_start3A_339 = arith.constant 124 : i32
    %dma_start3A_340 = arith.constant 0 : i32
    %dma_start3A_341 = arith.constant 0 : i32
    %dma_start3A_342 = tpu.memref_slice %arg6[%dma_start3A_339, %add3A_338, %dma_start3A_340, %dma_start3A_341] : memref<125x1600x8x128xf32, #tpu.memory_space<hbm>> -> memref<1x25x8x128xf32, #tpu.memory_space<hbm>>
    %dma_start3A_343 = tpu.memref_squeeze %dma_start3A_342 : memref<1x25x8x128xf32, #tpu.memory_space<hbm>> -> memref<25x8x128xf32, #tpu.memory_space<hbm>>
    %dma_start3A_344 = arith.constant 0 : i32
    %dma_start3A_345 = arith.constant 0 : i32
    %dma_start3A_346 = tpu.memref_slice %arg6[%dma_start3A_339, %add3A_338, %dma_start3A_344, %dma_start3A_345] : memref<125x1600x8x128xf32, #tpu.memory_space<hbm>> -> memref<1x25x8x128xf32, #tpu.memory_space<hbm>>
    %dma_start3A_347 = tpu.memref_squeeze %dma_start3A_346 : memref<1x25x8x128xf32, #tpu.memory_space<hbm>> -> memref<25x8x128xf32, #tpu.memory_space<hbm>>
    tpu.enqueue_dma source(%arg14 : memref<25x8x128xf32, #tpu.memory_space<vmem>>) target(%dma_start3A_347 : memref<25x8x128xf32, #tpu.memory_space<hbm>>) target_semaphore(%arg19 : memref<!tpu.dma_semaphore, #tpu.memory_space<semaphore_mem>>)
    %add3A_348 = arith.constant 25 : i32
    %add3A_349 = arith.addi %mul3A_4, %add3A_348 : i32
    %dma_wait3A_350 = arith.constant 123 : i32
    %dma_wait3A_351 = arith.constant 0 : i32
    %dma_wait3A_352 = arith.constant 0 : i32
    %dma_wait3A_353 = tpu.memref_slice %arg6[%dma_wait3A_350, %add3A_349, %dma_wait3A_351, %dma_wait3A_352] : memref<125x1600x8x128xf32, #tpu.memory_space<hbm>> -> memref<1x25x8x128xf32, #tpu.memory_space<hbm>>
    %dma_wait3A_354 = tpu.memref_squeeze %dma_wait3A_353 : memref<1x25x8x128xf32, #tpu.memory_space<hbm>> -> memref<25x8x128xf32, #tpu.memory_space<hbm>>
    %dma_wait3A_355 = arith.constant 0 : i32
    %dma_wait3A_356 = arith.constant 0 : i32
    %dma_wait3A_357 = tpu.memref_slice %arg6[%dma_wait3A_350, %add3A_349, %dma_wait3A_355, %dma_wait3A_356] : memref<125x1600x8x128xf32, #tpu.memory_space<hbm>> -> memref<1x25x8x128xf32, #tpu.memory_space<hbm>>
    %dma_wait3A_358 = tpu.memref_squeeze %dma_wait3A_357 : memref<1x25x8x128xf32, #tpu.memory_space<hbm>> -> memref<25x8x128xf32, #tpu.memory_space<hbm>>
    tpu.wait_dma2 semaphore(%arg20 : memref<!tpu.dma_semaphore, #tpu.memory_space<semaphore_mem>>) src(%arg15 : memref<25x8x128xf32, #tpu.memory_space<vmem>>) dst(%dma_wait3A_358 : memref<25x8x128xf32, #tpu.memory_space<hbm>>)
    %parallel_loop3A_359 = arith.constant 0 : i32
    %parallel_loop3A_360 = arith.constant 200 : i32
    %parallel_loop3A_361 = arith.constant 1 : i32
    scf.for %parallel_loop3A_701 = %parallel_loop3A_359 to %parallel_loop3A_360 step %parallel_loop3A_361  : i32 {
      %parallel_loop3A_702 = arith.constant 8 : i32
      %parallel_loop3A_703 = arith.divsi %parallel_loop3A_701, %parallel_loop3A_702 : i32
      %parallel_loop3A_704 = arith.constant 0 : i32
      %parallel_loop3A_705 = arith.cmpi sgt, %parallel_loop3A_701, %parallel_loop3A_704 : i32
      %parallel_loop3A_706 = arith.extui %parallel_loop3A_705 : i1 to i32
      %parallel_loop3A_707 = arith.constant 0 : i32
      %parallel_loop3A_708 = arith.cmpi slt, %parallel_loop3A_701, %parallel_loop3A_707 : i32
      %parallel_loop3A_709 = arith.extui %parallel_loop3A_708 : i1 to i32
      %parallel_loop3A_710 = arith.subi %parallel_loop3A_706, %parallel_loop3A_709 : i32
      %parallel_loop3A_711 = arith.constant 0 : i32
      %parallel_loop3A_712 = arith.cmpi sgt, %parallel_loop3A_702, %parallel_loop3A_711 : i32
      %parallel_loop3A_713 = arith.extui %parallel_loop3A_712 : i1 to i32
      %parallel_loop3A_714 = arith.constant 0 : i32
      %parallel_loop3A_715 = arith.cmpi slt, %parallel_loop3A_702, %parallel_loop3A_714 : i32
      %parallel_loop3A_716 = arith.extui %parallel_loop3A_715 : i1 to i32
      %parallel_loop3A_717 = arith.subi %parallel_loop3A_713, %parallel_loop3A_716 : i32
      %parallel_loop3A_718 = arith.cmpi ne, %parallel_loop3A_710, %parallel_loop3A_717 : i32
      %parallel_loop3A_719 = arith.remsi %parallel_loop3A_701, %parallel_loop3A_702 : i32
      %parallel_loop3A_720 = arith.constant 0 : i32
      %parallel_loop3A_721 = arith.cmpi ne, %parallel_loop3A_719, %parallel_loop3A_720 : i32
      %parallel_loop3A_722 = arith.andi %parallel_loop3A_718, %parallel_loop3A_721 : i1
      %parallel_loop3A_723 = arith.constant 1 : i32
      %parallel_loop3A_724 = arith.subi %parallel_loop3A_703, %parallel_loop3A_723 : i32
      %parallel_loop3A_725 = arith.select %parallel_loop3A_722, %parallel_loop3A_724, %parallel_loop3A_703 : i32
      %parallel_loop3A_726 = arith.constant 8 : i32
      %parallel_loop3A_727 = arith.constant 0 : i32
      %parallel_loop3A_728 = arith.cmpi eq, %parallel_loop3A_726, %parallel_loop3A_727 : i32
      %parallel_loop3A_729 = arith.constant 1 : i32
      %parallel_loop3A_730 = arith.select %parallel_loop3A_728, %parallel_loop3A_729, %parallel_loop3A_726 : i32
      %parallel_loop3A_731 = arith.remsi %parallel_loop3A_701, %parallel_loop3A_730 : i32
      %parallel_loop3A_732 = arith.constant 0 : i32
      %parallel_loop3A_733 = arith.cmpi ne, %parallel_loop3A_731, %parallel_loop3A_732 : i32
      %parallel_loop3A_734 = arith.constant 0 : i32
      %parallel_loop3A_735 = arith.cmpi slt, %parallel_loop3A_731, %parallel_loop3A_734 : i32
      %parallel_loop3A_736 = arith.constant 0 : i32
      %parallel_loop3A_737 = arith.cmpi slt, %parallel_loop3A_730, %parallel_loop3A_736 : i32
      %parallel_loop3A_738 = arith.xori %parallel_loop3A_735, %parallel_loop3A_737 : i1
      %parallel_loop3A_739 = arith.andi %parallel_loop3A_738, %parallel_loop3A_733 : i1
      %parallel_loop3A_740 = arith.addi %parallel_loop3A_731, %parallel_loop3A_730 : i32
      %parallel_loop3A_741 = arith.select %parallel_loop3A_739, %parallel_loop3A_740, %parallel_loop3A_731 : i32
      %parallel_loop3A_742 = arith.constant 16 : i32
      %parallel_loop3A_743 = arith.muli %parallel_loop3A_701, %parallel_loop3A_742 : i32
      %parallel_loop3A_744 = arith.constant 3200 : i32
      %parallel_loop3A_745 = arith.addi %parallel_loop3A_744, %parallel_loop3A_743 : i32
      %parallel_loop3A_746 = arith.index_cast %parallel_loop3A_745 : i32 to index
      %parallel_loop3A_747 = tpu.vector_load %arg8[%parallel_loop3A_746] {strides = array<i32>} : memref<6400xi32, #tpu.memory_space<vmem>>, vector<16xi32>,
      %parallel_loop3A_748 = arith.constant 0 : i32
      %parallel_loop3A_749 = vector.broadcast %parallel_loop3A_748 : i32 to vector<16xi32>
      %parallel_loop3A_750 = arith.addi %parallel_loop3A_747, %parallel_loop3A_749 : vector<16xi32>
      %parallel_loop3A_751 = tpu.vector_load_idx %arg12[%parallel_loop3A_750] : memref<8000xf32, #tpu.memory_space<vmem>>[vector<16xi32>], vector<16xf32>,
      %parallel_loop3A_752 = arith.constant 16 : i32
      %parallel_loop3A_753 = arith.muli %parallel_loop3A_741, %parallel_loop3A_752 : i32
      %parallel_loop3A_754 = arith.constant 0 : i32
      %parallel_loop3A_755 = arith.index_cast %parallel_loop3A_725 : i32 to index
      %parallel_loop3A_756 = arith.index_cast %parallel_loop3A_754 : i32 to index
      %parallel_loop3A_757 = arith.index_cast %parallel_loop3A_753 : i32 to index
      %parallel_loop3A_758 = tpu.vector_load %arg15[%parallel_loop3A_755, %parallel_loop3A_756, %parallel_loop3A_757] {strides = array<i32>} : memref<25x8x128xf32, #tpu.memory_space<vmem>>, vector<16xf32>,
      tpu.vector_store %arg15[%parallel_loop3A_755, %parallel_loop3A_756, %parallel_loop3A_757], %parallel_loop3A_751 {strides = array<i32>} : memref<25x8x128xf32, #tpu.memory_space<vmem>>, vector<16xf32>,
      %parallel_loop3A_759 = arith.constant 1000 : i32
      %parallel_loop3A_760 = vector.broadcast %parallel_loop3A_759 : i32 to vector<16xi32>
      %parallel_loop3A_761 = arith.addi %parallel_loop3A_747, %parallel_loop3A_760 : vector<16xi32>
      %parallel_loop3A_762 = tpu.vector_load_idx %arg12[%parallel_loop3A_761] : memref<8000xf32, #tpu.memory_space<vmem>>[vector<16xi32>], vector<16xf32>,
      %parallel_loop3A_763 = arith.constant 16 : i32
      %parallel_loop3A_764 = arith.muli %parallel_loop3A_741, %parallel_loop3A_763 : i32
      %parallel_loop3A_765 = arith.constant 1 : i32
      %parallel_loop3A_766 = arith.index_cast %parallel_loop3A_725 : i32 to index
      %parallel_loop3A_767 = arith.index_cast %parallel_loop3A_765 : i32 to index
      %parallel_loop3A_768 = arith.index_cast %parallel_loop3A_764 : i32 to index
      %parallel_loop3A_769 = tpu.vector_load %arg15[%parallel_loop3A_766, %parallel_loop3A_767, %parallel_loop3A_768] {strides = array<i32>} : memref<25x8x128xf32, #tpu.memory_space<vmem>>, vector<16xf32>,
      tpu.vector_store %arg15[%parallel_loop3A_766, %parallel_loop3A_767, %parallel_loop3A_768], %parallel_loop3A_762 {strides = array<i32>} : memref<25x8x128xf32, #tpu.memory_space<vmem>>, vector<16xf32>,
      %parallel_loop3A_770 = arith.constant 2000 : i32
      %parallel_loop3A_771 = vector.broadcast %parallel_loop3A_770 : i32 to vector<16xi32>
      %parallel_loop3A_772 = arith.addi %parallel_loop3A_747, %parallel_loop3A_771 : vector<16xi32>
      %parallel_loop3A_773 = tpu.vector_load_idx %arg12[%parallel_loop3A_772] : memref<8000xf32, #tpu.memory_space<vmem>>[vector<16xi32>], vector<16xf32>,
      %parallel_loop3A_774 = arith.constant 16 : i32
      %parallel_loop3A_775 = arith.muli %parallel_loop3A_741, %parallel_loop3A_774 : i32
      %parallel_loop3A_776 = arith.constant 2 : i32
      %parallel_loop3A_777 = arith.index_cast %parallel_loop3A_725 : i32 to index
      %parallel_loop3A_778 = arith.index_cast %parallel_loop3A_776 : i32 to index
      %parallel_loop3A_779 = arith.index_cast %parallel_loop3A_775 : i32 to index
      %parallel_loop3A_780 = tpu.vector_load %arg15[%parallel_loop3A_777, %parallel_loop3A_778, %parallel_loop3A_779] {strides = array<i32>} : memref<25x8x128xf32, #tpu.memory_space<vmem>>, vector<16xf32>,
      tpu.vector_store %arg15[%parallel_loop3A_777, %parallel_loop3A_778, %parallel_loop3A_779], %parallel_loop3A_773 {strides = array<i32>} : memref<25x8x128xf32, #tpu.memory_space<vmem>>, vector<16xf32>,
      %parallel_loop3A_781 = arith.constant 3000 : i32
      %parallel_loop3A_782 = vector.broadcast %parallel_loop3A_781 : i32 to vector<16xi32>
      %parallel_loop3A_783 = arith.addi %parallel_loop3A_747, %parallel_loop3A_782 : vector<16xi32>
      %parallel_loop3A_784 = tpu.vector_load_idx %arg12[%parallel_loop3A_783] : memref<8000xf32, #tpu.memory_space<vmem>>[vector<16xi32>], vector<16xf32>,
      %parallel_loop3A_785 = arith.constant 16 : i32
      %parallel_loop3A_786 = arith.muli %parallel_loop3A_741, %parallel_loop3A_785 : i32
      %parallel_loop3A_787 = arith.constant 3 : i32
      %parallel_loop3A_788 = arith.index_cast %parallel_loop3A_725 : i32 to index
      %parallel_loop3A_789 = arith.index_cast %parallel_loop3A_787 : i32 to index
      %parallel_loop3A_790 = arith.index_cast %parallel_loop3A_786 : i32 to index
      %parallel_loop3A_791 = tpu.vector_load %arg15[%parallel_loop3A_788, %parallel_loop3A_789, %parallel_loop3A_790] {strides = array<i32>} : memref<25x8x128xf32, #tpu.memory_space<vmem>>, vector<16xf32>,
      tpu.vector_store %arg15[%parallel_loop3A_788, %parallel_loop3A_789, %parallel_loop3A_790], %parallel_loop3A_784 {strides = array<i32>} : memref<25x8x128xf32, #tpu.memory_space<vmem>>, vector<16xf32>,
      %parallel_loop3A_792 = arith.constant 4000 : i32
      %parallel_loop3A_793 = vector.broadcast %parallel_loop3A_792 : i32 to vector<16xi32>
      %parallel_loop3A_794 = arith.addi %parallel_loop3A_747, %parallel_loop3A_793 : vector<16xi32>
      %parallel_loop3A_795 = tpu.vector_load_idx %arg12[%parallel_loop3A_794] : memref<8000xf32, #tpu.memory_space<vmem>>[vector<16xi32>], vector<16xf32>,
      %parallel_loop3A_796 = arith.constant 16 : i32
      %parallel_loop3A_797 = arith.muli %parallel_loop3A_741, %parallel_loop3A_796 : i32
      %parallel_loop3A_798 = arith.constant 4 : i32
      %parallel_loop3A_799 = arith.index_cast %parallel_loop3A_725 : i32 to index
      %parallel_loop3A_800 = arith.index_cast %parallel_loop3A_798 : i32 to index
      %parallel_loop3A_801 = arith.index_cast %parallel_loop3A_797 : i32 to index
      %parallel_loop3A_802 = tpu.vector_load %arg15[%parallel_loop3A_799, %parallel_loop3A_800, %parallel_loop3A_801] {strides = array<i32>} : memref<25x8x128xf32, #tpu.memory_space<vmem>>, vector<16xf32>,
      tpu.vector_store %arg15[%parallel_loop3A_799, %parallel_loop3A_800, %parallel_loop3A_801], %parallel_loop3A_795 {strides = array<i32>} : memref<25x8x128xf32, #tpu.memory_space<vmem>>, vector<16xf32>,
      %parallel_loop3A_803 = arith.constant 5000 : i32
      %parallel_loop3A_804 = vector.broadcast %parallel_loop3A_803 : i32 to vector<16xi32>
      %parallel_loop3A_805 = arith.addi %parallel_loop3A_747, %parallel_loop3A_804 : vector<16xi32>
      %parallel_loop3A_806 = tpu.vector_load_idx %arg12[%parallel_loop3A_805] : memref<8000xf32, #tpu.memory_space<vmem>>[vector<16xi32>], vector<16xf32>,
      %parallel_loop3A_807 = arith.constant 16 : i32
      %parallel_loop3A_808 = arith.muli %parallel_loop3A_741, %parallel_loop3A_807 : i32
      %parallel_loop3A_809 = arith.constant 5 : i32
      %parallel_loop3A_810 = arith.index_cast %parallel_loop3A_725 : i32 to index
      %parallel_loop3A_811 = arith.index_cast %parallel_loop3A_809 : i32 to index
      %parallel_loop3A_812 = arith.index_cast %parallel_loop3A_808 : i32 to index
      %parallel_loop3A_813 = tpu.vector_load %arg15[%parallel_loop3A_810, %parallel_loop3A_811, %parallel_loop3A_812] {strides = array<i32>} : memref<25x8x128xf32, #tpu.memory_space<vmem>>, vector<16xf32>,
      tpu.vector_store %arg15[%parallel_loop3A_810, %parallel_loop3A_811, %parallel_loop3A_812], %parallel_loop3A_806 {strides = array<i32>} : memref<25x8x128xf32, #tpu.memory_space<vmem>>, vector<16xf32>,
      %parallel_loop3A_814 = arith.constant 6000 : i32
      %parallel_loop3A_815 = vector.broadcast %parallel_loop3A_814 : i32 to vector<16xi32>
      %parallel_loop3A_816 = arith.addi %parallel_loop3A_747, %parallel_loop3A_815 : vector<16xi32>
      %parallel_loop3A_817 = tpu.vector_load_idx %arg12[%parallel_loop3A_816] : memref<8000xf32, #tpu.memory_space<vmem>>[vector<16xi32>], vector<16xf32>,
      %parallel_loop3A_818 = arith.constant 16 : i32
      %parallel_loop3A_819 = arith.muli %parallel_loop3A_741, %parallel_loop3A_818 : i32
      %parallel_loop3A_820 = arith.constant 6 : i32
      %parallel_loop3A_821 = arith.index_cast %parallel_loop3A_725 : i32 to index
      %parallel_loop3A_822 = arith.index_cast %parallel_loop3A_820 : i32 to index
      %parallel_loop3A_823 = arith.index_cast %parallel_loop3A_819 : i32 to index
      %parallel_loop3A_824 = tpu.vector_load %arg15[%parallel_loop3A_821, %parallel_loop3A_822, %parallel_loop3A_823] {strides = array<i32>} : memref<25x8x128xf32, #tpu.memory_space<vmem>>, vector<16xf32>,
      tpu.vector_store %arg15[%parallel_loop3A_821, %parallel_loop3A_822, %parallel_loop3A_823], %parallel_loop3A_817 {strides = array<i32>} : memref<25x8x128xf32, #tpu.memory_space<vmem>>, vector<16xf32>,
      %parallel_loop3A_825 = arith.constant 7000 : i32
      %parallel_loop3A_826 = vector.broadcast %parallel_loop3A_825 : i32 to vector<16xi32>
      %parallel_loop3A_827 = arith.addi %parallel_loop3A_747, %parallel_loop3A_826 : vector<16xi32>
      %parallel_loop3A_828 = tpu.vector_load_idx %arg12[%parallel_loop3A_827] : memref<8000xf32, #tpu.memory_space<vmem>>[vector<16xi32>], vector<16xf32>,
      %parallel_loop3A_829 = arith.constant 16 : i32
      %parallel_loop3A_830 = arith.muli %parallel_loop3A_741, %parallel_loop3A_829 : i32
      %parallel_loop3A_831 = arith.constant 7 : i32
      %parallel_loop3A_832 = arith.index_cast %parallel_loop3A_725 : i32 to index
      %parallel_loop3A_833 = arith.index_cast %parallel_loop3A_831 : i32 to index
      %parallel_loop3A_834 = arith.index_cast %parallel_loop3A_830 : i32 to index
      %parallel_loop3A_835 = tpu.vector_load %arg15[%parallel_loop3A_832, %parallel_loop3A_833, %parallel_loop3A_834] {strides = array<i32>} : memref<25x8x128xf32, #tpu.memory_space<vmem>>, vector<16xf32>,
      tpu.vector_store %arg15[%parallel_loop3A_832, %parallel_loop3A_833, %parallel_loop3A_834], %parallel_loop3A_828 {strides = array<i32>} : memref<25x8x128xf32, #tpu.memory_space<vmem>>, vector<16xf32>,
    } {sc.loop_unroll_factor = 8 : i64, sc.parallel_access}
    %add3A_362 = arith.constant 25 : i32
    %add3A_363 = arith.addi %mul3A_4, %add3A_362 : i32
    %dma_start3A_364 = arith.constant 124 : i32
    %dma_start3A_365 = arith.constant 0 : i32
    %dma_start3A_366 = arith.constant 0 : i32
    %dma_start3A_367 = tpu.memref_slice %arg6[%dma_start3A_364, %add3A_363, %dma_start3A_365, %dma_start3A_366] : memref<125x1600x8x128xf32, #tpu.memory_space<hbm>> -> memref<1x25x8x128xf32, #tpu.memory_space<hbm>>
    %dma_start3A_368 = tpu.memref_squeeze %dma_start3A_367 : memref<1x25x8x128xf32, #tpu.memory_space<hbm>> -> memref<25x8x128xf32, #tpu.memory_space<hbm>>
    %dma_start3A_369 = arith.constant 0 : i32
    %dma_start3A_370 = arith.constant 0 : i32
    %dma_start3A_371 = tpu.memref_slice %arg6[%dma_start3A_364, %add3A_363, %dma_start3A_369, %dma_start3A_370] : memref<125x1600x8x128xf32, #tpu.memory_space<hbm>> -> memref<1x25x8x128xf32, #tpu.memory_space<hbm>>
    %dma_start3A_372 = tpu.memref_squeeze %dma_start3A_371 : memref<1x25x8x128xf32, #tpu.memory_space<hbm>> -> memref<25x8x128xf32, #tpu.memory_space<hbm>>
    tpu.enqueue_dma source(%arg15 : memref<25x8x128xf32, #tpu.memory_space<vmem>>) target(%dma_start3A_372 : memref<25x8x128xf32, #tpu.memory_space<hbm>>) target_semaphore(%arg20 : memref<!tpu.dma_semaphore, #tpu.memory_space<semaphore_mem>>)
    %dma_wait3A_373 = arith.constant 0 : i32
    %dma_wait3A_374 = tpu.memref_slice %arg10[%dma_wait3A_373] : memref<6400xf32, #tpu.memory_space<vmem>> -> memref<128xf32, #tpu.memory_space<vmem>>
    %dma_wait3A_375 = arith.constant 0 : i32
    %dma_wait3A_376 = tpu.memref_slice %arg9[%dma_wait3A_375] : memref<6400xi32, #tpu.memory_space<vmem>> -> memref<128xi32, #tpu.memory_space<vmem>>
    %dma_wait3A_377 = arith.constant 0 : i32
    %dma_wait3A_378 = tpu.memref_slice %arg2[%dma_wait3A_377] : memref<1000000xf32, #tpu.memory_space<hbm>> -> memref<1000000xf32, #tpu.memory_space<hbm>>
    tpu.wait_indirect_dma semaphore(%arg21 : memref<!tpu.dma_semaphore, #tpu.memory_space<semaphore_mem>>) src(%dma_wait3A_378 : memref<1000000xf32, #tpu.memory_space<hbm>>) dst(%dma_wait3A_374 : memref<128xf32, #tpu.memory_space<vmem>>)
    %dma_wait3A_379 = arith.constant 128 : i32
    %dma_wait3A_380 = tpu.memref_slice %arg10[%dma_wait3A_379] : memref<6400xf32, #tpu.memory_space<vmem>> -> memref<128xf32, #tpu.memory_space<vmem>>
    %dma_wait3A_381 = arith.constant 128 : i32
    %dma_wait3A_382 = tpu.memref_slice %arg9[%dma_wait3A_381] : memref<6400xi32, #tpu.memory_space<vmem>> -> memref<128xi32, #tpu.memory_space<vmem>>
    %dma_wait3A_383 = arith.constant 0 : i32
    %dma_wait3A_384 = tpu.memref_slice %arg2[%dma_wait3A_383] : memref<1000000xf32, #tpu.memory_space<hbm>> -> memref<1000000xf32, #tpu.memory_space<hbm>>
    tpu.wait_indirect_dma semaphore(%arg21 : memref<!tpu.dma_semaphore, #tpu.memory_space<semaphore_mem>>) src(%dma_wait3A_384 : memref<1000000xf32, #tpu.memory_space<hbm>>) dst(%dma_wait3A_380 : memref<128xf32, #tpu.memory_space<vmem>>)
    %dma_wait3A_385 = arith.constant 256 : i32
    %dma_wait3A_386 = tpu.memref_slice %arg10[%dma_wait3A_385] : memref<6400xf32, #tpu.memory_space<vmem>> -> memref<128xf32, #tpu.memory_space<vmem>>
    %dma_wait3A_387 = arith.constant 256 : i32
    %dma_wait3A_388 = tpu.memref_slice %arg9[%dma_wait3A_387] : memref<6400xi32, #tpu.memory_space<vmem>> -> memref<128xi32, #tpu.memory_space<vmem>>
    %dma_wait3A_389 = arith.constant 0 : i32
    %dma_wait3A_390 = tpu.memref_slice %arg2[%dma_wait3A_389] : memref<1000000xf32, #tpu.memory_space<hbm>> -> memref<1000000xf32, #tpu.memory_space<hbm>>
    tpu.wait_indirect_dma semaphore(%arg21 : memref<!tpu.dma_semaphore, #tpu.memory_space<semaphore_mem>>) src(%dma_wait3A_390 : memref<1000000xf32, #tpu.memory_space<hbm>>) dst(%dma_wait3A_386 : memref<128xf32, #tpu.memory_space<vmem>>)
    %dma_wait3A_391 = arith.constant 384 : i32
    %dma_wait3A_392 = tpu.memref_slice %arg10[%dma_wait3A_391] : memref<6400xf32, #tpu.memory_space<vmem>> -> memref<128xf32, #tpu.memory_space<vmem>>
    %dma_wait3A_393 = arith.constant 384 : i32
    %dma_wait3A_394 = tpu.memref_slice %arg9[%dma_wait3A_393] : memref<6400xi32, #tpu.memory_space<vmem>> -> memref<128xi32, #tpu.memory_space<vmem>>
    %dma_wait3A_395 = arith.constant 0 : i32
    %dma_wait3A_396 = tpu.memref_slice %arg2[%dma_wait3A_395] : memref<1000000xf32, #tpu.memory_space<hbm>> -> memref<1000000xf32, #tpu.memory_space<hbm>>
    tpu.wait_indirect_dma semaphore(%arg21 : memref<!tpu.dma_semaphore, #tpu.memory_space<semaphore_mem>>) src(%dma_wait3A_396 : memref<1000000xf32, #tpu.memory_space<hbm>>) dst(%dma_wait3A_392 : memref<128xf32, #tpu.memory_space<vmem>>)
    %dma_wait3A_397 = arith.constant 512 : i32
    %dma_wait3A_398 = tpu.memref_slice %arg10[%dma_wait3A_397] : memref<6400xf32, #tpu.memory_space<vmem>> -> memref<128xf32, #tpu.memory_space<vmem>>
    %dma_wait3A_399 = arith.constant 512 : i32
    %dma_wait3A_400 = tpu.memref_slice %arg9[%dma_wait3A_399] : memref<6400xi32, #tpu.memory_space<vmem>> -> memref<128xi32, #tpu.memory_space<vmem>>
    %dma_wait3A_401 = arith.constant 0 : i32
    %dma_wait3A_402 = tpu.memref_slice %arg2[%dma_wait3A_401] : memref<1000000xf32, #tpu.memory_space<hbm>> -> memref<1000000xf32, #tpu.memory_space<hbm>>
    tpu.wait_indirect_dma semaphore(%arg21 : memref<!tpu.dma_semaphore, #tpu.memory_space<semaphore_mem>>) src(%dma_wait3A_402 : memref<1000000xf32, #tpu.memory_space<hbm>>) dst(%dma_wait3A_398 : memref<128xf32, #tpu.memory_space<vmem>>)
    %dma_wait3A_403 = arith.constant 640 : i32
    %dma_wait3A_404 = tpu.memref_slice %arg10[%dma_wait3A_403] : memref<6400xf32, #tpu.memory_space<vmem>> -> memref<128xf32, #tpu.memory_space<vmem>>
    %dma_wait3A_405 = arith.constant 640 : i32
    %dma_wait3A_406 = tpu.memref_slice %arg9[%dma_wait3A_405] : memref<6400xi32, #tpu.memory_space<vmem>> -> memref<128xi32, #tpu.memory_space<vmem>>
    %dma_wait3A_407 = arith.constant 0 : i32
    %dma_wait3A_408 = tpu.memref_slice %arg2[%dma_wait3A_407] : memref<1000000xf32, #tpu.memory_space<hbm>> -> memref<1000000xf32, #tpu.memory_space<hbm>>
    tpu.wait_indirect_dma semaphore(%arg21 : memref<!tpu.dma_semaphore, #tpu.memory_space<semaphore_mem>>) src(%dma_wait3A_408 : memref<1000000xf32, #tpu.memory_space<hbm>>) dst(%dma_wait3A_404 : memref<128xf32, #tpu.memory_space<vmem>>)
    %dma_wait3A_409 = arith.constant 768 : i32
    %dma_wait3A_410 = tpu.memref_slice %arg10[%dma_wait3A_409] : memref<6400xf32, #tpu.memory_space<vmem>> -> memref<128xf32, #tpu.memory_space<vmem>>
    %dma_wait3A_411 = arith.constant 768 : i32
    %dma_wait3A_412 = tpu.memref_slice %arg9[%dma_wait3A_411] : memref<6400xi32, #tpu.memory_space<vmem>> -> memref<128xi32, #tpu.memory_space<vmem>>
    %dma_wait3A_413 = arith.constant 0 : i32
    %dma_wait3A_414 = tpu.memref_slice %arg2[%dma_wait3A_413] : memref<1000000xf32, #tpu.memory_space<hbm>> -> memref<1000000xf32, #tpu.memory_space<hbm>>
    tpu.wait_indirect_dma semaphore(%arg21 : memref<!tpu.dma_semaphore, #tpu.memory_space<semaphore_mem>>) src(%dma_wait3A_414 : memref<1000000xf32, #tpu.memory_space<hbm>>) dst(%dma_wait3A_410 : memref<128xf32, #tpu.memory_space<vmem>>)
    %dma_wait3A_415 = arith.constant 896 : i32
    %dma_wait3A_416 = tpu.memref_slice %arg10[%dma_wait3A_415] : memref<6400xf32, #tpu.memory_space<vmem>> -> memref<128xf32, #tpu.memory_space<vmem>>
    %dma_wait3A_417 = arith.constant 896 : i32
    %dma_wait3A_418 = tpu.memref_slice %arg9[%dma_wait3A_417] : memref<6400xi32, #tpu.memory_space<vmem>> -> memref<128xi32, #tpu.memory_space<vmem>>
    %dma_wait3A_419 = arith.constant 0 : i32
    %dma_wait3A_420 = tpu.memref_slice %arg2[%dma_wait3A_419] : memref<1000000xf32, #tpu.memory_space<hbm>> -> memref<1000000xf32, #tpu.memory_space<hbm>>
    tpu.wait_indirect_dma semaphore(%arg21 : memref<!tpu.dma_semaphore, #tpu.memory_space<semaphore_mem>>) src(%dma_wait3A_420 : memref<1000000xf32, #tpu.memory_space<hbm>>) dst(%dma_wait3A_416 : memref<128xf32, #tpu.memory_space<vmem>>)
    %dma_wait3A_421 = arith.constant 1024 : i32
    %dma_wait3A_422 = tpu.memref_slice %arg10[%dma_wait3A_421] : memref<6400xf32, #tpu.memory_space<vmem>> -> memref<128xf32, #tpu.memory_space<vmem>>
    %dma_wait3A_423 = arith.constant 1024 : i32
    %dma_wait3A_424 = tpu.memref_slice %arg9[%dma_wait3A_423] : memref<6400xi32, #tpu.memory_space<vmem>> -> memref<128xi32, #tpu.memory_space<vmem>>
    %dma_wait3A_425 = arith.constant 0 : i32
    %dma_wait3A_426 = tpu.memref_slice %arg2[%dma_wait3A_425] : memref<1000000xf32, #tpu.memory_space<hbm>> -> memref<1000000xf32, #tpu.memory_space<hbm>>
    tpu.wait_indirect_dma semaphore(%arg21 : memref<!tpu.dma_semaphore, #tpu.memory_space<semaphore_mem>>) src(%dma_wait3A_426 : memref<1000000xf32, #tpu.memory_space<hbm>>) dst(%dma_wait3A_422 : memref<128xf32, #tpu.memory_space<vmem>>)
    %dma_wait3A_427 = arith.constant 1152 : i32
    %dma_wait3A_428 = tpu.memref_slice %arg10[%dma_wait3A_427] : memref<6400xf32, #tpu.memory_space<vmem>> -> memref<128xf32, #tpu.memory_space<vmem>>
    %dma_wait3A_429 = arith.constant 1152 : i32
    %dma_wait3A_430 = tpu.memref_slice %arg9[%dma_wait3A_429] : memref<6400xi32, #tpu.memory_space<vmem>> -> memref<128xi32, #tpu.memory_space<vmem>>
    %dma_wait3A_431 = arith.constant 0 : i32
    %dma_wait3A_432 = tpu.memref_slice %arg2[%dma_wait3A_431] : memref<1000000xf32, #tpu.memory_space<hbm>> -> memref<1000000xf32, #tpu.memory_space<hbm>>
    tpu.wait_indirect_dma semaphore(%arg21 : memref<!tpu.dma_semaphore, #tpu.memory_space<semaphore_mem>>) src(%dma_wait3A_432 : memref<1000000xf32, #tpu.memory_space<hbm>>) dst(%dma_wait3A_428 : memref<128xf32, #tpu.memory_space<vmem>>)
    %dma_wait3A_433 = arith.constant 1280 : i32
    %dma_wait3A_434 = tpu.memref_slice %arg10[%dma_wait3A_433] : memref<6400xf32, #tpu.memory_space<vmem>> -> memref<128xf32, #tpu.memory_space<vmem>>
    %dma_wait3A_435 = arith.constant 1280 : i32
    %dma_wait3A_436 = tpu.memref_slice %arg9[%dma_wait3A_435] : memref<6400xi32, #tpu.memory_space<vmem>> -> memref<128xi32, #tpu.memory_space<vmem>>
    %dma_wait3A_437 = arith.constant 0 : i32
    %dma_wait3A_438 = tpu.memref_slice %arg2[%dma_wait3A_437] : memref<1000000xf32, #tpu.memory_space<hbm>> -> memref<1000000xf32, #tpu.memory_space<hbm>>
    tpu.wait_indirect_dma semaphore(%arg21 : memref<!tpu.dma_semaphore, #tpu.memory_space<semaphore_mem>>) src(%dma_wait3A_438 : memref<1000000xf32, #tpu.memory_space<hbm>>) dst(%dma_wait3A_434 : memref<128xf32, #tpu.memory_space<vmem>>)
    %dma_wait3A_439 = arith.constant 1408 : i32
    %dma_wait3A_440 = tpu.memref_slice %arg10[%dma_wait3A_439] : memref<6400xf32, #tpu.memory_space<vmem>> -> memref<128xf32, #tpu.memory_space<vmem>>
    %dma_wait3A_441 = arith.constant 1408 : i32
    %dma_wait3A_442 = tpu.memref_slice %arg9[%dma_wait3A_441] : memref<6400xi32, #tpu.memory_space<vmem>> -> memref<128xi32, #tpu.memory_space<vmem>>
    %dma_wait3A_443 = arith.constant 0 : i32
    %dma_wait3A_444 = tpu.memref_slice %arg2[%dma_wait3A_443] : memref<1000000xf32, #tpu.memory_space<hbm>> -> memref<1000000xf32, #tpu.memory_space<hbm>>
    tpu.wait_indirect_dma semaphore(%arg21 : memref<!tpu.dma_semaphore, #tpu.memory_space<semaphore_mem>>) src(%dma_wait3A_444 : memref<1000000xf32, #tpu.memory_space<hbm>>) dst(%dma_wait3A_440 : memref<128xf32, #tpu.memory_space<vmem>>)
    %dma_wait3A_445 = arith.constant 1536 : i32
    %dma_wait3A_446 = tpu.memref_slice %arg10[%dma_wait3A_445] : memref<6400xf32, #tpu.memory_space<vmem>> -> memref<128xf32, #tpu.memory_space<vmem>>
    %dma_wait3A_447 = arith.constant 1536 : i32
    %dma_wait3A_448 = tpu.memref_slice %arg9[%dma_wait3A_447] : memref<6400xi32, #tpu.memory_space<vmem>> -> memref<128xi32, #tpu.memory_space<vmem>>
    %dma_wait3A_449 = arith.constant 0 : i32
    %dma_wait3A_450 = tpu.memref_slice %arg2[%dma_wait3A_449] : memref<1000000xf32, #tpu.memory_space<hbm>> -> memref<1000000xf32, #tpu.memory_space<hbm>>
    tpu.wait_indirect_dma semaphore(%arg21 : memref<!tpu.dma_semaphore, #tpu.memory_space<semaphore_mem>>) src(%dma_wait3A_450 : memref<1000000xf32, #tpu.memory_space<hbm>>) dst(%dma_wait3A_446 : memref<128xf32, #tpu.memory_space<vmem>>)
    %dma_wait3A_451 = arith.constant 1664 : i32
    %dma_wait3A_452 = tpu.memref_slice %arg10[%dma_wait3A_451] : memref<6400xf32, #tpu.memory_space<vmem>> -> memref<128xf32, #tpu.memory_space<vmem>>
    %dma_wait3A_453 = arith.constant 1664 : i32
    %dma_wait3A_454 = tpu.memref_slice %arg9[%dma_wait3A_453] : memref<6400xi32, #tpu.memory_space<vmem>> -> memref<128xi32, #tpu.memory_space<vmem>>
    %dma_wait3A_455 = arith.constant 0 : i32
    %dma_wait3A_456 = tpu.memref_slice %arg2[%dma_wait3A_455] : memref<1000000xf32, #tpu.memory_space<hbm>> -> memref<1000000xf32, #tpu.memory_space<hbm>>
    tpu.wait_indirect_dma semaphore(%arg21 : memref<!tpu.dma_semaphore, #tpu.memory_space<semaphore_mem>>) src(%dma_wait3A_456 : memref<1000000xf32, #tpu.memory_space<hbm>>) dst(%dma_wait3A_452 : memref<128xf32, #tpu.memory_space<vmem>>)
    %dma_wait3A_457 = arith.constant 1792 : i32
    %dma_wait3A_458 = tpu.memref_slice %arg10[%dma_wait3A_457] : memref<6400xf32, #tpu.memory_space<vmem>> -> memref<128xf32, #tpu.memory_space<vmem>>
    %dma_wait3A_459 = arith.constant 1792 : i32
    %dma_wait3A_460 = tpu.memref_slice %arg9[%dma_wait3A_459] : memref<6400xi32, #tpu.memory_space<vmem>> -> memref<128xi32, #tpu.memory_space<vmem>>
    %dma_wait3A_461 = arith.constant 0 : i32
    %dma_wait3A_462 = tpu.memref_slice %arg2[%dma_wait3A_461] : memref<1000000xf32, #tpu.memory_space<hbm>> -> memref<1000000xf32, #tpu.memory_space<hbm>>
    tpu.wait_indirect_dma semaphore(%arg21 : memref<!tpu.dma_semaphore, #tpu.memory_space<semaphore_mem>>) src(%dma_wait3A_462 : memref<1000000xf32, #tpu.memory_space<hbm>>) dst(%dma_wait3A_458 : memref<128xf32, #tpu.memory_space<vmem>>)
    %dma_wait3A_463 = arith.constant 1920 : i32
    %dma_wait3A_464 = tpu.memref_slice %arg10[%dma_wait3A_463] : memref<6400xf32, #tpu.memory_space<vmem>> -> memref<128xf32, #tpu.memory_space<vmem>>
    %dma_wait3A_465 = arith.constant 1920 : i32
    %dma_wait3A_466 = tpu.memref_slice %arg9[%dma_wait3A_465] : memref<6400xi32, #tpu.memory_space<vmem>> -> memref<128xi32, #tpu.memory_space<vmem>>
    %dma_wait3A_467 = arith.constant 0 : i32
    %dma_wait3A_468 = tpu.memref_slice %arg2[%dma_wait3A_467] : memref<1000000xf32, #tpu.memory_space<hbm>> -> memref<1000000xf32, #tpu.memory_space<hbm>>
    tpu.wait_indirect_dma semaphore(%arg21 : memref<!tpu.dma_semaphore, #tpu.memory_space<semaphore_mem>>) src(%dma_wait3A_468 : memref<1000000xf32, #tpu.memory_space<hbm>>) dst(%dma_wait3A_464 : memref<128xf32, #tpu.memory_space<vmem>>)
    %dma_wait3A_469 = arith.constant 2048 : i32
    %dma_wait3A_470 = tpu.memref_slice %arg10[%dma_wait3A_469] : memref<6400xf32, #tpu.memory_space<vmem>> -> memref<128xf32, #tpu.memory_space<vmem>>
    %dma_wait3A_471 = arith.constant 2048 : i32
    %dma_wait3A_472 = tpu.memref_slice %arg9[%dma_wait3A_471] : memref<6400xi32, #tpu.memory_space<vmem>> -> memref<128xi32, #tpu.memory_space<vmem>>
    %dma_wait3A_473 = arith.constant 0 : i32
    %dma_wait3A_474 = tpu.memref_slice %arg2[%dma_wait3A_473] : memref<1000000xf32, #tpu.memory_space<hbm>> -> memref<1000000xf32, #tpu.memory_space<hbm>>
    tpu.wait_indirect_dma semaphore(%arg21 : memref<!tpu.dma_semaphore, #tpu.memory_space<semaphore_mem>>) src(%dma_wait3A_474 : memref<1000000xf32, #tpu.memory_space<hbm>>) dst(%dma_wait3A_470 : memref<128xf32, #tpu.memory_space<vmem>>)
    %dma_wait3A_475 = arith.constant 2176 : i32
    %dma_wait3A_476 = tpu.memref_slice %arg10[%dma_wait3A_475] : memref<6400xf32, #tpu.memory_space<vmem>> -> memref<128xf32, #tpu.memory_space<vmem>>
    %dma_wait3A_477 = arith.constant 2176 : i32
    %dma_wait3A_478 = tpu.memref_slice %arg9[%dma_wait3A_477] : memref<6400xi32, #tpu.memory_space<vmem>> -> memref<128xi32, #tpu.memory_space<vmem>>
    %dma_wait3A_479 = arith.constant 0 : i32
    %dma_wait3A_480 = tpu.memref_slice %arg2[%dma_wait3A_479] : memref<1000000xf32, #tpu.memory_space<hbm>> -> memref<1000000xf32, #tpu.memory_space<hbm>>
    tpu.wait_indirect_dma semaphore(%arg21 : memref<!tpu.dma_semaphore, #tpu.memory_space<semaphore_mem>>) src(%dma_wait3A_480 : memref<1000000xf32, #tpu.memory_space<hbm>>) dst(%dma_wait3A_476 : memref<128xf32, #tpu.memory_space<vmem>>)
    %dma_wait3A_481 = arith.constant 2304 : i32
    %dma_wait3A_482 = tpu.memref_slice %arg10[%dma_wait3A_481] : memref<6400xf32, #tpu.memory_space<vmem>> -> memref<128xf32, #tpu.memory_space<vmem>>
    %dma_wait3A_483 = arith.constant 2304 : i32
    %dma_wait3A_484 = tpu.memref_slice %arg9[%dma_wait3A_483] : memref<6400xi32, #tpu.memory_space<vmem>> -> memref<128xi32, #tpu.memory_space<vmem>>
    %dma_wait3A_485 = arith.constant 0 : i32
    %dma_wait3A_486 = tpu.memref_slice %arg2[%dma_wait3A_485] : memref<1000000xf32, #tpu.memory_space<hbm>> -> memref<1000000xf32, #tpu.memory_space<hbm>>
    tpu.wait_indirect_dma semaphore(%arg21 : memref<!tpu.dma_semaphore, #tpu.memory_space<semaphore_mem>>) src(%dma_wait3A_486 : memref<1000000xf32, #tpu.memory_space<hbm>>) dst(%dma_wait3A_482 : memref<128xf32, #tpu.memory_space<vmem>>)
    %dma_wait3A_487 = arith.constant 2432 : i32
    %dma_wait3A_488 = tpu.memref_slice %arg10[%dma_wait3A_487] : memref<6400xf32, #tpu.memory_space<vmem>> -> memref<128xf32, #tpu.memory_space<vmem>>
    %dma_wait3A_489 = arith.constant 2432 : i32
    %dma_wait3A_490 = tpu.memref_slice %arg9[%dma_wait3A_489] : memref<6400xi32, #tpu.memory_space<vmem>> -> memref<128xi32, #tpu.memory_space<vmem>>
    %dma_wait3A_491 = arith.constant 0 : i32
    %dma_wait3A_492 = tpu.memref_slice %arg2[%dma_wait3A_491] : memref<1000000xf32, #tpu.memory_space<hbm>> -> memref<1000000xf32, #tpu.memory_space<hbm>>
    tpu.wait_indirect_dma semaphore(%arg21 : memref<!tpu.dma_semaphore, #tpu.memory_space<semaphore_mem>>) src(%dma_wait3A_492 : memref<1000000xf32, #tpu.memory_space<hbm>>) dst(%dma_wait3A_488 : memref<128xf32, #tpu.memory_space<vmem>>)
    %dma_wait3A_493 = arith.constant 2560 : i32
    %dma_wait3A_494 = tpu.memref_slice %arg10[%dma_wait3A_493] : memref<6400xf32, #tpu.memory_space<vmem>> -> memref<128xf32, #tpu.memory_space<vmem>>
    %dma_wait3A_495 = arith.constant 2560 : i32
    %dma_wait3A_496 = tpu.memref_slice %arg9[%dma_wait3A_495] : memref<6400xi32, #tpu.memory_space<vmem>> -> memref<128xi32, #tpu.memory_space<vmem>>
    %dma_wait3A_497 = arith.constant 0 : i32
    %dma_wait3A_498 = tpu.memref_slice %arg2[%dma_wait3A_497] : memref<1000000xf32, #tpu.memory_space<hbm>> -> memref<1000000xf32, #tpu.memory_space<hbm>>
    tpu.wait_indirect_dma semaphore(%arg21 : memref<!tpu.dma_semaphore, #tpu.memory_space<semaphore_mem>>) src(%dma_wait3A_498 : memref<1000000xf32, #tpu.memory_space<hbm>>) dst(%dma_wait3A_494 : memref<128xf32, #tpu.memory_space<vmem>>)
    %dma_wait3A_499 = arith.constant 2688 : i32
    %dma_wait3A_500 = tpu.memref_slice %arg10[%dma_wait3A_499] : memref<6400xf32, #tpu.memory_space<vmem>> -> memref<128xf32, #tpu.memory_space<vmem>>
    %dma_wait3A_501 = arith.constant 2688 : i32
    %dma_wait3A_502 = tpu.memref_slice %arg9[%dma_wait3A_501] : memref<6400xi32, #tpu.memory_space<vmem>> -> memref<128xi32, #tpu.memory_space<vmem>>
    %dma_wait3A_503 = arith.constant 0 : i32
    %dma_wait3A_504 = tpu.memref_slice %arg2[%dma_wait3A_503] : memref<1000000xf32, #tpu.memory_space<hbm>> -> memref<1000000xf32, #tpu.memory_space<hbm>>
    tpu.wait_indirect_dma semaphore(%arg21 : memref<!tpu.dma_semaphore, #tpu.memory_space<semaphore_mem>>) src(%dma_wait3A_504 : memref<1000000xf32, #tpu.memory_space<hbm>>) dst(%dma_wait3A_500 : memref<128xf32, #tpu.memory_space<vmem>>)
    %dma_wait3A_505 = arith.constant 2816 : i32
    %dma_wait3A_506 = tpu.memref_slice %arg10[%dma_wait3A_505] : memref<6400xf32, #tpu.memory_space<vmem>> -> memref<128xf32, #tpu.memory_space<vmem>>
    %dma_wait3A_507 = arith.constant 2816 : i32
    %dma_wait3A_508 = tpu.memref_slice %arg9[%dma_wait3A_507] : memref<6400xi32, #tpu.memory_space<vmem>> -> memref<128xi32, #tpu.memory_space<vmem>>
    %dma_wait3A_509 = arith.constant 0 : i32
    %dma_wait3A_510 = tpu.memref_slice %arg2[%dma_wait3A_509] : memref<1000000xf32, #tpu.memory_space<hbm>> -> memref<1000000xf32, #tpu.memory_space<hbm>>
    tpu.wait_indirect_dma semaphore(%arg21 : memref<!tpu.dma_semaphore, #tpu.memory_space<semaphore_mem>>) src(%dma_wait3A_510 : memref<1000000xf32, #tpu.memory_space<hbm>>) dst(%dma_wait3A_506 : memref<128xf32, #tpu.memory_space<vmem>>)
    %dma_wait3A_511 = arith.constant 2944 : i32
    %dma_wait3A_512 = tpu.memref_slice %arg10[%dma_wait3A_511] : memref<6400xf32, #tpu.memory_space<vmem>> -> memref<128xf32, #tpu.memory_space<vmem>>
    %dma_wait3A_513 = arith.constant 2944 : i32
    %dma_wait3A_514 = tpu.memref_slice %arg9[%dma_wait3A_513] : memref<6400xi32, #tpu.memory_space<vmem>> -> memref<128xi32, #tpu.memory_space<vmem>>
    %dma_wait3A_515 = arith.constant 0 : i32
    %dma_wait3A_516 = tpu.memref_slice %arg2[%dma_wait3A_515] : memref<1000000xf32, #tpu.memory_space<hbm>> -> memref<1000000xf32, #tpu.memory_space<hbm>>
    tpu.wait_indirect_dma semaphore(%arg21 : memref<!tpu.dma_semaphore, #tpu.memory_space<semaphore_mem>>) src(%dma_wait3A_516 : memref<1000000xf32, #tpu.memory_space<hbm>>) dst(%dma_wait3A_512 : memref<128xf32, #tpu.memory_space<vmem>>)
    %dma_wait3A_517 = arith.constant 3072 : i32
    %dma_wait3A_518 = tpu.memref_slice %arg10[%dma_wait3A_517] : memref<6400xf32, #tpu.memory_space<vmem>> -> memref<128xf32, #tpu.memory_space<vmem>>
    %dma_wait3A_519 = arith.constant 3072 : i32
    %dma_wait3A_520 = tpu.memref_slice %arg9[%dma_wait3A_519] : memref<6400xi32, #tpu.memory_space<vmem>> -> memref<128xi32, #tpu.memory_space<vmem>>
    %dma_wait3A_521 = arith.constant 0 : i32
    %dma_wait3A_522 = tpu.memref_slice %arg2[%dma_wait3A_521] : memref<1000000xf32, #tpu.memory_space<hbm>> -> memref<1000000xf32, #tpu.memory_space<hbm>>
    tpu.wait_indirect_dma semaphore(%arg21 : memref<!tpu.dma_semaphore, #tpu.memory_space<semaphore_mem>>) src(%dma_wait3A_522 : memref<1000000xf32, #tpu.memory_space<hbm>>) dst(%dma_wait3A_518 : memref<128xf32, #tpu.memory_space<vmem>>)
    %dma_wait3A_523 = arith.constant 3200 : i32
    %dma_wait3A_524 = tpu.memref_slice %arg10[%dma_wait3A_523] : memref<6400xf32, #tpu.memory_space<vmem>> -> memref<128xf32, #tpu.memory_space<vmem>>
    %dma_wait3A_525 = arith.constant 3200 : i32
    %dma_wait3A_526 = tpu.memref_slice %arg9[%dma_wait3A_525] : memref<6400xi32, #tpu.memory_space<vmem>> -> memref<128xi32, #tpu.memory_space<vmem>>
    %dma_wait3A_527 = arith.constant 0 : i32
    %dma_wait3A_528 = tpu.memref_slice %arg2[%dma_wait3A_527] : memref<1000000xf32, #tpu.memory_space<hbm>> -> memref<1000000xf32, #tpu.memory_space<hbm>>
    tpu.wait_indirect_dma semaphore(%arg21 : memref<!tpu.dma_semaphore, #tpu.memory_space<semaphore_mem>>) src(%dma_wait3A_528 : memref<1000000xf32, #tpu.memory_space<hbm>>) dst(%dma_wait3A_524 : memref<128xf32, #tpu.memory_space<vmem>>)
    %dma_wait3A_529 = arith.constant 3328 : i32
    %dma_wait3A_530 = tpu.memref_slice %arg10[%dma_wait3A_529] : memref<6400xf32, #tpu.memory_space<vmem>> -> memref<128xf32, #tpu.memory_space<vmem>>
    %dma_wait3A_531 = arith.constant 3328 : i32
    %dma_wait3A_532 = tpu.memref_slice %arg9[%dma_wait3A_531] : memref<6400xi32, #tpu.memory_space<vmem>> -> memref<128xi32, #tpu.memory_space<vmem>>
    %dma_wait3A_533 = arith.constant 0 : i32
    %dma_wait3A_534 = tpu.memref_slice %arg2[%dma_wait3A_533] : memref<1000000xf32, #tpu.memory_space<hbm>> -> memref<1000000xf32, #tpu.memory_space<hbm>>
    tpu.wait_indirect_dma semaphore(%arg21 : memref<!tpu.dma_semaphore, #tpu.memory_space<semaphore_mem>>) src(%dma_wait3A_534 : memref<1000000xf32, #tpu.memory_space<hbm>>) dst(%dma_wait3A_530 : memref<128xf32, #tpu.memory_space<vmem>>)
    %dma_wait3A_535 = arith.constant 3456 : i32
    %dma_wait3A_536 = tpu.memref_slice %arg10[%dma_wait3A_535] : memref<6400xf32, #tpu.memory_space<vmem>> -> memref<128xf32, #tpu.memory_space<vmem>>
    %dma_wait3A_537 = arith.constant 3456 : i32
    %dma_wait3A_538 = tpu.memref_slice %arg9[%dma_wait3A_537] : memref<6400xi32, #tpu.memory_space<vmem>> -> memref<128xi32, #tpu.memory_space<vmem>>
    %dma_wait3A_539 = arith.constant 0 : i32
    %dma_wait3A_540 = tpu.memref_slice %arg2[%dma_wait3A_539] : memref<1000000xf32, #tpu.memory_space<hbm>> -> memref<1000000xf32, #tpu.memory_space<hbm>>
    tpu.wait_indirect_dma semaphore(%arg21 : memref<!tpu.dma_semaphore, #tpu.memory_space<semaphore_mem>>) src(%dma_wait3A_540 : memref<1000000xf32, #tpu.memory_space<hbm>>) dst(%dma_wait3A_536 : memref<128xf32, #tpu.memory_space<vmem>>)
    %dma_wait3A_541 = arith.constant 3584 : i32
    %dma_wait3A_542 = tpu.memref_slice %arg10[%dma_wait3A_541] : memref<6400xf32, #tpu.memory_space<vmem>> -> memref<128xf32, #tpu.memory_space<vmem>>
    %dma_wait3A_543 = arith.constant 3584 : i32
    %dma_wait3A_544 = tpu.memref_slice %arg9[%dma_wait3A_543] : memref<6400xi32, #tpu.memory_space<vmem>> -> memref<128xi32, #tpu.memory_space<vmem>>
    %dma_wait3A_545 = arith.constant 0 : i32
    %dma_wait3A_546 = tpu.memref_slice %arg2[%dma_wait3A_545] : memref<1000000xf32, #tpu.memory_space<hbm>> -> memref<1000000xf32, #tpu.memory_space<hbm>>
    tpu.wait_indirect_dma semaphore(%arg21 : memref<!tpu.dma_semaphore, #tpu.memory_space<semaphore_mem>>) src(%dma_wait3A_546 : memref<1000000xf32, #tpu.memory_space<hbm>>) dst(%dma_wait3A_542 : memref<128xf32, #tpu.memory_space<vmem>>)
    %dma_wait3A_547 = arith.constant 3712 : i32
    %dma_wait3A_548 = tpu.memref_slice %arg10[%dma_wait3A_547] : memref<6400xf32, #tpu.memory_space<vmem>> -> memref<128xf32, #tpu.memory_space<vmem>>
    %dma_wait3A_549 = arith.constant 3712 : i32
    %dma_wait3A_550 = tpu.memref_slice %arg9[%dma_wait3A_549] : memref<6400xi32, #tpu.memory_space<vmem>> -> memref<128xi32, #tpu.memory_space<vmem>>
    %dma_wait3A_551 = arith.constant 0 : i32
    %dma_wait3A_552 = tpu.memref_slice %arg2[%dma_wait3A_551] : memref<1000000xf32, #tpu.memory_space<hbm>> -> memref<1000000xf32, #tpu.memory_space<hbm>>
    tpu.wait_indirect_dma semaphore(%arg21 : memref<!tpu.dma_semaphore, #tpu.memory_space<semaphore_mem>>) src(%dma_wait3A_552 : memref<1000000xf32, #tpu.memory_space<hbm>>) dst(%dma_wait3A_548 : memref<128xf32, #tpu.memory_space<vmem>>)
    %dma_wait3A_553 = arith.constant 3840 : i32
    %dma_wait3A_554 = tpu.memref_slice %arg10[%dma_wait3A_553] : memref<6400xf32, #tpu.memory_space<vmem>> -> memref<128xf32, #tpu.memory_space<vmem>>
    %dma_wait3A_555 = arith.constant 3840 : i32
    %dma_wait3A_556 = tpu.memref_slice %arg9[%dma_wait3A_555] : memref<6400xi32, #tpu.memory_space<vmem>> -> memref<128xi32, #tpu.memory_space<vmem>>
    %dma_wait3A_557 = arith.constant 0 : i32
    %dma_wait3A_558 = tpu.memref_slice %arg2[%dma_wait3A_557] : memref<1000000xf32, #tpu.memory_space<hbm>> -> memref<1000000xf32, #tpu.memory_space<hbm>>
    tpu.wait_indirect_dma semaphore(%arg21 : memref<!tpu.dma_semaphore, #tpu.memory_space<semaphore_mem>>) src(%dma_wait3A_558 : memref<1000000xf32, #tpu.memory_space<hbm>>) dst(%dma_wait3A_554 : memref<128xf32, #tpu.memory_space<vmem>>)
    %dma_wait3A_559 = arith.constant 3968 : i32
    %dma_wait3A_560 = tpu.memref_slice %arg10[%dma_wait3A_559] : memref<6400xf32, #tpu.memory_space<vmem>> -> memref<128xf32, #tpu.memory_space<vmem>>
    %dma_wait3A_561 = arith.constant 3968 : i32
    %dma_wait3A_562 = tpu.memref_slice %arg9[%dma_wait3A_561] : memref<6400xi32, #tpu.memory_space<vmem>> -> memref<128xi32, #tpu.memory_space<vmem>>
    %dma_wait3A_563 = arith.constant 0 : i32
    %dma_wait3A_564 = tpu.memref_slice %arg2[%dma_wait3A_563] : memref<1000000xf32, #tpu.memory_space<hbm>> -> memref<1000000xf32, #tpu.memory_space<hbm>>
    tpu.wait_indirect_dma semaphore(%arg21 : memref<!tpu.dma_semaphore, #tpu.memory_space<semaphore_mem>>) src(%dma_wait3A_564 : memref<1000000xf32, #tpu.memory_space<hbm>>) dst(%dma_wait3A_560 : memref<128xf32, #tpu.memory_space<vmem>>)
    %dma_wait3A_565 = arith.constant 4096 : i32
    %dma_wait3A_566 = tpu.memref_slice %arg10[%dma_wait3A_565] : memref<6400xf32, #tpu.memory_space<vmem>> -> memref<128xf32, #tpu.memory_space<vmem>>
    %dma_wait3A_567 = arith.constant 4096 : i32
    %dma_wait3A_568 = tpu.memref_slice %arg9[%dma_wait3A_567] : memref<6400xi32, #tpu.memory_space<vmem>> -> memref<128xi32, #tpu.memory_space<vmem>>
    %dma_wait3A_569 = arith.constant 0 : i32
    %dma_wait3A_570 = tpu.memref_slice %arg2[%dma_wait3A_569] : memref<1000000xf32, #tpu.memory_space<hbm>> -> memref<1000000xf32, #tpu.memory_space<hbm>>
    tpu.wait_indirect_dma semaphore(%arg21 : memref<!tpu.dma_semaphore, #tpu.memory_space<semaphore_mem>>) src(%dma_wait3A_570 : memref<1000000xf32, #tpu.memory_space<hbm>>) dst(%dma_wait3A_566 : memref<128xf32, #tpu.memory_space<vmem>>)
    %dma_wait3A_571 = arith.constant 4224 : i32
    %dma_wait3A_572 = tpu.memref_slice %arg10[%dma_wait3A_571] : memref<6400xf32, #tpu.memory_space<vmem>> -> memref<128xf32, #tpu.memory_space<vmem>>
    %dma_wait3A_573 = arith.constant 4224 : i32
    %dma_wait3A_574 = tpu.memref_slice %arg9[%dma_wait3A_573] : memref<6400xi32, #tpu.memory_space<vmem>> -> memref<128xi32, #tpu.memory_space<vmem>>
    %dma_wait3A_575 = arith.constant 0 : i32
    %dma_wait3A_576 = tpu.memref_slice %arg2[%dma_wait3A_575] : memref<1000000xf32, #tpu.memory_space<hbm>> -> memref<1000000xf32, #tpu.memory_space<hbm>>
    tpu.wait_indirect_dma semaphore(%arg21 : memref<!tpu.dma_semaphore, #tpu.memory_space<semaphore_mem>>) src(%dma_wait3A_576 : memref<1000000xf32, #tpu.memory_space<hbm>>) dst(%dma_wait3A_572 : memref<128xf32, #tpu.memory_space<vmem>>)
    %dma_wait3A_577 = arith.constant 4352 : i32
    %dma_wait3A_578 = tpu.memref_slice %arg10[%dma_wait3A_577] : memref<6400xf32, #tpu.memory_space<vmem>> -> memref<128xf32, #tpu.memory_space<vmem>>
    %dma_wait3A_579 = arith.constant 4352 : i32
    %dma_wait3A_580 = tpu.memref_slice %arg9[%dma_wait3A_579] : memref<6400xi32, #tpu.memory_space<vmem>> -> memref<128xi32, #tpu.memory_space<vmem>>
    %dma_wait3A_581 = arith.constant 0 : i32
    %dma_wait3A_582 = tpu.memref_slice %arg2[%dma_wait3A_581] : memref<1000000xf32, #tpu.memory_space<hbm>> -> memref<1000000xf32, #tpu.memory_space<hbm>>
    tpu.wait_indirect_dma semaphore(%arg21 : memref<!tpu.dma_semaphore, #tpu.memory_space<semaphore_mem>>) src(%dma_wait3A_582 : memref<1000000xf32, #tpu.memory_space<hbm>>) dst(%dma_wait3A_578 : memref<128xf32, #tpu.memory_space<vmem>>)
    %dma_wait3A_583 = arith.constant 4480 : i32
    %dma_wait3A_584 = tpu.memref_slice %arg10[%dma_wait3A_583] : memref<6400xf32, #tpu.memory_space<vmem>> -> memref<128xf32, #tpu.memory_space<vmem>>
    %dma_wait3A_585 = arith.constant 4480 : i32
    %dma_wait3A_586 = tpu.memref_slice %arg9[%dma_wait3A_585] : memref<6400xi32, #tpu.memory_space<vmem>> -> memref<128xi32, #tpu.memory_space<vmem>>
    %dma_wait3A_587 = arith.constant 0 : i32
    %dma_wait3A_588 = tpu.memref_slice %arg2[%dma_wait3A_587] : memref<1000000xf32, #tpu.memory_space<hbm>> -> memref<1000000xf32, #tpu.memory_space<hbm>>
    tpu.wait_indirect_dma semaphore(%arg21 : memref<!tpu.dma_semaphore, #tpu.memory_space<semaphore_mem>>) src(%dma_wait3A_588 : memref<1000000xf32, #tpu.memory_space<hbm>>) dst(%dma_wait3A_584 : memref<128xf32, #tpu.memory_space<vmem>>)
    %dma_wait3A_589 = arith.constant 4608 : i32
    %dma_wait3A_590 = tpu.memref_slice %arg10[%dma_wait3A_589] : memref<6400xf32, #tpu.memory_space<vmem>> -> memref<128xf32, #tpu.memory_space<vmem>>
    %dma_wait3A_591 = arith.constant 4608 : i32
    %dma_wait3A_592 = tpu.memref_slice %arg9[%dma_wait3A_591] : memref<6400xi32, #tpu.memory_space<vmem>> -> memref<128xi32, #tpu.memory_space<vmem>>
    %dma_wait3A_593 = arith.constant 0 : i32
    %dma_wait3A_594 = tpu.memref_slice %arg2[%dma_wait3A_593] : memref<1000000xf32, #tpu.memory_space<hbm>> -> memref<1000000xf32, #tpu.memory_space<hbm>>
    tpu.wait_indirect_dma semaphore(%arg21 : memref<!tpu.dma_semaphore, #tpu.memory_space<semaphore_mem>>) src(%dma_wait3A_594 : memref<1000000xf32, #tpu.memory_space<hbm>>) dst(%dma_wait3A_590 : memref<128xf32, #tpu.memory_space<vmem>>)
    %dma_wait3A_595 = arith.constant 4736 : i32
    %dma_wait3A_596 = tpu.memref_slice %arg10[%dma_wait3A_595] : memref<6400xf32, #tpu.memory_space<vmem>> -> memref<128xf32, #tpu.memory_space<vmem>>
    %dma_wait3A_597 = arith.constant 4736 : i32
    %dma_wait3A_598 = tpu.memref_slice %arg9[%dma_wait3A_597] : memref<6400xi32, #tpu.memory_space<vmem>> -> memref<128xi32, #tpu.memory_space<vmem>>
    %dma_wait3A_599 = arith.constant 0 : i32
    %dma_wait3A_600 = tpu.memref_slice %arg2[%dma_wait3A_599] : memref<1000000xf32, #tpu.memory_space<hbm>> -> memref<1000000xf32, #tpu.memory_space<hbm>>
    tpu.wait_indirect_dma semaphore(%arg21 : memref<!tpu.dma_semaphore, #tpu.memory_space<semaphore_mem>>) src(%dma_wait3A_600 : memref<1000000xf32, #tpu.memory_space<hbm>>) dst(%dma_wait3A_596 : memref<128xf32, #tpu.memory_space<vmem>>)
    %dma_wait3A_601 = arith.constant 4864 : i32
    %dma_wait3A_602 = tpu.memref_slice %arg10[%dma_wait3A_601] : memref<6400xf32, #tpu.memory_space<vmem>> -> memref<128xf32, #tpu.memory_space<vmem>>
    %dma_wait3A_603 = arith.constant 4864 : i32
    %dma_wait3A_604 = tpu.memref_slice %arg9[%dma_wait3A_603] : memref<6400xi32, #tpu.memory_space<vmem>> -> memref<128xi32, #tpu.memory_space<vmem>>
    %dma_wait3A_605 = arith.constant 0 : i32
    %dma_wait3A_606 = tpu.memref_slice %arg2[%dma_wait3A_605] : memref<1000000xf32, #tpu.memory_space<hbm>> -> memref<1000000xf32, #tpu.memory_space<hbm>>
    tpu.wait_indirect_dma semaphore(%arg21 : memref<!tpu.dma_semaphore, #tpu.memory_space<semaphore_mem>>) src(%dma_wait3A_606 : memref<1000000xf32, #tpu.memory_space<hbm>>) dst(%dma_wait3A_602 : memref<128xf32, #tpu.memory_space<vmem>>)
    %dma_wait3A_607 = arith.constant 4992 : i32
    %dma_wait3A_608 = tpu.memref_slice %arg10[%dma_wait3A_607] : memref<6400xf32, #tpu.memory_space<vmem>> -> memref<128xf32, #tpu.memory_space<vmem>>
    %dma_wait3A_609 = arith.constant 4992 : i32
    %dma_wait3A_610 = tpu.memref_slice %arg9[%dma_wait3A_609] : memref<6400xi32, #tpu.memory_space<vmem>> -> memref<128xi32, #tpu.memory_space<vmem>>
    %dma_wait3A_611 = arith.constant 0 : i32
    %dma_wait3A_612 = tpu.memref_slice %arg2[%dma_wait3A_611] : memref<1000000xf32, #tpu.memory_space<hbm>> -> memref<1000000xf32, #tpu.memory_space<hbm>>
    tpu.wait_indirect_dma semaphore(%arg21 : memref<!tpu.dma_semaphore, #tpu.memory_space<semaphore_mem>>) src(%dma_wait3A_612 : memref<1000000xf32, #tpu.memory_space<hbm>>) dst(%dma_wait3A_608 : memref<128xf32, #tpu.memory_space<vmem>>)
    %dma_wait3A_613 = arith.constant 5120 : i32
    %dma_wait3A_614 = tpu.memref_slice %arg10[%dma_wait3A_613] : memref<6400xf32, #tpu.memory_space<vmem>> -> memref<128xf32, #tpu.memory_space<vmem>>
    %dma_wait3A_615 = arith.constant 5120 : i32
    %dma_wait3A_616 = tpu.memref_slice %arg9[%dma_wait3A_615] : memref<6400xi32, #tpu.memory_space<vmem>> -> memref<128xi32, #tpu.memory_space<vmem>>
    %dma_wait3A_617 = arith.constant 0 : i32
    %dma_wait3A_618 = tpu.memref_slice %arg2[%dma_wait3A_617] : memref<1000000xf32, #tpu.memory_space<hbm>> -> memref<1000000xf32, #tpu.memory_space<hbm>>
    tpu.wait_indirect_dma semaphore(%arg21 : memref<!tpu.dma_semaphore, #tpu.memory_space<semaphore_mem>>) src(%dma_wait3A_618 : memref<1000000xf32, #tpu.memory_space<hbm>>) dst(%dma_wait3A_614 : memref<128xf32, #tpu.memory_space<vmem>>)
    %dma_wait3A_619 = arith.constant 5248 : i32
    %dma_wait3A_620 = tpu.memref_slice %arg10[%dma_wait3A_619] : memref<6400xf32, #tpu.memory_space<vmem>> -> memref<128xf32, #tpu.memory_space<vmem>>
    %dma_wait3A_621 = arith.constant 5248 : i32
    %dma_wait3A_622 = tpu.memref_slice %arg9[%dma_wait3A_621] : memref<6400xi32, #tpu.memory_space<vmem>> -> memref<128xi32, #tpu.memory_space<vmem>>
    %dma_wait3A_623 = arith.constant 0 : i32
    %dma_wait3A_624 = tpu.memref_slice %arg2[%dma_wait3A_623] : memref<1000000xf32, #tpu.memory_space<hbm>> -> memref<1000000xf32, #tpu.memory_space<hbm>>
    tpu.wait_indirect_dma semaphore(%arg21 : memref<!tpu.dma_semaphore, #tpu.memory_space<semaphore_mem>>) src(%dma_wait3A_624 : memref<1000000xf32, #tpu.memory_space<hbm>>) dst(%dma_wait3A_620 : memref<128xf32, #tpu.memory_space<vmem>>)
    %dma_wait3A_625 = arith.constant 5376 : i32
    %dma_wait3A_626 = tpu.memref_slice %arg10[%dma_wait3A_625] : memref<6400xf32, #tpu.memory_space<vmem>> -> memref<128xf32, #tpu.memory_space<vmem>>
    %dma_wait3A_627 = arith.constant 5376 : i32
    %dma_wait3A_628 = tpu.memref_slice %arg9[%dma_wait3A_627] : memref<6400xi32, #tpu.memory_space<vmem>> -> memref<128xi32, #tpu.memory_space<vmem>>
    %dma_wait3A_629 = arith.constant 0 : i32
    %dma_wait3A_630 = tpu.memref_slice %arg2[%dma_wait3A_629] : memref<1000000xf32, #tpu.memory_space<hbm>> -> memref<1000000xf32, #tpu.memory_space<hbm>>
    tpu.wait_indirect_dma semaphore(%arg21 : memref<!tpu.dma_semaphore, #tpu.memory_space<semaphore_mem>>) src(%dma_wait3A_630 : memref<1000000xf32, #tpu.memory_space<hbm>>) dst(%dma_wait3A_626 : memref<128xf32, #tpu.memory_space<vmem>>)
    %dma_wait3A_631 = arith.constant 5504 : i32
    %dma_wait3A_632 = tpu.memref_slice %arg10[%dma_wait3A_631] : memref<6400xf32, #tpu.memory_space<vmem>> -> memref<128xf32, #tpu.memory_space<vmem>>
    %dma_wait3A_633 = arith.constant 5504 : i32
    %dma_wait3A_634 = tpu.memref_slice %arg9[%dma_wait3A_633] : memref<6400xi32, #tpu.memory_space<vmem>> -> memref<128xi32, #tpu.memory_space<vmem>>
    %dma_wait3A_635 = arith.constant 0 : i32
    %dma_wait3A_636 = tpu.memref_slice %arg2[%dma_wait3A_635] : memref<1000000xf32, #tpu.memory_space<hbm>> -> memref<1000000xf32, #tpu.memory_space<hbm>>
    tpu.wait_indirect_dma semaphore(%arg21 : memref<!tpu.dma_semaphore, #tpu.memory_space<semaphore_mem>>) src(%dma_wait3A_636 : memref<1000000xf32, #tpu.memory_space<hbm>>) dst(%dma_wait3A_632 : memref<128xf32, #tpu.memory_space<vmem>>)
    %dma_wait3A_637 = arith.constant 5632 : i32
    %dma_wait3A_638 = tpu.memref_slice %arg10[%dma_wait3A_637] : memref<6400xf32, #tpu.memory_space<vmem>> -> memref<128xf32, #tpu.memory_space<vmem>>
    %dma_wait3A_639 = arith.constant 5632 : i32
    %dma_wait3A_640 = tpu.memref_slice %arg9[%dma_wait3A_639] : memref<6400xi32, #tpu.memory_space<vmem>> -> memref<128xi32, #tpu.memory_space<vmem>>
    %dma_wait3A_641 = arith.constant 0 : i32
    %dma_wait3A_642 = tpu.memref_slice %arg2[%dma_wait3A_641] : memref<1000000xf32, #tpu.memory_space<hbm>> -> memref<1000000xf32, #tpu.memory_space<hbm>>
    tpu.wait_indirect_dma semaphore(%arg21 : memref<!tpu.dma_semaphore, #tpu.memory_space<semaphore_mem>>) src(%dma_wait3A_642 : memref<1000000xf32, #tpu.memory_space<hbm>>) dst(%dma_wait3A_638 : memref<128xf32, #tpu.memory_space<vmem>>)
    %dma_wait3A_643 = arith.constant 5760 : i32
    %dma_wait3A_644 = tpu.memref_slice %arg10[%dma_wait3A_643] : memref<6400xf32, #tpu.memory_space<vmem>> -> memref<128xf32, #tpu.memory_space<vmem>>
    %dma_wait3A_645 = arith.constant 5760 : i32
    %dma_wait3A_646 = tpu.memref_slice %arg9[%dma_wait3A_645] : memref<6400xi32, #tpu.memory_space<vmem>> -> memref<128xi32, #tpu.memory_space<vmem>>
    %dma_wait3A_647 = arith.constant 0 : i32
    %dma_wait3A_648 = tpu.memref_slice %arg2[%dma_wait3A_647] : memref<1000000xf32, #tpu.memory_space<hbm>> -> memref<1000000xf32, #tpu.memory_space<hbm>>
    tpu.wait_indirect_dma semaphore(%arg21 : memref<!tpu.dma_semaphore, #tpu.memory_space<semaphore_mem>>) src(%dma_wait3A_648 : memref<1000000xf32, #tpu.memory_space<hbm>>) dst(%dma_wait3A_644 : memref<128xf32, #tpu.memory_space<vmem>>)
    %dma_wait3A_649 = arith.constant 5888 : i32
    %dma_wait3A_650 = tpu.memref_slice %arg10[%dma_wait3A_649] : memref<6400xf32, #tpu.memory_space<vmem>> -> memref<128xf32, #tpu.memory_space<vmem>>
    %dma_wait3A_651 = arith.constant 5888 : i32
    %dma_wait3A_652 = tpu.memref_slice %arg9[%dma_wait3A_651] : memref<6400xi32, #tpu.memory_space<vmem>> -> memref<128xi32, #tpu.memory_space<vmem>>
    %dma_wait3A_653 = arith.constant 0 : i32
    %dma_wait3A_654 = tpu.memref_slice %arg2[%dma_wait3A_653] : memref<1000000xf32, #tpu.memory_space<hbm>> -> memref<1000000xf32, #tpu.memory_space<hbm>>
    tpu.wait_indirect_dma semaphore(%arg21 : memref<!tpu.dma_semaphore, #tpu.memory_space<semaphore_mem>>) src(%dma_wait3A_654 : memref<1000000xf32, #tpu.memory_space<hbm>>) dst(%dma_wait3A_650 : memref<128xf32, #tpu.memory_space<vmem>>)
    %dma_wait3A_655 = arith.constant 6016 : i32
    %dma_wait3A_656 = tpu.memref_slice %arg10[%dma_wait3A_655] : memref<6400xf32, #tpu.memory_space<vmem>> -> memref<128xf32, #tpu.memory_space<vmem>>
    %dma_wait3A_657 = arith.constant 6016 : i32
    %dma_wait3A_658 = tpu.memref_slice %arg9[%dma_wait3A_657] : memref<6400xi32, #tpu.memory_space<vmem>> -> memref<128xi32, #tpu.memory_space<vmem>>
    %dma_wait3A_659 = arith.constant 0 : i32
    %dma_wait3A_660 = tpu.memref_slice %arg2[%dma_wait3A_659] : memref<1000000xf32, #tpu.memory_space<hbm>> -> memref<1000000xf32, #tpu.memory_space<hbm>>
    tpu.wait_indirect_dma semaphore(%arg21 : memref<!tpu.dma_semaphore, #tpu.memory_space<semaphore_mem>>) src(%dma_wait3A_660 : memref<1000000xf32, #tpu.memory_space<hbm>>) dst(%dma_wait3A_656 : memref<128xf32, #tpu.memory_space<vmem>>)
    %dma_wait3A_661 = arith.constant 6144 : i32
    %dma_wait3A_662 = tpu.memref_slice %arg10[%dma_wait3A_661] : memref<6400xf32, #tpu.memory_space<vmem>> -> memref<128xf32, #tpu.memory_space<vmem>>
    %dma_wait3A_663 = arith.constant 6144 : i32
    %dma_wait3A_664 = tpu.memref_slice %arg9[%dma_wait3A_663] : memref<6400xi32, #tpu.memory_space<vmem>> -> memref<128xi32, #tpu.memory_space<vmem>>
    %dma_wait3A_665 = arith.constant 0 : i32
    %dma_wait3A_666 = tpu.memref_slice %arg2[%dma_wait3A_665] : memref<1000000xf32, #tpu.memory_space<hbm>> -> memref<1000000xf32, #tpu.memory_space<hbm>>
    tpu.wait_indirect_dma semaphore(%arg21 : memref<!tpu.dma_semaphore, #tpu.memory_space<semaphore_mem>>) src(%dma_wait3A_666 : memref<1000000xf32, #tpu.memory_space<hbm>>) dst(%dma_wait3A_662 : memref<128xf32, #tpu.memory_space<vmem>>)
    %dma_wait3A_667 = arith.constant 6272 : i32
    %dma_wait3A_668 = tpu.memref_slice %arg10[%dma_wait3A_667] : memref<6400xf32, #tpu.memory_space<vmem>> -> memref<128xf32, #tpu.memory_space<vmem>>
    %dma_wait3A_669 = arith.constant 6272 : i32
    %dma_wait3A_670 = tpu.memref_slice %arg9[%dma_wait3A_669] : memref<6400xi32, #tpu.memory_space<vmem>> -> memref<128xi32, #tpu.memory_space<vmem>>
    %dma_wait3A_671 = arith.constant 0 : i32
    %dma_wait3A_672 = tpu.memref_slice %arg2[%dma_wait3A_671] : memref<1000000xf32, #tpu.memory_space<hbm>> -> memref<1000000xf32, #tpu.memory_space<hbm>>
    tpu.wait_indirect_dma semaphore(%arg21 : memref<!tpu.dma_semaphore, #tpu.memory_space<semaphore_mem>>) src(%dma_wait3A_672 : memref<1000000xf32, #tpu.memory_space<hbm>>) dst(%dma_wait3A_668 : memref<128xf32, #tpu.memory_space<vmem>>)
    %scan3A_673 = arith.constant 0 : i32
    %scan3A_674 = arith.constant 0 : i32
    %scan3A_675 = arith.constant 400 : i32
    %scan3A_676 = arith.addi %scan3A_674, %scan3A_675 : i32
    %scan3A_677 = arith.constant 1 : i32
    scf.for %scan3A_701 = %scan3A_674 to %scan3A_676 step %scan3A_677  : i32 {
      %mul3A_702 = arith.constant 16 : i32
      %mul3A_703 = arith.muli %scan3A_701, %mul3A_702 : i32
      %get3A = arith.index_cast %mul3A_703 : i32 to index
      %get3A_704 = tpu.vector_load %arg8[%get3A] {strides = array<i32>} : memref<6400xi32, #tpu.memory_space<vmem>>, vector<16xi32>,
      %gather3A = tpu.vector_load_idx %arg11[%get3A_704] : memref<1000xf32, #tpu.memory_space<vmem>>[vector<16xi32>], vector<16xf32>,
      %get3A_705 = arith.constant 0 : index
      %get3A_706 = tpu.vector_load %arg16[%get3A_705] {strides = array<i32>} : memref<16xf32, #tpu.memory_space<vmem>>, vector<16xf32>,
      %get3A_707 = arith.index_cast %mul3A_703 : i32 to index
      %get3A_708 = tpu.vector_load %arg10[%get3A_707] {strides = array<i32>} : memref<6400xf32, #tpu.memory_space<vmem>>, vector<16xf32>,
      %sub3A = arith.subf %gather3A, %get3A_708 : vector<16xf32>
      %add3A_709 = arith.addf %get3A_706, %sub3A : vector<16xf32>
      %swap3A_710 = arith.constant 0 : index
      %swap3A_711 = tpu.vector_load %arg16[%swap3A_710] {strides = array<i32>} : memref<16xf32, #tpu.memory_space<vmem>>, vector<16xf32>,
      tpu.vector_store %arg16[%swap3A_710], %add3A_709 {strides = array<i32>} : memref<16xf32, #tpu.memory_space<vmem>>, vector<16xf32>,
    }
    %scan3A_678 = arith.constant 400 : i32
    "tpu.region"() ({
      %run_scoped3A = tpu.sem_alloc : memref<!tpu.dma_semaphore, #tpu.memory_space<semaphore_mem>>
      %dma_start3A_701 = arith.constant 0 : i32
      %dma_start3A_702 = tpu.memref_slice %arg7[%add3A, %dma_start3A_701] : memref<32x16xf32, #tpu.memory_space<hbm>> -> memref<1x16xf32, #tpu.memory_space<hbm>>
      %dma_start3A_703 = tpu.memref_squeeze %dma_start3A_702 : memref<1x16xf32, #tpu.memory_space<hbm>> -> memref<16xf32, #tpu.memory_space<hbm>>
      %dma_start3A_704 = arith.constant 0 : i32
      %dma_start3A_705 = tpu.memref_slice %arg7[%add3A, %dma_start3A_704] : memref<32x16xf32, #tpu.memory_space<hbm>> -> memref<1x16xf32, #tpu.memory_space<hbm>>
      %dma_start3A_706 = tpu.memref_squeeze %dma_start3A_705 : memref<1x16xf32, #tpu.memory_space<hbm>> -> memref<16xf32, #tpu.memory_space<hbm>>
      tpu.enqueue_dma source(%arg16 : memref<16xf32, #tpu.memory_space<vmem>>) target(%dma_start3A_706 : memref<16xf32, #tpu.memory_space<hbm>>) target_semaphore(%run_scoped3A : memref<!tpu.dma_semaphore, #tpu.memory_space<semaphore_mem>>)
      %dma_wait3A_707 = arith.constant 0 : i32
      %dma_wait3A_708 = tpu.memref_slice %arg7[%add3A, %dma_wait3A_707] : memref<32x16xf32, #tpu.memory_space<hbm>> -> memref<1x16xf32, #tpu.memory_space<hbm>>
      %dma_wait3A_709 = tpu.memref_squeeze %dma_wait3A_708 : memref<1x16xf32, #tpu.memory_space<hbm>> -> memref<16xf32, #tpu.memory_space<hbm>>
      %dma_wait3A_710 = arith.constant 0 : i32
      %dma_wait3A_711 = tpu.memref_slice %arg7[%add3A, %dma_wait3A_710] : memref<32x16xf32, #tpu.memory_space<hbm>> -> memref<1x16xf32, #tpu.memory_space<hbm>>
      %dma_wait3A_712 = tpu.memref_squeeze %dma_wait3A_711 : memref<1x16xf32, #tpu.memory_space<hbm>> -> memref<16xf32, #tpu.memory_space<hbm>>
      tpu.wait_dma2 semaphore(%run_scoped3A : memref<!tpu.dma_semaphore, #tpu.memory_space<semaphore_mem>>) src(%arg16 : memref<16xf32, #tpu.memory_space<vmem>>) dst(%dma_wait3A_712 : memref<16xf32, #tpu.memory_space<hbm>>)
      tpu.yield
    }) : () -> ()
    %add3A_679 = arith.constant 0 : i32
    %add3A_680 = arith.addi %mul3A_4, %add3A_679 : i32
    %dma_wait3A_681 = arith.constant 124 : i32
    %dma_wait3A_682 = arith.constant 0 : i32
    %dma_wait3A_683 = arith.constant 0 : i32
    %dma_wait3A_684 = tpu.memref_slice %arg6[%dma_wait3A_681, %add3A_680, %dma_wait3A_682, %dma_wait3A_683] : memref<125x1600x8x128xf32, #tpu.memory_space<hbm>> -> memref<1x25x8x128xf32, #tpu.memory_space<hbm>>
    %dma_wait3A_685 = tpu.memref_squeeze %dma_wait3A_684 : memref<1x25x8x128xf32, #tpu.memory_space<hbm>> -> memref<25x8x128xf32, #tpu.memory_space<hbm>>
    %dma_wait3A_686 = arith.constant 0 : i32
    %dma_wait3A_687 = arith.constant 0 : i32
    %dma_wait3A_688 = tpu.memref_slice %arg6[%dma_wait3A_681, %add3A_680, %dma_wait3A_686, %dma_wait3A_687] : memref<125x1600x8x128xf32, #tpu.memory_space<hbm>> -> memref<1x25x8x128xf32, #tpu.memory_space<hbm>>
    %dma_wait3A_689 = tpu.memref_squeeze %dma_wait3A_688 : memref<1x25x8x128xf32, #tpu.memory_space<hbm>> -> memref<25x8x128xf32, #tpu.memory_space<hbm>>
    tpu.wait_dma2 semaphore(%arg19 : memref<!tpu.dma_semaphore, #tpu.memory_space<semaphore_mem>>) src(%arg14 : memref<25x8x128xf32, #tpu.memory_space<vmem>>) dst(%dma_wait3A_689 : memref<25x8x128xf32, #tpu.memory_space<hbm>>)
    %add3A_690 = arith.constant 25 : i32
    %add3A_691 = arith.addi %mul3A_4, %add3A_690 : i32
    %dma_wait3A_692 = arith.constant 124 : i32
    %dma_wait3A_693 = arith.constant 0 : i32
    %dma_wait3A_694 = arith.constant 0 : i32
    %dma_wait3A_695 = tpu.memref_slice %arg6[%dma_wait3A_692, %add3A_691, %dma_wait3A_693, %dma_wait3A_694] : memref<125x1600x8x128xf32, #tpu.memory_space<hbm>> -> memref<1x25x8x128xf32, #tpu.memory_space<hbm>>
    %dma_wait3A_696 = tpu.memref_squeeze %dma_wait3A_695 : memref<1x25x8x128xf32, #tpu.memory_space<hbm>> -> memref<25x8x128xf32, #tpu.memory_space<hbm>>
    %dma_wait3A_697 = arith.constant 0 : i32
    %dma_wait3A_698 = arith.constant 0 : i32
    %dma_wait3A_699 = tpu.memref_slice %arg6[%dma_wait3A_692, %add3A_691, %dma_wait3A_697, %dma_wait3A_698] : memref<125x1600x8x128xf32, #tpu.memory_space<hbm>> -> memref<1x25x8x128xf32, #tpu.memory_space<hbm>>
    %dma_wait3A_700 = tpu.memref_squeeze %dma_wait3A_699 : memref<1x25x8x128xf32, #tpu.memory_space<hbm>> -> memref<25x8x128xf32, #tpu.memory_space<hbm>>
    tpu.wait_dma2 semaphore(%arg20 : memref<!tpu.dma_semaphore, #tpu.memory_space<semaphore_mem>>) src(%arg15 : memref<25x8x128xf32, #tpu.memory_space<vmem>>) dst(%dma_wait3A_700 : memref<25x8x128xf32, #tpu.memory_space<hbm>>)
    return
  }
}

module attributes {stable_mosaic.version = 14 : i64} {
  func.func @_lse_body(%arg0: memref<1000x1000xf32, #tpu.memory_space<vmem>>, %arg1: memref<1000x1xf32, #tpu.memory_space<vmem>>) attributes {dimension_semantics = [], scalar_prefetch = 0 : i64, scratch_operands = 0 : i64, tpu.core_type = #tpu.core_type<tc>} {
    %get3A = arith.constant 0 : index
    %get3A_0 = arith.constant 0 : index
    %get3A_1 = vector.load %arg0[%get3A, %get3A_0] : memref<1000x1000xf32, #tpu.memory_space<vmem>>, vector<1000x1000xf32>
    %reduce_max3A = arith.constant dense<0xFF800000> : vector<1000xf32>
    %reduce_max3A_2 = vector.multi_reduction <maximumf>, %get3A_1, %reduce_max3A [1] : vector<1000x1000xf32> to vector<1000xf32>
    %broadcast_in_dim3A = vector.shape_cast %reduce_max3A_2 : vector<1000xf32> to vector<1000x1xf32>
    %sub3A = vector.broadcast %broadcast_in_dim3A : vector<1000x1xf32> to vector<1000x1000xf32>
    %sub3A_3 = arith.subf %get3A_1, %sub3A : vector<1000x1000xf32>
    %exp3A = math.exp %sub3A_3 : vector<1000x1000xf32>
    %reduce_sum3A = arith.constant dense<0.000000e+00> : vector<1000xf32>
    %reduce_sum3A_4 = vector.multi_reduction <add>, %exp3A, %reduce_sum3A [1] : vector<1000x1000xf32> to vector<1000xf32>
    %broadcast_in_dim3A_5 = vector.shape_cast %reduce_sum3A_4 : vector<1000xf32> to vector<1000x1xf32>
    %log3A = math.log %broadcast_in_dim3A_5 : vector<1000x1xf32>
    %add3A = arith.addf %broadcast_in_dim3A, %log3A : vector<1000x1xf32>
    %swap3A = arith.constant 0 : index
    %swap3A_6 = arith.constant 0 : index
    %swap3A_7 = vector.load %arg1[%swap3A, %swap3A_6] : memref<1000x1xf32, #tpu.memory_space<vmem>>, vector<1000x1xf32>
    tpu.vector_store %arg1[%swap3A, %swap3A_6], %add3A {strides = array<i32>} : memref<1000x1xf32, #tpu.memory_space<vmem>>, vector<1000x1xf32>,
    return
  }
}

module attributes {stable_mosaic.version = 14 : i64} {
  func.func @_loss_body(%arg0: memref<32x16xf32, #tpu.memory_space<vmem>>, %arg1: memref<1x1xf32, #tpu.memory_space<smem>>) attributes {dimension_semantics = [], scalar_prefetch = 0 : i64, scratch_operands = 0 : i64, tpu.core_type = #tpu.core_type<tc>} {
    %get3A = arith.constant 0 : index
    %get3A_0 = arith.constant 0 : index
    %get3A_1 = vector.load %arg0[%get3A, %get3A_0] : memref<32x16xf32, #tpu.memory_space<vmem>>, vector<32x16xf32>
    %reduce_sum3A = vector.shape_cast %get3A_1 : vector<32x16xf32> to vector<1x32x16xf32>
    %reduce_sum3A_2 = arith.constant dense<0.000000e+00> : vector<1xf32>
    %reduce_sum3A_3 = vector.multi_reduction <add>, %reduce_sum3A, %reduce_sum3A_2 [1, 2] : vector<1x32x16xf32> to vector<1xf32>
    %reduce_sum3A_4 = vector.shape_cast %reduce_sum3A_3 : vector<1xf32> to vector<1x1x1xf32>
    %reduce_sum3A_5 = vector.extract %reduce_sum3A_4[0, 0, 0] : f32 from vector<1x1x1xf32>
    %mul3A = arith.constant 4.88281239E-6 : f32
    %mul3A_6 = arith.mulf %reduce_sum3A_5, %mul3A : f32
    %swap3A = arith.constant 0 : index
    %swap3A_7 = arith.constant 0 : index
    %swap3A_8 = memref.load %arg1[%swap3A, %swap3A_7] : memref<1x1xf32, #tpu.memory_space<smem>>
    memref.store %mul3A_6, %arg1[%swap3A, %swap3A_7] : memref<1x1xf32, #tpu.memory_space<smem>>
    return
  }
}

</mosaic_0001>

<sc_bundles>
// kernel: kernel.5.cloned.1.call-start
scs
__scs_entry_jumppad:
0x0: {  	(pc) =	sbr.rel $0x88, $3  }
0x1: {  	(tag) =	ssettag $0x0;
	lr =	simm.s32 $0x1  }
0x2: {  	[smem:$0x3F9E] =	sst lr;
	_ =	strace $0xD0000000  }
0x3: {  	_ = 	snop  }
0x4: {  	_ = 	snop  }
0x5: {  	_ = 	snop  }
0x6: {  	_ = 	snop  }
0x7: {  	_ = 	snop  }
__scs_overlays_trampoline_lowered:
0x8: {  	[smem:$0x3FAD] =	sst s0  }
0x9: {  	[smem:$0x3FAE] =	sst s1  }
0xa: {  	[smem:$0x3FAF] =	sst s2  }
0xb: {  	[smem:$0x3FB0] =	sst s3  }
0xc: {  	[smem:$0x3FB1] =	sst s4  }
0xd: {  	[smem:$0x3FB2] =	sst s5  }
0xe: {  	[smem:$0x3FB3] =	sst s6  }
0xf: {  	[smem:$0x3FB4] =	sst s7  }
0x10: {  	[smem:$0x3FB5] =	sst s8  }
0x11: {  	[smem:$0x3FB6] =	sst s9;
	s0 =	simm.s32 @!p0 $0x0  }
0x12: {  	s1 =	sld [smem:$0x3F9C];
	s0 =	simm.s32 @p0 $0x1  }
0x13: {  	[smem:$0x3FB7] =	sst s0;
	s0 =	simm.s32 @!p1 $0x0  }
0x14: {  	s2 =	sld [smem:$0x3F9B];
	s0 =	simm.s32 @p1 $0x1  }
0x15: {  	[smem:$0x3FB8] =	sst s0;
	s0 =	simm.s32 @!p2 $0x0  }
0x16: {  	s3 =	sld [smem:$0x3FDB];
	s0 =	simm.s32 @p2 $0x1  }
0x17: {  	s4 =	simm.s32 $0x1BF5;
	[smem:$0x3FBA] =	sst s0  }
0x18: {  	s0 =	sld [smem:$0x3F9D];
	_ =	swait.ge [sflag:s4], $0x0  }
0x19: {  	s7 =	sld [smem:$0x3F9E]  }
0x1a: {  	s8 =	sadd.s32 $0xFFFFE003, lr  }
0x1b: {  	s9 =	sadd.s32 $0xFFFFFEF7, lr;
	s5 =	simm.s32 $0xFFFFFFFF;
	p2 =	slt.u32 s8, $0xFFFFF086  }
0x1c: {  	p1 =	slt.u32 s9, $0xF7A;
	s5 =	simm.s32 @!p2 $0x0  }
0x1d: {  	s5 =	simm.s32 @p1 $0x1;
	p0 =	seq.s32 s7, s2  }
0x1e: {  	s7 =	smul.u32 @!p0 $0xF7A, s2;
	p2 =	seq.s32 @!p0 s5, $0x0  }
0x1f: {  	s9 =	smul.u32 $0xF7A, s1;
	s8 =	simm.s32 @!p0 $0x1BF5;
	p2 =	por !p2, p0  }
0x20: {  	[sflag:s8] =	ssyncset.s32 @!p0 $0xFFFFF086;
	s6 =	sadd.s32 @!p0 s3, s7;
	s7 =	simm.s32 @!p0 $0x108  }
0x21: {  	s3 =	sadd.s32 s3, s9;
	s6 =	sadd.s32 @!p0 $0x88, s6;
	s7 =	simm.s32 @p2 $0x1082  }
0x22: {  	[simem:s7], [sflag:s8] =	dma.local @!p0 [hbm:s6], $0xF7A  }
0x23: {  	s9 =	sor.u32 $0xD0000000, s2;
	s6 =	simm.s32 $0x108;
	_ =	swait.ge @!p0 [sflag:s8], $0x0  }
0x24: {  	s3 =	sadd.s32 $0x88, s3;
	s6 =	simm.s32 @!p1 $0x1082;
	[sflag:s4] =	ssyncset.s32 $0xFFFFF086  }
0x25: {  	[simem:s6], [sflag:s4] =	dma.local [hbm:s3], $0xF7A  }
0x26: {  	[smem:$0x3F9E] =	sst s1;
	(tag) =	ssettag s2;
	_ =	strace s9  }
0x27: {  	s1 =	sld [smem:$0x3FAE]  }
0x28: {  	s2 =	sld [smem:$0x3FAF]  }
0x29: {  	s4 =	sld [smem:$0x3FB1]  }
0x2a: {  	p0 =	seq.s32 s5, $0x0;
	s5 =	sld [smem:$0x3FB2]  }
0x2b: {  	s6 =	sld [smem:$0x3FB3]  }
0x2c: {  	s7 =	sld [smem:$0x3FB4]  }
0x2d: {  	s3 =	simm.s32 $0x108;
	s8 =	sld [smem:$0x3FB5]  }
0x2e: {  	s3 =	simm.s32 @!p0 $0x1082;
	s9 =	sld [smem:$0x3FB6]  }
0x2f: {  	lr =	sadd.s32 s0, s3;
	s0 =	sld [smem:$0x3FAD]  }
0x30: {  	s3 =	sld [smem:$0x3FB0]  }
0x31: {  	[smem:$0x3FB9] =	sst s10  }
0x32: {  	s10 =	sld [smem:$0x3FB7];
	_ =	sdelay $0x3  }
0x33: {  	p0 =	seq.s32 s10, $0x1;
	s10 =	sld [smem:$0x3FB9];
	_ =	sdelay $0x3  }
0x34: {  	[smem:$0x3FB9] =	sst s10  }
0x35: {  	s10 =	sld [smem:$0x3FB8];
	_ =	sdelay $0x3  }
0x36: {  	p1 =	seq.s32 s10, $0x1;
	s10 =	sld [smem:$0x3FB9];
	_ =	sdelay $0x3  }
0x37: {  	[smem:$0x3FB9] =	sst s10  }
0x38: {  	s10 =	sld [smem:$0x3FBA]  }
0x39: {  	_ = 	snop;
	(pc) =	sbr.ind lr, $3  }
0x3a: {  	_ = 	snop  }
0x3b: {  	_ = 	snop  }
0x3c: {  	p2 =	seq.s32 s10, $0x1;
	s10 =	sld [smem:$0x3FB9]  }
0x3d: {  	_ =	shalt  }
0x3e: {  	_ =	shalt  }
0x3f: {  	_ =	shalt  }
0x40: {  	_ =	shalt  }
0x41: {  	_ =	shalt  }
0x42: {  	_ =	shalt  }
0x43: {  	_ =	shalt  }
0x44: {  	_ =	shalt  }
0x45: {  	_ =	shalt  }
0x46: {  	_ =	shalt  }
0x47: {  	_ =	shalt  }
0x48: {  	_ =	shalt  }
0x49: {  	_ =	shalt  }
0x4a: {  	_ =	shalt  }
0x4b: {  	_ =	shalt  }
0x4c: {  	_ =	shalt  }
0x4d: {  	_ =	shalt  }
0x4e: {  	_ =	shalt  }
0x4f: {  	_ =	shalt  }
0x50: {  	_ =	shalt  }
0x51: {  	_ =	shalt  }
0x52: {  	_ =	shalt  }
0x53: {  	_ =	shalt  }
0x54: {  	_ =	shalt  }
0x55: {  	_ =	shalt  }
0x56: {  	_ =	shalt  }
0x57: {  	_ =	shalt  }
0x58: {  	_ =	shalt  }
0x59: {  	_ =	shalt  }
0x5a: {  	_ =	shalt  }
0x5b: {  	_ =	shalt  }
0x5c: {  	_ =	shalt  }
0x5d: {  	_ =	shalt  }
0x5e: {  	_ =	shalt  }
0x5f: {  	_ =	shalt  }
0x60: {  	_ =	shalt  }
0x61: {  	_ =	shalt  }
0x62: {  	_ =	shalt  }
0x63: {  	_ =	shalt  }
0x64: {  	_ =	shalt  }
0x65: {  	_ =	shalt  }
0x66: {  	_ =	shalt  }
0x67: {  	_ =	shalt  }
0x68: {  	_ =	shalt  }
0x69: {  	_ =	shalt  }
0x6a: {  	_ =	shalt  }
0x6b: {  	_ =	shalt  }
0x6c: {  	_ =	shalt  }
0x6d: {  	_ =	shalt  }
0x6e: {  	_ =	shalt  }
0x6f: {  	_ =	shalt  }
0x70: {  	_ =	shalt  }
0x71: {  	_ =	shalt  }
0x72: {  	_ =	shalt  }
0x73: {  	_ =	shalt  }
0x74: {  	_ =	shalt  }
0x75: {  	_ =	shalt  }
0x76: {  	_ =	shalt  }
0x77: {  	_ =	shalt  }
0x78: {  	_ =	shalt  }
0x79: {  	_ =	shalt  }
0x7a: {  	_ =	shalt  }
0x7b: {  	_ =	shalt  }
0x7c: {  	_ =	shalt  }
0x7d: {  	_ =	shalt  }
0x7e: {  	_ =	shalt  }
0x7f: {  	_ =	shalt  }
0x80: {  	_ =	shalt  }
0x81: {  	_ =	shalt  }
0x82: {  	_ =	shalt  }
0x83: {  	_ =	shalt  }
0x84: {  	_ =	shalt  }
0x85: {  	_ =	shalt  }
0x86: {  	_ =	shalt  }
0x87: {  	_ =	shalt  }
.Lfunc_end0:
.L_simem_size_0:
called_computation_lowered:
.L_overlay_start_0:
0x88: {  	s2 =	sld [smem:$0x3FD9]  }
0x89: {  	s3 =	sld [smem:$0x3FFE];
	_ =	sdelay $0x1  }
0x8a: {  	s1 =	srdreg.scid  }
0x8b: {  	s0 =	sand.u32 $0x1, s1  }
0x8c: {  	s14 =	sshll.u32 s0, $0xA;
	s2 =	sadd.s32 s3, s2  }
0x8d: {  	s2 =	sadd.s32 s2, s14  }
0x8e: {  	[smem:$0x3FC5] =	sst s2  }
0x8f: {  	_ = 	snop  }
0x90: {  	s2 =	sld [smem:$0x3FD0];
	_ =	sdelay $0x2  }
0x91: {  	s15 =	simm.s32 $0xA;
	s4 =	simm.s32 $0x10  }
0x92: {  	[smem:s4], [sflag:s15] =	dma.local [hbm:s2], $0x1  }
0x93: {  	_ =	swait.eq [sflag:s15], $0x1  }
0x94: {  	[sflag:s15] =	ssyncset.done $0x0  }
0x95: {  	[sflag:s15] =	ssyncadd.s32 $0xFFFFFFFF  }
0x96: {  	s16 =	sld [smem:$0x10];
	(tm) =	ssettm $0x1  }
0x97: {  	s17 =	sld [smem:$0x3FFB];
	_ =	sdelay $0x3  }
0x98: {  	_ =	strace s17  }
0x99: {  	s3 =	sld [smem:$0x3FFC];
	_ =	sdelay $0x3  }
0x9a: {  	_ =	strace s3  }
0x9b: {  	s3 =	sld [smem:$0x3FFD];
	_ =	sdelay $0x3  }
0x9c: {  	_ =	strace s3  }
0x9d: {  	_ =	strace $0x8FFFFFFF  }
0x9e: {  	s18 =	sld [smem:$0x3FDB];
	_ =	sdelay $0x1  }
0x9f: {  	s19 =	simm.s32 $_scs_section_size  }
0xa0: {  	s5 =	simm.s32 $_size__tile_overlayer_lowered;
	s6 =	simm.s32 $_tile_overlayer_lowered  }
0xa1: {  	s22 =	simm.s32 $0x1BFF;
	s21 =	sshll.u32 s6, $0x1;
	s3 =	sadd.s32 s19, s18  }
0xa2: {  	s7 =	simm.s32 $0x0;
	s20 =	sshll.u32 s5, $0x1;
	s5 =	sadd.s32 s21, s3  }
0xa3: {  	[timem:s7], [sflag:s22] =	dma.local [hbm:s5], s20  }
0xa4: {  	_ =	swait.ge [sflag:s22], s20  }
0xa5: {  	s4 =	ssub.s32 $0x0, s20;
	[sflag:s22] =	ssyncset.done $0x0  }
0xa6: {  	[sflag:s22] =	ssyncadd.s32 s4;
	_ =	sdelay $0x1  }
0xa7: {  	s23 =	simm.s32 $0x1B8B  }
0xa8: {  	_ =	swait.ge [sflag:s23], $0x1  }
0xa9: {  	[sflag:s23] =	ssyncset.done $0x0  }
0xaa: {  	s25 =	simm.s32 $0x1B8E;
	s24 =	sld [smem:$0x3FFE];
	[sflag:s23] =	ssyncadd.s32 $0xFFFFFFFF  }
0xab: {  	s26 =	simm.s32 $execute0_lowered;
	[smem:$0x3FD2] =	sst s25  }
0xac: {  	s5 =	sshll.u32 s26, $0x1;
	_ =	strace $0x80000046;
	[dreg:$0x1] =	wrdreg $0xFFFFFFFF  }
0xad: {  	s28 =	simm.s32 $_size_execute0_lowered;
	s3 =	sadd.s32 s3, s5;
	[dreg:$0x0] =	wrdreg $0x0  }
0xae: {  	s5 =	sshll.u32 s28, $0x1;
	[dreg:$0x2] =	wrdreg s3  }
0xaf: {  	[dreg:$0x3] =	wrdreg s5  }
0xb0: {  	[dreg:$0x4] =	wrdreg $0xC0  }
0xb1: {  	_ =	task [dreg:s7], $0x5FFFF  }
0xb2: {  	[dreg:$0x1] =	wrdreg $0xFFFFFFFF  }
0xb3: {  	[dreg:$0x0] =	wrdreg $0x60  }
0xb4: {  	[dreg:$0x2] =	wrdreg s24  }
0xb5: {  	[dreg:$0x3] =	wrdreg s16  }
0xb6: {  	[dreg:$0x4] =	wrdreg $0x9  }
0xb7: {  	_ =	task.clear_ibuf [dreg:s7], $0x5FFFF;
	_ =	strace $0x90000046  }
0xb8: {  	s29 =	simm.s32 $0x9;
	_ =	strace $0x80000048  }
0xb9: {  	_ =	swait.ge [sflag:s29], $0x1  }
0xba: {  	[sflag:s29] =	ssyncadd.s32 $0xFFFFFFFF  }
0xbb: {  	_ =	strace $0x90000048  }
0xbc: {  	_ =	sfence  }
0xbd: {  	s30 =	sld [smem:$0x0];
	_ =	sdelay $0x2  }
0xbe: {  	s31 =	sshll.u32 s1, $0xD;
	s1 =	sshrl.u32 s1, $0x2  }
0xbf: {  	s3 =	sand.u32 $0x4000, s31;
	s1 =	sadd.s32 s1, s30  }
0xc0: {  	s0 =	sor.u32 s3, s0;
	s1 =	sshll.u32 s1, $0x11  }
0xc1: {  	s0 =	sor.u32 s1, s0  }
0xc2: {  	s0 =	sadd.s32 $0x8F2B, s0  }
0xc3: {  	[sflag:s0] =	ssyncadd.remote.s32 $0x1  }
0xc4: {  	_ =	sfence.sel $0xFFFF  }
0xc5: {  	[dreg:$0x0] =	wrdreg $0xFFFFFFFF;
	(pc) =	sbr.abs _section_cstart, $3  }
0xc6: {  	[dreg:$0x1] =	wrdreg $0xFFFFFFFF  }
0xc7: {  	_ =	task.clear_ibuf [dreg:s7], $0x2FFFF;
	_ =	strace $0x9FFFFFFF  }
0xc8: {  	(tm) =	ssettm $0x7FFFFFFF  }
0xc9: {  	_ =	shalt  }
tec
execute0_lowered:
.L_overlay_start_1:
0x0: {  	(tag) =	ssettag $0x1  }
0x1: {  	s0 =	rddreg [dreg:$0x0];
	s1 =	srdreg.scid  }
0x2: {  	s3 =	stileid.u32;
	s2 =	rddreg [dreg:$0x1]  }
0x3: {  	s14 =	simm.s32 $0x4EE8;
	s15 =	simm.s32 $0x6;
	s16 =	simm.s32 $0x1900  }
0x4: {  	s17 =	simm.s32 $0x4B00;
	s18 =	simm.s32 $0x80;
	s20 =	simm.s32 $0x1  }
0x5: {  	s21 =	simm.s32 $0x6E28;
	s22 =	simm.s32 $0x8D68;
	s23 =	simm.s32 $0xF168  }
0x6: {  	s24 =	simm.s32 $0x2;
	s25 =	simm.s32 $0x3;
	s26 =	simm.s32 $0x4  }
0x7: {  	s28 =	simm.s32 $0x5;
	s1 =	sand.u32 $0x1, s1;
	s4 =	sshll.u32 s3, $0x1  }
0x8: {  	s30 =	simm.s32 $0x0;
	s3 =	simm.s32 $0x0;
	s7 =	sor.u32 s1, s4  }
0x9: {  	s6 =	sadd.s32 $0x2BC00, s0;
	s1 =	ssub.s32 $0x2, s1;
	s5 =	smul.u32 $0x320, s7  }
0xa: {  	[smem:$0x7FF] =	sst s3;
	s4 =	sadd.s32 $0xD200, s0;
	s31 =	sshrl.u32 s1, $0x1  }
0xb: {  	s1 =	ssub.s32 s1, s31;
	s8 =	sadd.s32 s5, s0;
	s5 =	smul.u32 $0xC800, s7  }
0xc: {  	_ =	strace $0x80000047;
	s7 =	sshll.u32 s7, $0x1;
	s13 =	smax.u32 s1, $0x1  }
0xd: {  	s0 =	sadd.s32 s7, s0;
	s7 =	sadd.s32 $0xA00, s8;
	s9 =	sshrl.u32 s5, $0x3  }
0xe: {  	s8 =	sadd.s32 $0x6E00, s8;
	s12 =	sadd.s32 $0x2BE00, s0;
	s11 =	sadd.s32 s2, s9  }
0xf: {  	v0 =	vimm.f32 $0.0e+00;
	s9 =	sadd.s32 $0x6400, s5;
	s10 =	sadd.s32 $0x1838000, s11;
	s11 =	sadd.s32 $0x1838C80, s11  }
.LBB2_1:
0x10: {  	[tilespmem:s14], [sflag:$0x1] =	stream.linear.gather [hbm4b:s4+s3], $0x1F40, $0x38;
	[tilespmem:$0x15578] =	vst v63  }
0x11: {  	_ = 	snop  }
0x12: {  	[tilespmem:s3], [sflag:$0x6] =	stream.linear.gather [hbm4b:s7+s3], $0x1900, $0x38;
	[tilespmem:$0x15578] =	vst v63  }
0x13: {  	_ =	swait.ge [sflag:s15], $0x1900  }
0x14: {  	[sflag:s15] =	ssyncset.done $0x0  }
0x15: {  	[sflag:s15] =	ssyncadd.s32 $0xFFFFE700  }
0x16: {  	[tilespmem:s16], [sflag:$0x6] =	stream.linear.gather [hbm4b:s8+s3], $0x1900, $0x38;
	[tilespmem:$0x15578] =	vst v63  }
0x17: {  	_ =	swait.ge [sflag:s15], $0x1900  }
0x18: {  	[sflag:s15] =	ssyncset.done $0x0  }
0x19: {  	[sflag:s15] =	ssyncadd.s32 $0xFFFFE700  }
0x1a: {  	[tilespmem:s17], [sflag:$0x6] =	stream.linear.gather [hbm4b:s6+s3], $0x3E8, $0x38;
	[tilespmem:$0x15578] =	vst v63  }
0x1b: {  	_ =	swait.ge [sflag:s15], $0x3E8  }
0x1c: {  	[sflag:s15] =	ssyncset.done $0x0  }
0x1d: {  	[sflag:s15] =	ssyncadd.s32 $0xFFFFFC18  }
0x1e: {  	s0 =	simm.s32 $0x0;
	s1 =	simm.s32 $0x40;
	[tilespmem:$0x15568] =	vst v0  }
.LBB2_2:
0x1f: {  	p0 =	sne.s32 s1, $0x63C0;
	v1 =	vld [tilespmem:s0+$0x1900];
	_ =	sdelay $0x1  }
0x20: {  	v2 =	vld [tilespmem:s0+$0x0];
	_ =	sdelay $0x1  }
.Ltmp0:
0x21: {  	(pc) =	sbr.rel @p0 .LBB2_2-.Ltmp0, $3  }
0x22: {  	v1 =	vmul.u32 $0x3E8, v1;
	_ =	sdelay $0x1  }
0x23: {  	v1 =	vadd.s32 v2, v1  }
0x24: {  	[tilespmem:s0+$0x1900] =	vst v1;
	s0 =	sshra.s32 s1, $0x2;
	s1 =	sadd.s32 $0x40, s1  }
0x25: {  	v1 =	vld [tilespmem:s0+$0x1900];
	_ =	sdelay $0x1  }
0x26: {  	v2 =	vld [tilespmem:s0+$0x0];
	_ =	sdelay $0x2  }
0x27: {  	v1 =	vmul.u32 $0x3E8, v1;
	_ =	sdelay $0x1  }
0x28: {  	v1 =	vadd.s32 v2, v1  }
0x29: {  	s19 =	simm.s32 $0x3200;
	[tilespmem:s0+$0x1900] =	vst v1  }
0x2a: {  	[tilespmem:s19], [sflag:$0x5] =	stream.indirect.gather [hbm4b:s4+s18], $0x1, s16, s18, $0xb8;
	[tilespmem:$0x15578] =	vst v63  }
0x2b: {  	s29 =	simm.s32 $0x1980;
	s1 =	simm.s32 $0x3280  }
0x2c: {  	[tilespmem:s1], [sflag:$0x5] =	stream.indirect.gather [hbm4b:s4+s18], $0x1, s29, s18, $0xb8;
	[tilespmem:$0x15578] =	vst v63  }
0x2d: {  	s16 =	simm.s32 $0x3300;
	s1 =	simm.s32 $0x1A00  }
0x2e: {  	[tilespmem:s16], [sflag:$0x5] =	stream.indirect.gather [hbm4b:s4+s18], $0x1, s1, s18, $0xb8;
	[tilespmem:$0x15578] =	vst v63  }
0x2f: {  	s19 =	simm.s32 $0x1A80;
	s29 =	simm.s32 $0x3380  }
0x30: {  	[tilespmem:s29], [sflag:$0x5] =	stream.indirect.gather [hbm4b:s4+s18], $0x1, s19, s18, $0xb8;
	[tilespmem:$0x15578] =	vst v63  }
0x31: {  	s1 =	simm.s32 $0x1B00;
	s16 =	simm.s32 $0x3400  }
0x32: {  	[tilespmem:s16], [sflag:$0x5] =	stream.indirect.gather [hbm4b:s4+s18], $0x1, s1, s18, $0xb8;
	[tilespmem:$0x15578] =	vst v63  }
0x33: {  	s19 =	simm.s32 $0x1B80;
	s29 =	simm.s32 $0x3480  }
0x34: {  	[tilespmem:s29], [sflag:$0x5] =	stream.indirect.gather [hbm4b:s4+s18], $0x1, s19, s18, $0xb8;
	[tilespmem:$0x15578] =	vst v63  }
0x35: {  	s1 =	simm.s32 $0x1C00;
	s16 =	simm.s32 $0x3500  }
0x36: {  	[tilespmem:s16], [sflag:$0x5] =	stream.indirect.gather [hbm4b:s4+s18], $0x1, s1, s18, $0xb8;
	[tilespmem:$0x15578] =	vst v63  }
0x37: {  	s19 =	simm.s32 $0x1C80;
	s29 =	simm.s32 $0x3580  }
0x38: {  	[tilespmem:s29], [sflag:$0x5] =	stream.indirect.gather [hbm4b:s4+s18], $0x1, s19, s18, $0xb8;
	[tilespmem:$0x15578] =	vst v63  }
0x39: {  	s1 =	simm.s32 $0x1D00;
	s16 =	simm.s32 $0x3600  }
0x3a: {  	[tilespmem:s16], [sflag:$0x5] =	stream.indirect.gather [hbm4b:s4+s18], $0x1, s1, s18, $0xb8;
	[tilespmem:$0x15578] =	vst v63  }
0x3b: {  	s19 =	simm.s32 $0x1D80;
	s29 =	simm.s32 $0x3680  }
0x3c: {  	[tilespmem:s29], [sflag:$0x5] =	stream.indirect.gather [hbm4b:s4+s18], $0x1, s19, s18, $0xb8;
	[tilespmem:$0x15578] =	vst v63  }
0x3d: {  	s1 =	simm.s32 $0x1E00;
	s16 =	simm.s32 $0x3700  }
0x3e: {  	[tilespmem:s16], [sflag:$0x5] =	stream.indirect.gather [hbm4b:s4+s18], $0x1, s1, s18, $0xb8;
	[tilespmem:$0x15578] =	vst v63  }
0x3f: {  	s19 =	simm.s32 $0x1E80;
	s29 =	simm.s32 $0x3780  }
0x40: {  	[tilespmem:s29], [sflag:$0x5] =	stream.indirect.gather [hbm4b:s4+s18], $0x1, s19, s18, $0xb8;
	[tilespmem:$0x15578] =	vst v63  }
0x41: {  	s1 =	simm.s32 $0x1F00;
	s16 =	simm.s32 $0x3800  }
0x42: {  	[tilespmem:s16], [sflag:$0x5] =	stream.indirect.gather [hbm4b:s4+s18], $0x1, s1, s18, $0xb8;
	[tilespmem:$0x15578] =	vst v63  }
0x43: {  	s19 =	simm.s32 $0x1F80;
	s29 =	simm.s32 $0x3880  }
0x44: {  	[tilespmem:s29], [sflag:$0x5] =	stream.indirect.gather [hbm4b:s4+s18], $0x1, s19, s18, $0xb8;
	[tilespmem:$0x15578] =	vst v63  }
0x45: {  	s1 =	simm.s32 $0x2000;
	s16 =	simm.s32 $0x3900  }
0x46: {  	[tilespmem:s16], [sflag:$0x5] =	stream.indirect.gather [hbm4b:s4+s18], $0x1, s1, s18, $0xb8;
	[tilespmem:$0x15578] =	vst v63  }
0x47: {  	s19 =	simm.s32 $0x2080;
	s29 =	simm.s32 $0x3980  }
0x48: {  	[tilespmem:s29], [sflag:$0x5] =	stream.indirect.gather [hbm4b:s4+s18], $0x1, s19, s18, $0xb8;
	[tilespmem:$0x15578] =	vst v63  }
0x49: {  	s1 =	simm.s32 $0x2100;
	s16 =	simm.s32 $0x3A00  }
0x4a: {  	[tilespmem:s16], [sflag:$0x5] =	stream.indirect.gather [hbm4b:s4+s18], $0x1, s1, s18, $0xb8;
	[tilespmem:$0x15578] =	vst v63  }
0x4b: {  	s19 =	simm.s32 $0x2180;
	s29 =	simm.s32 $0x3A80  }
0x4c: {  	[tilespmem:s29], [sflag:$0x5] =	stream.indirect.gather [hbm4b:s4+s18], $0x1, s19, s18, $0xb8;
	[tilespmem:$0x15578] =	vst v63  }
0x4d: {  	s1 =	simm.s32 $0x2200;
	s16 =	simm.s32 $0x3B00  }
0x4e: {  	[tilespmem:s16], [sflag:$0x5] =	stream.indirect.gather [hbm4b:s4+s18], $0x1, s1, s18, $0xb8;
	[tilespmem:$0x15578] =	vst v63  }
0x4f: {  	s19 =	simm.s32 $0x2280;
	s29 =	simm.s32 $0x3B80  }
0x50: {  	[tilespmem:s29], [sflag:$0x5] =	stream.indirect.gather [hbm4b:s4+s18], $0x1, s19, s18, $0xb8;
	[tilespmem:$0x15578] =	vst v63  }
0x51: {  	s1 =	simm.s32 $0x2300;
	s16 =	simm.s32 $0x3C00  }
0x52: {  	[tilespmem:s16], [sflag:$0x5] =	stream.indirect.gather [hbm4b:s4+s18], $0x1, s1, s18, $0xb8;
	[tilespmem:$0x15578] =	vst v63  }
0x53: {  	s19 =	simm.s32 $0x2380;
	s29 =	simm.s32 $0x3C80  }
0x54: {  	[tilespmem:s29], [sflag:$0x5] =	stream.indirect.gather [hbm4b:s4+s18], $0x1, s19, s18, $0xb8;
	[tilespmem:$0x15578] =	vst v63  }
0x55: {  	s1 =	simm.s32 $0x2400;
	s16 =	simm.s32 $0x3D00  }
0x56: {  	[tilespmem:s16], [sflag:$0x5] =	stream.indirect.gather [hbm4b:s4+s18], $0x1, s1, s18, $0xb8;
	[tilespmem:$0x15578] =	vst v63  }
0x57: {  	s19 =	simm.s32 $0x2480;
	s29 =	simm.s32 $0x3D80  }
0x58: {  	[tilespmem:s29], [sflag:$0x5] =	stream.indirect.gather [hbm4b:s4+s18], $0x1, s19, s18, $0xb8;
	[tilespmem:$0x15578] =	vst v63  }
0x59: {  	s1 =	simm.s32 $0x2500;
	s16 =	simm.s32 $0x3E00  }
0x5a: {  	[tilespmem:s16], [sflag:$0x5] =	stream.indirect.gather [hbm4b:s4+s18], $0x1, s1, s18, $0xb8;
	[tilespmem:$0x15578] =	vst v63  }
0x5b: {  	s19 =	simm.s32 $0x2580;
	s29 =	simm.s32 $0x3E80  }
0x5c: {  	[tilespmem:s29], [sflag:$0x5] =	stream.indirect.gather [hbm4b:s4+s18], $0x1, s19, s18, $0xb8;
	[tilespmem:$0x15578] =	vst v63  }
0x5d: {  	s1 =	simm.s32 $0x2600;
	s16 =	simm.s32 $0x3F00  }
0x5e: {  	[tilespmem:s16], [sflag:$0x5] =	stream.indirect.gather [hbm4b:s4+s18], $0x1, s1, s18, $0xb8;
	[tilespmem:$0x15578] =	vst v63  }
0x5f: {  	s19 =	simm.s32 $0x2680;
	s29 =	simm.s32 $0x3F80  }
0x60: {  	[tilespmem:s29], [sflag:$0x5] =	stream.indirect.gather [hbm4b:s4+s18], $0x1, s19, s18, $0xb8;
	[tilespmem:$0x15578] =	vst v63  }
0x61: {  	s1 =	simm.s32 $0x2700;
	s16 =	simm.s32 $0x4000  }
0x62: {  	[tilespmem:s16], [sflag:$0x5] =	stream.indirect.gather [hbm4b:s4+s18], $0x1, s1, s18, $0xb8;
	[tilespmem:$0x15578] =	vst v63  }
0x63: {  	s19 =	simm.s32 $0x2780;
	s29 =	simm.s32 $0x4080  }
0x64: {  	[tilespmem:s29], [sflag:$0x5] =	stream.indirect.gather [hbm4b:s4+s18], $0x1, s19, s18, $0xb8;
	[tilespmem:$0x15578] =	vst v63  }
0x65: {  	s1 =	simm.s32 $0x2800;
	s16 =	simm.s32 $0x4100  }
0x66: {  	[tilespmem:s16], [sflag:$0x5] =	stream.indirect.gather [hbm4b:s4+s18], $0x1, s1, s18, $0xb8;
	[tilespmem:$0x15578] =	vst v63  }
0x67: {  	s19 =	simm.s32 $0x2880;
	s29 =	simm.s32 $0x4180  }
0x68: {  	[tilespmem:s29], [sflag:$0x5] =	stream.indirect.gather [hbm4b:s4+s18], $0x1, s19, s18, $0xb8;
	[tilespmem:$0x15578] =	vst v63  }
0x69: {  	s1 =	simm.s32 $0x2900;
	s16 =	simm.s32 $0x4200  }
0x6a: {  	[tilespmem:s16], [sflag:$0x5] =	stream.indirect.gather [hbm4b:s4+s18], $0x1, s1, s18, $0xb8;
	[tilespmem:$0x15578] =	vst v63  }
0x6b: {  	s19 =	simm.s32 $0x2980;
	s29 =	simm.s32 $0x4280  }
0x6c: {  	[tilespmem:s29], [sflag:$0x5] =	stream.indirect.gather [hbm4b:s4+s18], $0x1, s19, s18, $0xb8;
	[tilespmem:$0x15578] =	vst v63  }
0x6d: {  	s1 =	simm.s32 $0x2A00;
	s16 =	simm.s32 $0x4300  }
0x6e: {  	[tilespmem:s16], [sflag:$0x5] =	stream.indirect.gather [hbm4b:s4+s18], $0x1, s1, s18, $0xb8;
	[tilespmem:$0x15578] =	vst v63  }
0x6f: {  	s19 =	simm.s32 $0x2A80;
	s29 =	simm.s32 $0x4380  }
0x70: {  	[tilespmem:s29], [sflag:$0x5] =	stream.indirect.gather [hbm4b:s4+s18], $0x1, s19, s18, $0xb8;
	[tilespmem:$0x15578] =	vst v63  }
0x71: {  	s1 =	simm.s32 $0x2B00;
	s16 =	simm.s32 $0x4400  }
0x72: {  	[tilespmem:s16], [sflag:$0x5] =	stream.indirect.gather [hbm4b:s4+s18], $0x1, s1, s18, $0xb8;
	[tilespmem:$0x15578] =	vst v63  }
0x73: {  	s19 =	simm.s32 $0x2B80;
	s29 =	simm.s32 $0x4480  }
0x74: {  	[tilespmem:s29], [sflag:$0x5] =	stream.indirect.gather [hbm4b:s4+s18], $0x1, s19, s18, $0xb8;
	[tilespmem:$0x15578] =	vst v63  }
0x75: {  	s1 =	simm.s32 $0x2C00;
	s16 =	simm.s32 $0x4500  }
0x76: {  	[tilespmem:s16], [sflag:$0x5] =	stream.indirect.gather [hbm4b:s4+s18], $0x1, s1, s18, $0xb8;
	[tilespmem:$0x15578] =	vst v63  }
0x77: {  	s19 =	simm.s32 $0x2C80;
	s29 =	simm.s32 $0x4580  }
0x78: {  	[tilespmem:s29], [sflag:$0x5] =	stream.indirect.gather [hbm4b:s4+s18], $0x1, s19, s18, $0xb8;
	[tilespmem:$0x15578] =	vst v63  }
0x79: {  	s1 =	simm.s32 $0x2D00;
	s16 =	simm.s32 $0x4600  }
0x7a: {  	[tilespmem:s16], [sflag:$0x5] =	stream.indirect.gather [hbm4b:s4+s18], $0x1, s1, s18, $0xb8;
	[tilespmem:$0x15578] =	vst v63  }
0x7b: {  	s19 =	simm.s32 $0x2D80;
	s29 =	simm.s32 $0x4680  }
0x7c: {  	[tilespmem:s29], [sflag:$0x5] =	stream.indirect.gather [hbm4b:s4+s18], $0x1, s19, s18, $0xb8;
	[tilespmem:$0x15578] =	vst v63  }
0x7d: {  	s1 =	simm.s32 $0x2E00;
	s16 =	simm.s32 $0x4700  }
0x7e: {  	[tilespmem:s16], [sflag:$0x5] =	stream.indirect.gather [hbm4b:s4+s18], $0x1, s1, s18, $0xb8;
	[tilespmem:$0x15578] =	vst v63  }
0x7f: {  	s19 =	simm.s32 $0x2E80;
	s29 =	simm.s32 $0x4780  }
0x80: {  	[tilespmem:s29], [sflag:$0x5] =	stream.indirect.gather [hbm4b:s4+s18], $0x1, s19, s18, $0xb8;
	[tilespmem:$0x15578] =	vst v63  }
0x81: {  	s1 =	simm.s32 $0x2F00;
	s16 =	simm.s32 $0x4800  }
0x82: {  	[tilespmem:s16], [sflag:$0x5] =	stream.indirect.gather [hbm4b:s4+s18], $0x1, s1, s18, $0xb8;
	[tilespmem:$0x15578] =	vst v63  }
0x83: {  	s19 =	simm.s32 $0x2F80;
	s29 =	simm.s32 $0x4880  }
0x84: {  	[tilespmem:s29], [sflag:$0x5] =	stream.indirect.gather [hbm4b:s4+s18], $0x1, s19, s18, $0xb8;
	[tilespmem:$0x15578] =	vst v63  }
0x85: {  	s1 =	simm.s32 $0x3000;
	s16 =	simm.s32 $0x4900  }
0x86: {  	[tilespmem:s16], [sflag:$0x5] =	stream.indirect.gather [hbm4b:s4+s18], $0x1, s1, s18, $0xb8;
	[tilespmem:$0x15578] =	vst v63  }
0x87: {  	s19 =	simm.s32 $0x3080;
	s29 =	simm.s32 $0x4980  }
0x88: {  	[tilespmem:s29], [sflag:$0x5] =	stream.indirect.gather [hbm4b:s4+s18], $0x1, s19, s18, $0xb8;
	[tilespmem:$0x15578] =	vst v63  }
0x89: {  	s1 =	simm.s32 $0x3100;
	s16 =	simm.s32 $0x4A00  }
0x8a: {  	[tilespmem:s16], [sflag:$0x5] =	stream.indirect.gather [hbm4b:s4+s18], $0x1, s1, s18, $0xb8;
	[tilespmem:$0x15578] =	vst v63  }
0x8b: {  	s31 =	simm.s32 $0x0;
	s19 =	simm.s32 $0x3180;
	s29 =	simm.s32 $0x4A80  }
0x8c: {  	[tilespmem:s29], [sflag:$0x5] =	stream.indirect.gather [hbm4b:s4+s18], $0x1, s19, s18, $0xb8;
	[tilespmem:$0x15578] =	vst v63  }
.LBB2_4:
0x8d: {  	s1 =	sshllo.u32 s31, $0x1  }
0x8e: {  	_ =	swait.ge [sflag:s20], $0x1F40;
	s0 =	smul.u32 $0x3E8, s1  }
0x8f: {  	[sflag:s20] =	ssyncset.done $0x0  }
0x90: {  	p0 =	seq.s32 s31, $0x0;
	[sflag:s20] =	ssyncadd.s32 $0xFFFFE0C0;
	s0 =	sadd.s32 s4, s0  }
0x91: {  	[tilespmem:s21], [sflag:$0x2] =	stream.linear.gather [hbm4b:s0+s3], $0x1F40, $0x38;
	[tilespmem:$0x15578] =	vst v63  }
0x92: {  	s0 =	simm.s32 @!p0 $0x3  }
0x93: {  	_ =	swait.ge @!p0 [sflag:s0], $0x6400  }
0x94: {  	[sflag:s0] =	ssyncset.done @!p0 $0x0  }
0x95: {  	s19 =	simm.s32 $0x40;
	[sflag:s0] =	ssyncadd.s32 @!p0 $0xFFFF9C00  }
0x96: {  	v8 =	vld [tilespmem:s19+$0x30]  }
0x97: {  	v6 =	vld [tilespmem:s19+$0xFFFFFFD0]  }
0x98: {  	v5 =	vld [tilespmem:s19+$0xFFFFFFE0]  }
0x99: {  	v4 =	vld [tilespmem:s19+$0xFFFFFFF0]  }
0x9a: {  	v3 =	vld [tilespmem:s19+$0x0]  }
0x9b: {  	v2 =	vld [tilespmem:s19+$0x10]  }
0x9c: {  	v1 =	vld [tilespmem:s19+$0x20]  }
0x9d: {  	v7 =	vld [tilespmem:s19+$0xFFFFFFC0]  }
0x9e: {  	v9 =	vld.idx.msk [tilespmem:v8+s14+$0x0], $0xffff  }
0x9f: {  	v10 =	vld.idx.msk [tilespmem:v6+s14+$0x0], $0xffff  }
0xa0: {  	v11 =	vld.idx.msk [tilespmem:v5+s14+$0x0], $0xffff  }
0xa1: {  	v12 =	vadd.s32 $0x3E8, v8;
	v13 =	vld.idx.msk [tilespmem:v4+s14+$0x0], $0xffff  }
0xa2: {  	v14 =	vadd.s32 $0x3E8, v6;
	v15 =	vld.idx.msk [tilespmem:v3+s14+$0x0], $0xffff  }
0xa3: {  	s19 =	simm.s32 $0x8F68;
	v16 =	vadd.s32 $0x3E8, v5;
	v17 =	vld.idx.msk [tilespmem:v2+s14+$0x0], $0xffff  }
0xa4: {  	v18 =	vadd.s32 $0x3E8, v4;
	v19 =	vld.idx.msk [tilespmem:v1+s14+$0x0], $0xffff;
	[tilespmem:s19+$0xFFFFFE70] =	vst v9  }
0xa5: {  	v47 =	vadd.s32 $0x3E8, v3;
	v20 =	vld.idx.msk [tilespmem:v7+s14+$0x0], $0xffff;
	[tilespmem:s19+$0xFFFFFE10] =	vst v10  }
0xa6: {  	v49 =	vadd.s32 $0x3E8, v2;
	[tilespmem:s19+$0xFFFFFE20] =	vst v11;
	v48 =	vld.idx.msk [tilespmem:v12+s14+$0x0], $0xffff  }
0xa7: {  	v52 =	vadd.s32 $0x3E8, v7;
	[tilespmem:s19+$0xFFFFFE30] =	vst v13;
	v50 =	vld.idx.msk [tilespmem:v14+s14+$0x0], $0xffff  }
0xa8: {  	v53 =	vadd.s32 $0x3E8, v1;
	[tilespmem:s19+$0xFFFFFE40] =	vst v15;
	v16 =	vld.idx.msk [tilespmem:v16+s14+$0x0], $0xffff  }
0xa9: {  	v51 =	vadd.s32 $0x7D0, v8;
	[tilespmem:s19+$0xFFFFFE50] =	vst v17;
	v18 =	vld.idx.msk [tilespmem:v18+s14+$0x0], $0xffff  }
0xaa: {  	v54 =	vadd.s32 $0x7D0, v6;
	[tilespmem:s19+$0xFFFFFE60] =	vst v19;
	v9 =	vld.idx.msk [tilespmem:v47+s14+$0x0], $0xffff  }
0xab: {  	v55 =	vadd.s32 $0x7D0, v5;
	[tilespmem:s19+$0xFFFFFE00] =	vst v20;
	v12 =	vld.idx.msk [tilespmem:v49+s14+$0x0], $0xffff  }
0xac: {  	v56 =	vadd.s32 $0x7D0, v4;
	v14 =	vld.idx.msk [tilespmem:v52+s14+$0x0], $0xffff;
	[tilespmem:s19+$0xFFFFFEF0] =	vst v48  }
0xad: {  	v57 =	vadd.s32 $0x7D0, v3;
	v58 =	vld.idx.msk [tilespmem:v53+s14+$0x0], $0xffff;
	[tilespmem:s19+$0xFFFFFE90] =	vst v50  }
0xae: {  	v60 =	vadd.s32 $0x7D0, v7;
	[tilespmem:s19+$0xFFFFFEA0] =	vst v16;
	v13 =	vld.idx.msk [tilespmem:v51+s14+$0x0], $0xffff  }
0xaf: {  	v61 =	vadd.s32 $0x7D0, v2;
	[tilespmem:s19+$0xFFFFFEB0] =	vst v18;
	v17 =	vld.idx.msk [tilespmem:v54+s14+$0x0], $0xffff  }
0xb0: {  	v62 =	vadd.s32 $0x7D0, v1;
	[tilespmem:s19+$0xFFFFFEC0] =	vst v9;
	v19 =	vld.idx.msk [tilespmem:v55+s14+$0x0], $0xffff  }
0xb1: {  	v59 =	vadd.s32 $0xBB8, v8;
	[tilespmem:s19+$0xFFFFFED0] =	vst v12;
	v10 =	vld.idx.msk [tilespmem:v56+s14+$0x0], $0xffff  }
0xb2: {  	v63 =	vadd.s32 $0xBB8, v6;
	[tilespmem:s19+$0xFFFFFE80] =	vst v14;
	v20 =	vld.idx.msk [tilespmem:v57+s14+$0x0], $0xffff  }
0xb3: {  	v23 =	vadd.s32 $0xBB8, v5;
	[tilespmem:s19+$0xFFFFFEE0] =	vst v58;
	v16 =	vld.idx.msk [tilespmem:v60+s14+$0x0], $0xffff  }
0xb4: {  	v25 =	vadd.s32 $0xBB8, v4;
	v26 =	vld.idx.msk [tilespmem:v61+s14+$0x0], $0xffff;
	[tilespmem:s19+$0xFFFFFF70] =	vst v13  }
0xb5: {  	v28 =	vadd.s32 $0xBB8, v7;
	v9 =	vld.idx.msk [tilespmem:v62+s14+$0x0], $0xffff;
	[tilespmem:s19+$0xFFFFFF10] =	vst v17  }
0xb6: {  	v29 =	vadd.s32 $0xBB8, v3;
	[tilespmem:s19+$0xFFFFFF20] =	vst v19;
	v24 =	vld.idx.msk [tilespmem:v59+s14+$0x0], $0xffff  }
0xb7: {  	v30 =	vadd.s32 $0xBB8, v2;
	[tilespmem:s19+$0xFFFFFF30] =	vst v10;
	v12 =	vld.idx.msk [tilespmem:v63+s14+$0x0], $0xffff  }
0xb8: {  	v31 =	vadd.s32 $0xBB8, v1;
	[tilespmem:s19+$0xFFFFFF40] =	vst v20;
	v13 =	vld.idx.msk [tilespmem:v23+s14+$0x0], $0xffff  }
0xb9: {  	v27 =	vadd.s32 $0xFA0, v8;
	[tilespmem:s19+$0xFFFFFF00] =	vst v16;
	v15 =	vld.idx.msk [tilespmem:v25+s14+$0x0], $0xffff  }
0xba: {  	v32 =	vadd.s32 $0xFA0, v6;
	[tilespmem:s19+$0xFFFFFF50] =	vst v26;
	v18 =	vld.idx.msk [tilespmem:v28+s14+$0x0], $0xffff  }
0xbb: {  	v34 =	vadd.s32 $0xFA0, v5;
	[tilespmem:s19+$0xFFFFFF60] =	vst v9;
	v35 =	vld.idx.msk [tilespmem:v29+s14+$0x0], $0xffff  }
0xbc: {  	v37 =	vadd.s32 $0xFA0, v7;
	v10 =	vld.idx.msk [tilespmem:v30+s14+$0x0], $0xffff;
	[tilespmem:s19+$0xFFFFFFF0] =	vst v24  }
0xbd: {  	v38 =	vadd.s32 $0xFA0, v4;
	v39 =	vld.idx.msk [tilespmem:v31+s14+$0x0], $0xffff;
	[tilespmem:s19+$0xFFFFFF90] =	vst v12  }
0xbe: {  	v40 =	vadd.s32 $0xFA0, v3;
	[tilespmem:s19+$0xFFFFFFA0] =	vst v13;
	v33 =	vld.idx.msk [tilespmem:v27+s14+$0x0], $0xffff  }
0xbf: {  	v41 =	vadd.s32 $0xFA0, v2;
	[tilespmem:s19+$0xFFFFFFB0] =	vst v15;
	v14 =	vld.idx.msk [tilespmem:v32+s14+$0x0], $0xffff  }
0xc0: {  	v42 =	vadd.s32 $0xFA0, v1;
	[tilespmem:s19+$0xFFFFFF80] =	vst v18;
	v17 =	vld.idx.msk [tilespmem:v34+s14+$0x0], $0xffff  }
0xc1: {  	v36 =	vadd.s32 $0x1388, v8;
	[tilespmem:s19+$0xFFFFFFC0] =	vst v35;
	v19 =	vld.idx.msk [tilespmem:v37+s14+$0x0], $0xffff  }
0xc2: {  	v43 =	vadd.s32 $0x1388, v6;
	[tilespmem:s19+$0xFFFFFFD0] =	vst v10;
	v44 =	vld.idx.msk [tilespmem:v38+s14+$0x0], $0xffff  }
0xc3: {  	v46 =	vadd.s32 $0x1388, v7;
	[tilespmem:s19+$0xFFFFFFE0] =	vst v39;
	v20 =	vld.idx.msk [tilespmem:v40+s14+$0x0], $0xffff  }
0xc4: {  	v47 =	vadd.s32 $0x1388, v5;
	v48 =	vld.idx.msk [tilespmem:v41+s14+$0x0], $0xffff;
	[tilespmem:s19+$0x70] =	vst v33  }
0xc5: {  	v49 =	vadd.s32 $0x1388, v4;
	v16 =	vld.idx.msk [tilespmem:v42+s14+$0x0], $0xffff;
	[tilespmem:s19+$0x10] =	vst v14  }
0xc6: {  	v50 =	vadd.s32 $0x1388, v3;
	[tilespmem:s19+$0x20] =	vst v17;
	v9 =	vld.idx.msk [tilespmem:v36+s14+$0x0], $0xffff  }
0xc7: {  	v45 =	vadd.s32 $0x1770, v8;
	[tilespmem:s19+$0x0] =	vst v19;
	v18 =	vld.idx.msk [tilespmem:v43+s14+$0x0], $0xffff  }
0xc8: {  	v52 =	vadd.s32 $0x1388, v1;
	[tilespmem:s19+$0x30] =	vst v44;
	v12 =	vld.idx.msk [tilespmem:v46+s14+$0x0], $0xffff  }
0xc9: {  	v51 =	vadd.s32 $0x1388, v2;
	[tilespmem:s19+$0x40] =	vst v20;
	v53 =	vld.idx.msk [tilespmem:v47+s14+$0x0], $0xffff  }
0xca: {  	v54 =	vadd.s32 $0x1770, v7;
	[tilespmem:s19+$0x50] =	vst v48;
	v15 =	vld.idx.msk [tilespmem:v49+s14+$0x0], $0xffff  }
0xcb: {  	v55 =	vadd.s32 $0x1770, v6;
	v17 =	vld.idx.msk [tilespmem:v50+s14+$0x0], $0xffff;
	[tilespmem:s19+$0xF0] =	vst v9  }
0xcc: {  	v56 =	vadd.s32 $0x1770, v5;
	[tilespmem:s19+$0x60] =	vst v16;
	v10 =	vld.idx.msk [tilespmem:v45+s14+$0x0], $0xffff  }
0xcd: {  	v8 =	vadd.s32 $0x1B58, v8;
	v19 =	vld.idx.msk [tilespmem:v52+s14+$0x0], $0xffff;
	[tilespmem:s19+$0x90] =	vst v18  }
0xce: {  	v57 =	vadd.s32 $0x1770, v4;
	v9 =	vld.idx.msk [tilespmem:v51+s14+$0x0], $0xffff;
	[tilespmem:s19+$0x80] =	vst v12  }
0xcf: {  	v60 =	vadd.s32 $0x1770, v1;
	[tilespmem:s19+$0xA0] =	vst v53;
	v13 =	vld.idx.msk [tilespmem:v54+s14+$0x0], $0xffff  }
0xd0: {  	v59 =	vadd.s32 $0x1770, v2;
	[tilespmem:s19+$0xB0] =	vst v15;
	v14 =	vld.idx.msk [tilespmem:v55+s14+$0x0], $0xffff  }
0xd1: {  	v58 =	vadd.s32 $0x1770, v3;
	v61 =	vld.idx.msk [tilespmem:v56+s14+$0x0], $0xffff;
	[tilespmem:s19+$0x170] =	vst v10  }
0xd2: {  	v7 =	vadd.s32 $0x1B58, v7;
	[tilespmem:s19+$0xC0] =	vst v17;
	v8 =	vld.idx.msk [tilespmem:v8+s14+$0x0], $0xffff  }
0xd3: {  	v6 =	vadd.s32 $0x1B58, v6;
	[tilespmem:s19+$0xE0] =	vst v19;
	v62 =	vld.idx.msk [tilespmem:v57+s14+$0x0], $0xffff  }
0xd4: {  	v63 =	vadd.s32 $0x1B58, v5;
	v11 =	vld.idx.msk [tilespmem:v60+s14+$0x0], $0xffff;
	[tilespmem:s19+$0xD0] =	vst v9  }
0xd5: {  	v4 =	vadd.s32 $0x1B58, v4;
	v12 =	vld.idx.msk [tilespmem:v59+s14+$0x0], $0xffff;
	[tilespmem:s19+$0x100] =	vst v13  }
0xd6: {  	v2 =	vadd.s32 $0x1B58, v2;
	v10 =	vld.idx.msk [tilespmem:v58+s14+$0x0], $0xffff;
	[tilespmem:s19+$0x110] =	vst v14  }
0xd7: {  	v13 =	vld.idx.msk [tilespmem:v7+s14+$0x0], $0xffff;
	[tilespmem:s19+$0x1F0] =	vst v8;
	v8 =	vadd.s32 $0x1B58, v3  }
0xd8: {  	v1 =	vadd.s32 $0x1B58, v1;
	[tilespmem:s19+$0x120] =	vst v61;
	v5 =	vld.idx.msk [tilespmem:v6+s14+$0x0], $0xffff  }
0xd9: {  	[tilespmem:s19+$0x130] =	vst v62;
	v6 =	vld.idx.msk [tilespmem:v63+s14+$0x0], $0xffff  }
0xda: {  	[tilespmem:s19+$0x150] =	vst v12;
	v3 =	vld.idx.msk [tilespmem:v4+s14+$0x0], $0xffff  }
0xdb: {  	[tilespmem:s19+$0x140] =	vst v10;
	v4 =	vld.idx.msk [tilespmem:v2+s14+$0x0], $0xffff  }
0xdc: {  	[tilespmem:s19+$0x160] =	vst v11;
	v7 =	vld.idx.msk [tilespmem:v8+s14+$0x0], $0xffff  }
0xdd: {  	s29 =	simm.s32 $0xC0;
	s0 =	simm.s32 $0x0;
	[tilespmem:s19+$0x180] =	vst v13;
	v2 =	vld.idx.msk [tilespmem:v1+s14+$0x0], $0xffff  }
.LBB2_5:
0xde: {  	v1 =	vld [tilespmem:s29+$0x30];
	s0 =	sadd.s32 $0x8, s0;
	[tilespmem:s19+$0x190] =	vst v5  }
0xdf: {  	v8 =	vld [tilespmem:s29+$0xFFFFFFD0];
	p1 =	slt.u32 s0, $0xC0;
	[tilespmem:s19+$0x1A0] =	vst v6  }
0xe0: {  	v6 =	vld [tilespmem:s29+$0xFFFFFFE0];
	[tilespmem:s19+$0x1B0] =	vst v3  }
0xe1: {  	v3 =	vld [tilespmem:s29+$0xFFFFFFF0];
	[tilespmem:s19+$0x1C0] =	vst v7  }
0xe2: {  	v7 =	vld [tilespmem:s29+$0x0];
	[tilespmem:s19+$0x1D0] =	vst v4  }
0xe3: {  	v4 =	vld [tilespmem:s29+$0x10];
	[tilespmem:s19+$0x1E0] =	vst v2  }
0xe4: {  	v2 =	vadd.s32 $0x3E8, v8;
	v22 =	vadd.s32 $0x7D0, v8;
	v23 =	vadd.s32 $0xBB8, v8;
	v24 =	vld [tilespmem:s29+$0x20]  }
0xe5: {  	v5 =	vld [tilespmem:s29+$0xFFFFFFC0];
	v9 =	vadd.s32 $0x3E8, v6;
	v25 =	vadd.s32 $0x7D0, v6;
	v26 =	vadd.s32 $0xBB8, v6  }
0xe6: {  	v10 =	vadd.s32 $0x3E8, v3;
	v27 =	vadd.s32 $0x7D0, v3;
	v28 =	vadd.s32 $0xBB8, v3;
	v11 =	vld.idx.msk [tilespmem:v1+s14+$0x0], $0xffff  }
0xe7: {  	v12 =	vld.idx.msk [tilespmem:v8+s14+$0x0], $0xffff;
	v13 =	vadd.s32 $0x3E8, v7;
	v29 =	vadd.s32 $0x7D0, v7;
	v30 =	vadd.s32 $0xBB8, v7  }
0xe8: {  	v15 =	vadd.s32 $0x3E8, v1;
	v14 =	vld.idx.msk [tilespmem:v6+s14+$0x0], $0xffff;
	v31 =	vadd.s32 $0x3E8, v4;
	v32 =	vadd.s32 $0x7D0, v4  }
0xe9: {  	v33 =	vadd.s32 $0xBB8, v4;
	v17 =	vld.idx.msk [tilespmem:v3+s14+$0x0], $0xffff;
	v34 =	vadd.s32 $0x3E8, v24;
	v35 =	vadd.s32 $0x7D0, v24  }
0xea: {  	v36 =	vadd.s32 $0x3E8, v5;
	v37 =	vadd.s32 $0x7D0, v5;
	v38 =	vadd.s32 $0xBB8, v5;
	v21 =	vld.idx.msk [tilespmem:v7+s14+$0x0], $0xffff  }
0xeb: {  	s19 =	sadd.s32 $0x400, s19;
	v40 =	vadd.s32 $0xFA0, v8;
	v42 =	vadd.s32 $0xBB8, v24;
	v39 =	vadd.s32 $0xFA0, v5;
	v41 =	vld.idx.msk [tilespmem:v4+s14+$0x0], $0xffff  }
0xec: {  	v43 =	vadd.s32 $0xFA0, v6;
	v44 =	vadd.s32 $0xFA0, v3;
	v45 =	vadd.s32 $0xFA0, v7;
	v46 =	vld.idx.msk [tilespmem:v24+s14+$0x0], $0xffff;
	[tilespmem:s19+$0xFFFFFE70] =	vst v11  }
0xed: {  	v47 =	vadd.s32 $0xFA0, v4;
	v48 =	vadd.s32 $0xFA0, v24;
	v16 =	vadd.s32 $0x1388, v5;
	[tilespmem:s19+$0xFFFFFE10] =	vst v12;
	v49 =	vld.idx.msk [tilespmem:v15+s14+$0x0], $0xffff  }
0xee: {  	v51 =	vadd.s32 $0x1388, v8;
	v20 =	vadd.s32 $0x1388, v6;
	v18 =	vadd.s32 $0x1388, v3;
	v50 =	vld.idx.msk [tilespmem:v5+s14+$0x0], $0xffff;
	[tilespmem:s19+$0xFFFFFE20] =	vst v14  }
0xef: {  	v53 =	vadd.s32 $0x7D0, v1;
	v19 =	vadd.s32 $0x1388, v7;
	v52 =	vld.idx.msk [tilespmem:v2+s14+$0x0], $0xffff;
	[tilespmem:s19+$0xFFFFFE30] =	vst v17;
	v17 =	vadd.s32 $0x1388, v4  }
0xf0: {  	v11 =	vadd.s32 $0x1770, v8;
	v14 =	vadd.s32 $0x1770, v5;
	v54 =	vld.idx.msk [tilespmem:v9+s14+$0x0], $0xffff;
	[tilespmem:s19+$0xFFFFFE40] =	vst v21;
	v21 =	vadd.s32 $0x1388, v24  }
0xf1: {  	v15 =	vadd.s32 $0x1770, v6;
	v12 =	vadd.s32 $0x1770, v3;
	v9 =	vadd.s32 $0x1770, v7;
	v55 =	vld.idx.msk [tilespmem:v10+s14+$0x0], $0xffff;
	[tilespmem:s19+$0xFFFFFE50] =	vst v41  }
0xf2: {  	v5 =	vadd.s32 $0x1B58, v5;
	v10 =	vadd.s32 $0x1770, v24;
	v41 =	vld.idx.msk [tilespmem:v13+s14+$0x0], $0xffff;
	v13 =	vadd.s32 $0x1770, v4;
	[tilespmem:s19+$0xFFFFFE60] =	vst v46  }
0xf3: {  	v8 =	vadd.s32 $0x1B58, v8;
	v6 =	vadd.s32 $0x1B58, v6;
	v3 =	vadd.s32 $0x1B58, v3;
	v31 =	vld.idx.msk [tilespmem:v31+s14+$0x0], $0xffff;
	[tilespmem:s19+$0xFFFFFEF0] =	vst v49  }
0xf4: {  	v2 =	vadd.s32 $0x1B58, v24;
	v7 =	vadd.s32 $0x1B58, v7;
	v4 =	vadd.s32 $0x1B58, v4;
	[tilespmem:s19+$0xFFFFFE00] =	vst v50;
	v24 =	vld.idx.msk [tilespmem:v53+s14+$0x0], $0xffff  }
0xf5: {  	v36 =	vld.idx.msk [tilespmem:v36+s14+$0x0], $0xffff;
	[tilespmem:s19+$0xFFFFFE90] =	vst v52  }
0xf6: {  	v46 =	vadd.s32 $0xBB8, v1;
	[tilespmem:s19+$0xFFFFFEA0] =	vst v54;
	v34 =	vld.idx.msk [tilespmem:v34+s14+$0x0], $0xffff  }
0xf7: {  	v22 =	vld.idx.msk [tilespmem:v22+s14+$0x0], $0xffff;
	[tilespmem:s19+$0xFFFFFEB0] =	vst v55  }
0xf8: {  	v25 =	vld.idx.msk [tilespmem:v25+s14+$0x0], $0xffff;
	[tilespmem:s19+$0xFFFFFEC0] =	vst v41  }
0xf9: {  	v27 =	vld.idx.msk [tilespmem:v27+s14+$0x0], $0xffff;
	[tilespmem:s19+$0xFFFFFED0] =	vst v31  }
0xfa: {  	v29 =	vld.idx.msk [tilespmem:v29+s14+$0x0], $0xffff;
	[tilespmem:s19+$0xFFFFFF70] =	vst v24  }
0xfb: {  	[tilespmem:s19+$0xFFFFFE80] =	vst v36;
	v24 =	vld.idx.msk [tilespmem:v46+s14+$0x0], $0xffff  }
0xfc: {  	v31 =	vld.idx.msk [tilespmem:v37+s14+$0x0], $0xffff;
	[tilespmem:s19+$0xFFFFFEE0] =	vst v34  }
0xfd: {  	[tilespmem:s19+$0xFFFFFF10] =	vst v22;
	v22 =	vld.idx.msk [tilespmem:v32+s14+$0x0], $0xffff;
	v32 =	vadd.s32 $0xFA0, v1  }
0xfe: {  	[tilespmem:s19+$0xFFFFFF20] =	vst v25;
	v25 =	vld.idx.msk [tilespmem:v35+s14+$0x0], $0xffff  }
0xff: {  	v23 =	vld.idx.msk [tilespmem:v23+s14+$0x0], $0xffff;
	[tilespmem:s19+$0xFFFFFF30] =	vst v27  }
0x100: {  	v26 =	vld.idx.msk [tilespmem:v26+s14+$0x0], $0xffff;
	[tilespmem:s19+$0xFFFFFF40] =	vst v29  }
0x101: {  	v27 =	vld.idx.msk [tilespmem:v28+s14+$0x0], $0xffff;
	[tilespmem:s19+$0xFFFFFFF0] =	vst v24  }
0x102: {  	[tilespmem:s19+$0xFFFFFF00] =	vst v31;
	v24 =	vld.idx.msk [tilespmem:v32+s14+$0x0], $0xffff  }
0x103: {  	v28 =	vld.idx.msk [tilespmem:v38+s14+$0x0], $0xffff;
	[tilespmem:s19+$0xFFFFFF50] =	vst v22  }
0x104: {  	v22 =	vld.idx.msk [tilespmem:v30+s14+$0x0], $0xffff;
	[tilespmem:s19+$0xFFFFFF60] =	vst v25;
	v25 =	vadd.s32 $0x1388, v1  }
0x105: {  	[tilespmem:s19+$0xFFFFFF90] =	vst v23;
	v23 =	vld.idx.msk [tilespmem:v33+s14+$0x0], $0xffff  }
0x106: {  	[tilespmem:s19+$0xFFFFFFA0] =	vst v26;
	v26 =	vld.idx.msk [tilespmem:v42+s14+$0x0], $0xffff  }
0x107: {  	v29 =	vld.idx.msk [tilespmem:v40+s14+$0x0], $0xffff;
	[tilespmem:s19+$0xFFFFFFB0] =	vst v27  }
0x108: {  	v27 =	vld.idx.msk [tilespmem:v43+s14+$0x0], $0xffff;
	[tilespmem:s19+$0x70] =	vst v24  }
0x109: {  	[tilespmem:s19+$0xFFFFFF80] =	vst v28;
	v24 =	vld.idx.msk [tilespmem:v25+s14+$0x0], $0xffff  }
0x10a: {  	v25 =	vld.idx.msk [tilespmem:v39+s14+$0x0], $0xffff;
	[tilespmem:s19+$0xFFFFFFC0] =	vst v22  }
0x10b: {  	v22 =	vld.idx.msk [tilespmem:v44+s14+$0x0], $0xffff;
	[tilespmem:s19+$0xFFFFFFD0] =	vst v23;
	v23 =	vadd.s32 $0x1770, v1  }
0x10c: {  	v28 =	vld.idx.msk [tilespmem:v45+s14+$0x0], $0xffff;
	[tilespmem:s19+$0xFFFFFFE0] =	vst v26  }
0x10d: {  	[tilespmem:s19+$0x10] =	vst v29;
	v26 =	vld.idx.msk [tilespmem:v47+s14+$0x0], $0xffff  }
0x10e: {  	[tilespmem:s19+$0x20] =	vst v27;
	v27 =	vld.idx.msk [tilespmem:v48+s14+$0x0], $0xffff  }
0x10f: {  	v29 =	vld.idx.msk [tilespmem:v51+s14+$0x0], $0xffff;
	[tilespmem:s19+$0xF0] =	vst v24  }
0x110: {  	[tilespmem:s19+$0x0] =	vst v25;
	v23 =	vld.idx.msk [tilespmem:v23+s14+$0x0], $0xffff  }
0x111: {  	v16 =	vld.idx.msk [tilespmem:v16+s14+$0x0], $0xffff;
	[tilespmem:s19+$0x30] =	vst v22  }
0x112: {  	v1 =	vadd.s32 $0x1B58, v1;
	v20 =	vld.idx.msk [tilespmem:v20+s14+$0x0], $0xffff;
	[tilespmem:s19+$0x40] =	vst v28  }
0x113: {  	v18 =	vld.idx.msk [tilespmem:v18+s14+$0x0], $0xffff;
	[tilespmem:s19+$0x50] =	vst v26  }
0x114: {  	v19 =	vld.idx.msk [tilespmem:v19+s14+$0x0], $0xffff;
	[tilespmem:s19+$0x60] =	vst v27  }
0x115: {  	[tilespmem:s19+$0x90] =	vst v29;
	v17 =	vld.idx.msk [tilespmem:v17+s14+$0x0], $0xffff  }
0x116: {  	v21 =	vld.idx.msk [tilespmem:v21+s14+$0x0], $0xffff;
	[tilespmem:s19+$0x170] =	vst v23  }
0x117: {  	[tilespmem:s19+$0x80] =	vst v16;
	v1 =	vld.idx.msk [tilespmem:v1+s14+$0x0], $0xffff  }
0x118: {  	v14 =	vld.idx.msk [tilespmem:v14+s14+$0x0], $0xffff;
	[tilespmem:s19+$0xA0] =	vst v20  }
0x119: {  	v11 =	vld.idx.msk [tilespmem:v11+s14+$0x0], $0xffff;
	[tilespmem:s19+$0xB0] =	vst v18  }
0x11a: {  	v15 =	vld.idx.msk [tilespmem:v15+s14+$0x0], $0xffff;
	[tilespmem:s19+$0xC0] =	vst v19  }
0x11b: {  	v12 =	vld.idx.msk [tilespmem:v12+s14+$0x0], $0xffff;
	[tilespmem:s19+$0xD0] =	vst v17  }
0x11c: {  	v9 =	vld.idx.msk [tilespmem:v9+s14+$0x0], $0xffff;
	[tilespmem:s19+$0xE0] =	vst v21  }
0x11d: {  	v13 =	vld.idx.msk [tilespmem:v13+s14+$0x0], $0xffff;
	[tilespmem:s19+$0x1F0] =	vst v1  }
0x11e: {  	[tilespmem:s19+$0x100] =	vst v14;
	v1 =	vld.idx.msk [tilespmem:v10+s14+$0x0], $0xffff  }
0x11f: {  	v10 =	vld.idx.msk [tilespmem:v5+s14+$0x0], $0xffff;
	[tilespmem:s19+$0x110] =	vst v11  }
0x120: {  	v5 =	vld.idx.msk [tilespmem:v8+s14+$0x0], $0xffff;
	[tilespmem:s19+$0x120] =	vst v15  }
.Ltmp1:
0x121: {  	v6 =	vld.idx.msk [tilespmem:v6+s14+$0x0], $0xffff;
	[tilespmem:s19+$0x130] =	vst v12;
	(pc) =	sbr.rel @p1 .LBB2_5-.Ltmp1, $4  }
0x122: {  	v3 =	vld.idx.msk [tilespmem:v3+s14+$0x0], $0xffff;
	[tilespmem:s19+$0x140] =	vst v9  }
0x123: {  	v7 =	vld.idx.msk [tilespmem:v7+s14+$0x0], $0xffff;
	[tilespmem:s19+$0x150] =	vst v13  }
0x124: {  	v4 =	vld.idx.msk [tilespmem:v4+s14+$0x0], $0xffff;
	[tilespmem:s19+$0x160] =	vst v1  }
0x125: {  	s29 =	sadd.s32 $0x80, s29;
	[tilespmem:s19+$0x180] =	vst v10;
	v2 =	vld.idx.msk [tilespmem:v2+s14+$0x0], $0xffff  }
0x126: {  	[tilespmem:s19+$0x190] =	vst v5  }
0x127: {  	[tilespmem:s19+$0x1A0] =	vst v6;
	s0 =	smul.u32 $0x320000, s31  }
0x128: {  	[tilespmem:s19+$0x1B0] =	vst v3  }
0x129: {  	[tilespmem:s19+$0x1C0] =	vst v7;
	s16 =	sadd.s32 s5, s0  }
0x12a: {  	[tilespmem:s19+$0x1D0] =	vst v4;
	s16 =	sshrl.u32 s16, $0x3  }
0x12b: {  	[tilespmem:s19+$0x1E0] =	vst v2;
	s16 =	sadd.s32 s2, s16  }
0x12c: {  	[hbm4b:s16+s3] =	stream.linear.scatter [tilespmem:s22], [sflag:$0x3], $0x6400, $0x38;
	[tilespmem:$0x15578] =	vst v63  }
0x12d: {  	s16 =	simm.s32 @!p0 $0x4  }
0x12e: {  	_ =	swait.ge @!p0 [sflag:s16], $0x6400  }
0x12f: {  	[sflag:s16] =	ssyncset.done @!p0 $0x0  }
0x130: {  	s19 =	simm.s32 $0xCF0;
	[sflag:s16] =	ssyncadd.s32 @!p0 $0xFFFF9C00  }
0x131: {  	v8 =	vld [tilespmem:s19+$0x0]  }
0x132: {  	v6 =	vld [tilespmem:s19+$0xFFFFFFA0]  }
0x133: {  	v5 =	vld [tilespmem:s19+$0xFFFFFFB0]  }
0x134: {  	v4 =	vld [tilespmem:s19+$0xFFFFFFC0]  }
0x135: {  	v3 =	vld [tilespmem:s19+$0xFFFFFFD0]  }
0x136: {  	v2 =	vld [tilespmem:s19+$0xFFFFFFE0]  }
0x137: {  	v1 =	vld [tilespmem:s19+$0xFFFFFFF0]  }
0x138: {  	v7 =	vld [tilespmem:s19+$0xFFFFFF90]  }
0x139: {  	v9 =	vld.idx.msk [tilespmem:v8+s14+$0x0], $0xffff  }
0x13a: {  	v10 =	vld.idx.msk [tilespmem:v6+s14+$0x0], $0xffff  }
0x13b: {  	v11 =	vld.idx.msk [tilespmem:v5+s14+$0x0], $0xffff  }
0x13c: {  	v12 =	vadd.s32 $0x3E8, v8;
	v13 =	vld.idx.msk [tilespmem:v4+s14+$0x0], $0xffff  }
0x13d: {  	v14 =	vadd.s32 $0x3E8, v6;
	v15 =	vld.idx.msk [tilespmem:v3+s14+$0x0], $0xffff  }
0x13e: {  	s19 =	simm.s32 $0xF368;
	v16 =	vadd.s32 $0x3E8, v5;
	v17 =	vld.idx.msk [tilespmem:v2+s14+$0x0], $0xffff  }
0x13f: {  	v18 =	vadd.s32 $0x3E8, v4;
	v19 =	vld.idx.msk [tilespmem:v1+s14+$0x0], $0xffff;
	[tilespmem:s19+$0xFFFFFE70] =	vst v9  }
0x140: {  	v47 =	vadd.s32 $0x3E8, v3;
	v20 =	vld.idx.msk [tilespmem:v7+s14+$0x0], $0xffff;
	[tilespmem:s19+$0xFFFFFE10] =	vst v10  }
0x141: {  	v49 =	vadd.s32 $0x3E8, v2;
	[tilespmem:s19+$0xFFFFFE20] =	vst v11;
	v48 =	vld.idx.msk [tilespmem:v12+s14+$0x0], $0xffff  }
0x142: {  	v52 =	vadd.s32 $0x3E8, v7;
	[tilespmem:s19+$0xFFFFFE30] =	vst v13;
	v50 =	vld.idx.msk [tilespmem:v14+s14+$0x0], $0xffff  }
0x143: {  	v53 =	vadd.s32 $0x3E8, v1;
	[tilespmem:s19+$0xFFFFFE40] =	vst v15;
	v16 =	vld.idx.msk [tilespmem:v16+s14+$0x0], $0xffff  }
0x144: {  	v51 =	vadd.s32 $0x7D0, v8;
	[tilespmem:s19+$0xFFFFFE50] =	vst v17;
	v18 =	vld.idx.msk [tilespmem:v18+s14+$0x0], $0xffff  }
0x145: {  	v54 =	vadd.s32 $0x7D0, v6;
	[tilespmem:s19+$0xFFFFFE60] =	vst v19;
	v9 =	vld.idx.msk [tilespmem:v47+s14+$0x0], $0xffff  }
0x146: {  	v55 =	vadd.s32 $0x7D0, v5;
	[tilespmem:s19+$0xFFFFFE00] =	vst v20;
	v12 =	vld.idx.msk [tilespmem:v49+s14+$0x0], $0xffff  }
0x147: {  	v56 =	vadd.s32 $0x7D0, v4;
	v14 =	vld.idx.msk [tilespmem:v52+s14+$0x0], $0xffff;
	[tilespmem:s19+$0xFFFFFEF0] =	vst v48  }
0x148: {  	v57 =	vadd.s32 $0x7D0, v3;
	v58 =	vld.idx.msk [tilespmem:v53+s14+$0x0], $0xffff;
	[tilespmem:s19+$0xFFFFFE90] =	vst v50  }
0x149: {  	v60 =	vadd.s32 $0x7D0, v7;
	[tilespmem:s19+$0xFFFFFEA0] =	vst v16;
	v13 =	vld.idx.msk [tilespmem:v51+s14+$0x0], $0xffff  }
0x14a: {  	v61 =	vadd.s32 $0x7D0, v2;
	[tilespmem:s19+$0xFFFFFEB0] =	vst v18;
	v17 =	vld.idx.msk [tilespmem:v54+s14+$0x0], $0xffff  }
0x14b: {  	v62 =	vadd.s32 $0x7D0, v1;
	[tilespmem:s19+$0xFFFFFEC0] =	vst v9;
	v19 =	vld.idx.msk [tilespmem:v55+s14+$0x0], $0xffff  }
0x14c: {  	v59 =	vadd.s32 $0xBB8, v8;
	[tilespmem:s19+$0xFFFFFED0] =	vst v12;
	v10 =	vld.idx.msk [tilespmem:v56+s14+$0x0], $0xffff  }
0x14d: {  	v63 =	vadd.s32 $0xBB8, v6;
	[tilespmem:s19+$0xFFFFFE80] =	vst v14;
	v20 =	vld.idx.msk [tilespmem:v57+s14+$0x0], $0xffff  }
0x14e: {  	v23 =	vadd.s32 $0xBB8, v5;
	[tilespmem:s19+$0xFFFFFEE0] =	vst v58;
	v16 =	vld.idx.msk [tilespmem:v60+s14+$0x0], $0xffff  }
0x14f: {  	v25 =	vadd.s32 $0xBB8, v4;
	v26 =	vld.idx.msk [tilespmem:v61+s14+$0x0], $0xffff;
	[tilespmem:s19+$0xFFFFFF70] =	vst v13  }
0x150: {  	v28 =	vadd.s32 $0xBB8, v7;
	v9 =	vld.idx.msk [tilespmem:v62+s14+$0x0], $0xffff;
	[tilespmem:s19+$0xFFFFFF10] =	vst v17  }
0x151: {  	v29 =	vadd.s32 $0xBB8, v3;
	[tilespmem:s19+$0xFFFFFF20] =	vst v19;
	v24 =	vld.idx.msk [tilespmem:v59+s14+$0x0], $0xffff  }
0x152: {  	v30 =	vadd.s32 $0xBB8, v2;
	[tilespmem:s19+$0xFFFFFF30] =	vst v10;
	v12 =	vld.idx.msk [tilespmem:v63+s14+$0x0], $0xffff  }
0x153: {  	v31 =	vadd.s32 $0xBB8, v1;
	[tilespmem:s19+$0xFFFFFF40] =	vst v20;
	v13 =	vld.idx.msk [tilespmem:v23+s14+$0x0], $0xffff  }
0x154: {  	v27 =	vadd.s32 $0xFA0, v8;
	[tilespmem:s19+$0xFFFFFF00] =	vst v16;
	v15 =	vld.idx.msk [tilespmem:v25+s14+$0x0], $0xffff  }
0x155: {  	v32 =	vadd.s32 $0xFA0, v6;
	[tilespmem:s19+$0xFFFFFF50] =	vst v26;
	v18 =	vld.idx.msk [tilespmem:v28+s14+$0x0], $0xffff  }
0x156: {  	v34 =	vadd.s32 $0xFA0, v5;
	[tilespmem:s19+$0xFFFFFF60] =	vst v9;
	v35 =	vld.idx.msk [tilespmem:v29+s14+$0x0], $0xffff  }
0x157: {  	v37 =	vadd.s32 $0xFA0, v7;
	v10 =	vld.idx.msk [tilespmem:v30+s14+$0x0], $0xffff;
	[tilespmem:s19+$0xFFFFFFF0] =	vst v24  }
0x158: {  	v38 =	vadd.s32 $0xFA0, v4;
	v39 =	vld.idx.msk [tilespmem:v31+s14+$0x0], $0xffff;
	[tilespmem:s19+$0xFFFFFF90] =	vst v12  }
0x159: {  	v40 =	vadd.s32 $0xFA0, v3;
	[tilespmem:s19+$0xFFFFFFA0] =	vst v13;
	v33 =	vld.idx.msk [tilespmem:v27+s14+$0x0], $0xffff  }
0x15a: {  	v41 =	vadd.s32 $0xFA0, v2;
	[tilespmem:s19+$0xFFFFFFB0] =	vst v15;
	v14 =	vld.idx.msk [tilespmem:v32+s14+$0x0], $0xffff  }
0x15b: {  	v42 =	vadd.s32 $0xFA0, v1;
	[tilespmem:s19+$0xFFFFFF80] =	vst v18;
	v17 =	vld.idx.msk [tilespmem:v34+s14+$0x0], $0xffff  }
0x15c: {  	v36 =	vadd.s32 $0x1388, v8;
	[tilespmem:s19+$0xFFFFFFC0] =	vst v35;
	v19 =	vld.idx.msk [tilespmem:v37+s14+$0x0], $0xffff  }
0x15d: {  	v43 =	vadd.s32 $0x1388, v6;
	[tilespmem:s19+$0xFFFFFFD0] =	vst v10;
	v44 =	vld.idx.msk [tilespmem:v38+s14+$0x0], $0xffff  }
0x15e: {  	v46 =	vadd.s32 $0x1388, v7;
	[tilespmem:s19+$0xFFFFFFE0] =	vst v39;
	v20 =	vld.idx.msk [tilespmem:v40+s14+$0x0], $0xffff  }
0x15f: {  	v47 =	vadd.s32 $0x1388, v5;
	v48 =	vld.idx.msk [tilespmem:v41+s14+$0x0], $0xffff;
	[tilespmem:s19+$0x70] =	vst v33  }
0x160: {  	v49 =	vadd.s32 $0x1388, v4;
	v16 =	vld.idx.msk [tilespmem:v42+s14+$0x0], $0xffff;
	[tilespmem:s19+$0x10] =	vst v14  }
0x161: {  	v50 =	vadd.s32 $0x1388, v3;
	[tilespmem:s19+$0x20] =	vst v17;
	v9 =	vld.idx.msk [tilespmem:v36+s14+$0x0], $0xffff  }
0x162: {  	v45 =	vadd.s32 $0x1770, v8;
	[tilespmem:s19+$0x0] =	vst v19;
	v18 =	vld.idx.msk [tilespmem:v43+s14+$0x0], $0xffff  }
0x163: {  	v52 =	vadd.s32 $0x1388, v1;
	[tilespmem:s19+$0x30] =	vst v44;
	v12 =	vld.idx.msk [tilespmem:v46+s14+$0x0], $0xffff  }
0x164: {  	v51 =	vadd.s32 $0x1388, v2;
	[tilespmem:s19+$0x40] =	vst v20;
	v53 =	vld.idx.msk [tilespmem:v47+s14+$0x0], $0xffff  }
0x165: {  	v54 =	vadd.s32 $0x1770, v7;
	[tilespmem:s19+$0x50] =	vst v48;
	v15 =	vld.idx.msk [tilespmem:v49+s14+$0x0], $0xffff  }
0x166: {  	v55 =	vadd.s32 $0x1770, v6;
	v17 =	vld.idx.msk [tilespmem:v50+s14+$0x0], $0xffff;
	[tilespmem:s19+$0xF0] =	vst v9  }
0x167: {  	v56 =	vadd.s32 $0x1770, v5;
	[tilespmem:s19+$0x60] =	vst v16;
	v10 =	vld.idx.msk [tilespmem:v45+s14+$0x0], $0xffff  }
0x168: {  	v8 =	vadd.s32 $0x1B58, v8;
	v19 =	vld.idx.msk [tilespmem:v52+s14+$0x0], $0xffff;
	[tilespmem:s19+$0x90] =	vst v18  }
0x169: {  	v57 =	vadd.s32 $0x1770, v4;
	v9 =	vld.idx.msk [tilespmem:v51+s14+$0x0], $0xffff;
	[tilespmem:s19+$0x80] =	vst v12  }
0x16a: {  	v60 =	vadd.s32 $0x1770, v1;
	[tilespmem:s19+$0xA0] =	vst v53;
	v13 =	vld.idx.msk [tilespmem:v54+s14+$0x0], $0xffff  }
0x16b: {  	v59 =	vadd.s32 $0x1770, v2;
	[tilespmem:s19+$0xB0] =	vst v15;
	v14 =	vld.idx.msk [tilespmem:v55+s14+$0x0], $0xffff  }
0x16c: {  	v58 =	vadd.s32 $0x1770, v3;
	v61 =	vld.idx.msk [tilespmem:v56+s14+$0x0], $0xffff;
	[tilespmem:s19+$0x170] =	vst v10  }
0x16d: {  	v7 =	vadd.s32 $0x1B58, v7;
	[tilespmem:s19+$0xC0] =	vst v17;
	v8 =	vld.idx.msk [tilespmem:v8+s14+$0x0], $0xffff  }
0x16e: {  	v6 =	vadd.s32 $0x1B58, v6;
	[tilespmem:s19+$0xE0] =	vst v19;
	v62 =	vld.idx.msk [tilespmem:v57+s14+$0x0], $0xffff  }
0x16f: {  	v63 =	vadd.s32 $0x1B58, v5;
	v11 =	vld.idx.msk [tilespmem:v60+s14+$0x0], $0xffff;
	[tilespmem:s19+$0xD0] =	vst v9  }
0x170: {  	v4 =	vadd.s32 $0x1B58, v4;
	v12 =	vld.idx.msk [tilespmem:v59+s14+$0x0], $0xffff;
	[tilespmem:s19+$0x100] =	vst v13  }
0x171: {  	v2 =	vadd.s32 $0x1B58, v2;
	v10 =	vld.idx.msk [tilespmem:v58+s14+$0x0], $0xffff;
	[tilespmem:s19+$0x110] =	vst v14  }
0x172: {  	v13 =	vld.idx.msk [tilespmem:v7+s14+$0x0], $0xffff;
	[tilespmem:s19+$0x1F0] =	vst v8;
	v8 =	vadd.s32 $0x1B58, v3  }
0x173: {  	v1 =	vadd.s32 $0x1B58, v1;
	[tilespmem:s19+$0x120] =	vst v61;
	v5 =	vld.idx.msk [tilespmem:v6+s14+$0x0], $0xffff  }
0x174: {  	[tilespmem:s19+$0x130] =	vst v62;
	v6 =	vld.idx.msk [tilespmem:v63+s14+$0x0], $0xffff  }
0x175: {  	[tilespmem:s19+$0x150] =	vst v12;
	v3 =	vld.idx.msk [tilespmem:v4+s14+$0x0], $0xffff  }
0x176: {  	[tilespmem:s19+$0x140] =	vst v10;
	v4 =	vld.idx.msk [tilespmem:v2+s14+$0x0], $0xffff  }
0x177: {  	[tilespmem:s19+$0x160] =	vst v11;
	v7 =	vld.idx.msk [tilespmem:v8+s14+$0x0], $0xffff  }
0x178: {  	s29 =	simm.s32 $0x0;
	s16 =	simm.s32 $0xD70;
	[tilespmem:s19+$0x180] =	vst v13;
	v2 =	vld.idx.msk [tilespmem:v1+s14+$0x0], $0xffff  }
.LBB2_7:
0x179: {  	v1 =	vld [tilespmem:s16+$0x0];
	s29 =	sadd.s32 $0x8, s29;
	[tilespmem:s19+$0x190] =	vst v5  }
0x17a: {  	v8 =	vld [tilespmem:s16+$0xFFFFFFA0];
	p0 =	slt.u32 s29, $0xC0;
	[tilespmem:s19+$0x1A0] =	vst v6  }
0x17b: {  	v6 =	vld [tilespmem:s16+$0xFFFFFFB0];
	[tilespmem:s19+$0x1B0] =	vst v3  }
0x17c: {  	v3 =	vld [tilespmem:s16+$0xFFFFFFC0];
	[tilespmem:s19+$0x1C0] =	vst v7  }
0x17d: {  	v7 =	vld [tilespmem:s16+$0xFFFFFFD0];
	[tilespmem:s19+$0x1D0] =	vst v4  }
0x17e: {  	v4 =	vld [tilespmem:s16+$0xFFFFFFE0];
	[tilespmem:s19+$0x1E0] =	vst v2  }
0x17f: {  	v2 =	vadd.s32 $0x3E8, v8;
	v22 =	vadd.s32 $0x7D0, v8;
	v23 =	vadd.s32 $0xBB8, v8;
	v24 =	vld [tilespmem:s16+$0xFFFFFFF0]  }
0x180: {  	v5 =	vld [tilespmem:s16+$0xFFFFFF90];
	v9 =	vadd.s32 $0x3E8, v6;
	v25 =	vadd.s32 $0x7D0, v6;
	v26 =	vadd.s32 $0xBB8, v6  }
0x181: {  	v10 =	vadd.s32 $0x3E8, v3;
	v27 =	vadd.s32 $0x7D0, v3;
	v28 =	vadd.s32 $0xBB8, v3;
	v11 =	vld.idx.msk [tilespmem:v1+s14+$0x0], $0xffff  }
0x182: {  	v12 =	vld.idx.msk [tilespmem:v8+s14+$0x0], $0xffff;
	v13 =	vadd.s32 $0x3E8, v7;
	v29 =	vadd.s32 $0x7D0, v7;
	v30 =	vadd.s32 $0xBB8, v7  }
0x183: {  	v15 =	vadd.s32 $0x3E8, v1;
	v14 =	vld.idx.msk [tilespmem:v6+s14+$0x0], $0xffff;
	v31 =	vadd.s32 $0x3E8, v4;
	v32 =	vadd.s32 $0x7D0, v4  }
0x184: {  	v33 =	vadd.s32 $0xBB8, v4;
	v17 =	vld.idx.msk [tilespmem:v3+s14+$0x0], $0xffff;
	v34 =	vadd.s32 $0x3E8, v24;
	v35 =	vadd.s32 $0x7D0, v24  }
0x185: {  	v36 =	vadd.s32 $0x3E8, v5;
	v37 =	vadd.s32 $0x7D0, v5;
	v38 =	vadd.s32 $0xBB8, v5;
	v21 =	vld.idx.msk [tilespmem:v7+s14+$0x0], $0xffff  }
0x186: {  	s19 =	sadd.s32 $0x400, s19;
	v40 =	vadd.s32 $0xFA0, v8;
	v42 =	vadd.s32 $0xBB8, v24;
	v39 =	vadd.s32 $0xFA0, v5;
	v41 =	vld.idx.msk [tilespmem:v4+s14+$0x0], $0xffff  }
0x187: {  	v43 =	vadd.s32 $0xFA0, v6;
	v44 =	vadd.s32 $0xFA0, v3;
	v45 =	vadd.s32 $0xFA0, v7;
	v46 =	vld.idx.msk [tilespmem:v24+s14+$0x0], $0xffff;
	[tilespmem:s19+$0xFFFFFE70] =	vst v11  }
0x188: {  	v47 =	vadd.s32 $0xFA0, v4;
	v48 =	vadd.s32 $0xFA0, v24;
	v16 =	vadd.s32 $0x1388, v5;
	[tilespmem:s19+$0xFFFFFE10] =	vst v12;
	v49 =	vld.idx.msk [tilespmem:v15+s14+$0x0], $0xffff  }
0x189: {  	v51 =	vadd.s32 $0x1388, v8;
	v20 =	vadd.s32 $0x1388, v6;
	v18 =	vadd.s32 $0x1388, v3;
	v50 =	vld.idx.msk [tilespmem:v5+s14+$0x0], $0xffff;
	[tilespmem:s19+$0xFFFFFE20] =	vst v14  }
0x18a: {  	v53 =	vadd.s32 $0x7D0, v1;
	v19 =	vadd.s32 $0x1388, v7;
	v52 =	vld.idx.msk [tilespmem:v2+s14+$0x0], $0xffff;
	[tilespmem:s19+$0xFFFFFE30] =	vst v17;
	v17 =	vadd.s32 $0x1388, v4  }
0x18b: {  	v11 =	vadd.s32 $0x1770, v8;
	v14 =	vadd.s32 $0x1770, v5;
	v54 =	vld.idx.msk [tilespmem:v9+s14+$0x0], $0xffff;
	[tilespmem:s19+$0xFFFFFE40] =	vst v21;
	v21 =	vadd.s32 $0x1388, v24  }
0x18c: {  	v15 =	vadd.s32 $0x1770, v6;
	v12 =	vadd.s32 $0x1770, v3;
	v9 =	vadd.s32 $0x1770, v7;
	v55 =	vld.idx.msk [tilespmem:v10+s14+$0x0], $0xffff;
	[tilespmem:s19+$0xFFFFFE50] =	vst v41  }
0x18d: {  	v5 =	vadd.s32 $0x1B58, v5;
	v10 =	vadd.s32 $0x1770, v24;
	v41 =	vld.idx.msk [tilespmem:v13+s14+$0x0], $0xffff;
	v13 =	vadd.s32 $0x1770, v4;
	[tilespmem:s19+$0xFFFFFE60] =	vst v46  }
0x18e: {  	v8 =	vadd.s32 $0x1B58, v8;
	v6 =	vadd.s32 $0x1B58, v6;
	v3 =	vadd.s32 $0x1B58, v3;
	v31 =	vld.idx.msk [tilespmem:v31+s14+$0x0], $0xffff;
	[tilespmem:s19+$0xFFFFFEF0] =	vst v49  }
0x18f: {  	v2 =	vadd.s32 $0x1B58, v24;
	v7 =	vadd.s32 $0x1B58, v7;
	v4 =	vadd.s32 $0x1B58, v4;
	[tilespmem:s19+$0xFFFFFE00] =	vst v50;
	v24 =	vld.idx.msk [tilespmem:v53+s14+$0x0], $0xffff  }
0x190: {  	v36 =	vld.idx.msk [tilespmem:v36+s14+$0x0], $0xffff;
	[tilespmem:s19+$0xFFFFFE90] =	vst v52  }
0x191: {  	v46 =	vadd.s32 $0xBB8, v1;
	[tilespmem:s19+$0xFFFFFEA0] =	vst v54;
	v34 =	vld.idx.msk [tilespmem:v34+s14+$0x0], $0xffff  }
0x192: {  	v22 =	vld.idx.msk [tilespmem:v22+s14+$0x0], $0xffff;
	[tilespmem:s19+$0xFFFFFEB0] =	vst v55  }
0x193: {  	v25 =	vld.idx.msk [tilespmem:v25+s14+$0x0], $0xffff;
	[tilespmem:s19+$0xFFFFFEC0] =	vst v41  }
0x194: {  	v27 =	vld.idx.msk [tilespmem:v27+s14+$0x0], $0xffff;
	[tilespmem:s19+$0xFFFFFED0] =	vst v31  }
0x195: {  	v29 =	vld.idx.msk [tilespmem:v29+s14+$0x0], $0xffff;
	[tilespmem:s19+$0xFFFFFF70] =	vst v24  }
0x196: {  	[tilespmem:s19+$0xFFFFFE80] =	vst v36;
	v24 =	vld.idx.msk [tilespmem:v46+s14+$0x0], $0xffff  }
0x197: {  	v31 =	vld.idx.msk [tilespmem:v37+s14+$0x0], $0xffff;
	[tilespmem:s19+$0xFFFFFEE0] =	vst v34  }
0x198: {  	[tilespmem:s19+$0xFFFFFF10] =	vst v22;
	v22 =	vld.idx.msk [tilespmem:v32+s14+$0x0], $0xffff;
	v32 =	vadd.s32 $0xFA0, v1  }
0x199: {  	[tilespmem:s19+$0xFFFFFF20] =	vst v25;
	v25 =	vld.idx.msk [tilespmem:v35+s14+$0x0], $0xffff  }
0x19a: {  	v23 =	vld.idx.msk [tilespmem:v23+s14+$0x0], $0xffff;
	[tilespmem:s19+$0xFFFFFF30] =	vst v27  }
0x19b: {  	v26 =	vld.idx.msk [tilespmem:v26+s14+$0x0], $0xffff;
	[tilespmem:s19+$0xFFFFFF40] =	vst v29  }
0x19c: {  	v27 =	vld.idx.msk [tilespmem:v28+s14+$0x0], $0xffff;
	[tilespmem:s19+$0xFFFFFFF0] =	vst v24  }
0x19d: {  	[tilespmem:s19+$0xFFFFFF00] =	vst v31;
	v24 =	vld.idx.msk [tilespmem:v32+s14+$0x0], $0xffff  }
0x19e: {  	v28 =	vld.idx.msk [tilespmem:v38+s14+$0x0], $0xffff;
	[tilespmem:s19+$0xFFFFFF50] =	vst v22  }
0x19f: {  	v22 =	vld.idx.msk [tilespmem:v30+s14+$0x0], $0xffff;
	[tilespmem:s19+$0xFFFFFF60] =	vst v25;
	v25 =	vadd.s32 $0x1388, v1  }
0x1a0: {  	[tilespmem:s19+$0xFFFFFF90] =	vst v23;
	v23 =	vld.idx.msk [tilespmem:v33+s14+$0x0], $0xffff  }
0x1a1: {  	[tilespmem:s19+$0xFFFFFFA0] =	vst v26;
	v26 =	vld.idx.msk [tilespmem:v42+s14+$0x0], $0xffff  }
0x1a2: {  	v29 =	vld.idx.msk [tilespmem:v40+s14+$0x0], $0xffff;
	[tilespmem:s19+$0xFFFFFFB0] =	vst v27  }
0x1a3: {  	v27 =	vld.idx.msk [tilespmem:v43+s14+$0x0], $0xffff;
	[tilespmem:s19+$0x70] =	vst v24  }
0x1a4: {  	[tilespmem:s19+$0xFFFFFF80] =	vst v28;
	v24 =	vld.idx.msk [tilespmem:v25+s14+$0x0], $0xffff  }
0x1a5: {  	v25 =	vld.idx.msk [tilespmem:v39+s14+$0x0], $0xffff;
	[tilespmem:s19+$0xFFFFFFC0] =	vst v22  }
0x1a6: {  	v22 =	vld.idx.msk [tilespmem:v44+s14+$0x0], $0xffff;
	[tilespmem:s19+$0xFFFFFFD0] =	vst v23;
	v23 =	vadd.s32 $0x1770, v1  }
0x1a7: {  	v28 =	vld.idx.msk [tilespmem:v45+s14+$0x0], $0xffff;
	[tilespmem:s19+$0xFFFFFFE0] =	vst v26  }
0x1a8: {  	[tilespmem:s19+$0x10] =	vst v29;
	v26 =	vld.idx.msk [tilespmem:v47+s14+$0x0], $0xffff  }
0x1a9: {  	[tilespmem:s19+$0x20] =	vst v27;
	v27 =	vld.idx.msk [tilespmem:v48+s14+$0x0], $0xffff  }
0x1aa: {  	v29 =	vld.idx.msk [tilespmem:v51+s14+$0x0], $0xffff;
	[tilespmem:s19+$0xF0] =	vst v24  }
0x1ab: {  	[tilespmem:s19+$0x0] =	vst v25;
	v23 =	vld.idx.msk [tilespmem:v23+s14+$0x0], $0xffff  }
0x1ac: {  	v16 =	vld.idx.msk [tilespmem:v16+s14+$0x0], $0xffff;
	[tilespmem:s19+$0x30] =	vst v22  }
0x1ad: {  	v1 =	vadd.s32 $0x1B58, v1;
	v20 =	vld.idx.msk [tilespmem:v20+s14+$0x0], $0xffff;
	[tilespmem:s19+$0x40] =	vst v28  }
0x1ae: {  	v18 =	vld.idx.msk [tilespmem:v18+s14+$0x0], $0xffff;
	[tilespmem:s19+$0x50] =	vst v26  }
0x1af: {  	v19 =	vld.idx.msk [tilespmem:v19+s14+$0x0], $0xffff;
	[tilespmem:s19+$0x60] =	vst v27  }
0x1b0: {  	[tilespmem:s19+$0x90] =	vst v29;
	v17 =	vld.idx.msk [tilespmem:v17+s14+$0x0], $0xffff  }
0x1b1: {  	v21 =	vld.idx.msk [tilespmem:v21+s14+$0x0], $0xffff;
	[tilespmem:s19+$0x170] =	vst v23  }
0x1b2: {  	[tilespmem:s19+$0x80] =	vst v16;
	v1 =	vld.idx.msk [tilespmem:v1+s14+$0x0], $0xffff  }
0x1b3: {  	v14 =	vld.idx.msk [tilespmem:v14+s14+$0x0], $0xffff;
	[tilespmem:s19+$0xA0] =	vst v20  }
0x1b4: {  	v11 =	vld.idx.msk [tilespmem:v11+s14+$0x0], $0xffff;
	[tilespmem:s19+$0xB0] =	vst v18  }
0x1b5: {  	v15 =	vld.idx.msk [tilespmem:v15+s14+$0x0], $0xffff;
	[tilespmem:s19+$0xC0] =	vst v19  }
0x1b6: {  	v12 =	vld.idx.msk [tilespmem:v12+s14+$0x0], $0xffff;
	[tilespmem:s19+$0xD0] =	vst v17  }
0x1b7: {  	v9 =	vld.idx.msk [tilespmem:v9+s14+$0x0], $0xffff;
	[tilespmem:s19+$0xE0] =	vst v21  }
0x1b8: {  	v13 =	vld.idx.msk [tilespmem:v13+s14+$0x0], $0xffff;
	[tilespmem:s19+$0x1F0] =	vst v1  }
0x1b9: {  	[tilespmem:s19+$0x100] =	vst v14;
	v1 =	vld.idx.msk [tilespmem:v10+s14+$0x0], $0xffff  }
0x1ba: {  	v10 =	vld.idx.msk [tilespmem:v5+s14+$0x0], $0xffff;
	[tilespmem:s19+$0x110] =	vst v11  }
0x1bb: {  	v5 =	vld.idx.msk [tilespmem:v8+s14+$0x0], $0xffff;
	[tilespmem:s19+$0x120] =	vst v15  }
.Ltmp2:
0x1bc: {  	v6 =	vld.idx.msk [tilespmem:v6+s14+$0x0], $0xffff;
	[tilespmem:s19+$0x130] =	vst v12;
	(pc) =	sbr.rel @p0 .LBB2_7-.Ltmp2, $4  }
0x1bd: {  	v3 =	vld.idx.msk [tilespmem:v3+s14+$0x0], $0xffff;
	[tilespmem:s19+$0x140] =	vst v9  }
0x1be: {  	v7 =	vld.idx.msk [tilespmem:v7+s14+$0x0], $0xffff;
	[tilespmem:s19+$0x150] =	vst v13  }
0x1bf: {  	v4 =	vld.idx.msk [tilespmem:v4+s14+$0x0], $0xffff;
	[tilespmem:s19+$0x160] =	vst v1  }
0x1c0: {  	s16 =	sadd.s32 $0x80, s16;
	[tilespmem:s19+$0x180] =	vst v10;
	v2 =	vld.idx.msk [tilespmem:v2+s14+$0x0], $0xffff  }
0x1c1: {  	[tilespmem:s19+$0x190] =	vst v5  }
0x1c2: {  	[tilespmem:s19+$0x1A0] =	vst v6  }
0x1c3: {  	[tilespmem:s19+$0x1B0] =	vst v3  }
0x1c4: {  	s0 =	sadd.s32 s9, s0;
	[tilespmem:s19+$0x1C0] =	vst v7  }
0x1c5: {  	s0 =	sshrl.u32 s0, $0x3;
	[tilespmem:s19+$0x1D0] =	vst v4  }
0x1c6: {  	s16 =	smul.u32 $0x3E80, s31;
	s0 =	sadd.s32 s2, s0;
	[tilespmem:s19+$0x1E0] =	vst v2  }
0x1c7: {  	[hbm4b:s0+s3] =	stream.linear.scatter [tilespmem:s23], [sflag:$0x4], $0x6400, $0x38;
	[tilespmem:$0x15578] =	vst v63  }
0x1c8: {  	s19 =	sshrl.u32 s16, $0x3;
	_ =	swait.ge [sflag:s24], $0x1F40  }
0x1c9: {  	s0 =	sadd.s32 s4, s19;
	[sflag:s24] =	ssyncset.done $0x0  }
0x1ca: {  	s0 =	sadd.s32 $0x7D0, s0;
	[sflag:s24] =	ssyncadd.s32 $0xFFFFE0C0  }
0x1cb: {  	[tilespmem:s14], [sflag:$0x1] =	stream.linear.gather [hbm4b:s0+s3], $0x1F40, $0x38;
	[tilespmem:$0x15578] =	vst v63  }
0x1cc: {  	_ =	swait.ge [sflag:s25], $0x6400  }
0x1cd: {  	[sflag:s25] =	ssyncset.done $0x0  }
0x1ce: {  	s29 =	simm.s32 $0x40;
	[sflag:s25] =	ssyncadd.s32 $0xFFFF9C00  }
0x1cf: {  	v8 =	vld [tilespmem:s29+$0x30]  }
0x1d0: {  	v6 =	vld [tilespmem:s29+$0xFFFFFFD0]  }
0x1d1: {  	v5 =	vld [tilespmem:s29+$0xFFFFFFE0]  }
0x1d2: {  	v4 =	vld [tilespmem:s29+$0xFFFFFFF0]  }
0x1d3: {  	v3 =	vld [tilespmem:s29+$0x0]  }
0x1d4: {  	v2 =	vld [tilespmem:s29+$0x10]  }
0x1d5: {  	v1 =	vld [tilespmem:s29+$0x20]  }
0x1d6: {  	v7 =	vld [tilespmem:s29+$0xFFFFFFC0]  }
0x1d7: {  	v9 =	vld.idx.msk [tilespmem:v8+s21+$0x0], $0xffff  }
0x1d8: {  	v10 =	vld.idx.msk [tilespmem:v6+s21+$0x0], $0xffff  }
0x1d9: {  	v11 =	vld.idx.msk [tilespmem:v5+s21+$0x0], $0xffff  }
0x1da: {  	v12 =	vadd.s32 $0x3E8, v8;
	v13 =	vld.idx.msk [tilespmem:v4+s21+$0x0], $0xffff  }
0x1db: {  	v14 =	vadd.s32 $0x3E8, v6;
	v15 =	vld.idx.msk [tilespmem:v3+s21+$0x0], $0xffff  }
0x1dc: {  	s19 =	simm.s32 $0x8F68;
	v16 =	vadd.s32 $0x3E8, v5;
	v17 =	vld.idx.msk [tilespmem:v2+s21+$0x0], $0xffff  }
0x1dd: {  	v18 =	vadd.s32 $0x3E8, v4;
	v19 =	vld.idx.msk [tilespmem:v1+s21+$0x0], $0xffff;
	[tilespmem:s19+$0xFFFFFE70] =	vst v9  }
0x1de: {  	v47 =	vadd.s32 $0x3E8, v3;
	v20 =	vld.idx.msk [tilespmem:v7+s21+$0x0], $0xffff;
	[tilespmem:s19+$0xFFFFFE10] =	vst v10  }
0x1df: {  	v49 =	vadd.s32 $0x3E8, v2;
	[tilespmem:s19+$0xFFFFFE20] =	vst v11;
	v48 =	vld.idx.msk [tilespmem:v12+s21+$0x0], $0xffff  }
0x1e0: {  	v52 =	vadd.s32 $0x3E8, v7;
	[tilespmem:s19+$0xFFFFFE30] =	vst v13;
	v50 =	vld.idx.msk [tilespmem:v14+s21+$0x0], $0xffff  }
0x1e1: {  	v53 =	vadd.s32 $0x3E8, v1;
	[tilespmem:s19+$0xFFFFFE40] =	vst v15;
	v16 =	vld.idx.msk [tilespmem:v16+s21+$0x0], $0xffff  }
0x1e2: {  	v51 =	vadd.s32 $0x7D0, v8;
	[tilespmem:s19+$0xFFFFFE50] =	vst v17;
	v18 =	vld.idx.msk [tilespmem:v18+s21+$0x0], $0xffff  }
0x1e3: {  	v54 =	vadd.s32 $0x7D0, v6;
	[tilespmem:s19+$0xFFFFFE60] =	vst v19;
	v9 =	vld.idx.msk [tilespmem:v47+s21+$0x0], $0xffff  }
0x1e4: {  	v55 =	vadd.s32 $0x7D0, v5;
	[tilespmem:s19+$0xFFFFFE00] =	vst v20;
	v12 =	vld.idx.msk [tilespmem:v49+s21+$0x0], $0xffff  }
0x1e5: {  	v56 =	vadd.s32 $0x7D0, v4;
	v14 =	vld.idx.msk [tilespmem:v52+s21+$0x0], $0xffff;
	[tilespmem:s19+$0xFFFFFEF0] =	vst v48  }
0x1e6: {  	v57 =	vadd.s32 $0x7D0, v3;
	v58 =	vld.idx.msk [tilespmem:v53+s21+$0x0], $0xffff;
	[tilespmem:s19+$0xFFFFFE90] =	vst v50  }
0x1e7: {  	v60 =	vadd.s32 $0x7D0, v7;
	[tilespmem:s19+$0xFFFFFEA0] =	vst v16;
	v13 =	vld.idx.msk [tilespmem:v51+s21+$0x0], $0xffff  }
0x1e8: {  	v61 =	vadd.s32 $0x7D0, v2;
	[tilespmem:s19+$0xFFFFFEB0] =	vst v18;
	v17 =	vld.idx.msk [tilespmem:v54+s21+$0x0], $0xffff  }
0x1e9: {  	v62 =	vadd.s32 $0x7D0, v1;
	[tilespmem:s19+$0xFFFFFEC0] =	vst v9;
	v19 =	vld.idx.msk [tilespmem:v55+s21+$0x0], $0xffff  }
0x1ea: {  	v59 =	vadd.s32 $0xBB8, v8;
	[tilespmem:s19+$0xFFFFFED0] =	vst v12;
	v10 =	vld.idx.msk [tilespmem:v56+s21+$0x0], $0xffff  }
0x1eb: {  	v63 =	vadd.s32 $0xBB8, v6;
	[tilespmem:s19+$0xFFFFFE80] =	vst v14;
	v20 =	vld.idx.msk [tilespmem:v57+s21+$0x0], $0xffff  }
0x1ec: {  	v23 =	vadd.s32 $0xBB8, v5;
	[tilespmem:s19+$0xFFFFFEE0] =	vst v58;
	v16 =	vld.idx.msk [tilespmem:v60+s21+$0x0], $0xffff  }
0x1ed: {  	v25 =	vadd.s32 $0xBB8, v4;
	v26 =	vld.idx.msk [tilespmem:v61+s21+$0x0], $0xffff;
	[tilespmem:s19+$0xFFFFFF70] =	vst v13  }
0x1ee: {  	v28 =	vadd.s32 $0xBB8, v7;
	v9 =	vld.idx.msk [tilespmem:v62+s21+$0x0], $0xffff;
	[tilespmem:s19+$0xFFFFFF10] =	vst v17  }
0x1ef: {  	v29 =	vadd.s32 $0xBB8, v3;
	[tilespmem:s19+$0xFFFFFF20] =	vst v19;
	v24 =	vld.idx.msk [tilespmem:v59+s21+$0x0], $0xffff  }
0x1f0: {  	v30 =	vadd.s32 $0xBB8, v2;
	[tilespmem:s19+$0xFFFFFF30] =	vst v10;
	v12 =	vld.idx.msk [tilespmem:v63+s21+$0x0], $0xffff  }
0x1f1: {  	v31 =	vadd.s32 $0xBB8, v1;
	[tilespmem:s19+$0xFFFFFF40] =	vst v20;
	v13 =	vld.idx.msk [tilespmem:v23+s21+$0x0], $0xffff  }
0x1f2: {  	v27 =	vadd.s32 $0xFA0, v8;
	[tilespmem:s19+$0xFFFFFF00] =	vst v16;
	v15 =	vld.idx.msk [tilespmem:v25+s21+$0x0], $0xffff  }
0x1f3: {  	v32 =	vadd.s32 $0xFA0, v6;
	[tilespmem:s19+$0xFFFFFF50] =	vst v26;
	v18 =	vld.idx.msk [tilespmem:v28+s21+$0x0], $0xffff  }
0x1f4: {  	v34 =	vadd.s32 $0xFA0, v5;
	[tilespmem:s19+$0xFFFFFF60] =	vst v9;
	v35 =	vld.idx.msk [tilespmem:v29+s21+$0x0], $0xffff  }
0x1f5: {  	v37 =	vadd.s32 $0xFA0, v7;
	v10 =	vld.idx.msk [tilespmem:v30+s21+$0x0], $0xffff;
	[tilespmem:s19+$0xFFFFFFF0] =	vst v24  }
0x1f6: {  	v38 =	vadd.s32 $0xFA0, v4;
	v39 =	vld.idx.msk [tilespmem:v31+s21+$0x0], $0xffff;
	[tilespmem:s19+$0xFFFFFF90] =	vst v12  }
0x1f7: {  	v40 =	vadd.s32 $0xFA0, v3;
	[tilespmem:s19+$0xFFFFFFA0] =	vst v13;
	v33 =	vld.idx.msk [tilespmem:v27+s21+$0x0], $0xffff  }
0x1f8: {  	v41 =	vadd.s32 $0xFA0, v2;
	[tilespmem:s19+$0xFFFFFFB0] =	vst v15;
	v14 =	vld.idx.msk [tilespmem:v32+s21+$0x0], $0xffff  }
0x1f9: {  	v42 =	vadd.s32 $0xFA0, v1;
	[tilespmem:s19+$0xFFFFFF80] =	vst v18;
	v17 =	vld.idx.msk [tilespmem:v34+s21+$0x0], $0xffff  }
0x1fa: {  	v36 =	vadd.s32 $0x1388, v8;
	[tilespmem:s19+$0xFFFFFFC0] =	vst v35;
	v19 =	vld.idx.msk [tilespmem:v37+s21+$0x0], $0xffff  }
0x1fb: {  	v43 =	vadd.s32 $0x1388, v6;
	[tilespmem:s19+$0xFFFFFFD0] =	vst v10;
	v44 =	vld.idx.msk [tilespmem:v38+s21+$0x0], $0xffff  }
0x1fc: {  	v46 =	vadd.s32 $0x1388, v7;
	[tilespmem:s19+$0xFFFFFFE0] =	vst v39;
	v20 =	vld.idx.msk [tilespmem:v40+s21+$0x0], $0xffff  }
0x1fd: {  	v47 =	vadd.s32 $0x1388, v5;
	v48 =	vld.idx.msk [tilespmem:v41+s21+$0x0], $0xffff;
	[tilespmem:s19+$0x70] =	vst v33  }
0x1fe: {  	v49 =	vadd.s32 $0x1388, v4;
	v16 =	vld.idx.msk [tilespmem:v42+s21+$0x0], $0xffff;
	[tilespmem:s19+$0x10] =	vst v14  }
0x1ff: {  	v50 =	vadd.s32 $0x1388, v3;
	[tilespmem:s19+$0x20] =	vst v17;
	v9 =	vld.idx.msk [tilespmem:v36+s21+$0x0], $0xffff  }
0x200: {  	v45 =	vadd.s32 $0x1770, v8;
	[tilespmem:s19+$0x0] =	vst v19;
	v18 =	vld.idx.msk [tilespmem:v43+s21+$0x0], $0xffff  }
0x201: {  	v52 =	vadd.s32 $0x1388, v1;
	[tilespmem:s19+$0x30] =	vst v44;
	v12 =	vld.idx.msk [tilespmem:v46+s21+$0x0], $0xffff  }
0x202: {  	v51 =	vadd.s32 $0x1388, v2;
	[tilespmem:s19+$0x40] =	vst v20;
	v53 =	vld.idx.msk [tilespmem:v47+s21+$0x0], $0xffff  }
0x203: {  	v54 =	vadd.s32 $0x1770, v7;
	[tilespmem:s19+$0x50] =	vst v48;
	v15 =	vld.idx.msk [tilespmem:v49+s21+$0x0], $0xffff  }
0x204: {  	v55 =	vadd.s32 $0x1770, v6;
	v17 =	vld.idx.msk [tilespmem:v50+s21+$0x0], $0xffff;
	[tilespmem:s19+$0xF0] =	vst v9  }
0x205: {  	v56 =	vadd.s32 $0x1770, v5;
	[tilespmem:s19+$0x60] =	vst v16;
	v10 =	vld.idx.msk [tilespmem:v45+s21+$0x0], $0xffff  }
0x206: {  	v8 =	vadd.s32 $0x1B58, v8;
	v19 =	vld.idx.msk [tilespmem:v52+s21+$0x0], $0xffff;
	[tilespmem:s19+$0x90] =	vst v18  }
0x207: {  	v57 =	vadd.s32 $0x1770, v4;
	v9 =	vld.idx.msk [tilespmem:v51+s21+$0x0], $0xffff;
	[tilespmem:s19+$0x80] =	vst v12  }
0x208: {  	v60 =	vadd.s32 $0x1770, v1;
	[tilespmem:s19+$0xA0] =	vst v53;
	v13 =	vld.idx.msk [tilespmem:v54+s21+$0x0], $0xffff  }
0x209: {  	v59 =	vadd.s32 $0x1770, v2;
	[tilespmem:s19+$0xB0] =	vst v15;
	v14 =	vld.idx.msk [tilespmem:v55+s21+$0x0], $0xffff  }
0x20a: {  	v58 =	vadd.s32 $0x1770, v3;
	v61 =	vld.idx.msk [tilespmem:v56+s21+$0x0], $0xffff;
	[tilespmem:s19+$0x170] =	vst v10  }
0x20b: {  	v7 =	vadd.s32 $0x1B58, v7;
	[tilespmem:s19+$0xC0] =	vst v17;
	v8 =	vld.idx.msk [tilespmem:v8+s21+$0x0], $0xffff  }
0x20c: {  	v6 =	vadd.s32 $0x1B58, v6;
	[tilespmem:s19+$0xE0] =	vst v19;
	v62 =	vld.idx.msk [tilespmem:v57+s21+$0x0], $0xffff  }
0x20d: {  	v63 =	vadd.s32 $0x1B58, v5;
	v11 =	vld.idx.msk [tilespmem:v60+s21+$0x0], $0xffff;
	[tilespmem:s19+$0xD0] =	vst v9  }
0x20e: {  	v4 =	vadd.s32 $0x1B58, v4;
	v12 =	vld.idx.msk [tilespmem:v59+s21+$0x0], $0xffff;
	[tilespmem:s19+$0x100] =	vst v13  }
0x20f: {  	v2 =	vadd.s32 $0x1B58, v2;
	v10 =	vld.idx.msk [tilespmem:v58+s21+$0x0], $0xffff;
	[tilespmem:s19+$0x110] =	vst v14  }
0x210: {  	v13 =	vld.idx.msk [tilespmem:v7+s21+$0x0], $0xffff;
	[tilespmem:s19+$0x1F0] =	vst v8;
	v8 =	vadd.s32 $0x1B58, v3  }
0x211: {  	v1 =	vadd.s32 $0x1B58, v1;
	[tilespmem:s19+$0x120] =	vst v61;
	v5 =	vld.idx.msk [tilespmem:v6+s21+$0x0], $0xffff  }
0x212: {  	[tilespmem:s19+$0x130] =	vst v62;
	v6 =	vld.idx.msk [tilespmem:v63+s21+$0x0], $0xffff  }
0x213: {  	[tilespmem:s19+$0x150] =	vst v12;
	v3 =	vld.idx.msk [tilespmem:v4+s21+$0x0], $0xffff  }
0x214: {  	[tilespmem:s19+$0x140] =	vst v10;
	v4 =	vld.idx.msk [tilespmem:v2+s21+$0x0], $0xffff  }
0x215: {  	[tilespmem:s19+$0x160] =	vst v11;
	v7 =	vld.idx.msk [tilespmem:v8+s21+$0x0], $0xffff  }
0x216: {  	s16 =	simm.s32 $0xC0;
	s0 =	simm.s32 $0x0;
	[tilespmem:s19+$0x180] =	vst v13;
	v2 =	vld.idx.msk [tilespmem:v1+s21+$0x0], $0xffff  }
.LBB2_9:
0x217: {  	v1 =	vld [tilespmem:s16+$0x30];
	s0 =	sadd.s32 $0x8, s0;
	[tilespmem:s19+$0x190] =	vst v5  }
0x218: {  	v8 =	vld [tilespmem:s16+$0xFFFFFFD0];
	p0 =	slt.u32 s0, $0xC0;
	[tilespmem:s19+$0x1A0] =	vst v6  }
0x219: {  	v6 =	vld [tilespmem:s16+$0xFFFFFFE0];
	[tilespmem:s19+$0x1B0] =	vst v3  }
0x21a: {  	v3 =	vld [tilespmem:s16+$0xFFFFFFF0];
	[tilespmem:s19+$0x1C0] =	vst v7  }
0x21b: {  	v7 =	vld [tilespmem:s16+$0x0];
	[tilespmem:s19+$0x1D0] =	vst v4  }
0x21c: {  	v4 =	vld [tilespmem:s16+$0x10];
	[tilespmem:s19+$0x1E0] =	vst v2  }
0x21d: {  	v2 =	vadd.s32 $0x3E8, v8;
	v22 =	vadd.s32 $0x7D0, v8;
	v23 =	vadd.s32 $0xBB8, v8;
	v24 =	vld [tilespmem:s16+$0x20]  }
0x21e: {  	v5 =	vld [tilespmem:s16+$0xFFFFFFC0];
	v9 =	vadd.s32 $0x3E8, v6;
	v25 =	vadd.s32 $0x7D0, v6;
	v26 =	vadd.s32 $0xBB8, v6  }
0x21f: {  	v10 =	vadd.s32 $0x3E8, v3;
	v27 =	vadd.s32 $0x7D0, v3;
	v28 =	vadd.s32 $0xBB8, v3;
	v11 =	vld.idx.msk [tilespmem:v1+s21+$0x0], $0xffff  }
0x220: {  	v12 =	vld.idx.msk [tilespmem:v8+s21+$0x0], $0xffff;
	v13 =	vadd.s32 $0x3E8, v7;
	v29 =	vadd.s32 $0x7D0, v7;
	v30 =	vadd.s32 $0xBB8, v7  }
0x221: {  	v15 =	vadd.s32 $0x3E8, v1;
	v14 =	vld.idx.msk [tilespmem:v6+s21+$0x0], $0xffff;
	v31 =	vadd.s32 $0x3E8, v4;
	v32 =	vadd.s32 $0x7D0, v4  }
0x222: {  	v33 =	vadd.s32 $0xBB8, v4;
	v17 =	vld.idx.msk [tilespmem:v3+s21+$0x0], $0xffff;
	v34 =	vadd.s32 $0x3E8, v24;
	v35 =	vadd.s32 $0x7D0, v24  }
0x223: {  	v36 =	vadd.s32 $0x3E8, v5;
	v37 =	vadd.s32 $0x7D0, v5;
	v38 =	vadd.s32 $0xBB8, v5;
	v21 =	vld.idx.msk [tilespmem:v7+s21+$0x0], $0xffff  }
0x224: {  	s19 =	sadd.s32 $0x400, s19;
	v40 =	vadd.s32 $0xFA0, v8;
	v42 =	vadd.s32 $0xBB8, v24;
	v39 =	vadd.s32 $0xFA0, v5;
	v41 =	vld.idx.msk [tilespmem:v4+s21+$0x0], $0xffff  }
0x225: {  	v43 =	vadd.s32 $0xFA0, v6;
	v44 =	vadd.s32 $0xFA0, v3;
	v45 =	vadd.s32 $0xFA0, v7;
	v46 =	vld.idx.msk [tilespmem:v24+s21+$0x0], $0xffff;
	[tilespmem:s19+$0xFFFFFE70] =	vst v11  }
0x226: {  	v47 =	vadd.s32 $0xFA0, v4;
	v48 =	vadd.s32 $0xFA0, v24;
	v16 =	vadd.s32 $0x1388, v5;
	[tilespmem:s19+$0xFFFFFE10] =	vst v12;
	v49 =	vld.idx.msk [tilespmem:v15+s21+$0x0], $0xffff  }
0x227: {  	v51 =	vadd.s32 $0x1388, v8;
	v20 =	vadd.s32 $0x1388, v6;
	v18 =	vadd.s32 $0x1388, v3;
	v50 =	vld.idx.msk [tilespmem:v5+s21+$0x0], $0xffff;
	[tilespmem:s19+$0xFFFFFE20] =	vst v14  }
0x228: {  	v53 =	vadd.s32 $0x7D0, v1;
	v19 =	vadd.s32 $0x1388, v7;
	v52 =	vld.idx.msk [tilespmem:v2+s21+$0x0], $0xffff;
	[tilespmem:s19+$0xFFFFFE30] =	vst v17;
	v17 =	vadd.s32 $0x1388, v4  }
0x229: {  	v11 =	vadd.s32 $0x1770, v8;
	v14 =	vadd.s32 $0x1770, v5;
	v54 =	vld.idx.msk [tilespmem:v9+s21+$0x0], $0xffff;
	[tilespmem:s19+$0xFFFFFE40] =	vst v21;
	v21 =	vadd.s32 $0x1388, v24  }
0x22a: {  	v15 =	vadd.s32 $0x1770, v6;
	v12 =	vadd.s32 $0x1770, v3;
	v9 =	vadd.s32 $0x1770, v7;
	v55 =	vld.idx.msk [tilespmem:v10+s21+$0x0], $0xffff;
	[tilespmem:s19+$0xFFFFFE50] =	vst v41  }
0x22b: {  	v5 =	vadd.s32 $0x1B58, v5;
	v10 =	vadd.s32 $0x1770, v24;
	v41 =	vld.idx.msk [tilespmem:v13+s21+$0x0], $0xffff;
	v13 =	vadd.s32 $0x1770, v4;
	[tilespmem:s19+$0xFFFFFE60] =	vst v46  }
0x22c: {  	v8 =	vadd.s32 $0x1B58, v8;
	v6 =	vadd.s32 $0x1B58, v6;
	v3 =	vadd.s32 $0x1B58, v3;
	v31 =	vld.idx.msk [tilespmem:v31+s21+$0x0], $0xffff;
	[tilespmem:s19+$0xFFFFFEF0] =	vst v49  }
0x22d: {  	v2 =	vadd.s32 $0x1B58, v24;
	v7 =	vadd.s32 $0x1B58, v7;
	v4 =	vadd.s32 $0x1B58, v4;
	[tilespmem:s19+$0xFFFFFE00] =	vst v50;
	v24 =	vld.idx.msk [tilespmem:v53+s21+$0x0], $0xffff  }
0x22e: {  	v36 =	vld.idx.msk [tilespmem:v36+s21+$0x0], $0xffff;
	[tilespmem:s19+$0xFFFFFE90] =	vst v52  }
0x22f: {  	v46 =	vadd.s32 $0xBB8, v1;
	[tilespmem:s19+$0xFFFFFEA0] =	vst v54;
	v34 =	vld.idx.msk [tilespmem:v34+s21+$0x0], $0xffff  }
0x230: {  	v22 =	vld.idx.msk [tilespmem:v22+s21+$0x0], $0xffff;
	[tilespmem:s19+$0xFFFFFEB0] =	vst v55  }
0x231: {  	v25 =	vld.idx.msk [tilespmem:v25+s21+$0x0], $0xffff;
	[tilespmem:s19+$0xFFFFFEC0] =	vst v41  }
0x232: {  	v27 =	vld.idx.msk [tilespmem:v27+s21+$0x0], $0xffff;
	[tilespmem:s19+$0xFFFFFED0] =	vst v31  }
0x233: {  	v29 =	vld.idx.msk [tilespmem:v29+s21+$0x0], $0xffff;
	[tilespmem:s19+$0xFFFFFF70] =	vst v24  }
0x234: {  	[tilespmem:s19+$0xFFFFFE80] =	vst v36;
	v24 =	vld.idx.msk [tilespmem:v46+s21+$0x0], $0xffff  }
0x235: {  	v31 =	vld.idx.msk [tilespmem:v37+s21+$0x0], $0xffff;
	[tilespmem:s19+$0xFFFFFEE0] =	vst v34  }
0x236: {  	[tilespmem:s19+$0xFFFFFF10] =	vst v22;
	v22 =	vld.idx.msk [tilespmem:v32+s21+$0x0], $0xffff;
	v32 =	vadd.s32 $0xFA0, v1  }
0x237: {  	[tilespmem:s19+$0xFFFFFF20] =	vst v25;
	v25 =	vld.idx.msk [tilespmem:v35+s21+$0x0], $0xffff  }
0x238: {  	v23 =	vld.idx.msk [tilespmem:v23+s21+$0x0], $0xffff;
	[tilespmem:s19+$0xFFFFFF30] =	vst v27  }
0x239: {  	v26 =	vld.idx.msk [tilespmem:v26+s21+$0x0], $0xffff;
	[tilespmem:s19+$0xFFFFFF40] =	vst v29  }
0x23a: {  	v27 =	vld.idx.msk [tilespmem:v28+s21+$0x0], $0xffff;
	[tilespmem:s19+$0xFFFFFFF0] =	vst v24  }
0x23b: {  	[tilespmem:s19+$0xFFFFFF00] =	vst v31;
	v24 =	vld.idx.msk [tilespmem:v32+s21+$0x0], $0xffff  }
0x23c: {  	v28 =	vld.idx.msk [tilespmem:v38+s21+$0x0], $0xffff;
	[tilespmem:s19+$0xFFFFFF50] =	vst v22  }
0x23d: {  	v22 =	vld.idx.msk [tilespmem:v30+s21+$0x0], $0xffff;
	[tilespmem:s19+$0xFFFFFF60] =	vst v25;
	v25 =	vadd.s32 $0x1388, v1  }
0x23e: {  	[tilespmem:s19+$0xFFFFFF90] =	vst v23;
	v23 =	vld.idx.msk [tilespmem:v33+s21+$0x0], $0xffff  }
0x23f: {  	[tilespmem:s19+$0xFFFFFFA0] =	vst v26;
	v26 =	vld.idx.msk [tilespmem:v42+s21+$0x0], $0xffff  }
0x240: {  	v29 =	vld.idx.msk [tilespmem:v40+s21+$0x0], $0xffff;
	[tilespmem:s19+$0xFFFFFFB0] =	vst v27  }
0x241: {  	v27 =	vld.idx.msk [tilespmem:v43+s21+$0x0], $0xffff;
	[tilespmem:s19+$0x70] =	vst v24  }
0x242: {  	[tilespmem:s19+$0xFFFFFF80] =	vst v28;
	v24 =	vld.idx.msk [tilespmem:v25+s21+$0x0], $0xffff  }
0x243: {  	v25 =	vld.idx.msk [tilespmem:v39+s21+$0x0], $0xffff;
	[tilespmem:s19+$0xFFFFFFC0] =	vst v22  }
0x244: {  	v22 =	vld.idx.msk [tilespmem:v44+s21+$0x0], $0xffff;
	[tilespmem:s19+$0xFFFFFFD0] =	vst v23;
	v23 =	vadd.s32 $0x1770, v1  }
0x245: {  	v28 =	vld.idx.msk [tilespmem:v45+s21+$0x0], $0xffff;
	[tilespmem:s19+$0xFFFFFFE0] =	vst v26  }
0x246: {  	[tilespmem:s19+$0x10] =	vst v29;
	v26 =	vld.idx.msk [tilespmem:v47+s21+$0x0], $0xffff  }
0x247: {  	[tilespmem:s19+$0x20] =	vst v27;
	v27 =	vld.idx.msk [tilespmem:v48+s21+$0x0], $0xffff  }
0x248: {  	v29 =	vld.idx.msk [tilespmem:v51+s21+$0x0], $0xffff;
	[tilespmem:s19+$0xF0] =	vst v24  }
0x249: {  	[tilespmem:s19+$0x0] =	vst v25;
	v23 =	vld.idx.msk [tilespmem:v23+s21+$0x0], $0xffff  }
0x24a: {  	v16 =	vld.idx.msk [tilespmem:v16+s21+$0x0], $0xffff;
	[tilespmem:s19+$0x30] =	vst v22  }
0x24b: {  	v1 =	vadd.s32 $0x1B58, v1;
	v20 =	vld.idx.msk [tilespmem:v20+s21+$0x0], $0xffff;
	[tilespmem:s19+$0x40] =	vst v28  }
0x24c: {  	v18 =	vld.idx.msk [tilespmem:v18+s21+$0x0], $0xffff;
	[tilespmem:s19+$0x50] =	vst v26  }
0x24d: {  	v19 =	vld.idx.msk [tilespmem:v19+s21+$0x0], $0xffff;
	[tilespmem:s19+$0x60] =	vst v27  }
0x24e: {  	[tilespmem:s19+$0x90] =	vst v29;
	v17 =	vld.idx.msk [tilespmem:v17+s21+$0x0], $0xffff  }
0x24f: {  	v21 =	vld.idx.msk [tilespmem:v21+s21+$0x0], $0xffff;
	[tilespmem:s19+$0x170] =	vst v23  }
0x250: {  	[tilespmem:s19+$0x80] =	vst v16;
	v1 =	vld.idx.msk [tilespmem:v1+s21+$0x0], $0xffff  }
0x251: {  	v14 =	vld.idx.msk [tilespmem:v14+s21+$0x0], $0xffff;
	[tilespmem:s19+$0xA0] =	vst v20  }
0x252: {  	v11 =	vld.idx.msk [tilespmem:v11+s21+$0x0], $0xffff;
	[tilespmem:s19+$0xB0] =	vst v18  }
0x253: {  	v15 =	vld.idx.msk [tilespmem:v15+s21+$0x0], $0xffff;
	[tilespmem:s19+$0xC0] =	vst v19  }
0x254: {  	v12 =	vld.idx.msk [tilespmem:v12+s21+$0x0], $0xffff;
	[tilespmem:s19+$0xD0] =	vst v17  }
0x255: {  	v9 =	vld.idx.msk [tilespmem:v9+s21+$0x0], $0xffff;
	[tilespmem:s19+$0xE0] =	vst v21  }
0x256: {  	v13 =	vld.idx.msk [tilespmem:v13+s21+$0x0], $0xffff;
	[tilespmem:s19+$0x1F0] =	vst v1  }
0x257: {  	[tilespmem:s19+$0x100] =	vst v14;
	v1 =	vld.idx.msk [tilespmem:v10+s21+$0x0], $0xffff  }
0x258: {  	v10 =	vld.idx.msk [tilespmem:v5+s21+$0x0], $0xffff;
	[tilespmem:s19+$0x110] =	vst v11  }
0x259: {  	v5 =	vld.idx.msk [tilespmem:v8+s21+$0x0], $0xffff;
	[tilespmem:s19+$0x120] =	vst v15  }
.Ltmp3:
0x25a: {  	v6 =	vld.idx.msk [tilespmem:v6+s21+$0x0], $0xffff;
	[tilespmem:s19+$0x130] =	vst v12;
	(pc) =	sbr.rel @p0 .LBB2_9-.Ltmp3, $4  }
0x25b: {  	v3 =	vld.idx.msk [tilespmem:v3+s21+$0x0], $0xffff;
	[tilespmem:s19+$0x140] =	vst v9  }
0x25c: {  	v7 =	vld.idx.msk [tilespmem:v7+s21+$0x0], $0xffff;
	[tilespmem:s19+$0x150] =	vst v13  }
0x25d: {  	v4 =	vld.idx.msk [tilespmem:v4+s21+$0x0], $0xffff;
	[tilespmem:s19+$0x160] =	vst v1  }
0x25e: {  	s16 =	sadd.s32 $0x80, s16;
	[tilespmem:s19+$0x180] =	vst v10;
	v2 =	vld.idx.msk [tilespmem:v2+s21+$0x0], $0xffff  }
0x25f: {  	[tilespmem:s19+$0x190] =	vst v5  }
0x260: {  	[tilespmem:s19+$0x1A0] =	vst v6;
	s0 =	smul.u32 $0x190000, s1  }
0x261: {  	[tilespmem:s19+$0x1B0] =	vst v3  }
0x262: {  	[tilespmem:s19+$0x1C0] =	vst v7;
	s1 =	sadd.s32 s5, s0  }
0x263: {  	[tilespmem:s19+$0x1D0] =	vst v4;
	s1 =	sshrl.u32 s1, $0x3  }
0x264: {  	[tilespmem:s19+$0x1E0] =	vst v2;
	s1 =	sadd.s32 s2, s1  }
0x265: {  	[hbm4b:s1+s3] =	stream.linear.scatter [tilespmem:s22], [sflag:$0x3], $0x6400, $0x38;
	[tilespmem:$0x15578] =	vst v63  }
0x266: {  	_ =	swait.ge [sflag:s26], $0x6400  }
0x267: {  	[sflag:s26] =	ssyncset.done $0x0  }
0x268: {  	s29 =	simm.s32 $0xCF0;
	[sflag:s26] =	ssyncadd.s32 $0xFFFF9C00  }
0x269: {  	v8 =	vld [tilespmem:s29+$0x0]  }
0x26a: {  	v6 =	vld [tilespmem:s29+$0xFFFFFFA0]  }
0x26b: {  	v5 =	vld [tilespmem:s29+$0xFFFFFFB0]  }
0x26c: {  	v4 =	vld [tilespmem:s29+$0xFFFFFFC0]  }
0x26d: {  	v3 =	vld [tilespmem:s29+$0xFFFFFFD0]  }
0x26e: {  	v2 =	vld [tilespmem:s29+$0xFFFFFFE0]  }
0x26f: {  	v1 =	vld [tilespmem:s29+$0xFFFFFFF0]  }
0x270: {  	v7 =	vld [tilespmem:s29+$0xFFFFFF90]  }
0x271: {  	v9 =	vld.idx.msk [tilespmem:v8+s21+$0x0], $0xffff  }
0x272: {  	v10 =	vld.idx.msk [tilespmem:v6+s21+$0x0], $0xffff  }
0x273: {  	v11 =	vld.idx.msk [tilespmem:v5+s21+$0x0], $0xffff  }
0x274: {  	v12 =	vadd.s32 $0x3E8, v8;
	v13 =	vld.idx.msk [tilespmem:v4+s21+$0x0], $0xffff  }
0x275: {  	v14 =	vadd.s32 $0x3E8, v6;
	v15 =	vld.idx.msk [tilespmem:v3+s21+$0x0], $0xffff  }
0x276: {  	s1 =	simm.s32 $0xF368;
	v16 =	vadd.s32 $0x3E8, v5;
	v17 =	vld.idx.msk [tilespmem:v2+s21+$0x0], $0xffff  }
0x277: {  	v18 =	vadd.s32 $0x3E8, v4;
	v19 =	vld.idx.msk [tilespmem:v1+s21+$0x0], $0xffff;
	[tilespmem:s1+$0xFFFFFE70] =	vst v9  }
0x278: {  	v47 =	vadd.s32 $0x3E8, v3;
	v20 =	vld.idx.msk [tilespmem:v7+s21+$0x0], $0xffff;
	[tilespmem:s1+$0xFFFFFE10] =	vst v10  }
0x279: {  	v49 =	vadd.s32 $0x3E8, v2;
	[tilespmem:s1+$0xFFFFFE20] =	vst v11;
	v48 =	vld.idx.msk [tilespmem:v12+s21+$0x0], $0xffff  }
0x27a: {  	v52 =	vadd.s32 $0x3E8, v7;
	[tilespmem:s1+$0xFFFFFE30] =	vst v13;
	v50 =	vld.idx.msk [tilespmem:v14+s21+$0x0], $0xffff  }
0x27b: {  	v53 =	vadd.s32 $0x3E8, v1;
	[tilespmem:s1+$0xFFFFFE40] =	vst v15;
	v16 =	vld.idx.msk [tilespmem:v16+s21+$0x0], $0xffff  }
0x27c: {  	v51 =	vadd.s32 $0x7D0, v8;
	[tilespmem:s1+$0xFFFFFE50] =	vst v17;
	v18 =	vld.idx.msk [tilespmem:v18+s21+$0x0], $0xffff  }
0x27d: {  	v54 =	vadd.s32 $0x7D0, v6;
	[tilespmem:s1+$0xFFFFFE60] =	vst v19;
	v9 =	vld.idx.msk [tilespmem:v47+s21+$0x0], $0xffff  }
0x27e: {  	v55 =	vadd.s32 $0x7D0, v5;
	[tilespmem:s1+$0xFFFFFE00] =	vst v20;
	v12 =	vld.idx.msk [tilespmem:v49+s21+$0x0], $0xffff  }
0x27f: {  	v56 =	vadd.s32 $0x7D0, v4;
	v14 =	vld.idx.msk [tilespmem:v52+s21+$0x0], $0xffff;
	[tilespmem:s1+$0xFFFFFEF0] =	vst v48  }
0x280: {  	v57 =	vadd.s32 $0x7D0, v3;
	v58 =	vld.idx.msk [tilespmem:v53+s21+$0x0], $0xffff;
	[tilespmem:s1+$0xFFFFFE90] =	vst v50  }
0x281: {  	v60 =	vadd.s32 $0x7D0, v7;
	[tilespmem:s1+$0xFFFFFEA0] =	vst v16;
	v13 =	vld.idx.msk [tilespmem:v51+s21+$0x0], $0xffff  }
0x282: {  	v61 =	vadd.s32 $0x7D0, v2;
	[tilespmem:s1+$0xFFFFFEB0] =	vst v18;
	v17 =	vld.idx.msk [tilespmem:v54+s21+$0x0], $0xffff  }
0x283: {  	v62 =	vadd.s32 $0x7D0, v1;
	[tilespmem:s1+$0xFFFFFEC0] =	vst v9;
	v19 =	vld.idx.msk [tilespmem:v55+s21+$0x0], $0xffff  }
0x284: {  	v59 =	vadd.s32 $0xBB8, v8;
	[tilespmem:s1+$0xFFFFFED0] =	vst v12;
	v10 =	vld.idx.msk [tilespmem:v56+s21+$0x0], $0xffff  }
0x285: {  	v63 =	vadd.s32 $0xBB8, v6;
	[tilespmem:s1+$0xFFFFFE80] =	vst v14;
	v20 =	vld.idx.msk [tilespmem:v57+s21+$0x0], $0xffff  }
0x286: {  	v23 =	vadd.s32 $0xBB8, v5;
	[tilespmem:s1+$0xFFFFFEE0] =	vst v58;
	v16 =	vld.idx.msk [tilespmem:v60+s21+$0x0], $0xffff  }
0x287: {  	v25 =	vadd.s32 $0xBB8, v4;
	v26 =	vld.idx.msk [tilespmem:v61+s21+$0x0], $0xffff;
	[tilespmem:s1+$0xFFFFFF70] =	vst v13  }
0x288: {  	v28 =	vadd.s32 $0xBB8, v7;
	v9 =	vld.idx.msk [tilespmem:v62+s21+$0x0], $0xffff;
	[tilespmem:s1+$0xFFFFFF10] =	vst v17  }
0x289: {  	v29 =	vadd.s32 $0xBB8, v3;
	[tilespmem:s1+$0xFFFFFF20] =	vst v19;
	v24 =	vld.idx.msk [tilespmem:v59+s21+$0x0], $0xffff  }
0x28a: {  	v30 =	vadd.s32 $0xBB8, v2;
	[tilespmem:s1+$0xFFFFFF30] =	vst v10;
	v12 =	vld.idx.msk [tilespmem:v63+s21+$0x0], $0xffff  }
0x28b: {  	v31 =	vadd.s32 $0xBB8, v1;
	[tilespmem:s1+$0xFFFFFF40] =	vst v20;
	v13 =	vld.idx.msk [tilespmem:v23+s21+$0x0], $0xffff  }
0x28c: {  	v27 =	vadd.s32 $0xFA0, v8;
	[tilespmem:s1+$0xFFFFFF00] =	vst v16;
	v15 =	vld.idx.msk [tilespmem:v25+s21+$0x0], $0xffff  }
0x28d: {  	v32 =	vadd.s32 $0xFA0, v6;
	[tilespmem:s1+$0xFFFFFF50] =	vst v26;
	v18 =	vld.idx.msk [tilespmem:v28+s21+$0x0], $0xffff  }
0x28e: {  	v34 =	vadd.s32 $0xFA0, v5;
	[tilespmem:s1+$0xFFFFFF60] =	vst v9;
	v35 =	vld.idx.msk [tilespmem:v29+s21+$0x0], $0xffff  }
0x28f: {  	v37 =	vadd.s32 $0xFA0, v7;
	v10 =	vld.idx.msk [tilespmem:v30+s21+$0x0], $0xffff;
	[tilespmem:s1+$0xFFFFFFF0] =	vst v24  }
0x290: {  	v38 =	vadd.s32 $0xFA0, v4;
	v39 =	vld.idx.msk [tilespmem:v31+s21+$0x0], $0xffff;
	[tilespmem:s1+$0xFFFFFF90] =	vst v12  }
0x291: {  	v40 =	vadd.s32 $0xFA0, v3;
	[tilespmem:s1+$0xFFFFFFA0] =	vst v13;
	v33 =	vld.idx.msk [tilespmem:v27+s21+$0x0], $0xffff  }
0x292: {  	v41 =	vadd.s32 $0xFA0, v2;
	[tilespmem:s1+$0xFFFFFFB0] =	vst v15;
	v14 =	vld.idx.msk [tilespmem:v32+s21+$0x0], $0xffff  }
0x293: {  	v42 =	vadd.s32 $0xFA0, v1;
	[tilespmem:s1+$0xFFFFFF80] =	vst v18;
	v17 =	vld.idx.msk [tilespmem:v34+s21+$0x0], $0xffff  }
0x294: {  	v36 =	vadd.s32 $0x1388, v8;
	[tilespmem:s1+$0xFFFFFFC0] =	vst v35;
	v19 =	vld.idx.msk [tilespmem:v37+s21+$0x0], $0xffff  }
0x295: {  	v43 =	vadd.s32 $0x1388, v6;
	[tilespmem:s1+$0xFFFFFFD0] =	vst v10;
	v44 =	vld.idx.msk [tilespmem:v38+s21+$0x0], $0xffff  }
0x296: {  	v46 =	vadd.s32 $0x1388, v7;
	[tilespmem:s1+$0xFFFFFFE0] =	vst v39;
	v20 =	vld.idx.msk [tilespmem:v40+s21+$0x0], $0xffff  }
0x297: {  	v47 =	vadd.s32 $0x1388, v5;
	v48 =	vld.idx.msk [tilespmem:v41+s21+$0x0], $0xffff;
	[tilespmem:s1+$0x70] =	vst v33  }
0x298: {  	v49 =	vadd.s32 $0x1388, v4;
	v16 =	vld.idx.msk [tilespmem:v42+s21+$0x0], $0xffff;
	[tilespmem:s1+$0x10] =	vst v14  }
0x299: {  	v50 =	vadd.s32 $0x1388, v3;
	[tilespmem:s1+$0x20] =	vst v17;
	v9 =	vld.idx.msk [tilespmem:v36+s21+$0x0], $0xffff  }
0x29a: {  	v45 =	vadd.s32 $0x1770, v8;
	[tilespmem:s1+$0x0] =	vst v19;
	v18 =	vld.idx.msk [tilespmem:v43+s21+$0x0], $0xffff  }
0x29b: {  	v52 =	vadd.s32 $0x1388, v1;
	[tilespmem:s1+$0x30] =	vst v44;
	v12 =	vld.idx.msk [tilespmem:v46+s21+$0x0], $0xffff  }
0x29c: {  	v51 =	vadd.s32 $0x1388, v2;
	[tilespmem:s1+$0x40] =	vst v20;
	v53 =	vld.idx.msk [tilespmem:v47+s21+$0x0], $0xffff  }
0x29d: {  	v54 =	vadd.s32 $0x1770, v7;
	[tilespmem:s1+$0x50] =	vst v48;
	v15 =	vld.idx.msk [tilespmem:v49+s21+$0x0], $0xffff  }
0x29e: {  	v55 =	vadd.s32 $0x1770, v6;
	v17 =	vld.idx.msk [tilespmem:v50+s21+$0x0], $0xffff;
	[tilespmem:s1+$0xF0] =	vst v9  }
0x29f: {  	v56 =	vadd.s32 $0x1770, v5;
	[tilespmem:s1+$0x60] =	vst v16;
	v10 =	vld.idx.msk [tilespmem:v45+s21+$0x0], $0xffff  }
0x2a0: {  	v8 =	vadd.s32 $0x1B58, v8;
	v19 =	vld.idx.msk [tilespmem:v52+s21+$0x0], $0xffff;
	[tilespmem:s1+$0x90] =	vst v18  }
0x2a1: {  	v57 =	vadd.s32 $0x1770, v4;
	v9 =	vld.idx.msk [tilespmem:v51+s21+$0x0], $0xffff;
	[tilespmem:s1+$0x80] =	vst v12  }
0x2a2: {  	v60 =	vadd.s32 $0x1770, v1;
	[tilespmem:s1+$0xA0] =	vst v53;
	v13 =	vld.idx.msk [tilespmem:v54+s21+$0x0], $0xffff  }
0x2a3: {  	v59 =	vadd.s32 $0x1770, v2;
	[tilespmem:s1+$0xB0] =	vst v15;
	v14 =	vld.idx.msk [tilespmem:v55+s21+$0x0], $0xffff  }
0x2a4: {  	v58 =	vadd.s32 $0x1770, v3;
	v61 =	vld.idx.msk [tilespmem:v56+s21+$0x0], $0xffff;
	[tilespmem:s1+$0x170] =	vst v10  }
0x2a5: {  	v7 =	vadd.s32 $0x1B58, v7;
	[tilespmem:s1+$0xC0] =	vst v17;
	v8 =	vld.idx.msk [tilespmem:v8+s21+$0x0], $0xffff  }
0x2a6: {  	v6 =	vadd.s32 $0x1B58, v6;
	[tilespmem:s1+$0xE0] =	vst v19;
	v62 =	vld.idx.msk [tilespmem:v57+s21+$0x0], $0xffff  }
0x2a7: {  	v63 =	vadd.s32 $0x1B58, v5;
	v11 =	vld.idx.msk [tilespmem:v60+s21+$0x0], $0xffff;
	[tilespmem:s1+$0xD0] =	vst v9  }
0x2a8: {  	v4 =	vadd.s32 $0x1B58, v4;
	v12 =	vld.idx.msk [tilespmem:v59+s21+$0x0], $0xffff;
	[tilespmem:s1+$0x100] =	vst v13  }
0x2a9: {  	v2 =	vadd.s32 $0x1B58, v2;
	v10 =	vld.idx.msk [tilespmem:v58+s21+$0x0], $0xffff;
	[tilespmem:s1+$0x110] =	vst v14  }
0x2aa: {  	v13 =	vld.idx.msk [tilespmem:v7+s21+$0x0], $0xffff;
	[tilespmem:s1+$0x1F0] =	vst v8;
	v8 =	vadd.s32 $0x1B58, v3  }
0x2ab: {  	v1 =	vadd.s32 $0x1B58, v1;
	[tilespmem:s1+$0x120] =	vst v61;
	v5 =	vld.idx.msk [tilespmem:v6+s21+$0x0], $0xffff  }
0x2ac: {  	[tilespmem:s1+$0x130] =	vst v62;
	v6 =	vld.idx.msk [tilespmem:v63+s21+$0x0], $0xffff  }
0x2ad: {  	[tilespmem:s1+$0x150] =	vst v12;
	v3 =	vld.idx.msk [tilespmem:v4+s21+$0x0], $0xffff  }
0x2ae: {  	[tilespmem:s1+$0x140] =	vst v10;
	v4 =	vld.idx.msk [tilespmem:v2+s21+$0x0], $0xffff  }
0x2af: {  	[tilespmem:s1+$0x160] =	vst v11;
	v7 =	vld.idx.msk [tilespmem:v8+s21+$0x0], $0xffff  }
0x2b0: {  	s16 =	simm.s32 $0xD70;
	s19 =	simm.s32 $0x0;
	[tilespmem:s1+$0x180] =	vst v13;
	v2 =	vld.idx.msk [tilespmem:v1+s21+$0x0], $0xffff  }
.LBB2_11:
0x2b1: {  	v1 =	vld [tilespmem:s16+$0x0];
	s19 =	sadd.s32 $0x8, s19;
	[tilespmem:s1+$0x190] =	vst v5  }
0x2b2: {  	v8 =	vld [tilespmem:s16+$0xFFFFFFA0];
	p0 =	slt.u32 s19, $0xC0;
	[tilespmem:s1+$0x1A0] =	vst v6  }
0x2b3: {  	v6 =	vld [tilespmem:s16+$0xFFFFFFB0];
	[tilespmem:s1+$0x1B0] =	vst v3  }
0x2b4: {  	v3 =	vld [tilespmem:s16+$0xFFFFFFC0];
	[tilespmem:s1+$0x1C0] =	vst v7  }
0x2b5: {  	v7 =	vld [tilespmem:s16+$0xFFFFFFD0];
	[tilespmem:s1+$0x1D0] =	vst v4  }
0x2b6: {  	v4 =	vld [tilespmem:s16+$0xFFFFFFE0];
	[tilespmem:s1+$0x1E0] =	vst v2  }
0x2b7: {  	v2 =	vadd.s32 $0x3E8, v8;
	v22 =	vadd.s32 $0x7D0, v8;
	v23 =	vadd.s32 $0xBB8, v8;
	v24 =	vld [tilespmem:s16+$0xFFFFFFF0]  }
0x2b8: {  	v5 =	vld [tilespmem:s16+$0xFFFFFF90];
	v9 =	vadd.s32 $0x3E8, v6;
	v25 =	vadd.s32 $0x7D0, v6;
	v26 =	vadd.s32 $0xBB8, v6  }
0x2b9: {  	v10 =	vadd.s32 $0x3E8, v3;
	v27 =	vadd.s32 $0x7D0, v3;
	v28 =	vadd.s32 $0xBB8, v3;
	v11 =	vld.idx.msk [tilespmem:v1+s21+$0x0], $0xffff  }
0x2ba: {  	v12 =	vld.idx.msk [tilespmem:v8+s21+$0x0], $0xffff;
	v13 =	vadd.s32 $0x3E8, v7;
	v29 =	vadd.s32 $0x7D0, v7;
	v30 =	vadd.s32 $0xBB8, v7  }
0x2bb: {  	v15 =	vadd.s32 $0x3E8, v1;
	v14 =	vld.idx.msk [tilespmem:v6+s21+$0x0], $0xffff;
	v31 =	vadd.s32 $0x3E8, v4;
	v32 =	vadd.s32 $0x7D0, v4  }
0x2bc: {  	v33 =	vadd.s32 $0xBB8, v4;
	v17 =	vld.idx.msk [tilespmem:v3+s21+$0x0], $0xffff;
	v34 =	vadd.s32 $0x3E8, v24;
	v35 =	vadd.s32 $0x7D0, v24  }
0x2bd: {  	v36 =	vadd.s32 $0x3E8, v5;
	v37 =	vadd.s32 $0x7D0, v5;
	v38 =	vadd.s32 $0xBB8, v5;
	v21 =	vld.idx.msk [tilespmem:v7+s21+$0x0], $0xffff  }
0x2be: {  	s1 =	sadd.s32 $0x400, s1;
	v40 =	vadd.s32 $0xFA0, v8;
	v42 =	vadd.s32 $0xBB8, v24;
	v39 =	vadd.s32 $0xFA0, v5;
	v41 =	vld.idx.msk [tilespmem:v4+s21+$0x0], $0xffff  }
0x2bf: {  	v43 =	vadd.s32 $0xFA0, v6;
	v44 =	vadd.s32 $0xFA0, v3;
	v45 =	vadd.s32 $0xFA0, v7;
	v46 =	vld.idx.msk [tilespmem:v24+s21+$0x0], $0xffff;
	[tilespmem:s1+$0xFFFFFE70] =	vst v11  }
0x2c0: {  	v47 =	vadd.s32 $0xFA0, v4;
	v48 =	vadd.s32 $0xFA0, v24;
	v16 =	vadd.s32 $0x1388, v5;
	[tilespmem:s1+$0xFFFFFE10] =	vst v12;
	v49 =	vld.idx.msk [tilespmem:v15+s21+$0x0], $0xffff  }
0x2c1: {  	v51 =	vadd.s32 $0x1388, v8;
	v20 =	vadd.s32 $0x1388, v6;
	v18 =	vadd.s32 $0x1388, v3;
	v50 =	vld.idx.msk [tilespmem:v5+s21+$0x0], $0xffff;
	[tilespmem:s1+$0xFFFFFE20] =	vst v14  }
0x2c2: {  	v53 =	vadd.s32 $0x7D0, v1;
	v19 =	vadd.s32 $0x1388, v7;
	v52 =	vld.idx.msk [tilespmem:v2+s21+$0x0], $0xffff;
	[tilespmem:s1+$0xFFFFFE30] =	vst v17;
	v17 =	vadd.s32 $0x1388, v4  }
0x2c3: {  	v11 =	vadd.s32 $0x1770, v8;
	v14 =	vadd.s32 $0x1770, v5;
	v54 =	vld.idx.msk [tilespmem:v9+s21+$0x0], $0xffff;
	[tilespmem:s1+$0xFFFFFE40] =	vst v21;
	v21 =	vadd.s32 $0x1388, v24  }
0x2c4: {  	v15 =	vadd.s32 $0x1770, v6;
	v12 =	vadd.s32 $0x1770, v3;
	v9 =	vadd.s32 $0x1770, v7;
	v55 =	vld.idx.msk [tilespmem:v10+s21+$0x0], $0xffff;
	[tilespmem:s1+$0xFFFFFE50] =	vst v41  }
0x2c5: {  	v5 =	vadd.s32 $0x1B58, v5;
	v10 =	vadd.s32 $0x1770, v24;
	v41 =	vld.idx.msk [tilespmem:v13+s21+$0x0], $0xffff;
	v13 =	vadd.s32 $0x1770, v4;
	[tilespmem:s1+$0xFFFFFE60] =	vst v46  }
0x2c6: {  	v8 =	vadd.s32 $0x1B58, v8;
	v6 =	vadd.s32 $0x1B58, v6;
	v3 =	vadd.s32 $0x1B58, v3;
	v31 =	vld.idx.msk [tilespmem:v31+s21+$0x0], $0xffff;
	[tilespmem:s1+$0xFFFFFEF0] =	vst v49  }
0x2c7: {  	v2 =	vadd.s32 $0x1B58, v24;
	v7 =	vadd.s32 $0x1B58, v7;
	v4 =	vadd.s32 $0x1B58, v4;
	[tilespmem:s1+$0xFFFFFE00] =	vst v50;
	v24 =	vld.idx.msk [tilespmem:v53+s21+$0x0], $0xffff  }
0x2c8: {  	v36 =	vld.idx.msk [tilespmem:v36+s21+$0x0], $0xffff;
	[tilespmem:s1+$0xFFFFFE90] =	vst v52  }
0x2c9: {  	v46 =	vadd.s32 $0xBB8, v1;
	[tilespmem:s1+$0xFFFFFEA0] =	vst v54;
	v34 =	vld.idx.msk [tilespmem:v34+s21+$0x0], $0xffff  }
0x2ca: {  	v22 =	vld.idx.msk [tilespmem:v22+s21+$0x0], $0xffff;
	[tilespmem:s1+$0xFFFFFEB0] =	vst v55  }
0x2cb: {  	v25 =	vld.idx.msk [tilespmem:v25+s21+$0x0], $0xffff;
	[tilespmem:s1+$0xFFFFFEC0] =	vst v41  }
0x2cc: {  	v27 =	vld.idx.msk [tilespmem:v27+s21+$0x0], $0xffff;
	[tilespmem:s1+$0xFFFFFED0] =	vst v31  }
0x2cd: {  	v29 =	vld.idx.msk [tilespmem:v29+s21+$0x0], $0xffff;
	[tilespmem:s1+$0xFFFFFF70] =	vst v24  }
0x2ce: {  	[tilespmem:s1+$0xFFFFFE80] =	vst v36;
	v24 =	vld.idx.msk [tilespmem:v46+s21+$0x0], $0xffff  }
0x2cf: {  	v31 =	vld.idx.msk [tilespmem:v37+s21+$0x0], $0xffff;
	[tilespmem:s1+$0xFFFFFEE0] =	vst v34  }
0x2d0: {  	[tilespmem:s1+$0xFFFFFF10] =	vst v22;
	v22 =	vld.idx.msk [tilespmem:v32+s21+$0x0], $0xffff;
	v32 =	vadd.s32 $0xFA0, v1  }
0x2d1: {  	[tilespmem:s1+$0xFFFFFF20] =	vst v25;
	v25 =	vld.idx.msk [tilespmem:v35+s21+$0x0], $0xffff  }
0x2d2: {  	v23 =	vld.idx.msk [tilespmem:v23+s21+$0x0], $0xffff;
	[tilespmem:s1+$0xFFFFFF30] =	vst v27  }
0x2d3: {  	v26 =	vld.idx.msk [tilespmem:v26+s21+$0x0], $0xffff;
	[tilespmem:s1+$0xFFFFFF40] =	vst v29  }
0x2d4: {  	v27 =	vld.idx.msk [tilespmem:v28+s21+$0x0], $0xffff;
	[tilespmem:s1+$0xFFFFFFF0] =	vst v24  }
0x2d5: {  	[tilespmem:s1+$0xFFFFFF00] =	vst v31;
	v24 =	vld.idx.msk [tilespmem:v32+s21+$0x0], $0xffff  }
0x2d6: {  	v28 =	vld.idx.msk [tilespmem:v38+s21+$0x0], $0xffff;
	[tilespmem:s1+$0xFFFFFF50] =	vst v22  }
0x2d7: {  	v22 =	vld.idx.msk [tilespmem:v30+s21+$0x0], $0xffff;
	[tilespmem:s1+$0xFFFFFF60] =	vst v25;
	v25 =	vadd.s32 $0x1388, v1  }
0x2d8: {  	[tilespmem:s1+$0xFFFFFF90] =	vst v23;
	v23 =	vld.idx.msk [tilespmem:v33+s21+$0x0], $0xffff  }
0x2d9: {  	[tilespmem:s1+$0xFFFFFFA0] =	vst v26;
	v26 =	vld.idx.msk [tilespmem:v42+s21+$0x0], $0xffff  }
0x2da: {  	v29 =	vld.idx.msk [tilespmem:v40+s21+$0x0], $0xffff;
	[tilespmem:s1+$0xFFFFFFB0] =	vst v27  }
0x2db: {  	v27 =	vld.idx.msk [tilespmem:v43+s21+$0x0], $0xffff;
	[tilespmem:s1+$0x70] =	vst v24  }
0x2dc: {  	[tilespmem:s1+$0xFFFFFF80] =	vst v28;
	v24 =	vld.idx.msk [tilespmem:v25+s21+$0x0], $0xffff  }
0x2dd: {  	v25 =	vld.idx.msk [tilespmem:v39+s21+$0x0], $0xffff;
	[tilespmem:s1+$0xFFFFFFC0] =	vst v22  }
0x2de: {  	v22 =	vld.idx.msk [tilespmem:v44+s21+$0x0], $0xffff;
	[tilespmem:s1+$0xFFFFFFD0] =	vst v23;
	v23 =	vadd.s32 $0x1770, v1  }
0x2df: {  	v28 =	vld.idx.msk [tilespmem:v45+s21+$0x0], $0xffff;
	[tilespmem:s1+$0xFFFFFFE0] =	vst v26  }
0x2e0: {  	[tilespmem:s1+$0x10] =	vst v29;
	v26 =	vld.idx.msk [tilespmem:v47+s21+$0x0], $0xffff  }
0x2e1: {  	[tilespmem:s1+$0x20] =	vst v27;
	v27 =	vld.idx.msk [tilespmem:v48+s21+$0x0], $0xffff  }
0x2e2: {  	v29 =	vld.idx.msk [tilespmem:v51+s21+$0x0], $0xffff;
	[tilespmem:s1+$0xF0] =	vst v24  }
0x2e3: {  	[tilespmem:s1+$0x0] =	vst v25;
	v23 =	vld.idx.msk [tilespmem:v23+s21+$0x0], $0xffff  }
0x2e4: {  	v16 =	vld.idx.msk [tilespmem:v16+s21+$0x0], $0xffff;
	[tilespmem:s1+$0x30] =	vst v22  }
0x2e5: {  	v1 =	vadd.s32 $0x1B58, v1;
	v20 =	vld.idx.msk [tilespmem:v20+s21+$0x0], $0xffff;
	[tilespmem:s1+$0x40] =	vst v28  }
0x2e6: {  	v18 =	vld.idx.msk [tilespmem:v18+s21+$0x0], $0xffff;
	[tilespmem:s1+$0x50] =	vst v26  }
0x2e7: {  	v19 =	vld.idx.msk [tilespmem:v19+s21+$0x0], $0xffff;
	[tilespmem:s1+$0x60] =	vst v27  }
0x2e8: {  	[tilespmem:s1+$0x90] =	vst v29;
	v17 =	vld.idx.msk [tilespmem:v17+s21+$0x0], $0xffff  }
0x2e9: {  	v21 =	vld.idx.msk [tilespmem:v21+s21+$0x0], $0xffff;
	[tilespmem:s1+$0x170] =	vst v23  }
0x2ea: {  	[tilespmem:s1+$0x80] =	vst v16;
	v1 =	vld.idx.msk [tilespmem:v1+s21+$0x0], $0xffff  }
0x2eb: {  	v14 =	vld.idx.msk [tilespmem:v14+s21+$0x0], $0xffff;
	[tilespmem:s1+$0xA0] =	vst v20  }
0x2ec: {  	v11 =	vld.idx.msk [tilespmem:v11+s21+$0x0], $0xffff;
	[tilespmem:s1+$0xB0] =	vst v18  }
0x2ed: {  	v15 =	vld.idx.msk [tilespmem:v15+s21+$0x0], $0xffff;
	[tilespmem:s1+$0xC0] =	vst v19  }
0x2ee: {  	v12 =	vld.idx.msk [tilespmem:v12+s21+$0x0], $0xffff;
	[tilespmem:s1+$0xD0] =	vst v17  }
0x2ef: {  	v9 =	vld.idx.msk [tilespmem:v9+s21+$0x0], $0xffff;
	[tilespmem:s1+$0xE0] =	vst v21  }
0x2f0: {  	v13 =	vld.idx.msk [tilespmem:v13+s21+$0x0], $0xffff;
	[tilespmem:s1+$0x1F0] =	vst v1  }
0x2f1: {  	[tilespmem:s1+$0x100] =	vst v14;
	v1 =	vld.idx.msk [tilespmem:v10+s21+$0x0], $0xffff  }
0x2f2: {  	v10 =	vld.idx.msk [tilespmem:v5+s21+$0x0], $0xffff;
	[tilespmem:s1+$0x110] =	vst v11  }
0x2f3: {  	v5 =	vld.idx.msk [tilespmem:v8+s21+$0x0], $0xffff;
	[tilespmem:s1+$0x120] =	vst v15  }
.Ltmp4:
0x2f4: {  	v6 =	vld.idx.msk [tilespmem:v6+s21+$0x0], $0xffff;
	[tilespmem:s1+$0x130] =	vst v12;
	(pc) =	sbr.rel @p0 .LBB2_11-.Ltmp4, $4  }
0x2f5: {  	v3 =	vld.idx.msk [tilespmem:v3+s21+$0x0], $0xffff;
	[tilespmem:s1+$0x140] =	vst v9  }
0x2f6: {  	v7 =	vld.idx.msk [tilespmem:v7+s21+$0x0], $0xffff;
	[tilespmem:s1+$0x150] =	vst v13  }
0x2f7: {  	v4 =	vld.idx.msk [tilespmem:v4+s21+$0x0], $0xffff;
	[tilespmem:s1+$0x160] =	vst v1  }
0x2f8: {  	s16 =	sadd.s32 $0x80, s16;
	[tilespmem:s1+$0x180] =	vst v10;
	v2 =	vld.idx.msk [tilespmem:v2+s21+$0x0], $0xffff  }
0x2f9: {  	[tilespmem:s1+$0x190] =	vst v5;
	s31 =	sadd.s32 $0x1, s31  }
0x2fa: {  	[tilespmem:s1+$0x1A0] =	vst v6;
	p0 =	sne.s32 s31, $0x3E  }
.Ltmp5:
0x2fb: {  	[tilespmem:s1+$0x1B0] =	vst v3;
	(pc) =	sbr.rel @p0 .LBB2_4-.Ltmp5, $4  }
0x2fc: {  	s0 =	sadd.s32 s9, s0;
	[tilespmem:s1+$0x1C0] =	vst v7  }
0x2fd: {  	s0 =	sshrl.u32 s0, $0x3;
	[tilespmem:s1+$0x1D0] =	vst v4  }
0x2fe: {  	s0 =	sadd.s32 s2, s0;
	[tilespmem:s1+$0x1E0] =	vst v2  }
0x2ff: {  	[hbm4b:s0+s3] =	stream.linear.scatter [tilespmem:s23], [sflag:$0x4], $0x6400, $0x38;
	[tilespmem:$0x15578] =	vst v63  }
0x300: {  	_ =	swait.ge [sflag:s20], $0x1F40  }
0x301: {  	[sflag:s20] =	ssyncset.done $0x0  }
0x302: {  	[sflag:s20] =	ssyncadd.s32 $0xFFFFE0C0  }
0x303: {  	_ =	swait.ge [sflag:s25], $0x6400  }
0x304: {  	[sflag:s25] =	ssyncset.done $0x0  }
0x305: {  	s0 =	simm.s32 $0x40;
	[sflag:s25] =	ssyncadd.s32 $0xFFFF9C00  }
0x306: {  	v8 =	vld [tilespmem:s0+$0x30]  }
0x307: {  	v6 =	vld [tilespmem:s0+$0xFFFFFFD0]  }
0x308: {  	v5 =	vld [tilespmem:s0+$0xFFFFFFE0]  }
0x309: {  	v4 =	vld [tilespmem:s0+$0xFFFFFFF0]  }
0x30a: {  	v3 =	vld [tilespmem:s0+$0x0]  }
0x30b: {  	v2 =	vld [tilespmem:s0+$0x10]  }
0x30c: {  	v1 =	vld [tilespmem:s0+$0x20]  }
0x30d: {  	v7 =	vld [tilespmem:s0+$0xFFFFFFC0]  }
0x30e: {  	v9 =	vld.idx.msk [tilespmem:v8+s14+$0x0], $0xffff  }
0x30f: {  	v10 =	vld.idx.msk [tilespmem:v6+s14+$0x0], $0xffff  }
0x310: {  	v11 =	vld.idx.msk [tilespmem:v5+s14+$0x0], $0xffff  }
0x311: {  	v12 =	vadd.s32 $0x3E8, v8;
	v13 =	vld.idx.msk [tilespmem:v4+s14+$0x0], $0xffff  }
0x312: {  	v14 =	vadd.s32 $0x3E8, v6;
	v15 =	vld.idx.msk [tilespmem:v3+s14+$0x0], $0xffff  }
0x313: {  	s0 =	simm.s32 $0x8F68;
	v16 =	vadd.s32 $0x3E8, v5;
	v17 =	vld.idx.msk [tilespmem:v2+s14+$0x0], $0xffff  }
0x314: {  	v18 =	vadd.s32 $0x3E8, v4;
	v19 =	vld.idx.msk [tilespmem:v1+s14+$0x0], $0xffff;
	[tilespmem:s0+$0xFFFFFE70] =	vst v9  }
0x315: {  	v47 =	vadd.s32 $0x3E8, v3;
	v20 =	vld.idx.msk [tilespmem:v7+s14+$0x0], $0xffff;
	[tilespmem:s0+$0xFFFFFE10] =	vst v10  }
0x316: {  	v49 =	vadd.s32 $0x3E8, v2;
	[tilespmem:s0+$0xFFFFFE20] =	vst v11;
	v48 =	vld.idx.msk [tilespmem:v12+s14+$0x0], $0xffff  }
0x317: {  	v52 =	vadd.s32 $0x3E8, v7;
	[tilespmem:s0+$0xFFFFFE30] =	vst v13;
	v50 =	vld.idx.msk [tilespmem:v14+s14+$0x0], $0xffff  }
0x318: {  	v53 =	vadd.s32 $0x3E8, v1;
	[tilespmem:s0+$0xFFFFFE40] =	vst v15;
	v16 =	vld.idx.msk [tilespmem:v16+s14+$0x0], $0xffff  }
0x319: {  	v51 =	vadd.s32 $0x7D0, v8;
	[tilespmem:s0+$0xFFFFFE50] =	vst v17;
	v18 =	vld.idx.msk [tilespmem:v18+s14+$0x0], $0xffff  }
0x31a: {  	v54 =	vadd.s32 $0x7D0, v6;
	[tilespmem:s0+$0xFFFFFE60] =	vst v19;
	v9 =	vld.idx.msk [tilespmem:v47+s14+$0x0], $0xffff  }
0x31b: {  	v55 =	vadd.s32 $0x7D0, v5;
	[tilespmem:s0+$0xFFFFFE00] =	vst v20;
	v12 =	vld.idx.msk [tilespmem:v49+s14+$0x0], $0xffff  }
0x31c: {  	v56 =	vadd.s32 $0x7D0, v4;
	v14 =	vld.idx.msk [tilespmem:v52+s14+$0x0], $0xffff;
	[tilespmem:s0+$0xFFFFFEF0] =	vst v48  }
0x31d: {  	v57 =	vadd.s32 $0x7D0, v3;
	v58 =	vld.idx.msk [tilespmem:v53+s14+$0x0], $0xffff;
	[tilespmem:s0+$0xFFFFFE90] =	vst v50  }
0x31e: {  	v60 =	vadd.s32 $0x7D0, v7;
	[tilespmem:s0+$0xFFFFFEA0] =	vst v16;
	v13 =	vld.idx.msk [tilespmem:v51+s14+$0x0], $0xffff  }
0x31f: {  	v61 =	vadd.s32 $0x7D0, v2;
	[tilespmem:s0+$0xFFFFFEB0] =	vst v18;
	v17 =	vld.idx.msk [tilespmem:v54+s14+$0x0], $0xffff  }
0x320: {  	v62 =	vadd.s32 $0x7D0, v1;
	[tilespmem:s0+$0xFFFFFEC0] =	vst v9;
	v19 =	vld.idx.msk [tilespmem:v55+s14+$0x0], $0xffff  }
0x321: {  	v59 =	vadd.s32 $0xBB8, v8;
	[tilespmem:s0+$0xFFFFFED0] =	vst v12;
	v10 =	vld.idx.msk [tilespmem:v56+s14+$0x0], $0xffff  }
0x322: {  	v63 =	vadd.s32 $0xBB8, v6;
	[tilespmem:s0+$0xFFFFFE80] =	vst v14;
	v20 =	vld.idx.msk [tilespmem:v57+s14+$0x0], $0xffff  }
0x323: {  	v23 =	vadd.s32 $0xBB8, v5;
	[tilespmem:s0+$0xFFFFFEE0] =	vst v58;
	v16 =	vld.idx.msk [tilespmem:v60+s14+$0x0], $0xffff  }
0x324: {  	v25 =	vadd.s32 $0xBB8, v4;
	v26 =	vld.idx.msk [tilespmem:v61+s14+$0x0], $0xffff;
	[tilespmem:s0+$0xFFFFFF70] =	vst v13  }
0x325: {  	v28 =	vadd.s32 $0xBB8, v7;
	v9 =	vld.idx.msk [tilespmem:v62+s14+$0x0], $0xffff;
	[tilespmem:s0+$0xFFFFFF10] =	vst v17  }
0x326: {  	v29 =	vadd.s32 $0xBB8, v3;
	[tilespmem:s0+$0xFFFFFF20] =	vst v19;
	v24 =	vld.idx.msk [tilespmem:v59+s14+$0x0], $0xffff  }
0x327: {  	v30 =	vadd.s32 $0xBB8, v2;
	[tilespmem:s0+$0xFFFFFF30] =	vst v10;
	v12 =	vld.idx.msk [tilespmem:v63+s14+$0x0], $0xffff  }
0x328: {  	v31 =	vadd.s32 $0xBB8, v1;
	[tilespmem:s0+$0xFFFFFF40] =	vst v20;
	v13 =	vld.idx.msk [tilespmem:v23+s14+$0x0], $0xffff  }
0x329: {  	v27 =	vadd.s32 $0xFA0, v8;
	[tilespmem:s0+$0xFFFFFF00] =	vst v16;
	v15 =	vld.idx.msk [tilespmem:v25+s14+$0x0], $0xffff  }
0x32a: {  	v32 =	vadd.s32 $0xFA0, v6;
	[tilespmem:s0+$0xFFFFFF50] =	vst v26;
	v18 =	vld.idx.msk [tilespmem:v28+s14+$0x0], $0xffff  }
0x32b: {  	v34 =	vadd.s32 $0xFA0, v5;
	[tilespmem:s0+$0xFFFFFF60] =	vst v9;
	v35 =	vld.idx.msk [tilespmem:v29+s14+$0x0], $0xffff  }
0x32c: {  	v37 =	vadd.s32 $0xFA0, v7;
	v10 =	vld.idx.msk [tilespmem:v30+s14+$0x0], $0xffff;
	[tilespmem:s0+$0xFFFFFFF0] =	vst v24  }
0x32d: {  	v38 =	vadd.s32 $0xFA0, v4;
	v39 =	vld.idx.msk [tilespmem:v31+s14+$0x0], $0xffff;
	[tilespmem:s0+$0xFFFFFF90] =	vst v12  }
0x32e: {  	v40 =	vadd.s32 $0xFA0, v3;
	[tilespmem:s0+$0xFFFFFFA0] =	vst v13;
	v33 =	vld.idx.msk [tilespmem:v27+s14+$0x0], $0xffff  }
0x32f: {  	v41 =	vadd.s32 $0xFA0, v2;
	[tilespmem:s0+$0xFFFFFFB0] =	vst v15;
	v14 =	vld.idx.msk [tilespmem:v32+s14+$0x0], $0xffff  }
0x330: {  	v42 =	vadd.s32 $0xFA0, v1;
	[tilespmem:s0+$0xFFFFFF80] =	vst v18;
	v17 =	vld.idx.msk [tilespmem:v34+s14+$0x0], $0xffff  }
0x331: {  	v36 =	vadd.s32 $0x1388, v8;
	[tilespmem:s0+$0xFFFFFFC0] =	vst v35;
	v19 =	vld.idx.msk [tilespmem:v37+s14+$0x0], $0xffff  }
0x332: {  	v43 =	vadd.s32 $0x1388, v6;
	[tilespmem:s0+$0xFFFFFFD0] =	vst v10;
	v44 =	vld.idx.msk [tilespmem:v38+s14+$0x0], $0xffff  }
0x333: {  	v46 =	vadd.s32 $0x1388, v7;
	[tilespmem:s0+$0xFFFFFFE0] =	vst v39;
	v20 =	vld.idx.msk [tilespmem:v40+s14+$0x0], $0xffff  }
0x334: {  	v47 =	vadd.s32 $0x1388, v5;
	v48 =	vld.idx.msk [tilespmem:v41+s14+$0x0], $0xffff;
	[tilespmem:s0+$0x70] =	vst v33  }
0x335: {  	v49 =	vadd.s32 $0x1388, v4;
	v16 =	vld.idx.msk [tilespmem:v42+s14+$0x0], $0xffff;
	[tilespmem:s0+$0x10] =	vst v14  }
0x336: {  	v50 =	vadd.s32 $0x1388, v3;
	[tilespmem:s0+$0x20] =	vst v17;
	v9 =	vld.idx.msk [tilespmem:v36+s14+$0x0], $0xffff  }
0x337: {  	v45 =	vadd.s32 $0x1770, v8;
	[tilespmem:s0+$0x0] =	vst v19;
	v18 =	vld.idx.msk [tilespmem:v43+s14+$0x0], $0xffff  }
0x338: {  	v52 =	vadd.s32 $0x1388, v1;
	[tilespmem:s0+$0x30] =	vst v44;
	v12 =	vld.idx.msk [tilespmem:v46+s14+$0x0], $0xffff  }
0x339: {  	v51 =	vadd.s32 $0x1388, v2;
	[tilespmem:s0+$0x40] =	vst v20;
	v53 =	vld.idx.msk [tilespmem:v47+s14+$0x0], $0xffff  }
0x33a: {  	v54 =	vadd.s32 $0x1770, v7;
	[tilespmem:s0+$0x50] =	vst v48;
	v15 =	vld.idx.msk [tilespmem:v49+s14+$0x0], $0xffff  }
0x33b: {  	v55 =	vadd.s32 $0x1770, v6;
	v17 =	vld.idx.msk [tilespmem:v50+s14+$0x0], $0xffff;
	[tilespmem:s0+$0xF0] =	vst v9  }
0x33c: {  	v56 =	vadd.s32 $0x1770, v5;
	[tilespmem:s0+$0x60] =	vst v16;
	v10 =	vld.idx.msk [tilespmem:v45+s14+$0x0], $0xffff  }
0x33d: {  	v8 =	vadd.s32 $0x1B58, v8;
	v19 =	vld.idx.msk [tilespmem:v52+s14+$0x0], $0xffff;
	[tilespmem:s0+$0x90] =	vst v18  }
0x33e: {  	v57 =	vadd.s32 $0x1770, v4;
	v9 =	vld.idx.msk [tilespmem:v51+s14+$0x0], $0xffff;
	[tilespmem:s0+$0x80] =	vst v12  }
0x33f: {  	v60 =	vadd.s32 $0x1770, v1;
	[tilespmem:s0+$0xA0] =	vst v53;
	v13 =	vld.idx.msk [tilespmem:v54+s14+$0x0], $0xffff  }
0x340: {  	v59 =	vadd.s32 $0x1770, v2;
	[tilespmem:s0+$0xB0] =	vst v15;
	v14 =	vld.idx.msk [tilespmem:v55+s14+$0x0], $0xffff  }
0x341: {  	v58 =	vadd.s32 $0x1770, v3;
	v61 =	vld.idx.msk [tilespmem:v56+s14+$0x0], $0xffff;
	[tilespmem:s0+$0x170] =	vst v10  }
0x342: {  	v7 =	vadd.s32 $0x1B58, v7;
	[tilespmem:s0+$0xC0] =	vst v17;
	v8 =	vld.idx.msk [tilespmem:v8+s14+$0x0], $0xffff  }
0x343: {  	v6 =	vadd.s32 $0x1B58, v6;
	[tilespmem:s0+$0xE0] =	vst v19;
	v62 =	vld.idx.msk [tilespmem:v57+s14+$0x0], $0xffff  }
0x344: {  	v63 =	vadd.s32 $0x1B58, v5;
	v11 =	vld.idx.msk [tilespmem:v60+s14+$0x0], $0xffff;
	[tilespmem:s0+$0xD0] =	vst v9  }
0x345: {  	v4 =	vadd.s32 $0x1B58, v4;
	v12 =	vld.idx.msk [tilespmem:v59+s14+$0x0], $0xffff;
	[tilespmem:s0+$0x100] =	vst v13  }
0x346: {  	v2 =	vadd.s32 $0x1B58, v2;
	v10 =	vld.idx.msk [tilespmem:v58+s14+$0x0], $0xffff;
	[tilespmem:s0+$0x110] =	vst v14  }
0x347: {  	v13 =	vld.idx.msk [tilespmem:v7+s14+$0x0], $0xffff;
	[tilespmem:s0+$0x1F0] =	vst v8;
	v8 =	vadd.s32 $0x1B58, v3  }
0x348: {  	v1 =	vadd.s32 $0x1B58, v1;
	[tilespmem:s0+$0x120] =	vst v61;
	v5 =	vld.idx.msk [tilespmem:v6+s14+$0x0], $0xffff  }
0x349: {  	[tilespmem:s0+$0x130] =	vst v62;
	v6 =	vld.idx.msk [tilespmem:v63+s14+$0x0], $0xffff  }
0x34a: {  	[tilespmem:s0+$0x150] =	vst v12;
	v3 =	vld.idx.msk [tilespmem:v4+s14+$0x0], $0xffff  }
0x34b: {  	[tilespmem:s0+$0x140] =	vst v10;
	v4 =	vld.idx.msk [tilespmem:v2+s14+$0x0], $0xffff  }
0x34c: {  	[tilespmem:s0+$0x160] =	vst v11;
	v7 =	vld.idx.msk [tilespmem:v8+s14+$0x0], $0xffff  }
0x34d: {  	s1 =	simm.s32 $0x0;
	s16 =	simm.s32 $0xC0;
	[tilespmem:s0+$0x180] =	vst v13;
	v2 =	vld.idx.msk [tilespmem:v1+s14+$0x0], $0xffff  }
.LBB2_14:
0x34e: {  	v1 =	vld [tilespmem:s16+$0x30];
	s1 =	sadd.s32 $0x8, s1;
	[tilespmem:s0+$0x190] =	vst v5  }
0x34f: {  	v8 =	vld [tilespmem:s16+$0xFFFFFFD0];
	p0 =	slt.u32 s1, $0xC0;
	[tilespmem:s0+$0x1A0] =	vst v6  }
0x350: {  	v6 =	vld [tilespmem:s16+$0xFFFFFFE0];
	[tilespmem:s0+$0x1B0] =	vst v3  }
0x351: {  	v3 =	vld [tilespmem:s16+$0xFFFFFFF0];
	[tilespmem:s0+$0x1C0] =	vst v7  }
0x352: {  	v7 =	vld [tilespmem:s16+$0x0];
	[tilespmem:s0+$0x1D0] =	vst v4  }
0x353: {  	v4 =	vld [tilespmem:s16+$0x10];
	[tilespmem:s0+$0x1E0] =	vst v2  }
0x354: {  	v2 =	vadd.s32 $0x3E8, v8;
	v22 =	vadd.s32 $0x7D0, v8;
	v23 =	vadd.s32 $0xBB8, v8;
	v24 =	vld [tilespmem:s16+$0x20]  }
0x355: {  	v5 =	vld [tilespmem:s16+$0xFFFFFFC0];
	v9 =	vadd.s32 $0x3E8, v6;
	v25 =	vadd.s32 $0x7D0, v6;
	v26 =	vadd.s32 $0xBB8, v6  }
0x356: {  	v10 =	vadd.s32 $0x3E8, v3;
	v27 =	vadd.s32 $0x7D0, v3;
	v28 =	vadd.s32 $0xBB8, v3;
	v11 =	vld.idx.msk [tilespmem:v1+s14+$0x0], $0xffff  }
0x357: {  	v12 =	vld.idx.msk [tilespmem:v8+s14+$0x0], $0xffff;
	v13 =	vadd.s32 $0x3E8, v7;
	v29 =	vadd.s32 $0x7D0, v7;
	v30 =	vadd.s32 $0xBB8, v7  }
0x358: {  	v15 =	vadd.s32 $0x3E8, v1;
	v14 =	vld.idx.msk [tilespmem:v6+s14+$0x0], $0xffff;
	v31 =	vadd.s32 $0x3E8, v4;
	v32 =	vadd.s32 $0x7D0, v4  }
0x359: {  	v33 =	vadd.s32 $0xBB8, v4;
	v17 =	vld.idx.msk [tilespmem:v3+s14+$0x0], $0xffff;
	v34 =	vadd.s32 $0x3E8, v24;
	v35 =	vadd.s32 $0x7D0, v24  }
0x35a: {  	v36 =	vadd.s32 $0x3E8, v5;
	v37 =	vadd.s32 $0x7D0, v5;
	v38 =	vadd.s32 $0xBB8, v5;
	v21 =	vld.idx.msk [tilespmem:v7+s14+$0x0], $0xffff  }
0x35b: {  	s0 =	sadd.s32 $0x400, s0;
	v40 =	vadd.s32 $0xFA0, v8;
	v42 =	vadd.s32 $0xBB8, v24;
	v39 =	vadd.s32 $0xFA0, v5;
	v41 =	vld.idx.msk [tilespmem:v4+s14+$0x0], $0xffff  }
0x35c: {  	v43 =	vadd.s32 $0xFA0, v6;
	v44 =	vadd.s32 $0xFA0, v3;
	v45 =	vadd.s32 $0xFA0, v7;
	v46 =	vld.idx.msk [tilespmem:v24+s14+$0x0], $0xffff;
	[tilespmem:s0+$0xFFFFFE70] =	vst v11  }
0x35d: {  	v47 =	vadd.s32 $0xFA0, v4;
	v48 =	vadd.s32 $0xFA0, v24;
	v16 =	vadd.s32 $0x1388, v5;
	[tilespmem:s0+$0xFFFFFE10] =	vst v12;
	v49 =	vld.idx.msk [tilespmem:v15+s14+$0x0], $0xffff  }
0x35e: {  	v51 =	vadd.s32 $0x1388, v8;
	v20 =	vadd.s32 $0x1388, v6;
	v18 =	vadd.s32 $0x1388, v3;
	v50 =	vld.idx.msk [tilespmem:v5+s14+$0x0], $0xffff;
	[tilespmem:s0+$0xFFFFFE20] =	vst v14  }
0x35f: {  	v53 =	vadd.s32 $0x7D0, v1;
	v19 =	vadd.s32 $0x1388, v7;
	v52 =	vld.idx.msk [tilespmem:v2+s14+$0x0], $0xffff;
	[tilespmem:s0+$0xFFFFFE30] =	vst v17;
	v17 =	vadd.s32 $0x1388, v4  }
0x360: {  	v11 =	vadd.s32 $0x1770, v8;
	v14 =	vadd.s32 $0x1770, v5;
	v54 =	vld.idx.msk [tilespmem:v9+s14+$0x0], $0xffff;
	[tilespmem:s0+$0xFFFFFE40] =	vst v21;
	v21 =	vadd.s32 $0x1388, v24  }
0x361: {  	v15 =	vadd.s32 $0x1770, v6;
	v12 =	vadd.s32 $0x1770, v3;
	v9 =	vadd.s32 $0x1770, v7;
	v55 =	vld.idx.msk [tilespmem:v10+s14+$0x0], $0xffff;
	[tilespmem:s0+$0xFFFFFE50] =	vst v41  }
0x362: {  	v5 =	vadd.s32 $0x1B58, v5;
	v10 =	vadd.s32 $0x1770, v24;
	v41 =	vld.idx.msk [tilespmem:v13+s14+$0x0], $0xffff;
	v13 =	vadd.s32 $0x1770, v4;
	[tilespmem:s0+$0xFFFFFE60] =	vst v46  }
0x363: {  	v8 =	vadd.s32 $0x1B58, v8;
	v6 =	vadd.s32 $0x1B58, v6;
	v3 =	vadd.s32 $0x1B58, v3;
	v31 =	vld.idx.msk [tilespmem:v31+s14+$0x0], $0xffff;
	[tilespmem:s0+$0xFFFFFEF0] =	vst v49  }
0x364: {  	v2 =	vadd.s32 $0x1B58, v24;
	v7 =	vadd.s32 $0x1B58, v7;
	v4 =	vadd.s32 $0x1B58, v4;
	[tilespmem:s0+$0xFFFFFE00] =	vst v50;
	v24 =	vld.idx.msk [tilespmem:v53+s14+$0x0], $0xffff  }
0x365: {  	v36 =	vld.idx.msk [tilespmem:v36+s14+$0x0], $0xffff;
	[tilespmem:s0+$0xFFFFFE90] =	vst v52  }
0x366: {  	v46 =	vadd.s32 $0xBB8, v1;
	[tilespmem:s0+$0xFFFFFEA0] =	vst v54;
	v34 =	vld.idx.msk [tilespmem:v34+s14+$0x0], $0xffff  }
0x367: {  	v22 =	vld.idx.msk [tilespmem:v22+s14+$0x0], $0xffff;
	[tilespmem:s0+$0xFFFFFEB0] =	vst v55  }
0x368: {  	v25 =	vld.idx.msk [tilespmem:v25+s14+$0x0], $0xffff;
	[tilespmem:s0+$0xFFFFFEC0] =	vst v41  }
0x369: {  	v27 =	vld.idx.msk [tilespmem:v27+s14+$0x0], $0xffff;
	[tilespmem:s0+$0xFFFFFED0] =	vst v31  }
0x36a: {  	v29 =	vld.idx.msk [tilespmem:v29+s14+$0x0], $0xffff;
	[tilespmem:s0+$0xFFFFFF70] =	vst v24  }
0x36b: {  	[tilespmem:s0+$0xFFFFFE80] =	vst v36;
	v24 =	vld.idx.msk [tilespmem:v46+s14+$0x0], $0xffff  }
0x36c: {  	v31 =	vld.idx.msk [tilespmem:v37+s14+$0x0], $0xffff;
	[tilespmem:s0+$0xFFFFFEE0] =	vst v34  }
0x36d: {  	[tilespmem:s0+$0xFFFFFF10] =	vst v22;
	v22 =	vld.idx.msk [tilespmem:v32+s14+$0x0], $0xffff;
	v32 =	vadd.s32 $0xFA0, v1  }
0x36e: {  	[tilespmem:s0+$0xFFFFFF20] =	vst v25;
	v25 =	vld.idx.msk [tilespmem:v35+s14+$0x0], $0xffff  }
0x36f: {  	v23 =	vld.idx.msk [tilespmem:v23+s14+$0x0], $0xffff;
	[tilespmem:s0+$0xFFFFFF30] =	vst v27  }
0x370: {  	v26 =	vld.idx.msk [tilespmem:v26+s14+$0x0], $0xffff;
	[tilespmem:s0+$0xFFFFFF40] =	vst v29  }
0x371: {  	v27 =	vld.idx.msk [tilespmem:v28+s14+$0x0], $0xffff;
	[tilespmem:s0+$0xFFFFFFF0] =	vst v24  }
0x372: {  	[tilespmem:s0+$0xFFFFFF00] =	vst v31;
	v24 =	vld.idx.msk [tilespmem:v32+s14+$0x0], $0xffff  }
0x373: {  	v28 =	vld.idx.msk [tilespmem:v38+s14+$0x0], $0xffff;
	[tilespmem:s0+$0xFFFFFF50] =	vst v22  }
0x374: {  	v22 =	vld.idx.msk [tilespmem:v30+s14+$0x0], $0xffff;
	[tilespmem:s0+$0xFFFFFF60] =	vst v25;
	v25 =	vadd.s32 $0x1388, v1  }
0x375: {  	[tilespmem:s0+$0xFFFFFF90] =	vst v23;
	v23 =	vld.idx.msk [tilespmem:v33+s14+$0x0], $0xffff  }
0x376: {  	[tilespmem:s0+$0xFFFFFFA0] =	vst v26;
	v26 =	vld.idx.msk [tilespmem:v42+s14+$0x0], $0xffff  }
0x377: {  	v29 =	vld.idx.msk [tilespmem:v40+s14+$0x0], $0xffff;
	[tilespmem:s0+$0xFFFFFFB0] =	vst v27  }
0x378: {  	v27 =	vld.idx.msk [tilespmem:v43+s14+$0x0], $0xffff;
	[tilespmem:s0+$0x70] =	vst v24  }
0x379: {  	[tilespmem:s0+$0xFFFFFF80] =	vst v28;
	v24 =	vld.idx.msk [tilespmem:v25+s14+$0x0], $0xffff  }
0x37a: {  	v25 =	vld.idx.msk [tilespmem:v39+s14+$0x0], $0xffff;
	[tilespmem:s0+$0xFFFFFFC0] =	vst v22  }
0x37b: {  	v22 =	vld.idx.msk [tilespmem:v44+s14+$0x0], $0xffff;
	[tilespmem:s0+$0xFFFFFFD0] =	vst v23;
	v23 =	vadd.s32 $0x1770, v1  }
0x37c: {  	v28 =	vld.idx.msk [tilespmem:v45+s14+$0x0], $0xffff;
	[tilespmem:s0+$0xFFFFFFE0] =	vst v26  }
0x37d: {  	[tilespmem:s0+$0x10] =	vst v29;
	v26 =	vld.idx.msk [tilespmem:v47+s14+$0x0], $0xffff  }
0x37e: {  	[tilespmem:s0+$0x20] =	vst v27;
	v27 =	vld.idx.msk [tilespmem:v48+s14+$0x0], $0xffff  }
0x37f: {  	v29 =	vld.idx.msk [tilespmem:v51+s14+$0x0], $0xffff;
	[tilespmem:s0+$0xF0] =	vst v24  }
0x380: {  	[tilespmem:s0+$0x0] =	vst v25;
	v23 =	vld.idx.msk [tilespmem:v23+s14+$0x0], $0xffff  }
0x381: {  	v16 =	vld.idx.msk [tilespmem:v16+s14+$0x0], $0xffff;
	[tilespmem:s0+$0x30] =	vst v22  }
0x382: {  	v1 =	vadd.s32 $0x1B58, v1;
	v20 =	vld.idx.msk [tilespmem:v20+s14+$0x0], $0xffff;
	[tilespmem:s0+$0x40] =	vst v28  }
0x383: {  	v18 =	vld.idx.msk [tilespmem:v18+s14+$0x0], $0xffff;
	[tilespmem:s0+$0x50] =	vst v26  }
0x384: {  	v19 =	vld.idx.msk [tilespmem:v19+s14+$0x0], $0xffff;
	[tilespmem:s0+$0x60] =	vst v27  }
0x385: {  	[tilespmem:s0+$0x90] =	vst v29;
	v17 =	vld.idx.msk [tilespmem:v17+s14+$0x0], $0xffff  }
0x386: {  	v21 =	vld.idx.msk [tilespmem:v21+s14+$0x0], $0xffff;
	[tilespmem:s0+$0x170] =	vst v23  }
0x387: {  	[tilespmem:s0+$0x80] =	vst v16;
	v1 =	vld.idx.msk [tilespmem:v1+s14+$0x0], $0xffff  }
0x388: {  	v14 =	vld.idx.msk [tilespmem:v14+s14+$0x0], $0xffff;
	[tilespmem:s0+$0xA0] =	vst v20  }
0x389: {  	v11 =	vld.idx.msk [tilespmem:v11+s14+$0x0], $0xffff;
	[tilespmem:s0+$0xB0] =	vst v18  }
0x38a: {  	v15 =	vld.idx.msk [tilespmem:v15+s14+$0x0], $0xffff;
	[tilespmem:s0+$0xC0] =	vst v19  }
0x38b: {  	v12 =	vld.idx.msk [tilespmem:v12+s14+$0x0], $0xffff;
	[tilespmem:s0+$0xD0] =	vst v17  }
0x38c: {  	v9 =	vld.idx.msk [tilespmem:v9+s14+$0x0], $0xffff;
	[tilespmem:s0+$0xE0] =	vst v21  }
0x38d: {  	v13 =	vld.idx.msk [tilespmem:v13+s14+$0x0], $0xffff;
	[tilespmem:s0+$0x1F0] =	vst v1  }
0x38e: {  	[tilespmem:s0+$0x100] =	vst v14;
	v1 =	vld.idx.msk [tilespmem:v10+s14+$0x0], $0xffff  }
0x38f: {  	v10 =	vld.idx.msk [tilespmem:v5+s14+$0x0], $0xffff;
	[tilespmem:s0+$0x110] =	vst v11  }
0x390: {  	v5 =	vld.idx.msk [tilespmem:v8+s14+$0x0], $0xffff;
	[tilespmem:s0+$0x120] =	vst v15  }
.Ltmp6:
0x391: {  	v6 =	vld.idx.msk [tilespmem:v6+s14+$0x0], $0xffff;
	[tilespmem:s0+$0x130] =	vst v12;
	(pc) =	sbr.rel @p0 .LBB2_14-.Ltmp6, $4  }
0x392: {  	v3 =	vld.idx.msk [tilespmem:v3+s14+$0x0], $0xffff;
	[tilespmem:s0+$0x140] =	vst v9  }
0x393: {  	v7 =	vld.idx.msk [tilespmem:v7+s14+$0x0], $0xffff;
	[tilespmem:s0+$0x150] =	vst v13  }
0x394: {  	v4 =	vld.idx.msk [tilespmem:v4+s14+$0x0], $0xffff;
	[tilespmem:s0+$0x160] =	vst v1  }
0x395: {  	s16 =	sadd.s32 $0x80, s16;
	[tilespmem:s0+$0x180] =	vst v10;
	v2 =	vld.idx.msk [tilespmem:v2+s14+$0x0], $0xffff  }
0x396: {  	[tilespmem:s0+$0x190] =	vst v5  }
0x397: {  	[tilespmem:s0+$0x1A0] =	vst v6  }
0x398: {  	[tilespmem:s0+$0x1B0] =	vst v3  }
0x399: {  	[tilespmem:s0+$0x1C0] =	vst v7  }
0x39a: {  	[tilespmem:s0+$0x1D0] =	vst v4  }
0x39b: {  	[tilespmem:s0+$0x1E0] =	vst v2  }
0x39c: {  	[hbm4b:s10+s3] =	stream.linear.scatter [tilespmem:s22], [sflag:$0x3], $0x6400, $0x38;
	[tilespmem:$0x15578] =	vst v63  }
0x39d: {  	_ =	swait.ge [sflag:s26], $0x6400  }
0x39e: {  	[sflag:s26] =	ssyncset.done $0x0  }
0x39f: {  	s31 =	simm.s32 $0xCF0;
	[sflag:s26] =	ssyncadd.s32 $0xFFFF9C00  }
0x3a0: {  	v8 =	vld [tilespmem:s31+$0x0]  }
0x3a1: {  	v6 =	vld [tilespmem:s31+$0xFFFFFFA0]  }
0x3a2: {  	v5 =	vld [tilespmem:s31+$0xFFFFFFB0]  }
0x3a3: {  	v4 =	vld [tilespmem:s31+$0xFFFFFFC0]  }
0x3a4: {  	v3 =	vld [tilespmem:s31+$0xFFFFFFD0]  }
0x3a5: {  	v2 =	vld [tilespmem:s31+$0xFFFFFFE0]  }
0x3a6: {  	v1 =	vld [tilespmem:s31+$0xFFFFFFF0]  }
0x3a7: {  	v7 =	vld [tilespmem:s31+$0xFFFFFF90]  }
0x3a8: {  	v9 =	vld.idx.msk [tilespmem:v8+s14+$0x0], $0xffff  }
0x3a9: {  	v10 =	vld.idx.msk [tilespmem:v6+s14+$0x0], $0xffff  }
0x3aa: {  	v11 =	vld.idx.msk [tilespmem:v5+s14+$0x0], $0xffff  }
0x3ab: {  	v12 =	vadd.s32 $0x3E8, v8;
	v13 =	vld.idx.msk [tilespmem:v4+s14+$0x0], $0xffff  }
0x3ac: {  	v14 =	vadd.s32 $0x3E8, v6;
	v15 =	vld.idx.msk [tilespmem:v3+s14+$0x0], $0xffff  }
0x3ad: {  	s0 =	simm.s32 $0xF368;
	v16 =	vadd.s32 $0x3E8, v5;
	v17 =	vld.idx.msk [tilespmem:v2+s14+$0x0], $0xffff  }
0x3ae: {  	v18 =	vadd.s32 $0x3E8, v4;
	v19 =	vld.idx.msk [tilespmem:v1+s14+$0x0], $0xffff;
	[tilespmem:s0+$0xFFFFFE70] =	vst v9  }
0x3af: {  	v47 =	vadd.s32 $0x3E8, v3;
	v20 =	vld.idx.msk [tilespmem:v7+s14+$0x0], $0xffff;
	[tilespmem:s0+$0xFFFFFE10] =	vst v10  }
0x3b0: {  	v49 =	vadd.s32 $0x3E8, v2;
	[tilespmem:s0+$0xFFFFFE20] =	vst v11;
	v48 =	vld.idx.msk [tilespmem:v12+s14+$0x0], $0xffff  }
0x3b1: {  	v52 =	vadd.s32 $0x3E8, v7;
	[tilespmem:s0+$0xFFFFFE30] =	vst v13;
	v50 =	vld.idx.msk [tilespmem:v14+s14+$0x0], $0xffff  }
0x3b2: {  	v53 =	vadd.s32 $0x3E8, v1;
	[tilespmem:s0+$0xFFFFFE40] =	vst v15;
	v16 =	vld.idx.msk [tilespmem:v16+s14+$0x0], $0xffff  }
0x3b3: {  	v51 =	vadd.s32 $0x7D0, v8;
	[tilespmem:s0+$0xFFFFFE50] =	vst v17;
	v18 =	vld.idx.msk [tilespmem:v18+s14+$0x0], $0xffff  }
0x3b4: {  	v54 =	vadd.s32 $0x7D0, v6;
	[tilespmem:s0+$0xFFFFFE60] =	vst v19;
	v9 =	vld.idx.msk [tilespmem:v47+s14+$0x0], $0xffff  }
0x3b5: {  	v55 =	vadd.s32 $0x7D0, v5;
	[tilespmem:s0+$0xFFFFFE00] =	vst v20;
	v12 =	vld.idx.msk [tilespmem:v49+s14+$0x0], $0xffff  }
0x3b6: {  	v56 =	vadd.s32 $0x7D0, v4;
	v14 =	vld.idx.msk [tilespmem:v52+s14+$0x0], $0xffff;
	[tilespmem:s0+$0xFFFFFEF0] =	vst v48  }
0x3b7: {  	v57 =	vadd.s32 $0x7D0, v3;
	v58 =	vld.idx.msk [tilespmem:v53+s14+$0x0], $0xffff;
	[tilespmem:s0+$0xFFFFFE90] =	vst v50  }
0x3b8: {  	v60 =	vadd.s32 $0x7D0, v7;
	[tilespmem:s0+$0xFFFFFEA0] =	vst v16;
	v13 =	vld.idx.msk [tilespmem:v51+s14+$0x0], $0xffff  }
0x3b9: {  	v61 =	vadd.s32 $0x7D0, v2;
	[tilespmem:s0+$0xFFFFFEB0] =	vst v18;
	v17 =	vld.idx.msk [tilespmem:v54+s14+$0x0], $0xffff  }
0x3ba: {  	v62 =	vadd.s32 $0x7D0, v1;
	[tilespmem:s0+$0xFFFFFEC0] =	vst v9;
	v19 =	vld.idx.msk [tilespmem:v55+s14+$0x0], $0xffff  }
0x3bb: {  	v59 =	vadd.s32 $0xBB8, v8;
	[tilespmem:s0+$0xFFFFFED0] =	vst v12;
	v10 =	vld.idx.msk [tilespmem:v56+s14+$0x0], $0xffff  }
0x3bc: {  	v63 =	vadd.s32 $0xBB8, v6;
	[tilespmem:s0+$0xFFFFFE80] =	vst v14;
	v20 =	vld.idx.msk [tilespmem:v57+s14+$0x0], $0xffff  }
0x3bd: {  	v23 =	vadd.s32 $0xBB8, v5;
	[tilespmem:s0+$0xFFFFFEE0] =	vst v58;
	v16 =	vld.idx.msk [tilespmem:v60+s14+$0x0], $0xffff  }
0x3be: {  	v25 =	vadd.s32 $0xBB8, v4;
	v26 =	vld.idx.msk [tilespmem:v61+s14+$0x0], $0xffff;
	[tilespmem:s0+$0xFFFFFF70] =	vst v13  }
0x3bf: {  	v28 =	vadd.s32 $0xBB8, v7;
	v9 =	vld.idx.msk [tilespmem:v62+s14+$0x0], $0xffff;
	[tilespmem:s0+$0xFFFFFF10] =	vst v17  }
0x3c0: {  	v29 =	vadd.s32 $0xBB8, v3;
	[tilespmem:s0+$0xFFFFFF20] =	vst v19;
	v24 =	vld.idx.msk [tilespmem:v59+s14+$0x0], $0xffff  }
0x3c1: {  	v30 =	vadd.s32 $0xBB8, v2;
	[tilespmem:s0+$0xFFFFFF30] =	vst v10;
	v12 =	vld.idx.msk [tilespmem:v63+s14+$0x0], $0xffff  }
0x3c2: {  	v31 =	vadd.s32 $0xBB8, v1;
	[tilespmem:s0+$0xFFFFFF40] =	vst v20;
	v13 =	vld.idx.msk [tilespmem:v23+s14+$0x0], $0xffff  }
0x3c3: {  	v27 =	vadd.s32 $0xFA0, v8;
	[tilespmem:s0+$0xFFFFFF00] =	vst v16;
	v15 =	vld.idx.msk [tilespmem:v25+s14+$0x0], $0xffff  }
0x3c4: {  	v32 =	vadd.s32 $0xFA0, v6;
	[tilespmem:s0+$0xFFFFFF50] =	vst v26;
	v18 =	vld.idx.msk [tilespmem:v28+s14+$0x0], $0xffff  }
0x3c5: {  	v34 =	vadd.s32 $0xFA0, v5;
	[tilespmem:s0+$0xFFFFFF60] =	vst v9;
	v35 =	vld.idx.msk [tilespmem:v29+s14+$0x0], $0xffff  }
0x3c6: {  	v37 =	vadd.s32 $0xFA0, v7;
	v10 =	vld.idx.msk [tilespmem:v30+s14+$0x0], $0xffff;
	[tilespmem:s0+$0xFFFFFFF0] =	vst v24  }
0x3c7: {  	v38 =	vadd.s32 $0xFA0, v4;
	v39 =	vld.idx.msk [tilespmem:v31+s14+$0x0], $0xffff;
	[tilespmem:s0+$0xFFFFFF90] =	vst v12  }
0x3c8: {  	v40 =	vadd.s32 $0xFA0, v3;
	[tilespmem:s0+$0xFFFFFFA0] =	vst v13;
	v33 =	vld.idx.msk [tilespmem:v27+s14+$0x0], $0xffff  }
0x3c9: {  	v41 =	vadd.s32 $0xFA0, v2;
	[tilespmem:s0+$0xFFFFFFB0] =	vst v15;
	v14 =	vld.idx.msk [tilespmem:v32+s14+$0x0], $0xffff  }
0x3ca: {  	v42 =	vadd.s32 $0xFA0, v1;
	[tilespmem:s0+$0xFFFFFF80] =	vst v18;
	v17 =	vld.idx.msk [tilespmem:v34+s14+$0x0], $0xffff  }
0x3cb: {  	v36 =	vadd.s32 $0x1388, v8;
	[tilespmem:s0+$0xFFFFFFC0] =	vst v35;
	v19 =	vld.idx.msk [tilespmem:v37+s14+$0x0], $0xffff  }
0x3cc: {  	v43 =	vadd.s32 $0x1388, v6;
	[tilespmem:s0+$0xFFFFFFD0] =	vst v10;
	v44 =	vld.idx.msk [tilespmem:v38+s14+$0x0], $0xffff  }
0x3cd: {  	v46 =	vadd.s32 $0x1388, v7;
	[tilespmem:s0+$0xFFFFFFE0] =	vst v39;
	v20 =	vld.idx.msk [tilespmem:v40+s14+$0x0], $0xffff  }
0x3ce: {  	v47 =	vadd.s32 $0x1388, v5;
	v48 =	vld.idx.msk [tilespmem:v41+s14+$0x0], $0xffff;
	[tilespmem:s0+$0x70] =	vst v33  }
0x3cf: {  	v49 =	vadd.s32 $0x1388, v4;
	v16 =	vld.idx.msk [tilespmem:v42+s14+$0x0], $0xffff;
	[tilespmem:s0+$0x10] =	vst v14  }
0x3d0: {  	v50 =	vadd.s32 $0x1388, v3;
	[tilespmem:s0+$0x20] =	vst v17;
	v9 =	vld.idx.msk [tilespmem:v36+s14+$0x0], $0xffff  }
0x3d1: {  	v45 =	vadd.s32 $0x1770, v8;
	[tilespmem:s0+$0x0] =	vst v19;
	v18 =	vld.idx.msk [tilespmem:v43+s14+$0x0], $0xffff  }
0x3d2: {  	v52 =	vadd.s32 $0x1388, v1;
	[tilespmem:s0+$0x30] =	vst v44;
	v12 =	vld.idx.msk [tilespmem:v46+s14+$0x0], $0xffff  }
0x3d3: {  	v51 =	vadd.s32 $0x1388, v2;
	[tilespmem:s0+$0x40] =	vst v20;
	v53 =	vld.idx.msk [tilespmem:v47+s14+$0x0], $0xffff  }
0x3d4: {  	v54 =	vadd.s32 $0x1770, v7;
	[tilespmem:s0+$0x50] =	vst v48;
	v15 =	vld.idx.msk [tilespmem:v49+s14+$0x0], $0xffff  }
0x3d5: {  	v55 =	vadd.s32 $0x1770, v6;
	v17 =	vld.idx.msk [tilespmem:v50+s14+$0x0], $0xffff;
	[tilespmem:s0+$0xF0] =	vst v9  }
0x3d6: {  	v56 =	vadd.s32 $0x1770, v5;
	[tilespmem:s0+$0x60] =	vst v16;
	v10 =	vld.idx.msk [tilespmem:v45+s14+$0x0], $0xffff  }
0x3d7: {  	v8 =	vadd.s32 $0x1B58, v8;
	v19 =	vld.idx.msk [tilespmem:v52+s14+$0x0], $0xffff;
	[tilespmem:s0+$0x90] =	vst v18  }
0x3d8: {  	v57 =	vadd.s32 $0x1770, v4;
	v9 =	vld.idx.msk [tilespmem:v51+s14+$0x0], $0xffff;
	[tilespmem:s0+$0x80] =	vst v12  }
0x3d9: {  	v60 =	vadd.s32 $0x1770, v1;
	[tilespmem:s0+$0xA0] =	vst v53;
	v13 =	vld.idx.msk [tilespmem:v54+s14+$0x0], $0xffff  }
0x3da: {  	v59 =	vadd.s32 $0x1770, v2;
	[tilespmem:s0+$0xB0] =	vst v15;
	v14 =	vld.idx.msk [tilespmem:v55+s14+$0x0], $0xffff  }
0x3db: {  	v58 =	vadd.s32 $0x1770, v3;
	v61 =	vld.idx.msk [tilespmem:v56+s14+$0x0], $0xffff;
	[tilespmem:s0+$0x170] =	vst v10  }
0x3dc: {  	v7 =	vadd.s32 $0x1B58, v7;
	[tilespmem:s0+$0xC0] =	vst v17;
	v8 =	vld.idx.msk [tilespmem:v8+s14+$0x0], $0xffff  }
0x3dd: {  	v6 =	vadd.s32 $0x1B58, v6;
	[tilespmem:s0+$0xE0] =	vst v19;
	v62 =	vld.idx.msk [tilespmem:v57+s14+$0x0], $0xffff  }
0x3de: {  	v63 =	vadd.s32 $0x1B58, v5;
	v11 =	vld.idx.msk [tilespmem:v60+s14+$0x0], $0xffff;
	[tilespmem:s0+$0xD0] =	vst v9  }
0x3df: {  	v4 =	vadd.s32 $0x1B58, v4;
	v12 =	vld.idx.msk [tilespmem:v59+s14+$0x0], $0xffff;
	[tilespmem:s0+$0x100] =	vst v13  }
0x3e0: {  	v2 =	vadd.s32 $0x1B58, v2;
	v10 =	vld.idx.msk [tilespmem:v58+s14+$0x0], $0xffff;
	[tilespmem:s0+$0x110] =	vst v14  }
0x3e1: {  	v13 =	vld.idx.msk [tilespmem:v7+s14+$0x0], $0xffff;
	[tilespmem:s0+$0x1F0] =	vst v8;
	v8 =	vadd.s32 $0x1B58, v3  }
0x3e2: {  	v1 =	vadd.s32 $0x1B58, v1;
	[tilespmem:s0+$0x120] =	vst v61;
	v5 =	vld.idx.msk [tilespmem:v6+s14+$0x0], $0xffff  }
0x3e3: {  	[tilespmem:s0+$0x130] =	vst v62;
	v6 =	vld.idx.msk [tilespmem:v63+s14+$0x0], $0xffff  }
0x3e4: {  	[tilespmem:s0+$0x150] =	vst v12;
	v3 =	vld.idx.msk [tilespmem:v4+s14+$0x0], $0xffff  }
0x3e5: {  	[tilespmem:s0+$0x140] =	vst v10;
	v4 =	vld.idx.msk [tilespmem:v2+s14+$0x0], $0xffff  }
0x3e6: {  	[tilespmem:s0+$0x160] =	vst v11;
	v7 =	vld.idx.msk [tilespmem:v8+s14+$0x0], $0xffff  }
0x3e7: {  	s1 =	simm.s32 $0x0;
	s16 =	simm.s32 $0xD70;
	[tilespmem:s0+$0x180] =	vst v13;
	v2 =	vld.idx.msk [tilespmem:v1+s14+$0x0], $0xffff  }
.LBB2_16:
0x3e8: {  	v1 =	vld [tilespmem:s16+$0x0];
	s1 =	sadd.s32 $0x8, s1;
	[tilespmem:s0+$0x190] =	vst v5  }
0x3e9: {  	v8 =	vld [tilespmem:s16+$0xFFFFFFA0];
	p0 =	slt.u32 s1, $0xC0;
	[tilespmem:s0+$0x1A0] =	vst v6  }
0x3ea: {  	v6 =	vld [tilespmem:s16+$0xFFFFFFB0];
	[tilespmem:s0+$0x1B0] =	vst v3  }
0x3eb: {  	v3 =	vld [tilespmem:s16+$0xFFFFFFC0];
	[tilespmem:s0+$0x1C0] =	vst v7  }
0x3ec: {  	v7 =	vld [tilespmem:s16+$0xFFFFFFD0];
	[tilespmem:s0+$0x1D0] =	vst v4  }
0x3ed: {  	v4 =	vld [tilespmem:s16+$0xFFFFFFE0];
	[tilespmem:s0+$0x1E0] =	vst v2  }
0x3ee: {  	v2 =	vadd.s32 $0x3E8, v8;
	v22 =	vadd.s32 $0x7D0, v8;
	v23 =	vadd.s32 $0xBB8, v8;
	v24 =	vld [tilespmem:s16+$0xFFFFFFF0]  }
0x3ef: {  	v5 =	vld [tilespmem:s16+$0xFFFFFF90];
	v9 =	vadd.s32 $0x3E8, v6;
	v25 =	vadd.s32 $0x7D0, v6;
	v26 =	vadd.s32 $0xBB8, v6  }
0x3f0: {  	v10 =	vadd.s32 $0x3E8, v3;
	v27 =	vadd.s32 $0x7D0, v3;
	v28 =	vadd.s32 $0xBB8, v3;
	v11 =	vld.idx.msk [tilespmem:v1+s14+$0x0], $0xffff  }
0x3f1: {  	v12 =	vld.idx.msk [tilespmem:v8+s14+$0x0], $0xffff;
	v13 =	vadd.s32 $0x3E8, v7;
	v29 =	vadd.s32 $0x7D0, v7;
	v30 =	vadd.s32 $0xBB8, v7  }
0x3f2: {  	v15 =	vadd.s32 $0x3E8, v1;
	v14 =	vld.idx.msk [tilespmem:v6+s14+$0x0], $0xffff;
	v31 =	vadd.s32 $0x3E8, v4;
	v32 =	vadd.s32 $0x7D0, v4  }
0x3f3: {  	v33 =	vadd.s32 $0xBB8, v4;
	v17 =	vld.idx.msk [tilespmem:v3+s14+$0x0], $0xffff;
	v34 =	vadd.s32 $0x3E8, v24;
	v35 =	vadd.s32 $0x7D0, v24  }
0x3f4: {  	v36 =	vadd.s32 $0x3E8, v5;
	v37 =	vadd.s32 $0x7D0, v5;
	v38 =	vadd.s32 $0xBB8, v5;
	v21 =	vld.idx.msk [tilespmem:v7+s14+$0x0], $0xffff  }
0x3f5: {  	s0 =	sadd.s32 $0x400, s0;
	v40 =	vadd.s32 $0xFA0, v8;
	v42 =	vadd.s32 $0xBB8, v24;
	v39 =	vadd.s32 $0xFA0, v5;
	v41 =	vld.idx.msk [tilespmem:v4+s14+$0x0], $0xffff  }
0x3f6: {  	v43 =	vadd.s32 $0xFA0, v6;
	v44 =	vadd.s32 $0xFA0, v3;
	v45 =	vadd.s32 $0xFA0, v7;
	v46 =	vld.idx.msk [tilespmem:v24+s14+$0x0], $0xffff;
	[tilespmem:s0+$0xFFFFFE70] =	vst v11  }
0x3f7: {  	v47 =	vadd.s32 $0xFA0, v4;
	v48 =	vadd.s32 $0xFA0, v24;
	v16 =	vadd.s32 $0x1388, v5;
	[tilespmem:s0+$0xFFFFFE10] =	vst v12;
	v49 =	vld.idx.msk [tilespmem:v15+s14+$0x0], $0xffff  }
0x3f8: {  	v51 =	vadd.s32 $0x1388, v8;
	v20 =	vadd.s32 $0x1388, v6;
	v18 =	vadd.s32 $0x1388, v3;
	v50 =	vld.idx.msk [tilespmem:v5+s14+$0x0], $0xffff;
	[tilespmem:s0+$0xFFFFFE20] =	vst v14  }
0x3f9: {  	v53 =	vadd.s32 $0x7D0, v1;
	v19 =	vadd.s32 $0x1388, v7;
	v52 =	vld.idx.msk [tilespmem:v2+s14+$0x0], $0xffff;
	[tilespmem:s0+$0xFFFFFE30] =	vst v17;
	v17 =	vadd.s32 $0x1388, v4  }
0x3fa: {  	v11 =	vadd.s32 $0x1770, v8;
	v14 =	vadd.s32 $0x1770, v5;
	v54 =	vld.idx.msk [tilespmem:v9+s14+$0x0], $0xffff;
	[tilespmem:s0+$0xFFFFFE40] =	vst v21;
	v21 =	vadd.s32 $0x1388, v24  }
0x3fb: {  	v15 =	vadd.s32 $0x1770, v6;
	v12 =	vadd.s32 $0x1770, v3;
	v9 =	vadd.s32 $0x1770, v7;
	v55 =	vld.idx.msk [tilespmem:v10+s14+$0x0], $0xffff;
	[tilespmem:s0+$0xFFFFFE50] =	vst v41  }
0x3fc: {  	v5 =	vadd.s32 $0x1B58, v5;
	v10 =	vadd.s32 $0x1770, v24;
	v41 =	vld.idx.msk [tilespmem:v13+s14+$0x0], $0xffff;
	v13 =	vadd.s32 $0x1770, v4;
	[tilespmem:s0+$0xFFFFFE60] =	vst v46  }
0x3fd: {  	v8 =	vadd.s32 $0x1B58, v8;
	v6 =	vadd.s32 $0x1B58, v6;
	v3 =	vadd.s32 $0x1B58, v3;
	v31 =	vld.idx.msk [tilespmem:v31+s14+$0x0], $0xffff;
	[tilespmem:s0+$0xFFFFFEF0] =	vst v49  }
0x3fe: {  	v2 =	vadd.s32 $0x1B58, v24;
	v7 =	vadd.s32 $0x1B58, v7;
	v4 =	vadd.s32 $0x1B58, v4;
	[tilespmem:s0+$0xFFFFFE00] =	vst v50;
	v24 =	vld.idx.msk [tilespmem:v53+s14+$0x0], $0xffff  }
0x3ff: {  	v36 =	vld.idx.msk [tilespmem:v36+s14+$0x0], $0xffff;
	[tilespmem:s0+$0xFFFFFE90] =	vst v52  }
0x400: {  	v46 =	vadd.s32 $0xBB8, v1;
	[tilespmem:s0+$0xFFFFFEA0] =	vst v54;
	v34 =	vld.idx.msk [tilespmem:v34+s14+$0x0], $0xffff  }
0x401: {  	v22 =	vld.idx.msk [tilespmem:v22+s14+$0x0], $0xffff;
	[tilespmem:s0+$0xFFFFFEB0] =	vst v55  }
0x402: {  	v25 =	vld.idx.msk [tilespmem:v25+s14+$0x0], $0xffff;
	[tilespmem:s0+$0xFFFFFEC0] =	vst v41  }
0x403: {  	v27 =	vld.idx.msk [tilespmem:v27+s14+$0x0], $0xffff;
	[tilespmem:s0+$0xFFFFFED0] =	vst v31  }
0x404: {  	v29 =	vld.idx.msk [tilespmem:v29+s14+$0x0], $0xffff;
	[tilespmem:s0+$0xFFFFFF70] =	vst v24  }
0x405: {  	[tilespmem:s0+$0xFFFFFE80] =	vst v36;
	v24 =	vld.idx.msk [tilespmem:v46+s14+$0x0], $0xffff  }
0x406: {  	v31 =	vld.idx.msk [tilespmem:v37+s14+$0x0], $0xffff;
	[tilespmem:s0+$0xFFFFFEE0] =	vst v34  }
0x407: {  	[tilespmem:s0+$0xFFFFFF10] =	vst v22;
	v22 =	vld.idx.msk [tilespmem:v32+s14+$0x0], $0xffff;
	v32 =	vadd.s32 $0xFA0, v1  }
0x408: {  	[tilespmem:s0+$0xFFFFFF20] =	vst v25;
	v25 =	vld.idx.msk [tilespmem:v35+s14+$0x0], $0xffff  }
0x409: {  	v23 =	vld.idx.msk [tilespmem:v23+s14+$0x0], $0xffff;
	[tilespmem:s0+$0xFFFFFF30] =	vst v27  }
0x40a: {  	v26 =	vld.idx.msk [tilespmem:v26+s14+$0x0], $0xffff;
	[tilespmem:s0+$0xFFFFFF40] =	vst v29  }
0x40b: {  	v27 =	vld.idx.msk [tilespmem:v28+s14+$0x0], $0xffff;
	[tilespmem:s0+$0xFFFFFFF0] =	vst v24  }
0x40c: {  	[tilespmem:s0+$0xFFFFFF00] =	vst v31;
	v24 =	vld.idx.msk [tilespmem:v32+s14+$0x0], $0xffff  }
0x40d: {  	v28 =	vld.idx.msk [tilespmem:v38+s14+$0x0], $0xffff;
	[tilespmem:s0+$0xFFFFFF50] =	vst v22  }
0x40e: {  	v22 =	vld.idx.msk [tilespmem:v30+s14+$0x0], $0xffff;
	[tilespmem:s0+$0xFFFFFF60] =	vst v25;
	v25 =	vadd.s32 $0x1388, v1  }
0x40f: {  	[tilespmem:s0+$0xFFFFFF90] =	vst v23;
	v23 =	vld.idx.msk [tilespmem:v33+s14+$0x0], $0xffff  }
0x410: {  	[tilespmem:s0+$0xFFFFFFA0] =	vst v26;
	v26 =	vld.idx.msk [tilespmem:v42+s14+$0x0], $0xffff  }
0x411: {  	v29 =	vld.idx.msk [tilespmem:v40+s14+$0x0], $0xffff;
	[tilespmem:s0+$0xFFFFFFB0] =	vst v27  }
0x412: {  	v27 =	vld.idx.msk [tilespmem:v43+s14+$0x0], $0xffff;
	[tilespmem:s0+$0x70] =	vst v24  }
0x413: {  	[tilespmem:s0+$0xFFFFFF80] =	vst v28;
	v24 =	vld.idx.msk [tilespmem:v25+s14+$0x0], $0xffff  }
0x414: {  	v25 =	vld.idx.msk [tilespmem:v39+s14+$0x0], $0xffff;
	[tilespmem:s0+$0xFFFFFFC0] =	vst v22  }
0x415: {  	v22 =	vld.idx.msk [tilespmem:v44+s14+$0x0], $0xffff;
	[tilespmem:s0+$0xFFFFFFD0] =	vst v23;
	v23 =	vadd.s32 $0x1770, v1  }
0x416: {  	v28 =	vld.idx.msk [tilespmem:v45+s14+$0x0], $0xffff;
	[tilespmem:s0+$0xFFFFFFE0] =	vst v26  }
0x417: {  	[tilespmem:s0+$0x10] =	vst v29;
	v26 =	vld.idx.msk [tilespmem:v47+s14+$0x0], $0xffff  }
0x418: {  	[tilespmem:s0+$0x20] =	vst v27;
	v27 =	vld.idx.msk [tilespmem:v48+s14+$0x0], $0xffff  }
0x419: {  	v29 =	vld.idx.msk [tilespmem:v51+s14+$0x0], $0xffff;
	[tilespmem:s0+$0xF0] =	vst v24  }
0x41a: {  	[tilespmem:s0+$0x0] =	vst v25;
	v23 =	vld.idx.msk [tilespmem:v23+s14+$0x0], $0xffff  }
0x41b: {  	v16 =	vld.idx.msk [tilespmem:v16+s14+$0x0], $0xffff;
	[tilespmem:s0+$0x30] =	vst v22  }
0x41c: {  	v1 =	vadd.s32 $0x1B58, v1;
	v20 =	vld.idx.msk [tilespmem:v20+s14+$0x0], $0xffff;
	[tilespmem:s0+$0x40] =	vst v28  }
0x41d: {  	v18 =	vld.idx.msk [tilespmem:v18+s14+$0x0], $0xffff;
	[tilespmem:s0+$0x50] =	vst v26  }
0x41e: {  	v19 =	vld.idx.msk [tilespmem:v19+s14+$0x0], $0xffff;
	[tilespmem:s0+$0x60] =	vst v27  }
0x41f: {  	[tilespmem:s0+$0x90] =	vst v29;
	v17 =	vld.idx.msk [tilespmem:v17+s14+$0x0], $0xffff  }
0x420: {  	v21 =	vld.idx.msk [tilespmem:v21+s14+$0x0], $0xffff;
	[tilespmem:s0+$0x170] =	vst v23  }
0x421: {  	[tilespmem:s0+$0x80] =	vst v16;
	v1 =	vld.idx.msk [tilespmem:v1+s14+$0x0], $0xffff  }
0x422: {  	v14 =	vld.idx.msk [tilespmem:v14+s14+$0x0], $0xffff;
	[tilespmem:s0+$0xA0] =	vst v20  }
0x423: {  	v11 =	vld.idx.msk [tilespmem:v11+s14+$0x0], $0xffff;
	[tilespmem:s0+$0xB0] =	vst v18  }
0x424: {  	v15 =	vld.idx.msk [tilespmem:v15+s14+$0x0], $0xffff;
	[tilespmem:s0+$0xC0] =	vst v19  }
0x425: {  	v12 =	vld.idx.msk [tilespmem:v12+s14+$0x0], $0xffff;
	[tilespmem:s0+$0xD0] =	vst v17  }
0x426: {  	v9 =	vld.idx.msk [tilespmem:v9+s14+$0x0], $0xffff;
	[tilespmem:s0+$0xE0] =	vst v21  }
0x427: {  	v13 =	vld.idx.msk [tilespmem:v13+s14+$0x0], $0xffff;
	[tilespmem:s0+$0x1F0] =	vst v1  }
0x428: {  	[tilespmem:s0+$0x100] =	vst v14;
	v1 =	vld.idx.msk [tilespmem:v10+s14+$0x0], $0xffff  }
0x429: {  	v10 =	vld.idx.msk [tilespmem:v5+s14+$0x0], $0xffff;
	[tilespmem:s0+$0x110] =	vst v11  }
0x42a: {  	v5 =	vld.idx.msk [tilespmem:v8+s14+$0x0], $0xffff;
	[tilespmem:s0+$0x120] =	vst v15  }
.Ltmp7:
0x42b: {  	v6 =	vld.idx.msk [tilespmem:v6+s14+$0x0], $0xffff;
	[tilespmem:s0+$0x130] =	vst v12;
	(pc) =	sbr.rel @p0 .LBB2_16-.Ltmp7, $4  }
0x42c: {  	v3 =	vld.idx.msk [tilespmem:v3+s14+$0x0], $0xffff;
	[tilespmem:s0+$0x140] =	vst v9  }
0x42d: {  	v7 =	vld.idx.msk [tilespmem:v7+s14+$0x0], $0xffff;
	[tilespmem:s0+$0x150] =	vst v13  }
0x42e: {  	v4 =	vld.idx.msk [tilespmem:v4+s14+$0x0], $0xffff;
	[tilespmem:s0+$0x160] =	vst v1  }
0x42f: {  	s16 =	sadd.s32 $0x80, s16;
	[tilespmem:s0+$0x180] =	vst v10;
	v2 =	vld.idx.msk [tilespmem:v2+s14+$0x0], $0xffff  }
0x430: {  	[tilespmem:s0+$0x190] =	vst v5  }
0x431: {  	[tilespmem:s0+$0x1A0] =	vst v6  }
0x432: {  	[tilespmem:s0+$0x1B0] =	vst v3  }
0x433: {  	[tilespmem:s0+$0x1C0] =	vst v7  }
0x434: {  	[tilespmem:s0+$0x1D0] =	vst v4  }
0x435: {  	s31 =	simm.s32 $0x0;
	[tilespmem:s0+$0x1E0] =	vst v2  }
0x436: {  	[hbm4b:s11+s31] =	stream.linear.scatter [tilespmem:s23], [sflag:$0x4], $0x6400, $0x38;
	[tilespmem:$0x15578] =	vst v63  }
0x437: {  	_ =	swait.ge [sflag:s28], $0x80  }
0x438: {  	[sflag:s28] =	ssyncset.done $0x0  }
0x439: {  	[sflag:s28] =	ssyncadd.s32 $0xFFFFFF80  }
0x43a: {  	_ =	swait.ge [sflag:s28], $0x80  }
0x43b: {  	[sflag:s28] =	ssyncset.done $0x0  }
0x43c: {  	[sflag:s28] =	ssyncadd.s32 $0xFFFFFF80  }
0x43d: {  	_ =	swait.ge [sflag:s28], $0x80  }
0x43e: {  	[sflag:s28] =	ssyncset.done $0x0  }
0x43f: {  	[sflag:s28] =	ssyncadd.s32 $0xFFFFFF80  }
0x440: {  	_ =	swait.ge [sflag:s28], $0x80  }
0x441: {  	[sflag:s28] =	ssyncset.done $0x0  }
0x442: {  	[sflag:s28] =	ssyncadd.s32 $0xFFFFFF80  }
0x443: {  	_ =	swait.ge [sflag:s28], $0x80  }
0x444: {  	[sflag:s28] =	ssyncset.done $0x0  }
0x445: {  	[sflag:s28] =	ssyncadd.s32 $0xFFFFFF80  }
0x446: {  	_ =	swait.ge [sflag:s28], $0x80  }
0x447: {  	[sflag:s28] =	ssyncset.done $0x0  }
0x448: {  	[sflag:s28] =	ssyncadd.s32 $0xFFFFFF80  }
0x449: {  	_ =	swait.ge [sflag:s28], $0x80  }
0x44a: {  	[sflag:s28] =	ssyncset.done $0x0  }
0x44b: {  	[sflag:s28] =	ssyncadd.s32 $0xFFFFFF80  }
0x44c: {  	_ =	swait.ge [sflag:s28], $0x80  }
0x44d: {  	[sflag:s28] =	ssyncset.done $0x0  }
0x44e: {  	[sflag:s28] =	ssyncadd.s32 $0xFFFFFF80  }
0x44f: {  	_ =	swait.ge [sflag:s28], $0x80  }
0x450: {  	[sflag:s28] =	ssyncset.done $0x0  }
0x451: {  	[sflag:s28] =	ssyncadd.s32 $0xFFFFFF80  }
0x452: {  	_ =	swait.ge [sflag:s28], $0x80  }
0x453: {  	[sflag:s28] =	ssyncset.done $0x0  }
0x454: {  	[sflag:s28] =	ssyncadd.s32 $0xFFFFFF80  }
0x455: {  	_ =	swait.ge [sflag:s28], $0x80  }
0x456: {  	[sflag:s28] =	ssyncset.done $0x0  }
0x457: {  	[sflag:s28] =	ssyncadd.s32 $0xFFFFFF80  }
0x458: {  	_ =	swait.ge [sflag:s28], $0x80  }
0x459: {  	[sflag:s28] =	ssyncset.done $0x0  }
0x45a: {  	[sflag:s28] =	ssyncadd.s32 $0xFFFFFF80  }
0x45b: {  	_ =	swait.ge [sflag:s28], $0x80  }
0x45c: {  	[sflag:s28] =	ssyncset.done $0x0  }
0x45d: {  	[sflag:s28] =	ssyncadd.s32 $0xFFFFFF80  }
0x45e: {  	_ =	swait.ge [sflag:s28], $0x80  }
0x45f: {  	[sflag:s28] =	ssyncset.done $0x0  }
0x460: {  	[sflag:s28] =	ssyncadd.s32 $0xFFFFFF80  }
0x461: {  	_ =	swait.ge [sflag:s28], $0x80  }
0x462: {  	[sflag:s28] =	ssyncset.done $0x0  }
0x463: {  	[sflag:s28] =	ssyncadd.s32 $0xFFFFFF80  }
0x464: {  	_ =	swait.ge [sflag:s28], $0x80  }
0x465: {  	[sflag:s28] =	ssyncset.done $0x0  }
0x466: {  	[sflag:s28] =	ssyncadd.s32 $0xFFFFFF80  }
0x467: {  	_ =	swait.ge [sflag:s28], $0x80  }
0x468: {  	[sflag:s28] =	ssyncset.done $0x0  }
0x469: {  	[sflag:s28] =	ssyncadd.s32 $0xFFFFFF80  }
0x46a: {  	_ =	swait.ge [sflag:s28], $0x80  }
0x46b: {  	[sflag:s28] =	ssyncset.done $0x0  }
0x46c: {  	[sflag:s28] =	ssyncadd.s32 $0xFFFFFF80  }
0x46d: {  	_ =	swait.ge [sflag:s28], $0x80  }
0x46e: {  	[sflag:s28] =	ssyncset.done $0x0  }
0x46f: {  	[sflag:s28] =	ssyncadd.s32 $0xFFFFFF80  }
0x470: {  	_ =	swait.ge [sflag:s28], $0x80  }
0x471: {  	[sflag:s28] =	ssyncset.done $0x0  }
0x472: {  	[sflag:s28] =	ssyncadd.s32 $0xFFFFFF80  }
0x473: {  	_ =	swait.ge [sflag:s28], $0x80  }
0x474: {  	[sflag:s28] =	ssyncset.done $0x0  }
0x475: {  	[sflag:s28] =	ssyncadd.s32 $0xFFFFFF80  }
0x476: {  	_ =	swait.ge [sflag:s28], $0x80  }
0x477: {  	[sflag:s28] =	ssyncset.done $0x0  }
0x478: {  	[sflag:s28] =	ssyncadd.s32 $0xFFFFFF80  }
0x479: {  	_ =	swait.ge [sflag:s28], $0x80  }
0x47a: {  	[sflag:s28] =	ssyncset.done $0x0  }
0x47b: {  	[sflag:s28] =	ssyncadd.s32 $0xFFFFFF80  }
0x47c: {  	_ =	swait.ge [sflag:s28], $0x80  }
0x47d: {  	[sflag:s28] =	ssyncset.done $0x0  }
0x47e: {  	[sflag:s28] =	ssyncadd.s32 $0xFFFFFF80  }
0x47f: {  	_ =	swait.ge [sflag:s28], $0x80  }
0x480: {  	[sflag:s28] =	ssyncset.done $0x0  }
0x481: {  	[sflag:s28] =	ssyncadd.s32 $0xFFFFFF80  }
0x482: {  	_ =	swait.ge [sflag:s28], $0x80  }
0x483: {  	[sflag:s28] =	ssyncset.done $0x0  }
0x484: {  	[sflag:s28] =	ssyncadd.s32 $0xFFFFFF80  }
0x485: {  	_ =	swait.ge [sflag:s28], $0x80  }
0x486: {  	[sflag:s28] =	ssyncset.done $0x0  }
0x487: {  	[sflag:s28] =	ssyncadd.s32 $0xFFFFFF80  }
0x488: {  	_ =	swait.ge [sflag:s28], $0x80  }
0x489: {  	[sflag:s28] =	ssyncset.done $0x0  }
0x48a: {  	[sflag:s28] =	ssyncadd.s32 $0xFFFFFF80  }
0x48b: {  	_ =	swait.ge [sflag:s28], $0x80  }
0x48c: {  	[sflag:s28] =	ssyncset.done $0x0  }
0x48d: {  	[sflag:s28] =	ssyncadd.s32 $0xFFFFFF80  }
0x48e: {  	_ =	swait.ge [sflag:s28], $0x80  }
0x48f: {  	[sflag:s28] =	ssyncset.done $0x0  }
0x490: {  	[sflag:s28] =	ssyncadd.s32 $0xFFFFFF80  }
0x491: {  	_ =	swait.ge [sflag:s28], $0x80  }
0x492: {  	[sflag:s28] =	ssyncset.done $0x0  }
0x493: {  	[sflag:s28] =	ssyncadd.s32 $0xFFFFFF80  }
0x494: {  	_ =	swait.ge [sflag:s28], $0x80  }
0x495: {  	[sflag:s28] =	ssyncset.done $0x0  }
0x496: {  	[sflag:s28] =	ssyncadd.s32 $0xFFFFFF80  }
0x497: {  	_ =	swait.ge [sflag:s28], $0x80  }
0x498: {  	[sflag:s28] =	ssyncset.done $0x0  }
0x499: {  	[sflag:s28] =	ssyncadd.s32 $0xFFFFFF80  }
0x49a: {  	_ =	swait.ge [sflag:s28], $0x80  }
0x49b: {  	[sflag:s28] =	ssyncset.done $0x0  }
0x49c: {  	[sflag:s28] =	ssyncadd.s32 $0xFFFFFF80  }
0x49d: {  	_ =	swait.ge [sflag:s28], $0x80  }
0x49e: {  	[sflag:s28] =	ssyncset.done $0x0  }
0x49f: {  	[sflag:s28] =	ssyncadd.s32 $0xFFFFFF80  }
0x4a0: {  	_ =	swait.ge [sflag:s28], $0x80  }
0x4a1: {  	[sflag:s28] =	ssyncset.done $0x0  }
0x4a2: {  	[sflag:s28] =	ssyncadd.s32 $0xFFFFFF80  }
0x4a3: {  	_ =	swait.ge [sflag:s28], $0x80  }
0x4a4: {  	[sflag:s28] =	ssyncset.done $0x0  }
0x4a5: {  	[sflag:s28] =	ssyncadd.s32 $0xFFFFFF80  }
0x4a6: {  	_ =	swait.ge [sflag:s28], $0x80  }
0x4a7: {  	[sflag:s28] =	ssyncset.done $0x0  }
0x4a8: {  	[sflag:s28] =	ssyncadd.s32 $0xFFFFFF80  }
0x4a9: {  	_ =	swait.ge [sflag:s28], $0x80  }
0x4aa: {  	[sflag:s28] =	ssyncset.done $0x0  }
0x4ab: {  	[sflag:s28] =	ssyncadd.s32 $0xFFFFFF80  }
0x4ac: {  	_ =	swait.ge [sflag:s28], $0x80  }
0x4ad: {  	[sflag:s28] =	ssyncset.done $0x0  }
0x4ae: {  	[sflag:s28] =	ssyncadd.s32 $0xFFFFFF80  }
0x4af: {  	_ =	swait.ge [sflag:s28], $0x80  }
0x4b0: {  	[sflag:s28] =	ssyncset.done $0x0  }
0x4b1: {  	[sflag:s28] =	ssyncadd.s32 $0xFFFFFF80  }
0x4b2: {  	_ =	swait.ge [sflag:s28], $0x80  }
0x4b3: {  	[sflag:s28] =	ssyncset.done $0x0  }
0x4b4: {  	[sflag:s28] =	ssyncadd.s32 $0xFFFFFF80  }
0x4b5: {  	_ =	swait.ge [sflag:s28], $0x80  }
0x4b6: {  	[sflag:s28] =	ssyncset.done $0x0  }
0x4b7: {  	[sflag:s28] =	ssyncadd.s32 $0xFFFFFF80  }
0x4b8: {  	_ =	swait.ge [sflag:s28], $0x80  }
0x4b9: {  	[sflag:s28] =	ssyncset.done $0x0  }
0x4ba: {  	[sflag:s28] =	ssyncadd.s32 $0xFFFFFF80  }
0x4bb: {  	_ =	swait.ge [sflag:s28], $0x80  }
0x4bc: {  	[sflag:s28] =	ssyncset.done $0x0  }
0x4bd: {  	[sflag:s28] =	ssyncadd.s32 $0xFFFFFF80  }
0x4be: {  	_ =	swait.ge [sflag:s28], $0x80  }
0x4bf: {  	[sflag:s28] =	ssyncset.done $0x0  }
0x4c0: {  	[sflag:s28] =	ssyncadd.s32 $0xFFFFFF80  }
0x4c1: {  	_ =	swait.ge [sflag:s28], $0x80  }
0x4c2: {  	[sflag:s28] =	ssyncset.done $0x0  }
0x4c3: {  	[sflag:s28] =	ssyncadd.s32 $0xFFFFFF80  }
0x4c4: {  	_ =	swait.ge [sflag:s28], $0x80  }
0x4c5: {  	[sflag:s28] =	ssyncset.done $0x0  }
0x4c6: {  	[sflag:s28] =	ssyncadd.s32 $0xFFFFFF80  }
0x4c7: {  	_ =	swait.ge [sflag:s28], $0x80  }
0x4c8: {  	[sflag:s28] =	ssyncset.done $0x0  }
0x4c9: {  	[sflag:s28] =	ssyncadd.s32 $0xFFFFFF80  }
0x4ca: {  	_ =	swait.ge [sflag:s28], $0x80  }
0x4cb: {  	[sflag:s28] =	ssyncset.done $0x0  }
0x4cc: {  	s1 =	simm.s32 $0x0;
	s0 =	simm.s32 $0x40;
	[sflag:s28] =	ssyncadd.s32 $0xFFFFFF80  }
.LBB2_18:
0x4cd: {  	p0 =	sne.s32 s0, $0x63C0;
	v1 =	vld [tilespmem:s1+$0x0];
	_ =	sdelay $0x7  }
0x4ce: {  	v1 =	vld.idx.msk [tilespmem:v1+s17+$0x0], $0xffff  }
0x4cf: {  	v2 =	vld [tilespmem:s1+$0x3200];
	_ =	sdelay $0x1  }
0x4d0: {  	v3 =	vld [tilespmem:$0x15568];
	_ =	sdelay $0x2  }
.Ltmp8:
0x4d1: {  	v1 =	vsub.f32 v1, v2;
	(pc) =	sbr.rel @p0 .LBB2_18-.Ltmp8, $3  }
0x4d2: {  	_ = 	snop  }
0x4d3: {  	v1 =	vadd.f32 v1, v3;
	_ =	sdelay $0x1  }
0x4d4: {  	s1 =	sshra.s32 s0, $0x2;
	s0 =	sadd.s32 $0x40, s0;
	[tilespmem:$0x15568] =	vst v1  }
0x4d5: {  	v1 =	vld [tilespmem:s1+$0x0];
	_ =	sdelay $0x6  }
0x4d6: {  	v2 =	vld [tilespmem:s1+$0x3200]  }
0x4d7: {  	v1 =	vld.idx.msk [tilespmem:v1+s17+$0x0], $0xffff;
	_ =	sdelay $0x1  }
0x4d8: {  	v3 =	vld [tilespmem:$0x15568];
	_ =	sdelay $0x2  }
0x4d9: {  	v1 =	vsub.f32 v1, v2;
	_ =	sdelay $0x1  }
0x4da: {  	v1 =	vadd.f32 v1, v3;
	_ =	sdelay $0x1  }
0x4db: {  	s0 =	simm.s32 $0x15568;
	[tilespmem:$0x15568] =	vst v1  }
0x4dc: {  	[hbm4b:s12+s3] =	stream.linear.scatter [tilespmem:s0], [sflag:$0x6], $0x10, $0x38;
	[tilespmem:$0x15578] =	vst v63  }
0x4dd: {  	_ =	swait.ge [sflag:s15], $0x10  }
0x4de: {  	[sflag:s15] =	ssyncset.done $0x0  }
0x4df: {  	s30 =	sadd.s32 $0x1, s30;
	[sflag:s15] =	ssyncadd.s32 $0xFFFFFFF0  }
0x4e0: {  	p0 =	sne.s32 s30, s13;
	_ =	swait.ge [sflag:s25], $0x6400  }
.Ltmp9:
0x4e1: {  	[sflag:s25] =	ssyncset.done $0x0;
	(pc) =	sbr.rel @p0 .LBB2_1-.Ltmp9, $4  }
0x4e2: {  	[sflag:s25] =	ssyncadd.s32 $0xFFFF9C00  }
0x4e3: {  	_ =	swait.ge [sflag:s26], $0x6400  }
0x4e4: {  	[sflag:s26] =	ssyncset.done $0x0  }
0x4e5: {  	s16 =	simm.s32 $0x1900;
	[sflag:s26] =	ssyncadd.s32 $0xFFFF9C00  }
0x4e6: {  	_ =	sfence.sel $0x180000  }
0x4e7: {  	[bflag:$0x0] =	sbarrier.arrive $0xFFFF  }
0x4e8: {  	_ =	strace $0x90000047  }
0x4e9: {  	s0 =	stileid.u32;
	[bflag:$0x2] =	sbarrier.arrive $0xFFFF  }
0x4ea: {  	p0 =	sne.s32 s0, $0x0;
	s0 =	rddreg [dreg:$0x2]  }
0x4eb: {  	s0 =	sadd.s32 @!p0 $0x100000, s0  }
0x4ec: {  	[sflag:s0] =	ssyncadd.tile.s32 @!p0 $0x1;
	_ =	shalt  }
.Lfunc_end2:
_tile_overlayer_lowered:
.L_overlay_start_2:
0x4ed: {  	(tag) =	ssettag $0x2  }
0x4ee: {  	s0 =	rddreg [dreg:$0x0];
	s2 =	stileid.u32  }
0x4ef: {  	s1 =	rddreg [dreg:$0x1];
	p0 =	sne.s32 s2, $0x0  }
0x4f0: {  	s3 =	rddreg [dreg:$0x2];
	[bflag:$0x3] =	sbarrier.arrive $0xFFFF;
	s2 =	simm.s32 @!p0 $0x1C06  }
0x4f1: {  	[timem:s3], [sflag:s2] =	dma.local @!p0 [hbm:s0], s1  }
0x4f2: {  	s0 =	simm.s32 @!p0 $0x6  }
0x4f3: {  	_ =	swait.ge @!p0 [sflag:s0], s1  }
0x4f4: {  	s1 =	ssub.s32 @!p0 $0x0, s1;
	[sflag:s0] =	ssyncset.done @!p0 $0x0  }
0x4f5: {  	[sflag:s0] =	ssyncadd.s32 @!p0 s1  }
0x4f6: {  	[bflag:$0x3] =	sbarrier.arrive $0xFFFF  }
0x4f7: {  	_ =	shalt  }

</sc_bundles>
